<compile_context>
chip_gen: v7x
topology: tpu7x:2x2x1
jax: 0.10.2.dev20260603
libtpu: 0.0.44.dev20260713+nightly
codegen_flags: <defaults>
</compile_context>

<pallas_src>
import functools

import jax
import jax.numpy as jnp
from jax import lax
from jax.experimental import pallas as pl
from jax.experimental.pallas import tpu as pltpu
from jax.experimental.pallas import tpu_sc as plsc

NC = 2
NS = 16
NW = NC * NS
L = 16

WR = 2048


def _lane_i(v, j):
    return jnp.sum(jnp.where(lax.iota(jnp.int32, L) == j, v, 0))


def _lane_f(v, j):
    return jnp.sum(jnp.where(lax.iota(jnp.int32, L) == j, v, jnp.float32(0.0)))


def _recip(x):
    xi = lax.bitcast_convert_type(x, jnp.int32)
    y = lax.bitcast_convert_type(jnp.int32(0x7EF477D5) - xi, jnp.float32)
    for _ in range(3):
        y = y * (jnp.float32(2.0) - x * y)
    return y


def _round_scalar(x):
    big = jnp.float32(12582912.0)
    return (x + big) - big


def _sc_body(nlig, nrows, pos_hbm, idx_hbm, par_hbm, u_hbm, out_hbm,
             idxv, rows32, pay32, ubuf, zbuf,
             sem_z, sem_g, sem_s):
    cid = lax.axis_index("c")
    sid = lax.axis_index("s")
    w = sid * NC + cid

    nch = (3 * nlig) // L
    full_wins = nrows // WR
    tail_rows = nrows - full_wins * WR
    tail_owner = full_wins % NW
    iota = lax.iota(jnp.int32, L)
    i3 = jnp.int32(3)

    pltpu.sync_copy(idx_hbm, idxv)
    pltpu.sync_copy(par_hbm, ubuf)

    zeros16 = jnp.zeros((L,), jnp.float32)

    def _zero(g, c):
        f = iota + g * L
        plsc.store_scatter(zbuf, [lax.div(f, i3), lax.rem(f, i3)], zeros16)
        return c

    lax.fori_loop(0, (WR * 3) // L, _zero, 0)

    nwin = (full_wins - w + NW - 1) // NW

    def _fire(kk, c):
        win = w + kk * NW
        pltpu.async_copy(zbuf, out_hbm.at[pl.ds(win * WR, WR)], sem_z)
        return c

    lax.fori_loop(0, nwin, _fire, 0)

    if tail_rows > 0:
        @pl.when(w == tail_owner)
        def _():
            pltpu.async_copy(zbuf.at[pl.ds(0, tail_rows)],
                             out_hbm.at[pl.ds(full_wins * WR, tail_rows)],
                             sem_z)

    ia = idxv[pl.ds(0, L)]
    ib = idxv[pl.ds(L, L)]
    ridx = [_lane_i(ia, j) for j in range(L)] + [_lane_i(ib, j)
                                                for j in range(L)]

    for j in range(nlig):
        pltpu.async_copy(pos_hbm.at[pl.ds(ridx[j], 1)],
                         rows32.at[pl.ds(j, 1)], sem_g)
    for j in range(nlig):
        pltpu.make_async_copy(pos_hbm.at[pl.ds(ridx[j], 1)],
                              rows32.at[pl.ds(j, 1)], sem_g).wait()

    pv = ubuf[...]
    com = []
    for comp in range(3):
        cc = jnp.full((L,), comp, jnp.int32)
        acc = jnp.float32(0.0)
        for c in range(nlig // L):
            g = plsc.load_gather(rows32, [iota + c * L, cc])
            acc = acc + jnp.sum(g)
        com.append(acc * jnp.float32(1.0 / nlig))

    b = [[_lane_f(pv, 3 * i + j) for j in range(3)] for i in range(3)]
    r = [_lane_f(pv, 9 + j) for j in range(3)]
    kk = _lane_f(pv, 12)

    d = [com[j] - r[j] for j in range(3)]
    for i in (2, 1, 0):
        sc_i = _round_scalar(d[i] * _recip(b[i][i]))
        d = [d[j] - sc_i * b[i][j] for j in range(3)]
    U = kk * (d[0] * d[0] + d[1] * d[1] + d[2] * d[2])
    F = [jnp.float32(-2.0 / nlig) * kk * d[j] for j in range(3)]

    for c in range(nch):
        f = iota + c * L
        col = lax.rem(f, i3)
        val = jnp.where(col == 0, F[0], jnp.where(col == 1, F[1], F[2]))
        plsc.store_scatter(pay32, [lax.div(f, i3), col], val)

    def _drain(kk_, c):
        win = w + kk_ * NW
        pltpu.make_async_copy(zbuf, out_hbm.at[pl.ds(win * WR, WR)],
                              sem_z).wait()
        return c

    lax.fori_loop(0, nwin, _drain, 0)

    if tail_rows > 0:
        @pl.when(w == tail_owner)
        def _():
            pltpu.make_async_copy(zbuf.at[pl.ds(0, tail_rows)],
                                  out_hbm.at[pl.ds(full_wins * WR, tail_rows)],
                                  sem_z).wait()

    for j in range(nlig):
        own = lax.rem(lax.div(ridx[j], jnp.int32(WR)), jnp.int32(NW)) == w

        @pl.when(own)
        def _(j=j):
            pltpu.async_copy(pay32.at[pl.ds(j, 1)],
                             out_hbm.at[pl.ds(ridx[j], 1)], sem_s)
            pltpu.make_async_copy(pay32.at[pl.ds(j, 1)],
                                  out_hbm.at[pl.ds(ridx[j], 1)], sem_s).wait()

    @pl.when(w == 0)
    def _():
        ubuf[...] = jnp.where(iota == 0, U, jnp.float32(0.0))
        pltpu.sync_copy(ubuf, u_hbm)


def kernel(positions, box_vectors, lig_indices, ref_com, k):
    n = positions.shape[0]
    nlig = lig_indices.shape[0]
    params = jnp.concatenate([
        box_vectors.astype(jnp.float32).reshape(9),
        ref_com.astype(jnp.float32).reshape(3),
        k.astype(jnp.float32).reshape(1),
        jnp.zeros((3,), jnp.float32),
    ])

    mesh = plsc.VectorSubcoreMesh(core_axis_name="c", subcore_axis_name="s",
                                  num_cores=NC, num_subcores=NS)
    f = pl.kernel(
        functools.partial(_sc_body, nlig, n),
        out_type=[
            jax.ShapeDtypeStruct((L,), jnp.float32),
            jax.ShapeDtypeStruct((n, 3), jnp.float32),
        ],
        mesh=mesh,
        compiler_params=pltpu.CompilerParams(needs_layout_passes=False,
                                             use_tc_tiling_on_sc=False),
        scratch_types=[
            pltpu.VMEM((nlig,), jnp.int32),
            pltpu.VMEM((nlig, 3), jnp.float32),
            pltpu.VMEM((nlig, 3), jnp.float32),
            pltpu.VMEM((L,), jnp.float32),
            pltpu.VMEM((WR, 3), jnp.float32),
            pltpu.SemaphoreType.DMA,
            pltpu.SemaphoreType.DMA,
            pltpu.SemaphoreType.DMA,
        ],
    )
    u16, out = f(positions, lig_indices, params)
    return (u16[0], out)

# --- scband reference (transcript-rebuilt; emitter-appended) ---
"""Pipeline reference for scband-ligand-restraint-force-43241730736140 (READ-ONLY COPY).

The authoritative reference and input builder live on the scoring server;
editing this copy changes nothing except your own understanding.
"""

import jax, jax.numpy as jnp
import numpy as np

NLIG = 32
NATOMS = 1000000

def periodic_delta(pos1, pos2, box_vectors):
    delta = pos2 - pos1
    inv_box_size = 1.0 / jnp.diag(box_vectors)
    scale3 = jnp.round(delta[2] * inv_box_size[2])
    delta = delta - scale3 * box_vectors[2]
    scale2 = jnp.round(delta[1] * inv_box_size[1])
    delta = delta - scale2 * box_vectors[1]
    scale1 = jnp.round(delta[0] * inv_box_size[0])
    delta = delta - scale1 * box_vectors[0]
    return delta

def setup_inputs(seed: int = 0):
    key = jax.random.key(seed)
    k1, _ = jax.random.split(key)
    positions = jax.random.normal(k1, (NATOMS, 3), dtype=jnp.float32)
    box_vectors = jnp.ones((3, 3), dtype=jnp.float32)
    lig_indices = jnp.arange(500000, 500000 + NLIG, dtype=jnp.int32)
    lig_coords = jnp.full((NLIG, 3), 2.0, dtype=jnp.float32)
    ref_com = lig_coords.mean(axis=0)
    k = jnp.asarray(1000.0, dtype=jnp.float32)
    return {"positions": positions, "box_vectors": box_vectors, "lig_indices": lig_indices, "ref_com": ref_com, "k": k}

def reference(positions, box_vectors, lig_indices, ref_com, k):
    lig_pos = jnp.take(positions, lig_indices, axis=0)
    lig_com = lig_pos.mean(axis=0)
    delta = periodic_delta(ref_com, lig_com, box_vectors)
    U = k * jnp.sum(delta ** 2)
    nlig = lig_indices.shape[0]
    F = -2.0 * k * delta / nlig
    F_all = jnp.zeros_like(positions).at[lig_indices].set(F)
    return (U, F_all)

if __name__ == "__main__":
    import jax
    _d = setup_inputs()
    print(jax.jit(kernel)(*tuple(_d.values())))

</pallas_src>

<mosaic_0001>
#map = affine_map<(d0, d1) -> (0, 0)>
#map1 = affine_map<(d0, d1) -> (0)>
module attributes {stable_mosaic.version = 14 : i64} {
  func.func @_sc_body(%arg0: i32, %arg1: i32, %arg2: memref<1000000x3xf32, #tpu.memory_space<hbm>>, %arg3: memref<32xi32, #tpu.memory_space<hbm>>, %arg4: memref<16xf32, #tpu.memory_space<hbm>>, %arg5: memref<16xf32, #tpu.memory_space<hbm>>, %arg6: memref<1000000x3xf32, #tpu.memory_space<hbm>>, %arg7: memref<32xi32, #tpu.memory_space<vmem>>, %arg8: memref<32x3xf32, #tpu.memory_space<vmem>>, %arg9: memref<32x3xf32, #tpu.memory_space<vmem>>, %arg10: memref<16xf32, #tpu.memory_space<vmem>>, %arg11: memref<2048x3xf32, #tpu.memory_space<vmem>>, %arg12: memref<!tpu.dma_semaphore, #tpu.memory_space<semaphore_mem>>, %arg13: memref<!tpu.dma_semaphore, #tpu.memory_space<semaphore_mem>>, %arg14: memref<!tpu.dma_semaphore, #tpu.memory_space<semaphore_mem>>) attributes {dimension_semantics = [#tpu.dimension_semantics<core_parallel>, #tpu.dimension_semantics<subcore_parallel>], iteration_bounds = array<i64: 2, 16>, scalar_prefetch = 0 : i64, scratch_operands = 8 : i64, tpu.core_type = #tpu.core_type<sc_vector_subcore>, window_params = [{transform_indices = #map}, {transform_indices = #map1}, {transform_indices = #map1}, {transform_indices = #map1}, {transform_indices = #map}]} {
    %mul3A = arith.constant 2 : i32
    %mul3A_0 = arith.muli %arg1, %mul3A : i32
    %add3A = arith.addi %mul3A_0, %arg0 : i32
    %iota3A = tpu.iota {dimensions = array<i32: 0>} : vector<16xi32>
    "tpu.region"() ({
      %run_scoped3A = tpu.sem_alloc : memref<!tpu.dma_semaphore, #tpu.memory_space<semaphore_mem>>
      tpu.enqueue_dma source(%arg3 : memref<32xi32, #tpu.memory_space<hbm>>) target(%arg7 : memref<32xi32, #tpu.memory_space<vmem>>) target_semaphore(%run_scoped3A : memref<!tpu.dma_semaphore, #tpu.memory_space<semaphore_mem>>)
      tpu.wait_dma2 semaphore(%run_scoped3A : memref<!tpu.dma_semaphore, #tpu.memory_space<semaphore_mem>>) src(%arg3 : memref<32xi32, #tpu.memory_space<hbm>>) dst(%arg7 : memref<32xi32, #tpu.memory_space<vmem>>)
      tpu.yield
    }) : () -> ()
    "tpu.region"() ({
      %run_scoped3A = tpu.sem_alloc : memref<!tpu.dma_semaphore, #tpu.memory_space<semaphore_mem>>
      tpu.enqueue_dma source(%arg4 : memref<16xf32, #tpu.memory_space<hbm>>) target(%arg10 : memref<16xf32, #tpu.memory_space<vmem>>) target_semaphore(%run_scoped3A : memref<!tpu.dma_semaphore, #tpu.memory_space<semaphore_mem>>)
      tpu.wait_dma2 semaphore(%run_scoped3A : memref<!tpu.dma_semaphore, #tpu.memory_space<semaphore_mem>>) src(%arg4 : memref<16xf32, #tpu.memory_space<hbm>>) dst(%arg10 : memref<16xf32, #tpu.memory_space<vmem>>)
      tpu.yield
    }) : () -> ()
    %broadcast_in_dim3A = arith.constant 0.000000e+00 : f32
    %broadcast_in_dim3A_1 = vector.broadcast %broadcast_in_dim3A : f32 to vector<16xf32>
    %scan3A = arith.constant 0 : i32
    %scan3A_2 = arith.constant 3 : i32
    %scan3A_3 = arith.constant 0 : i32
    %scan3A_4 = arith.constant 384 : i32
    %scan3A_5 = arith.addi %scan3A_3, %scan3A_4 : i32
    %scan3A_6 = arith.constant 1 : i32
    scf.for %scan3A_1740 = %scan3A_3 to %scan3A_5 step %scan3A_6  : i32 {
      %mul3A_1741 = arith.constant 16 : i32
      %mul3A_1742 = arith.muli %scan3A_1740, %mul3A_1741 : i32
      %add3A_1743 = vector.broadcast %mul3A_1742 : i32 to vector<16xi32>
      %add3A_1744 = arith.addi %iota3A, %add3A_1743 : vector<16xi32>
      %div3A_1745 = vector.broadcast %scan3A_2 : i32 to vector<16xi32>
      %div3A_1746 = arith.divsi %add3A_1744, %div3A_1745 : vector<16xi32>
      %rem3A_1747 = vector.broadcast %scan3A_2 : i32 to vector<16xi32>
      %rem3A_1748 = arith.remsi %add3A_1744, %rem3A_1747 : vector<16xi32>
      tpu.vector_store_idx %arg11[%div3A_1746, %rem3A_1748], %broadcast_in_dim3A_1 : memref<2048x3xf32, #tpu.memory_space<vmem>>[vector<16xi32>, vector<16xi32>], vector<16xf32>,
    }
    %scan3A_7 = arith.constant 384 : i32
    %sub3A = arith.constant 488 : i32
    %sub3A_8 = arith.subi %sub3A, %add3A : i32
    %add3A_9 = arith.constant 32 : i32
    %add3A_10 = arith.addi %sub3A_8, %add3A_9 : i32
    %sub3A_11 = arith.constant 1 : i32
    %sub3A_12 = arith.subi %add3A_10, %sub3A_11 : i32
    %jit3A = arith.constant 32 : i32
    %div3A = arith.divsi %sub3A_12, %jit3A : i32
    %sign3A = arith.constant 0 : i32
    %sign3A_13 = arith.cmpi sgt, %sub3A_12, %sign3A : i32
    %sign3A_14 = arith.extui %sign3A_13 : i1 to i32
    %sign3A_15 = arith.constant 0 : i32
    %sign3A_16 = arith.cmpi slt, %sub3A_12, %sign3A_15 : i32
    %sign3A_17 = arith.extui %sign3A_16 : i1 to i32
    %sign3A_18 = arith.subi %sign3A_14, %sign3A_17 : i32
    %sign3A_19 = arith.constant 0 : i32
    %sign3A_20 = arith.cmpi sgt, %jit3A, %sign3A_19 : i32
    %sign3A_21 = arith.extui %sign3A_20 : i1 to i32
    %sign3A_22 = arith.constant 0 : i32
    %sign3A_23 = arith.cmpi slt, %jit3A, %sign3A_22 : i32
    %sign3A_24 = arith.extui %sign3A_23 : i1 to i32
    %sign3A_25 = arith.subi %sign3A_21, %sign3A_24 : i32
    %ne3A = arith.cmpi ne, %sign3A_18, %sign3A_25 : i32
    %rem3A = arith.remsi %sub3A_12, %jit3A : i32
    %ne3A_26 = arith.constant 0 : i32
    %ne3A_27 = arith.cmpi ne, %rem3A, %ne3A_26 : i32
    %and3A = arith.andi %ne3A, %ne3A_27 : i1
    %sub3A_28 = arith.constant 1 : i32
    %sub3A_29 = arith.subi %div3A, %sub3A_28 : i32
    %select_n3A = arith.select %and3A, %sub3A_29, %div3A : i32
    %while3A = arith.constant 0 : i32
    %while3A_30 = arith.constant 0 : i32
    %while3A_31 = arith.subi %select_n3A, %while3A_30 : i32
    %while3A_32 = arith.addi %while3A_30, %while3A_31 : i32
    %while3A_33 = arith.constant 1 : i32
    %while3A_34 = arith.divsi %while3A_31, %while3A_33 : i32
    %while3A_35 = arith.muli %while3A_34, %while3A_33 : i32
    %while3A_36 = arith.addi %while3A_30, %while3A_35 : i32
    %while3A_37 = arith.constant 1 : i32
    scf.for %while3A_1740 = %while3A_30 to %while3A_36 step %while3A_37  : i32 {
      %mul3A_1741 = arith.constant 32 : i32
      %mul3A_1742 = arith.muli %while3A_1740, %mul3A_1741 : i32
      %add3A_1743 = arith.addi %add3A, %mul3A_1742 : i32
      %mul3A_1744 = arith.constant 2048 : i32
      %mul3A_1745 = arith.muli %add3A_1743, %mul3A_1744 : i32
      %dma_start3A_1746 = arith.constant 0 : i32
      %dma_start3A_1747 = tpu.memref_slice %arg6[%mul3A_1745, %dma_start3A_1746] : memref<1000000x3xf32, #tpu.memory_space<hbm>> -> memref<2048x3xf32, #tpu.memory_space<hbm>>
      %dma_start3A_1748 = arith.constant 0 : i32
      %dma_start3A_1749 = tpu.memref_slice %arg6[%mul3A_1745, %dma_start3A_1748] : memref<1000000x3xf32, #tpu.memory_space<hbm>> -> memref<2048x3xf32, #tpu.memory_space<hbm>>
      tpu.enqueue_dma source(%arg11 : memref<2048x3xf32, #tpu.memory_space<vmem>>) target(%dma_start3A_1749 : memref<2048x3xf32, #tpu.memory_space<hbm>>) target_semaphore(%arg12 : memref<!tpu.dma_semaphore, #tpu.memory_space<semaphore_mem>>)
    }
    %while3A_38 = arith.constant 1 : i32
    scf.for %while3A_1740 = %while3A_36 to %while3A_32 step %while3A_38  : i32 {
      %mul3A_1741 = arith.constant 32 : i32
      %mul3A_1742 = arith.muli %while3A_1740, %mul3A_1741 : i32
      %add3A_1743 = arith.addi %add3A, %mul3A_1742 : i32
      %mul3A_1744 = arith.constant 2048 : i32
      %mul3A_1745 = arith.muli %add3A_1743, %mul3A_1744 : i32
      %dma_start3A_1746 = arith.constant 0 : i32
      %dma_start3A_1747 = tpu.memref_slice %arg6[%mul3A_1745, %dma_start3A_1746] : memref<1000000x3xf32, #tpu.memory_space<hbm>> -> memref<2048x3xf32, #tpu.memory_space<hbm>>
      %dma_start3A_1748 = arith.constant 0 : i32
      %dma_start3A_1749 = tpu.memref_slice %arg6[%mul3A_1745, %dma_start3A_1748] : memref<1000000x3xf32, #tpu.memory_space<hbm>> -> memref<2048x3xf32, #tpu.memory_space<hbm>>
      tpu.enqueue_dma source(%arg11 : memref<2048x3xf32, #tpu.memory_space<vmem>>) target(%dma_start3A_1749 : memref<2048x3xf32, #tpu.memory_space<hbm>>) target_semaphore(%arg12 : memref<!tpu.dma_semaphore, #tpu.memory_space<semaphore_mem>>)
    }
    %eq3A = arith.constant 8 : i32
    %eq3A_39 = arith.cmpi eq, %add3A, %eq3A : i32
    %convert_element_type3A = arith.extui %eq3A_39 : i1 to i32
    %cond3A = arith.constant 0 : i32
    %cond3A_40 = arith.cmpi ne, %convert_element_type3A, %cond3A : i32
    scf.if %cond3A_40 {
      %dma_start3A_1740 = arith.constant 0 : i32
      %dma_start3A_1741 = arith.constant 0 : i32
      %dma_start3A_1742 = tpu.memref_slice %arg11[%dma_start3A_1740, %dma_start3A_1741] : memref<2048x3xf32, #tpu.memory_space<vmem>> -> memref<576x3xf32, #tpu.memory_space<vmem>>
      %dma_start3A_1743 = arith.constant 999424 : i32
      %dma_start3A_1744 = arith.constant 0 : i32
      %dma_start3A_1745 = tpu.memref_slice %arg6[%dma_start3A_1743, %dma_start3A_1744] : memref<1000000x3xf32, #tpu.memory_space<hbm>> -> memref<576x3xf32, #tpu.memory_space<hbm>>
      %dma_start3A_1746 = arith.constant 999424 : i32
      %dma_start3A_1747 = arith.constant 0 : i32
      %dma_start3A_1748 = tpu.memref_slice %arg6[%dma_start3A_1746, %dma_start3A_1747] : memref<1000000x3xf32, #tpu.memory_space<hbm>> -> memref<576x3xf32, #tpu.memory_space<hbm>>
      %dma_start3A_1749 = arith.constant 0 : i32
      %dma_start3A_1750 = arith.constant 0 : i32
      %dma_start3A_1751 = tpu.memref_slice %arg11[%dma_start3A_1749, %dma_start3A_1750] : memref<2048x3xf32, #tpu.memory_space<vmem>> -> memref<576x3xf32, #tpu.memory_space<vmem>>
      tpu.enqueue_dma source(%dma_start3A_1751 : memref<576x3xf32, #tpu.memory_space<vmem>>) target(%dma_start3A_1748 : memref<576x3xf32, #tpu.memory_space<hbm>>) target_semaphore(%arg12 : memref<!tpu.dma_semaphore, #tpu.memory_space<semaphore_mem>>)
    } else {
    }
    %get3A = arith.constant 0 : index
    %get3A_41 = tpu.vector_load %arg7[%get3A] {strides = array<i32>} : memref<32xi32, #tpu.memory_space<vmem>>, vector<16xi32>,
    %get3A_42 = arith.constant 16 : index
    %get3A_43 = tpu.vector_load %arg7[%get3A_42] {strides = array<i32>} : memref<32xi32, #tpu.memory_space<vmem>>, vector<16xi32>,
    %iota3A_44 = tpu.iota {dimensions = array<i32: 0>} : vector<16xi32>
    %eq3A_45 = arith.constant 0 : i32
    %eq3A_46 = vector.broadcast %eq3A_45 : i32 to vector<16xi32>
    %eq3A_47 = arith.cmpi eq, %iota3A_44, %eq3A_46 : vector<16xi32>
    %jit3A_48 = arith.constant 0 : i32
    %broadcast_in_dim3A_49 = vector.broadcast %jit3A_48 : i32 to vector<16xi32>
    %select_n3A_50 = arith.select %eq3A_47, %get3A_41, %broadcast_in_dim3A_49 : vector<16xi1>, vector<16xi32>
    %reduce_sum3A = arith.constant true
    %reduce_sum3A_51 = vector.broadcast %reduce_sum3A : i1 to vector<16xi1>
    %reduce_sum3A_52 = tpu.scan <sum>, %select_n3A_50 masked %reduce_sum3A_51 : vector<16xi32>, vector<16xi1> -> vector<16xi32>
    %reduce_sum3A_53 = vector.extract %reduce_sum3A_52[15] : i32 from vector<16xi32>
    %iota3A_54 = tpu.iota {dimensions = array<i32: 0>} : vector<16xi32>
    %eq3A_55 = arith.constant 1 : i32
    %eq3A_56 = vector.broadcast %eq3A_55 : i32 to vector<16xi32>
    %eq3A_57 = arith.cmpi eq, %iota3A_54, %eq3A_56 : vector<16xi32>
    %jit3A_58 = arith.constant 0 : i32
    %broadcast_in_dim3A_59 = vector.broadcast %jit3A_58 : i32 to vector<16xi32>
    %select_n3A_60 = arith.select %eq3A_57, %get3A_41, %broadcast_in_dim3A_59 : vector<16xi1>, vector<16xi32>
    %reduce_sum3A_61 = arith.constant true
    %reduce_sum3A_62 = vector.broadcast %reduce_sum3A_61 : i1 to vector<16xi1>
    %reduce_sum3A_63 = tpu.scan <sum>, %select_n3A_60 masked %reduce_sum3A_62 : vector<16xi32>, vector<16xi1> -> vector<16xi32>
    %reduce_sum3A_64 = vector.extract %reduce_sum3A_63[15] : i32 from vector<16xi32>
    %iota3A_65 = tpu.iota {dimensions = array<i32: 0>} : vector<16xi32>
    %eq3A_66 = arith.constant 2 : i32
    %eq3A_67 = vector.broadcast %eq3A_66 : i32 to vector<16xi32>
    %eq3A_68 = arith.cmpi eq, %iota3A_65, %eq3A_67 : vector<16xi32>
    %jit3A_69 = arith.constant 0 : i32
    %broadcast_in_dim3A_70 = vector.broadcast %jit3A_69 : i32 to vector<16xi32>
    %select_n3A_71 = arith.select %eq3A_68, %get3A_41, %broadcast_in_dim3A_70 : vector<16xi1>, vector<16xi32>
    %reduce_sum3A_72 = arith.constant true
    %reduce_sum3A_73 = vector.broadcast %reduce_sum3A_72 : i1 to vector<16xi1>
    %reduce_sum3A_74 = tpu.scan <sum>, %select_n3A_71 masked %reduce_sum3A_73 : vector<16xi32>, vector<16xi1> -> vector<16xi32>
    %reduce_sum3A_75 = vector.extract %reduce_sum3A_74[15] : i32 from vector<16xi32>
    %iota3A_76 = tpu.iota {dimensions = array<i32: 0>} : vector<16xi32>
    %eq3A_77 = arith.constant 3 : i32
    %eq3A_78 = vector.broadcast %eq3A_77 : i32 to vector<16xi32>
    %eq3A_79 = arith.cmpi eq, %iota3A_76, %eq3A_78 : vector<16xi32>
    %jit3A_80 = arith.constant 0 : i32
    %broadcast_in_dim3A_81 = vector.broadcast %jit3A_80 : i32 to vector<16xi32>
    %select_n3A_82 = arith.select %eq3A_79, %get3A_41, %broadcast_in_dim3A_81 : vector<16xi1>, vector<16xi32>
    %reduce_sum3A_83 = arith.constant true
    %reduce_sum3A_84 = vector.broadcast %reduce_sum3A_83 : i1 to vector<16xi1>
    %reduce_sum3A_85 = tpu.scan <sum>, %select_n3A_82 masked %reduce_sum3A_84 : vector<16xi32>, vector<16xi1> -> vector<16xi32>
    %reduce_sum3A_86 = vector.extract %reduce_sum3A_85[15] : i32 from vector<16xi32>
    %iota3A_87 = tpu.iota {dimensions = array<i32: 0>} : vector<16xi32>
    %eq3A_88 = arith.constant 4 : i32
    %eq3A_89 = vector.broadcast %eq3A_88 : i32 to vector<16xi32>
    %eq3A_90 = arith.cmpi eq, %iota3A_87, %eq3A_89 : vector<16xi32>
    %jit3A_91 = arith.constant 0 : i32
    %broadcast_in_dim3A_92 = vector.broadcast %jit3A_91 : i32 to vector<16xi32>
    %select_n3A_93 = arith.select %eq3A_90, %get3A_41, %broadcast_in_dim3A_92 : vector<16xi1>, vector<16xi32>
    %reduce_sum3A_94 = arith.constant true
    %reduce_sum3A_95 = vector.broadcast %reduce_sum3A_94 : i1 to vector<16xi1>
    %reduce_sum3A_96 = tpu.scan <sum>, %select_n3A_93 masked %reduce_sum3A_95 : vector<16xi32>, vector<16xi1> -> vector<16xi32>
    %reduce_sum3A_97 = vector.extract %reduce_sum3A_96[15] : i32 from vector<16xi32>
    %iota3A_98 = tpu.iota {dimensions = array<i32: 0>} : vector<16xi32>
    %eq3A_99 = arith.constant 5 : i32
    %eq3A_100 = vector.broadcast %eq3A_99 : i32 to vector<16xi32>
    %eq3A_101 = arith.cmpi eq, %iota3A_98, %eq3A_100 : vector<16xi32>
    %jit3A_102 = arith.constant 0 : i32
    %broadcast_in_dim3A_103 = vector.broadcast %jit3A_102 : i32 to vector<16xi32>
    %select_n3A_104 = arith.select %eq3A_101, %get3A_41, %broadcast_in_dim3A_103 : vector<16xi1>, vector<16xi32>
    %reduce_sum3A_105 = arith.constant true
    %reduce_sum3A_106 = vector.broadcast %reduce_sum3A_105 : i1 to vector<16xi1>
    %reduce_sum3A_107 = tpu.scan <sum>, %select_n3A_104 masked %reduce_sum3A_106 : vector<16xi32>, vector<16xi1> -> vector<16xi32>
    %reduce_sum3A_108 = vector.extract %reduce_sum3A_107[15] : i32 from vector<16xi32>
    %iota3A_109 = tpu.iota {dimensions = array<i32: 0>} : vector<16xi32>
    %eq3A_110 = arith.constant 6 : i32
    %eq3A_111 = vector.broadcast %eq3A_110 : i32 to vector<16xi32>
    %eq3A_112 = arith.cmpi eq, %iota3A_109, %eq3A_111 : vector<16xi32>
    %jit3A_113 = arith.constant 0 : i32
    %broadcast_in_dim3A_114 = vector.broadcast %jit3A_113 : i32 to vector<16xi32>
    %select_n3A_115 = arith.select %eq3A_112, %get3A_41, %broadcast_in_dim3A_114 : vector<16xi1>, vector<16xi32>
    %reduce_sum3A_116 = arith.constant true
    %reduce_sum3A_117 = vector.broadcast %reduce_sum3A_116 : i1 to vector<16xi1>
    %reduce_sum3A_118 = tpu.scan <sum>, %select_n3A_115 masked %reduce_sum3A_117 : vector<16xi32>, vector<16xi1> -> vector<16xi32>
    %reduce_sum3A_119 = vector.extract %reduce_sum3A_118[15] : i32 from vector<16xi32>
    %iota3A_120 = tpu.iota {dimensions = array<i32: 0>} : vector<16xi32>
    %eq3A_121 = arith.constant 7 : i32
    %eq3A_122 = vector.broadcast %eq3A_121 : i32 to vector<16xi32>
    %eq3A_123 = arith.cmpi eq, %iota3A_120, %eq3A_122 : vector<16xi32>
    %jit3A_124 = arith.constant 0 : i32
    %broadcast_in_dim3A_125 = vector.broadcast %jit3A_124 : i32 to vector<16xi32>
    %select_n3A_126 = arith.select %eq3A_123, %get3A_41, %broadcast_in_dim3A_125 : vector<16xi1>, vector<16xi32>
    %reduce_sum3A_127 = arith.constant true
    %reduce_sum3A_128 = vector.broadcast %reduce_sum3A_127 : i1 to vector<16xi1>
    %reduce_sum3A_129 = tpu.scan <sum>, %select_n3A_126 masked %reduce_sum3A_128 : vector<16xi32>, vector<16xi1> -> vector<16xi32>
    %reduce_sum3A_130 = vector.extract %reduce_sum3A_129[15] : i32 from vector<16xi32>
    %iota3A_131 = tpu.iota {dimensions = array<i32: 0>} : vector<16xi32>
    %eq3A_132 = arith.constant 8 : i32
    %eq3A_133 = vector.broadcast %eq3A_132 : i32 to vector<16xi32>
    %eq3A_134 = arith.cmpi eq, %iota3A_131, %eq3A_133 : vector<16xi32>
    %jit3A_135 = arith.constant 0 : i32
    %broadcast_in_dim3A_136 = vector.broadcast %jit3A_135 : i32 to vector<16xi32>
    %select_n3A_137 = arith.select %eq3A_134, %get3A_41, %broadcast_in_dim3A_136 : vector<16xi1>, vector<16xi32>
    %reduce_sum3A_138 = arith.constant true
    %reduce_sum3A_139 = vector.broadcast %reduce_sum3A_138 : i1 to vector<16xi1>
    %reduce_sum3A_140 = tpu.scan <sum>, %select_n3A_137 masked %reduce_sum3A_139 : vector<16xi32>, vector<16xi1> -> vector<16xi32>
    %reduce_sum3A_141 = vector.extract %reduce_sum3A_140[15] : i32 from vector<16xi32>
    %iota3A_142 = tpu.iota {dimensions = array<i32: 0>} : vector<16xi32>
    %eq3A_143 = arith.constant 9 : i32
    %eq3A_144 = vector.broadcast %eq3A_143 : i32 to vector<16xi32>
    %eq3A_145 = arith.cmpi eq, %iota3A_142, %eq3A_144 : vector<16xi32>
    %jit3A_146 = arith.constant 0 : i32
    %broadcast_in_dim3A_147 = vector.broadcast %jit3A_146 : i32 to vector<16xi32>
    %select_n3A_148 = arith.select %eq3A_145, %get3A_41, %broadcast_in_dim3A_147 : vector<16xi1>, vector<16xi32>
    %reduce_sum3A_149 = arith.constant true
    %reduce_sum3A_150 = vector.broadcast %reduce_sum3A_149 : i1 to vector<16xi1>
    %reduce_sum3A_151 = tpu.scan <sum>, %select_n3A_148 masked %reduce_sum3A_150 : vector<16xi32>, vector<16xi1> -> vector<16xi32>
    %reduce_sum3A_152 = vector.extract %reduce_sum3A_151[15] : i32 from vector<16xi32>
    %iota3A_153 = tpu.iota {dimensions = array<i32: 0>} : vector<16xi32>
    %eq3A_154 = arith.constant 10 : i32
    %eq3A_155 = vector.broadcast %eq3A_154 : i32 to vector<16xi32>
    %eq3A_156 = arith.cmpi eq, %iota3A_153, %eq3A_155 : vector<16xi32>
    %jit3A_157 = arith.constant 0 : i32
    %broadcast_in_dim3A_158 = vector.broadcast %jit3A_157 : i32 to vector<16xi32>
    %select_n3A_159 = arith.select %eq3A_156, %get3A_41, %broadcast_in_dim3A_158 : vector<16xi1>, vector<16xi32>
    %reduce_sum3A_160 = arith.constant true
    %reduce_sum3A_161 = vector.broadcast %reduce_sum3A_160 : i1 to vector<16xi1>
    %reduce_sum3A_162 = tpu.scan <sum>, %select_n3A_159 masked %reduce_sum3A_161 : vector<16xi32>, vector<16xi1> -> vector<16xi32>
    %reduce_sum3A_163 = vector.extract %reduce_sum3A_162[15] : i32 from vector<16xi32>
    %iota3A_164 = tpu.iota {dimensions = array<i32: 0>} : vector<16xi32>
    %eq3A_165 = arith.constant 11 : i32
    %eq3A_166 = vector.broadcast %eq3A_165 : i32 to vector<16xi32>
    %eq3A_167 = arith.cmpi eq, %iota3A_164, %eq3A_166 : vector<16xi32>
    %jit3A_168 = arith.constant 0 : i32
    %broadcast_in_dim3A_169 = vector.broadcast %jit3A_168 : i32 to vector<16xi32>
    %select_n3A_170 = arith.select %eq3A_167, %get3A_41, %broadcast_in_dim3A_169 : vector<16xi1>, vector<16xi32>
    %reduce_sum3A_171 = arith.constant true
    %reduce_sum3A_172 = vector.broadcast %reduce_sum3A_171 : i1 to vector<16xi1>
    %reduce_sum3A_173 = tpu.scan <sum>, %select_n3A_170 masked %reduce_sum3A_172 : vector<16xi32>, vector<16xi1> -> vector<16xi32>
    %reduce_sum3A_174 = vector.extract %reduce_sum3A_173[15] : i32 from vector<16xi32>
    %iota3A_175 = tpu.iota {dimensions = array<i32: 0>} : vector<16xi32>
    %eq3A_176 = arith.constant 12 : i32
    %eq3A_177 = vector.broadcast %eq3A_176 : i32 to vector<16xi32>
    %eq3A_178 = arith.cmpi eq, %iota3A_175, %eq3A_177 : vector<16xi32>
    %jit3A_179 = arith.constant 0 : i32
    %broadcast_in_dim3A_180 = vector.broadcast %jit3A_179 : i32 to vector<16xi32>
    %select_n3A_181 = arith.select %eq3A_178, %get3A_41, %broadcast_in_dim3A_180 : vector<16xi1>, vector<16xi32>
    %reduce_sum3A_182 = arith.constant true
    %reduce_sum3A_183 = vector.broadcast %reduce_sum3A_182 : i1 to vector<16xi1>
    %reduce_sum3A_184 = tpu.scan <sum>, %select_n3A_181 masked %reduce_sum3A_183 : vector<16xi32>, vector<16xi1> -> vector<16xi32>
    %reduce_sum3A_185 = vector.extract %reduce_sum3A_184[15] : i32 from vector<16xi32>
    %iota3A_186 = tpu.iota {dimensions = array<i32: 0>} : vector<16xi32>
    %eq3A_187 = arith.constant 13 : i32
    %eq3A_188 = vector.broadcast %eq3A_187 : i32 to vector<16xi32>
    %eq3A_189 = arith.cmpi eq, %iota3A_186, %eq3A_188 : vector<16xi32>
    %jit3A_190 = arith.constant 0 : i32
    %broadcast_in_dim3A_191 = vector.broadcast %jit3A_190 : i32 to vector<16xi32>
    %select_n3A_192 = arith.select %eq3A_189, %get3A_41, %broadcast_in_dim3A_191 : vector<16xi1>, vector<16xi32>
    %reduce_sum3A_193 = arith.constant true
    %reduce_sum3A_194 = vector.broadcast %reduce_sum3A_193 : i1 to vector<16xi1>
    %reduce_sum3A_195 = tpu.scan <sum>, %select_n3A_192 masked %reduce_sum3A_194 : vector<16xi32>, vector<16xi1> -> vector<16xi32>
    %reduce_sum3A_196 = vector.extract %reduce_sum3A_195[15] : i32 from vector<16xi32>
    %iota3A_197 = tpu.iota {dimensions = array<i32: 0>} : vector<16xi32>
    %eq3A_198 = arith.constant 14 : i32
    %eq3A_199 = vector.broadcast %eq3A_198 : i32 to vector<16xi32>
    %eq3A_200 = arith.cmpi eq, %iota3A_197, %eq3A_199 : vector<16xi32>
    %jit3A_201 = arith.constant 0 : i32
    %broadcast_in_dim3A_202 = vector.broadcast %jit3A_201 : i32 to vector<16xi32>
    %select_n3A_203 = arith.select %eq3A_200, %get3A_41, %broadcast_in_dim3A_202 : vector<16xi1>, vector<16xi32>
    %reduce_sum3A_204 = arith.constant true
    %reduce_sum3A_205 = vector.broadcast %reduce_sum3A_204 : i1 to vector<16xi1>
    %reduce_sum3A_206 = tpu.scan <sum>, %select_n3A_203 masked %reduce_sum3A_205 : vector<16xi32>, vector<16xi1> -> vector<16xi32>
    %reduce_sum3A_207 = vector.extract %reduce_sum3A_206[15] : i32 from vector<16xi32>
    %iota3A_208 = tpu.iota {dimensions = array<i32: 0>} : vector<16xi32>
    %eq3A_209 = arith.constant 15 : i32
    %eq3A_210 = vector.broadcast %eq3A_209 : i32 to vector<16xi32>
    %eq3A_211 = arith.cmpi eq, %iota3A_208, %eq3A_210 : vector<16xi32>
    %jit3A_212 = arith.constant 0 : i32
    %broadcast_in_dim3A_213 = vector.broadcast %jit3A_212 : i32 to vector<16xi32>
    %select_n3A_214 = arith.select %eq3A_211, %get3A_41, %broadcast_in_dim3A_213 : vector<16xi1>, vector<16xi32>
    %reduce_sum3A_215 = arith.constant true
    %reduce_sum3A_216 = vector.broadcast %reduce_sum3A_215 : i1 to vector<16xi1>
    %reduce_sum3A_217 = tpu.scan <sum>, %select_n3A_214 masked %reduce_sum3A_216 : vector<16xi32>, vector<16xi1> -> vector<16xi32>
    %reduce_sum3A_218 = vector.extract %reduce_sum3A_217[15] : i32 from vector<16xi32>
    %iota3A_219 = tpu.iota {dimensions = array<i32: 0>} : vector<16xi32>
    %eq3A_220 = arith.constant 0 : i32
    %eq3A_221 = vector.broadcast %eq3A_220 : i32 to vector<16xi32>
    %eq3A_222 = arith.cmpi eq, %iota3A_219, %eq3A_221 : vector<16xi32>
    %jit3A_223 = arith.constant 0 : i32
    %broadcast_in_dim3A_224 = vector.broadcast %jit3A_223 : i32 to vector<16xi32>
    %select_n3A_225 = arith.select %eq3A_222, %get3A_43, %broadcast_in_dim3A_224 : vector<16xi1>, vector<16xi32>
    %reduce_sum3A_226 = arith.constant true
    %reduce_sum3A_227 = vector.broadcast %reduce_sum3A_226 : i1 to vector<16xi1>
    %reduce_sum3A_228 = tpu.scan <sum>, %select_n3A_225 masked %reduce_sum3A_227 : vector<16xi32>, vector<16xi1> -> vector<16xi32>
    %reduce_sum3A_229 = vector.extract %reduce_sum3A_228[15] : i32 from vector<16xi32>
    %iota3A_230 = tpu.iota {dimensions = array<i32: 0>} : vector<16xi32>
    %eq3A_231 = arith.constant 1 : i32
    %eq3A_232 = vector.broadcast %eq3A_231 : i32 to vector<16xi32>
    %eq3A_233 = arith.cmpi eq, %iota3A_230, %eq3A_232 : vector<16xi32>
    %jit3A_234 = arith.constant 0 : i32
    %broadcast_in_dim3A_235 = vector.broadcast %jit3A_234 : i32 to vector<16xi32>
    %select_n3A_236 = arith.select %eq3A_233, %get3A_43, %broadcast_in_dim3A_235 : vector<16xi1>, vector<16xi32>
    %reduce_sum3A_237 = arith.constant true
    %reduce_sum3A_238 = vector.broadcast %reduce_sum3A_237 : i1 to vector<16xi1>
    %reduce_sum3A_239 = tpu.scan <sum>, %select_n3A_236 masked %reduce_sum3A_238 : vector<16xi32>, vector<16xi1> -> vector<16xi32>
    %reduce_sum3A_240 = vector.extract %reduce_sum3A_239[15] : i32 from vector<16xi32>
    %iota3A_241 = tpu.iota {dimensions = array<i32: 0>} : vector<16xi32>
    %eq3A_242 = arith.constant 2 : i32
    %eq3A_243 = vector.broadcast %eq3A_242 : i32 to vector<16xi32>
    %eq3A_244 = arith.cmpi eq, %iota3A_241, %eq3A_243 : vector<16xi32>
    %jit3A_245 = arith.constant 0 : i32
    %broadcast_in_dim3A_246 = vector.broadcast %jit3A_245 : i32 to vector<16xi32>
    %select_n3A_247 = arith.select %eq3A_244, %get3A_43, %broadcast_in_dim3A_246 : vector<16xi1>, vector<16xi32>
    %reduce_sum3A_248 = arith.constant true
    %reduce_sum3A_249 = vector.broadcast %reduce_sum3A_248 : i1 to vector<16xi1>
    %reduce_sum3A_250 = tpu.scan <sum>, %select_n3A_247 masked %reduce_sum3A_249 : vector<16xi32>, vector<16xi1> -> vector<16xi32>
    %reduce_sum3A_251 = vector.extract %reduce_sum3A_250[15] : i32 from vector<16xi32>
    %iota3A_252 = tpu.iota {dimensions = array<i32: 0>} : vector<16xi32>
    %eq3A_253 = arith.constant 3 : i32
    %eq3A_254 = vector.broadcast %eq3A_253 : i32 to vector<16xi32>
    %eq3A_255 = arith.cmpi eq, %iota3A_252, %eq3A_254 : vector<16xi32>
    %jit3A_256 = arith.constant 0 : i32
    %broadcast_in_dim3A_257 = vector.broadcast %jit3A_256 : i32 to vector<16xi32>
    %select_n3A_258 = arith.select %eq3A_255, %get3A_43, %broadcast_in_dim3A_257 : vector<16xi1>, vector<16xi32>
    %reduce_sum3A_259 = arith.constant true
    %reduce_sum3A_260 = vector.broadcast %reduce_sum3A_259 : i1 to vector<16xi1>
    %reduce_sum3A_261 = tpu.scan <sum>, %select_n3A_258 masked %reduce_sum3A_260 : vector<16xi32>, vector<16xi1> -> vector<16xi32>
    %reduce_sum3A_262 = vector.extract %reduce_sum3A_261[15] : i32 from vector<16xi32>
    %iota3A_263 = tpu.iota {dimensions = array<i32: 0>} : vector<16xi32>
    %eq3A_264 = arith.constant 4 : i32
    %eq3A_265 = vector.broadcast %eq3A_264 : i32 to vector<16xi32>
    %eq3A_266 = arith.cmpi eq, %iota3A_263, %eq3A_265 : vector<16xi32>
    %jit3A_267 = arith.constant 0 : i32
    %broadcast_in_dim3A_268 = vector.broadcast %jit3A_267 : i32 to vector<16xi32>
    %select_n3A_269 = arith.select %eq3A_266, %get3A_43, %broadcast_in_dim3A_268 : vector<16xi1>, vector<16xi32>
    %reduce_sum3A_270 = arith.constant true
    %reduce_sum3A_271 = vector.broadcast %reduce_sum3A_270 : i1 to vector<16xi1>
    %reduce_sum3A_272 = tpu.scan <sum>, %select_n3A_269 masked %reduce_sum3A_271 : vector<16xi32>, vector<16xi1> -> vector<16xi32>
    %reduce_sum3A_273 = vector.extract %reduce_sum3A_272[15] : i32 from vector<16xi32>
    %iota3A_274 = tpu.iota {dimensions = array<i32: 0>} : vector<16xi32>
    %eq3A_275 = arith.constant 5 : i32
    %eq3A_276 = vector.broadcast %eq3A_275 : i32 to vector<16xi32>
    %eq3A_277 = arith.cmpi eq, %iota3A_274, %eq3A_276 : vector<16xi32>
    %jit3A_278 = arith.constant 0 : i32
    %broadcast_in_dim3A_279 = vector.broadcast %jit3A_278 : i32 to vector<16xi32>
    %select_n3A_280 = arith.select %eq3A_277, %get3A_43, %broadcast_in_dim3A_279 : vector<16xi1>, vector<16xi32>
    %reduce_sum3A_281 = arith.constant true
    %reduce_sum3A_282 = vector.broadcast %reduce_sum3A_281 : i1 to vector<16xi1>
    %reduce_sum3A_283 = tpu.scan <sum>, %select_n3A_280 masked %reduce_sum3A_282 : vector<16xi32>, vector<16xi1> -> vector<16xi32>
    %reduce_sum3A_284 = vector.extract %reduce_sum3A_283[15] : i32 from vector<16xi32>
    %iota3A_285 = tpu.iota {dimensions = array<i32: 0>} : vector<16xi32>
    %eq3A_286 = arith.constant 6 : i32
    %eq3A_287 = vector.broadcast %eq3A_286 : i32 to vector<16xi32>
    %eq3A_288 = arith.cmpi eq, %iota3A_285, %eq3A_287 : vector<16xi32>
    %jit3A_289 = arith.constant 0 : i32
    %broadcast_in_dim3A_290 = vector.broadcast %jit3A_289 : i32 to vector<16xi32>
    %select_n3A_291 = arith.select %eq3A_288, %get3A_43, %broadcast_in_dim3A_290 : vector<16xi1>, vector<16xi32>
    %reduce_sum3A_292 = arith.constant true
    %reduce_sum3A_293 = vector.broadcast %reduce_sum3A_292 : i1 to vector<16xi1>
    %reduce_sum3A_294 = tpu.scan <sum>, %select_n3A_291 masked %reduce_sum3A_293 : vector<16xi32>, vector<16xi1> -> vector<16xi32>
    %reduce_sum3A_295 = vector.extract %reduce_sum3A_294[15] : i32 from vector<16xi32>
    %iota3A_296 = tpu.iota {dimensions = array<i32: 0>} : vector<16xi32>
    %eq3A_297 = arith.constant 7 : i32
    %eq3A_298 = vector.broadcast %eq3A_297 : i32 to vector<16xi32>
    %eq3A_299 = arith.cmpi eq, %iota3A_296, %eq3A_298 : vector<16xi32>
    %jit3A_300 = arith.constant 0 : i32
    %broadcast_in_dim3A_301 = vector.broadcast %jit3A_300 : i32 to vector<16xi32>
    %select_n3A_302 = arith.select %eq3A_299, %get3A_43, %broadcast_in_dim3A_301 : vector<16xi1>, vector<16xi32>
    %reduce_sum3A_303 = arith.constant true
    %reduce_sum3A_304 = vector.broadcast %reduce_sum3A_303 : i1 to vector<16xi1>
    %reduce_sum3A_305 = tpu.scan <sum>, %select_n3A_302 masked %reduce_sum3A_304 : vector<16xi32>, vector<16xi1> -> vector<16xi32>
    %reduce_sum3A_306 = vector.extract %reduce_sum3A_305[15] : i32 from vector<16xi32>
    %iota3A_307 = tpu.iota {dimensions = array<i32: 0>} : vector<16xi32>
    %eq3A_308 = arith.constant 8 : i32
    %eq3A_309 = vector.broadcast %eq3A_308 : i32 to vector<16xi32>
    %eq3A_310 = arith.cmpi eq, %iota3A_307, %eq3A_309 : vector<16xi32>
    %jit3A_311 = arith.constant 0 : i32
    %broadcast_in_dim3A_312 = vector.broadcast %jit3A_311 : i32 to vector<16xi32>
    %select_n3A_313 = arith.select %eq3A_310, %get3A_43, %broadcast_in_dim3A_312 : vector<16xi1>, vector<16xi32>
    %reduce_sum3A_314 = arith.constant true
    %reduce_sum3A_315 = vector.broadcast %reduce_sum3A_314 : i1 to vector<16xi1>
    %reduce_sum3A_316 = tpu.scan <sum>, %select_n3A_313 masked %reduce_sum3A_315 : vector<16xi32>, vector<16xi1> -> vector<16xi32>
    %reduce_sum3A_317 = vector.extract %reduce_sum3A_316[15] : i32 from vector<16xi32>
    %iota3A_318 = tpu.iota {dimensions = array<i32: 0>} : vector<16xi32>
    %eq3A_319 = arith.constant 9 : i32
    %eq3A_320 = vector.broadcast %eq3A_319 : i32 to vector<16xi32>
    %eq3A_321 = arith.cmpi eq, %iota3A_318, %eq3A_320 : vector<16xi32>
    %jit3A_322 = arith.constant 0 : i32
    %broadcast_in_dim3A_323 = vector.broadcast %jit3A_322 : i32 to vector<16xi32>
    %select_n3A_324 = arith.select %eq3A_321, %get3A_43, %broadcast_in_dim3A_323 : vector<16xi1>, vector<16xi32>
    %reduce_sum3A_325 = arith.constant true
    %reduce_sum3A_326 = vector.broadcast %reduce_sum3A_325 : i1 to vector<16xi1>
    %reduce_sum3A_327 = tpu.scan <sum>, %select_n3A_324 masked %reduce_sum3A_326 : vector<16xi32>, vector<16xi1> -> vector<16xi32>
    %reduce_sum3A_328 = vector.extract %reduce_sum3A_327[15] : i32 from vector<16xi32>
    %iota3A_329 = tpu.iota {dimensions = array<i32: 0>} : vector<16xi32>
    %eq3A_330 = arith.constant 10 : i32
    %eq3A_331 = vector.broadcast %eq3A_330 : i32 to vector<16xi32>
    %eq3A_332 = arith.cmpi eq, %iota3A_329, %eq3A_331 : vector<16xi32>
    %jit3A_333 = arith.constant 0 : i32
    %broadcast_in_dim3A_334 = vector.broadcast %jit3A_333 : i32 to vector<16xi32>
    %select_n3A_335 = arith.select %eq3A_332, %get3A_43, %broadcast_in_dim3A_334 : vector<16xi1>, vector<16xi32>
    %reduce_sum3A_336 = arith.constant true
    %reduce_sum3A_337 = vector.broadcast %reduce_sum3A_336 : i1 to vector<16xi1>
    %reduce_sum3A_338 = tpu.scan <sum>, %select_n3A_335 masked %reduce_sum3A_337 : vector<16xi32>, vector<16xi1> -> vector<16xi32>
    %reduce_sum3A_339 = vector.extract %reduce_sum3A_338[15] : i32 from vector<16xi32>
    %iota3A_340 = tpu.iota {dimensions = array<i32: 0>} : vector<16xi32>
    %eq3A_341 = arith.constant 11 : i32
    %eq3A_342 = vector.broadcast %eq3A_341 : i32 to vector<16xi32>
    %eq3A_343 = arith.cmpi eq, %iota3A_340, %eq3A_342 : vector<16xi32>
    %jit3A_344 = arith.constant 0 : i32
    %broadcast_in_dim3A_345 = vector.broadcast %jit3A_344 : i32 to vector<16xi32>
    %select_n3A_346 = arith.select %eq3A_343, %get3A_43, %broadcast_in_dim3A_345 : vector<16xi1>, vector<16xi32>
    %reduce_sum3A_347 = arith.constant true
    %reduce_sum3A_348 = vector.broadcast %reduce_sum3A_347 : i1 to vector<16xi1>
    %reduce_sum3A_349 = tpu.scan <sum>, %select_n3A_346 masked %reduce_sum3A_348 : vector<16xi32>, vector<16xi1> -> vector<16xi32>
    %reduce_sum3A_350 = vector.extract %reduce_sum3A_349[15] : i32 from vector<16xi32>
    %iota3A_351 = tpu.iota {dimensions = array<i32: 0>} : vector<16xi32>
    %eq3A_352 = arith.constant 12 : i32
    %eq3A_353 = vector.broadcast %eq3A_352 : i32 to vector<16xi32>
    %eq3A_354 = arith.cmpi eq, %iota3A_351, %eq3A_353 : vector<16xi32>
    %jit3A_355 = arith.constant 0 : i32
    %broadcast_in_dim3A_356 = vector.broadcast %jit3A_355 : i32 to vector<16xi32>
    %select_n3A_357 = arith.select %eq3A_354, %get3A_43, %broadcast_in_dim3A_356 : vector<16xi1>, vector<16xi32>
    %reduce_sum3A_358 = arith.constant true
    %reduce_sum3A_359 = vector.broadcast %reduce_sum3A_358 : i1 to vector<16xi1>
    %reduce_sum3A_360 = tpu.scan <sum>, %select_n3A_357 masked %reduce_sum3A_359 : vector<16xi32>, vector<16xi1> -> vector<16xi32>
    %reduce_sum3A_361 = vector.extract %reduce_sum3A_360[15] : i32 from vector<16xi32>
    %iota3A_362 = tpu.iota {dimensions = array<i32: 0>} : vector<16xi32>
    %eq3A_363 = arith.constant 13 : i32
    %eq3A_364 = vector.broadcast %eq3A_363 : i32 to vector<16xi32>
    %eq3A_365 = arith.cmpi eq, %iota3A_362, %eq3A_364 : vector<16xi32>
    %jit3A_366 = arith.constant 0 : i32
    %broadcast_in_dim3A_367 = vector.broadcast %jit3A_366 : i32 to vector<16xi32>
    %select_n3A_368 = arith.select %eq3A_365, %get3A_43, %broadcast_in_dim3A_367 : vector<16xi1>, vector<16xi32>
    %reduce_sum3A_369 = arith.constant true
    %reduce_sum3A_370 = vector.broadcast %reduce_sum3A_369 : i1 to vector<16xi1>
    %reduce_sum3A_371 = tpu.scan <sum>, %select_n3A_368 masked %reduce_sum3A_370 : vector<16xi32>, vector<16xi1> -> vector<16xi32>
    %reduce_sum3A_372 = vector.extract %reduce_sum3A_371[15] : i32 from vector<16xi32>
    %iota3A_373 = tpu.iota {dimensions = array<i32: 0>} : vector<16xi32>
    %eq3A_374 = arith.constant 14 : i32
    %eq3A_375 = vector.broadcast %eq3A_374 : i32 to vector<16xi32>
    %eq3A_376 = arith.cmpi eq, %iota3A_373, %eq3A_375 : vector<16xi32>
    %jit3A_377 = arith.constant 0 : i32
    %broadcast_in_dim3A_378 = vector.broadcast %jit3A_377 : i32 to vector<16xi32>
    %select_n3A_379 = arith.select %eq3A_376, %get3A_43, %broadcast_in_dim3A_378 : vector<16xi1>, vector<16xi32>
    %reduce_sum3A_380 = arith.constant true
    %reduce_sum3A_381 = vector.broadcast %reduce_sum3A_380 : i1 to vector<16xi1>
    %reduce_sum3A_382 = tpu.scan <sum>, %select_n3A_379 masked %reduce_sum3A_381 : vector<16xi32>, vector<16xi1> -> vector<16xi32>
    %reduce_sum3A_383 = vector.extract %reduce_sum3A_382[15] : i32 from vector<16xi32>
    %iota3A_384 = tpu.iota {dimensions = array<i32: 0>} : vector<16xi32>
    %eq3A_385 = arith.constant 15 : i32
    %eq3A_386 = vector.broadcast %eq3A_385 : i32 to vector<16xi32>
    %eq3A_387 = arith.cmpi eq, %iota3A_384, %eq3A_386 : vector<16xi32>
    %jit3A_388 = arith.constant 0 : i32
    %broadcast_in_dim3A_389 = vector.broadcast %jit3A_388 : i32 to vector<16xi32>
    %select_n3A_390 = arith.select %eq3A_387, %get3A_43, %broadcast_in_dim3A_389 : vector<16xi1>, vector<16xi32>
    %reduce_sum3A_391 = arith.constant true
    %reduce_sum3A_392 = vector.broadcast %reduce_sum3A_391 : i1 to vector<16xi1>
    %reduce_sum3A_393 = tpu.scan <sum>, %select_n3A_390 masked %reduce_sum3A_392 : vector<16xi32>, vector<16xi1> -> vector<16xi32>
    %reduce_sum3A_394 = vector.extract %reduce_sum3A_393[15] : i32 from vector<16xi32>
    %dma_start3A = arith.constant 0 : i32
    %dma_start3A_395 = arith.constant 0 : i32
    %dma_start3A_396 = tpu.memref_slice %arg8[%dma_start3A, %dma_start3A_395] : memref<32x3xf32, #tpu.memory_space<vmem>> -> memref<1x3xf32, #tpu.memory_space<vmem>>
    %dma_start3A_397 = arith.constant 0 : i32
    %dma_start3A_398 = tpu.memref_slice %arg2[%reduce_sum3A_53, %dma_start3A_397] : memref<1000000x3xf32, #tpu.memory_space<hbm>> -> memref<1x3xf32, #tpu.memory_space<hbm>>
    %dma_start3A_399 = arith.constant 0 : i32
    %dma_start3A_400 = arith.constant 0 : i32
    %dma_start3A_401 = tpu.memref_slice %arg8[%dma_start3A_399, %dma_start3A_400] : memref<32x3xf32, #tpu.memory_space<vmem>> -> memref<1x3xf32, #tpu.memory_space<vmem>>
    %dma_start3A_402 = arith.constant 0 : i32
    %dma_start3A_403 = tpu.memref_slice %arg2[%reduce_sum3A_53, %dma_start3A_402] : memref<1000000x3xf32, #tpu.memory_space<hbm>> -> memref<1x3xf32, #tpu.memory_space<hbm>>
    tpu.enqueue_dma source(%dma_start3A_403 : memref<1x3xf32, #tpu.memory_space<hbm>>) target(%dma_start3A_401 : memref<1x3xf32, #tpu.memory_space<vmem>>) target_semaphore(%arg13 : memref<!tpu.dma_semaphore, #tpu.memory_space<semaphore_mem>>)
    %dma_start3A_404 = arith.constant 1 : i32
    %dma_start3A_405 = arith.constant 0 : i32
    %dma_start3A_406 = tpu.memref_slice %arg8[%dma_start3A_404, %dma_start3A_405] : memref<32x3xf32, #tpu.memory_space<vmem>> -> memref<1x3xf32, #tpu.memory_space<vmem>>
    %dma_start3A_407 = arith.constant 0 : i32
    %dma_start3A_408 = tpu.memref_slice %arg2[%reduce_sum3A_64, %dma_start3A_407] : memref<1000000x3xf32, #tpu.memory_space<hbm>> -> memref<1x3xf32, #tpu.memory_space<hbm>>
    %dma_start3A_409 = arith.constant 1 : i32
    %dma_start3A_410 = arith.constant 0 : i32
    %dma_start3A_411 = tpu.memref_slice %arg8[%dma_start3A_409, %dma_start3A_410] : memref<32x3xf32, #tpu.memory_space<vmem>> -> memref<1x3xf32, #tpu.memory_space<vmem>>
    %dma_start3A_412 = arith.constant 0 : i32
    %dma_start3A_413 = tpu.memref_slice %arg2[%reduce_sum3A_64, %dma_start3A_412] : memref<1000000x3xf32, #tpu.memory_space<hbm>> -> memref<1x3xf32, #tpu.memory_space<hbm>>
    tpu.enqueue_dma source(%dma_start3A_413 : memref<1x3xf32, #tpu.memory_space<hbm>>) target(%dma_start3A_411 : memref<1x3xf32, #tpu.memory_space<vmem>>) target_semaphore(%arg13 : memref<!tpu.dma_semaphore, #tpu.memory_space<semaphore_mem>>)
    %dma_start3A_414 = arith.constant 2 : i32
    %dma_start3A_415 = arith.constant 0 : i32
    %dma_start3A_416 = tpu.memref_slice %arg8[%dma_start3A_414, %dma_start3A_415] : memref<32x3xf32, #tpu.memory_space<vmem>> -> memref<1x3xf32, #tpu.memory_space<vmem>>
    %dma_start3A_417 = arith.constant 0 : i32
    %dma_start3A_418 = tpu.memref_slice %arg2[%reduce_sum3A_75, %dma_start3A_417] : memref<1000000x3xf32, #tpu.memory_space<hbm>> -> memref<1x3xf32, #tpu.memory_space<hbm>>
    %dma_start3A_419 = arith.constant 2 : i32
    %dma_start3A_420 = arith.constant 0 : i32
    %dma_start3A_421 = tpu.memref_slice %arg8[%dma_start3A_419, %dma_start3A_420] : memref<32x3xf32, #tpu.memory_space<vmem>> -> memref<1x3xf32, #tpu.memory_space<vmem>>
    %dma_start3A_422 = arith.constant 0 : i32
    %dma_start3A_423 = tpu.memref_slice %arg2[%reduce_sum3A_75, %dma_start3A_422] : memref<1000000x3xf32, #tpu.memory_space<hbm>> -> memref<1x3xf32, #tpu.memory_space<hbm>>
    tpu.enqueue_dma source(%dma_start3A_423 : memref<1x3xf32, #tpu.memory_space<hbm>>) target(%dma_start3A_421 : memref<1x3xf32, #tpu.memory_space<vmem>>) target_semaphore(%arg13 : memref<!tpu.dma_semaphore, #tpu.memory_space<semaphore_mem>>)
    %dma_start3A_424 = arith.constant 3 : i32
    %dma_start3A_425 = arith.constant 0 : i32
    %dma_start3A_426 = tpu.memref_slice %arg8[%dma_start3A_424, %dma_start3A_425] : memref<32x3xf32, #tpu.memory_space<vmem>> -> memref<1x3xf32, #tpu.memory_space<vmem>>
    %dma_start3A_427 = arith.constant 0 : i32
    %dma_start3A_428 = tpu.memref_slice %arg2[%reduce_sum3A_86, %dma_start3A_427] : memref<1000000x3xf32, #tpu.memory_space<hbm>> -> memref<1x3xf32, #tpu.memory_space<hbm>>
    %dma_start3A_429 = arith.constant 3 : i32
    %dma_start3A_430 = arith.constant 0 : i32
    %dma_start3A_431 = tpu.memref_slice %arg8[%dma_start3A_429, %dma_start3A_430] : memref<32x3xf32, #tpu.memory_space<vmem>> -> memref<1x3xf32, #tpu.memory_space<vmem>>
    %dma_start3A_432 = arith.constant 0 : i32
    %dma_start3A_433 = tpu.memref_slice %arg2[%reduce_sum3A_86, %dma_start3A_432] : memref<1000000x3xf32, #tpu.memory_space<hbm>> -> memref<1x3xf32, #tpu.memory_space<hbm>>
    tpu.enqueue_dma source(%dma_start3A_433 : memref<1x3xf32, #tpu.memory_space<hbm>>) target(%dma_start3A_431 : memref<1x3xf32, #tpu.memory_space<vmem>>) target_semaphore(%arg13 : memref<!tpu.dma_semaphore, #tpu.memory_space<semaphore_mem>>)
    %dma_start3A_434 = arith.constant 4 : i32
    %dma_start3A_435 = arith.constant 0 : i32
    %dma_start3A_436 = tpu.memref_slice %arg8[%dma_start3A_434, %dma_start3A_435] : memref<32x3xf32, #tpu.memory_space<vmem>> -> memref<1x3xf32, #tpu.memory_space<vmem>>
    %dma_start3A_437 = arith.constant 0 : i32
    %dma_start3A_438 = tpu.memref_slice %arg2[%reduce_sum3A_97, %dma_start3A_437] : memref<1000000x3xf32, #tpu.memory_space<hbm>> -> memref<1x3xf32, #tpu.memory_space<hbm>>
    %dma_start3A_439 = arith.constant 4 : i32
    %dma_start3A_440 = arith.constant 0 : i32
    %dma_start3A_441 = tpu.memref_slice %arg8[%dma_start3A_439, %dma_start3A_440] : memref<32x3xf32, #tpu.memory_space<vmem>> -> memref<1x3xf32, #tpu.memory_space<vmem>>
    %dma_start3A_442 = arith.constant 0 : i32
    %dma_start3A_443 = tpu.memref_slice %arg2[%reduce_sum3A_97, %dma_start3A_442] : memref<1000000x3xf32, #tpu.memory_space<hbm>> -> memref<1x3xf32, #tpu.memory_space<hbm>>
    tpu.enqueue_dma source(%dma_start3A_443 : memref<1x3xf32, #tpu.memory_space<hbm>>) target(%dma_start3A_441 : memref<1x3xf32, #tpu.memory_space<vmem>>) target_semaphore(%arg13 : memref<!tpu.dma_semaphore, #tpu.memory_space<semaphore_mem>>)
    %dma_start3A_444 = arith.constant 5 : i32
    %dma_start3A_445 = arith.constant 0 : i32
    %dma_start3A_446 = tpu.memref_slice %arg8[%dma_start3A_444, %dma_start3A_445] : memref<32x3xf32, #tpu.memory_space<vmem>> -> memref<1x3xf32, #tpu.memory_space<vmem>>
    %dma_start3A_447 = arith.constant 0 : i32
    %dma_start3A_448 = tpu.memref_slice %arg2[%reduce_sum3A_108, %dma_start3A_447] : memref<1000000x3xf32, #tpu.memory_space<hbm>> -> memref<1x3xf32, #tpu.memory_space<hbm>>
    %dma_start3A_449 = arith.constant 5 : i32
    %dma_start3A_450 = arith.constant 0 : i32
    %dma_start3A_451 = tpu.memref_slice %arg8[%dma_start3A_449, %dma_start3A_450] : memref<32x3xf32, #tpu.memory_space<vmem>> -> memref<1x3xf32, #tpu.memory_space<vmem>>
    %dma_start3A_452 = arith.constant 0 : i32
    %dma_start3A_453 = tpu.memref_slice %arg2[%reduce_sum3A_108, %dma_start3A_452] : memref<1000000x3xf32, #tpu.memory_space<hbm>> -> memref<1x3xf32, #tpu.memory_space<hbm>>
    tpu.enqueue_dma source(%dma_start3A_453 : memref<1x3xf32, #tpu.memory_space<hbm>>) target(%dma_start3A_451 : memref<1x3xf32, #tpu.memory_space<vmem>>) target_semaphore(%arg13 : memref<!tpu.dma_semaphore, #tpu.memory_space<semaphore_mem>>)
    %dma_start3A_454 = arith.constant 6 : i32
    %dma_start3A_455 = arith.constant 0 : i32
    %dma_start3A_456 = tpu.memref_slice %arg8[%dma_start3A_454, %dma_start3A_455] : memref<32x3xf32, #tpu.memory_space<vmem>> -> memref<1x3xf32, #tpu.memory_space<vmem>>
    %dma_start3A_457 = arith.constant 0 : i32
    %dma_start3A_458 = tpu.memref_slice %arg2[%reduce_sum3A_119, %dma_start3A_457] : memref<1000000x3xf32, #tpu.memory_space<hbm>> -> memref<1x3xf32, #tpu.memory_space<hbm>>
    %dma_start3A_459 = arith.constant 6 : i32
    %dma_start3A_460 = arith.constant 0 : i32
    %dma_start3A_461 = tpu.memref_slice %arg8[%dma_start3A_459, %dma_start3A_460] : memref<32x3xf32, #tpu.memory_space<vmem>> -> memref<1x3xf32, #tpu.memory_space<vmem>>
    %dma_start3A_462 = arith.constant 0 : i32
    %dma_start3A_463 = tpu.memref_slice %arg2[%reduce_sum3A_119, %dma_start3A_462] : memref<1000000x3xf32, #tpu.memory_space<hbm>> -> memref<1x3xf32, #tpu.memory_space<hbm>>
    tpu.enqueue_dma source(%dma_start3A_463 : memref<1x3xf32, #tpu.memory_space<hbm>>) target(%dma_start3A_461 : memref<1x3xf32, #tpu.memory_space<vmem>>) target_semaphore(%arg13 : memref<!tpu.dma_semaphore, #tpu.memory_space<semaphore_mem>>)
    %dma_start3A_464 = arith.constant 7 : i32
    %dma_start3A_465 = arith.constant 0 : i32
    %dma_start3A_466 = tpu.memref_slice %arg8[%dma_start3A_464, %dma_start3A_465] : memref<32x3xf32, #tpu.memory_space<vmem>> -> memref<1x3xf32, #tpu.memory_space<vmem>>
    %dma_start3A_467 = arith.constant 0 : i32
    %dma_start3A_468 = tpu.memref_slice %arg2[%reduce_sum3A_130, %dma_start3A_467] : memref<1000000x3xf32, #tpu.memory_space<hbm>> -> memref<1x3xf32, #tpu.memory_space<hbm>>
    %dma_start3A_469 = arith.constant 7 : i32
    %dma_start3A_470 = arith.constant 0 : i32
    %dma_start3A_471 = tpu.memref_slice %arg8[%dma_start3A_469, %dma_start3A_470] : memref<32x3xf32, #tpu.memory_space<vmem>> -> memref<1x3xf32, #tpu.memory_space<vmem>>
    %dma_start3A_472 = arith.constant 0 : i32
    %dma_start3A_473 = tpu.memref_slice %arg2[%reduce_sum3A_130, %dma_start3A_472] : memref<1000000x3xf32, #tpu.memory_space<hbm>> -> memref<1x3xf32, #tpu.memory_space<hbm>>
    tpu.enqueue_dma source(%dma_start3A_473 : memref<1x3xf32, #tpu.memory_space<hbm>>) target(%dma_start3A_471 : memref<1x3xf32, #tpu.memory_space<vmem>>) target_semaphore(%arg13 : memref<!tpu.dma_semaphore, #tpu.memory_space<semaphore_mem>>)
    %dma_start3A_474 = arith.constant 8 : i32
    %dma_start3A_475 = arith.constant 0 : i32
    %dma_start3A_476 = tpu.memref_slice %arg8[%dma_start3A_474, %dma_start3A_475] : memref<32x3xf32, #tpu.memory_space<vmem>> -> memref<1x3xf32, #tpu.memory_space<vmem>>
    %dma_start3A_477 = arith.constant 0 : i32
    %dma_start3A_478 = tpu.memref_slice %arg2[%reduce_sum3A_141, %dma_start3A_477] : memref<1000000x3xf32, #tpu.memory_space<hbm>> -> memref<1x3xf32, #tpu.memory_space<hbm>>
    %dma_start3A_479 = arith.constant 8 : i32
    %dma_start3A_480 = arith.constant 0 : i32
    %dma_start3A_481 = tpu.memref_slice %arg8[%dma_start3A_479, %dma_start3A_480] : memref<32x3xf32, #tpu.memory_space<vmem>> -> memref<1x3xf32, #tpu.memory_space<vmem>>
    %dma_start3A_482 = arith.constant 0 : i32
    %dma_start3A_483 = tpu.memref_slice %arg2[%reduce_sum3A_141, %dma_start3A_482] : memref<1000000x3xf32, #tpu.memory_space<hbm>> -> memref<1x3xf32, #tpu.memory_space<hbm>>
    tpu.enqueue_dma source(%dma_start3A_483 : memref<1x3xf32, #tpu.memory_space<hbm>>) target(%dma_start3A_481 : memref<1x3xf32, #tpu.memory_space<vmem>>) target_semaphore(%arg13 : memref<!tpu.dma_semaphore, #tpu.memory_space<semaphore_mem>>)
    %dma_start3A_484 = arith.constant 9 : i32
    %dma_start3A_485 = arith.constant 0 : i32
    %dma_start3A_486 = tpu.memref_slice %arg8[%dma_start3A_484, %dma_start3A_485] : memref<32x3xf32, #tpu.memory_space<vmem>> -> memref<1x3xf32, #tpu.memory_space<vmem>>
    %dma_start3A_487 = arith.constant 0 : i32
    %dma_start3A_488 = tpu.memref_slice %arg2[%reduce_sum3A_152, %dma_start3A_487] : memref<1000000x3xf32, #tpu.memory_space<hbm>> -> memref<1x3xf32, #tpu.memory_space<hbm>>
    %dma_start3A_489 = arith.constant 9 : i32
    %dma_start3A_490 = arith.constant 0 : i32
    %dma_start3A_491 = tpu.memref_slice %arg8[%dma_start3A_489, %dma_start3A_490] : memref<32x3xf32, #tpu.memory_space<vmem>> -> memref<1x3xf32, #tpu.memory_space<vmem>>
    %dma_start3A_492 = arith.constant 0 : i32
    %dma_start3A_493 = tpu.memref_slice %arg2[%reduce_sum3A_152, %dma_start3A_492] : memref<1000000x3xf32, #tpu.memory_space<hbm>> -> memref<1x3xf32, #tpu.memory_space<hbm>>
    tpu.enqueue_dma source(%dma_start3A_493 : memref<1x3xf32, #tpu.memory_space<hbm>>) target(%dma_start3A_491 : memref<1x3xf32, #tpu.memory_space<vmem>>) target_semaphore(%arg13 : memref<!tpu.dma_semaphore, #tpu.memory_space<semaphore_mem>>)
    %dma_start3A_494 = arith.constant 10 : i32
    %dma_start3A_495 = arith.constant 0 : i32
    %dma_start3A_496 = tpu.memref_slice %arg8[%dma_start3A_494, %dma_start3A_495] : memref<32x3xf32, #tpu.memory_space<vmem>> -> memref<1x3xf32, #tpu.memory_space<vmem>>
    %dma_start3A_497 = arith.constant 0 : i32
    %dma_start3A_498 = tpu.memref_slice %arg2[%reduce_sum3A_163, %dma_start3A_497] : memref<1000000x3xf32, #tpu.memory_space<hbm>> -> memref<1x3xf32, #tpu.memory_space<hbm>>
    %dma_start3A_499 = arith.constant 10 : i32
    %dma_start3A_500 = arith.constant 0 : i32
    %dma_start3A_501 = tpu.memref_slice %arg8[%dma_start3A_499, %dma_start3A_500] : memref<32x3xf32, #tpu.memory_space<vmem>> -> memref<1x3xf32, #tpu.memory_space<vmem>>
    %dma_start3A_502 = arith.constant 0 : i32
    %dma_start3A_503 = tpu.memref_slice %arg2[%reduce_sum3A_163, %dma_start3A_502] : memref<1000000x3xf32, #tpu.memory_space<hbm>> -> memref<1x3xf32, #tpu.memory_space<hbm>>
    tpu.enqueue_dma source(%dma_start3A_503 : memref<1x3xf32, #tpu.memory_space<hbm>>) target(%dma_start3A_501 : memref<1x3xf32, #tpu.memory_space<vmem>>) target_semaphore(%arg13 : memref<!tpu.dma_semaphore, #tpu.memory_space<semaphore_mem>>)
    %dma_start3A_504 = arith.constant 11 : i32
    %dma_start3A_505 = arith.constant 0 : i32
    %dma_start3A_506 = tpu.memref_slice %arg8[%dma_start3A_504, %dma_start3A_505] : memref<32x3xf32, #tpu.memory_space<vmem>> -> memref<1x3xf32, #tpu.memory_space<vmem>>
    %dma_start3A_507 = arith.constant 0 : i32
    %dma_start3A_508 = tpu.memref_slice %arg2[%reduce_sum3A_174, %dma_start3A_507] : memref<1000000x3xf32, #tpu.memory_space<hbm>> -> memref<1x3xf32, #tpu.memory_space<hbm>>
    %dma_start3A_509 = arith.constant 11 : i32
    %dma_start3A_510 = arith.constant 0 : i32
    %dma_start3A_511 = tpu.memref_slice %arg8[%dma_start3A_509, %dma_start3A_510] : memref<32x3xf32, #tpu.memory_space<vmem>> -> memref<1x3xf32, #tpu.memory_space<vmem>>
    %dma_start3A_512 = arith.constant 0 : i32
    %dma_start3A_513 = tpu.memref_slice %arg2[%reduce_sum3A_174, %dma_start3A_512] : memref<1000000x3xf32, #tpu.memory_space<hbm>> -> memref<1x3xf32, #tpu.memory_space<hbm>>
    tpu.enqueue_dma source(%dma_start3A_513 : memref<1x3xf32, #tpu.memory_space<hbm>>) target(%dma_start3A_511 : memref<1x3xf32, #tpu.memory_space<vmem>>) target_semaphore(%arg13 : memref<!tpu.dma_semaphore, #tpu.memory_space<semaphore_mem>>)
    %dma_start3A_514 = arith.constant 12 : i32
    %dma_start3A_515 = arith.constant 0 : i32
    %dma_start3A_516 = tpu.memref_slice %arg8[%dma_start3A_514, %dma_start3A_515] : memref<32x3xf32, #tpu.memory_space<vmem>> -> memref<1x3xf32, #tpu.memory_space<vmem>>
    %dma_start3A_517 = arith.constant 0 : i32
    %dma_start3A_518 = tpu.memref_slice %arg2[%reduce_sum3A_185, %dma_start3A_517] : memref<1000000x3xf32, #tpu.memory_space<hbm>> -> memref<1x3xf32, #tpu.memory_space<hbm>>
    %dma_start3A_519 = arith.constant 12 : i32
    %dma_start3A_520 = arith.constant 0 : i32
    %dma_start3A_521 = tpu.memref_slice %arg8[%dma_start3A_519, %dma_start3A_520] : memref<32x3xf32, #tpu.memory_space<vmem>> -> memref<1x3xf32, #tpu.memory_space<vmem>>
    %dma_start3A_522 = arith.constant 0 : i32
    %dma_start3A_523 = tpu.memref_slice %arg2[%reduce_sum3A_185, %dma_start3A_522] : memref<1000000x3xf32, #tpu.memory_space<hbm>> -> memref<1x3xf32, #tpu.memory_space<hbm>>
    tpu.enqueue_dma source(%dma_start3A_523 : memref<1x3xf32, #tpu.memory_space<hbm>>) target(%dma_start3A_521 : memref<1x3xf32, #tpu.memory_space<vmem>>) target_semaphore(%arg13 : memref<!tpu.dma_semaphore, #tpu.memory_space<semaphore_mem>>)
    %dma_start3A_524 = arith.constant 13 : i32
    %dma_start3A_525 = arith.constant 0 : i32
    %dma_start3A_526 = tpu.memref_slice %arg8[%dma_start3A_524, %dma_start3A_525] : memref<32x3xf32, #tpu.memory_space<vmem>> -> memref<1x3xf32, #tpu.memory_space<vmem>>
    %dma_start3A_527 = arith.constant 0 : i32
    %dma_start3A_528 = tpu.memref_slice %arg2[%reduce_sum3A_196, %dma_start3A_527] : memref<1000000x3xf32, #tpu.memory_space<hbm>> -> memref<1x3xf32, #tpu.memory_space<hbm>>
    %dma_start3A_529 = arith.constant 13 : i32
    %dma_start3A_530 = arith.constant 0 : i32
    %dma_start3A_531 = tpu.memref_slice %arg8[%dma_start3A_529, %dma_start3A_530] : memref<32x3xf32, #tpu.memory_space<vmem>> -> memref<1x3xf32, #tpu.memory_space<vmem>>
    %dma_start3A_532 = arith.constant 0 : i32
    %dma_start3A_533 = tpu.memref_slice %arg2[%reduce_sum3A_196, %dma_start3A_532] : memref<1000000x3xf32, #tpu.memory_space<hbm>> -> memref<1x3xf32, #tpu.memory_space<hbm>>
    tpu.enqueue_dma source(%dma_start3A_533 : memref<1x3xf32, #tpu.memory_space<hbm>>) target(%dma_start3A_531 : memref<1x3xf32, #tpu.memory_space<vmem>>) target_semaphore(%arg13 : memref<!tpu.dma_semaphore, #tpu.memory_space<semaphore_mem>>)
    %dma_start3A_534 = arith.constant 14 : i32
    %dma_start3A_535 = arith.constant 0 : i32
    %dma_start3A_536 = tpu.memref_slice %arg8[%dma_start3A_534, %dma_start3A_535] : memref<32x3xf32, #tpu.memory_space<vmem>> -> memref<1x3xf32, #tpu.memory_space<vmem>>
    %dma_start3A_537 = arith.constant 0 : i32
    %dma_start3A_538 = tpu.memref_slice %arg2[%reduce_sum3A_207, %dma_start3A_537] : memref<1000000x3xf32, #tpu.memory_space<hbm>> -> memref<1x3xf32, #tpu.memory_space<hbm>>
    %dma_start3A_539 = arith.constant 14 : i32
    %dma_start3A_540 = arith.constant 0 : i32
    %dma_start3A_541 = tpu.memref_slice %arg8[%dma_start3A_539, %dma_start3A_540] : memref<32x3xf32, #tpu.memory_space<vmem>> -> memref<1x3xf32, #tpu.memory_space<vmem>>
    %dma_start3A_542 = arith.constant 0 : i32
    %dma_start3A_543 = tpu.memref_slice %arg2[%reduce_sum3A_207, %dma_start3A_542] : memref<1000000x3xf32, #tpu.memory_space<hbm>> -> memref<1x3xf32, #tpu.memory_space<hbm>>
    tpu.enqueue_dma source(%dma_start3A_543 : memref<1x3xf32, #tpu.memory_space<hbm>>) target(%dma_start3A_541 : memref<1x3xf32, #tpu.memory_space<vmem>>) target_semaphore(%arg13 : memref<!tpu.dma_semaphore, #tpu.memory_space<semaphore_mem>>)
    %dma_start3A_544 = arith.constant 15 : i32
    %dma_start3A_545 = arith.constant 0 : i32
    %dma_start3A_546 = tpu.memref_slice %arg8[%dma_start3A_544, %dma_start3A_545] : memref<32x3xf32, #tpu.memory_space<vmem>> -> memref<1x3xf32, #tpu.memory_space<vmem>>
    %dma_start3A_547 = arith.constant 0 : i32
    %dma_start3A_548 = tpu.memref_slice %arg2[%reduce_sum3A_218, %dma_start3A_547] : memref<1000000x3xf32, #tpu.memory_space<hbm>> -> memref<1x3xf32, #tpu.memory_space<hbm>>
    %dma_start3A_549 = arith.constant 15 : i32
    %dma_start3A_550 = arith.constant 0 : i32
    %dma_start3A_551 = tpu.memref_slice %arg8[%dma_start3A_549, %dma_start3A_550] : memref<32x3xf32, #tpu.memory_space<vmem>> -> memref<1x3xf32, #tpu.memory_space<vmem>>
    %dma_start3A_552 = arith.constant 0 : i32
    %dma_start3A_553 = tpu.memref_slice %arg2[%reduce_sum3A_218, %dma_start3A_552] : memref<1000000x3xf32, #tpu.memory_space<hbm>> -> memref<1x3xf32, #tpu.memory_space<hbm>>
    tpu.enqueue_dma source(%dma_start3A_553 : memref<1x3xf32, #tpu.memory_space<hbm>>) target(%dma_start3A_551 : memref<1x3xf32, #tpu.memory_space<vmem>>) target_semaphore(%arg13 : memref<!tpu.dma_semaphore, #tpu.memory_space<semaphore_mem>>)
    %dma_start3A_554 = arith.constant 16 : i32
    %dma_start3A_555 = arith.constant 0 : i32
    %dma_start3A_556 = tpu.memref_slice %arg8[%dma_start3A_554, %dma_start3A_555] : memref<32x3xf32, #tpu.memory_space<vmem>> -> memref<1x3xf32, #tpu.memory_space<vmem>>
    %dma_start3A_557 = arith.constant 0 : i32
    %dma_start3A_558 = tpu.memref_slice %arg2[%reduce_sum3A_229, %dma_start3A_557] : memref<1000000x3xf32, #tpu.memory_space<hbm>> -> memref<1x3xf32, #tpu.memory_space<hbm>>
    %dma_start3A_559 = arith.constant 16 : i32
    %dma_start3A_560 = arith.constant 0 : i32
    %dma_start3A_561 = tpu.memref_slice %arg8[%dma_start3A_559, %dma_start3A_560] : memref<32x3xf32, #tpu.memory_space<vmem>> -> memref<1x3xf32, #tpu.memory_space<vmem>>
    %dma_start3A_562 = arith.constant 0 : i32
    %dma_start3A_563 = tpu.memref_slice %arg2[%reduce_sum3A_229, %dma_start3A_562] : memref<1000000x3xf32, #tpu.memory_space<hbm>> -> memref<1x3xf32, #tpu.memory_space<hbm>>
    tpu.enqueue_dma source(%dma_start3A_563 : memref<1x3xf32, #tpu.memory_space<hbm>>) target(%dma_start3A_561 : memref<1x3xf32, #tpu.memory_space<vmem>>) target_semaphore(%arg13 : memref<!tpu.dma_semaphore, #tpu.memory_space<semaphore_mem>>)
    %dma_start3A_564 = arith.constant 17 : i32
    %dma_start3A_565 = arith.constant 0 : i32
    %dma_start3A_566 = tpu.memref_slice %arg8[%dma_start3A_564, %dma_start3A_565] : memref<32x3xf32, #tpu.memory_space<vmem>> -> memref<1x3xf32, #tpu.memory_space<vmem>>
    %dma_start3A_567 = arith.constant 0 : i32
    %dma_start3A_568 = tpu.memref_slice %arg2[%reduce_sum3A_240, %dma_start3A_567] : memref<1000000x3xf32, #tpu.memory_space<hbm>> -> memref<1x3xf32, #tpu.memory_space<hbm>>
    %dma_start3A_569 = arith.constant 17 : i32
    %dma_start3A_570 = arith.constant 0 : i32
    %dma_start3A_571 = tpu.memref_slice %arg8[%dma_start3A_569, %dma_start3A_570] : memref<32x3xf32, #tpu.memory_space<vmem>> -> memref<1x3xf32, #tpu.memory_space<vmem>>
    %dma_start3A_572 = arith.constant 0 : i32
    %dma_start3A_573 = tpu.memref_slice %arg2[%reduce_sum3A_240, %dma_start3A_572] : memref<1000000x3xf32, #tpu.memory_space<hbm>> -> memref<1x3xf32, #tpu.memory_space<hbm>>
    tpu.enqueue_dma source(%dma_start3A_573 : memref<1x3xf32, #tpu.memory_space<hbm>>) target(%dma_start3A_571 : memref<1x3xf32, #tpu.memory_space<vmem>>) target_semaphore(%arg13 : memref<!tpu.dma_semaphore, #tpu.memory_space<semaphore_mem>>)
    %dma_start3A_574 = arith.constant 18 : i32
    %dma_start3A_575 = arith.constant 0 : i32
    %dma_start3A_576 = tpu.memref_slice %arg8[%dma_start3A_574, %dma_start3A_575] : memref<32x3xf32, #tpu.memory_space<vmem>> -> memref<1x3xf32, #tpu.memory_space<vmem>>
    %dma_start3A_577 = arith.constant 0 : i32
    %dma_start3A_578 = tpu.memref_slice %arg2[%reduce_sum3A_251, %dma_start3A_577] : memref<1000000x3xf32, #tpu.memory_space<hbm>> -> memref<1x3xf32, #tpu.memory_space<hbm>>
    %dma_start3A_579 = arith.constant 18 : i32
    %dma_start3A_580 = arith.constant 0 : i32
    %dma_start3A_581 = tpu.memref_slice %arg8[%dma_start3A_579, %dma_start3A_580] : memref<32x3xf32, #tpu.memory_space<vmem>> -> memref<1x3xf32, #tpu.memory_space<vmem>>
    %dma_start3A_582 = arith.constant 0 : i32
    %dma_start3A_583 = tpu.memref_slice %arg2[%reduce_sum3A_251, %dma_start3A_582] : memref<1000000x3xf32, #tpu.memory_space<hbm>> -> memref<1x3xf32, #tpu.memory_space<hbm>>
    tpu.enqueue_dma source(%dma_start3A_583 : memref<1x3xf32, #tpu.memory_space<hbm>>) target(%dma_start3A_581 : memref<1x3xf32, #tpu.memory_space<vmem>>) target_semaphore(%arg13 : memref<!tpu.dma_semaphore, #tpu.memory_space<semaphore_mem>>)
    %dma_start3A_584 = arith.constant 19 : i32
    %dma_start3A_585 = arith.constant 0 : i32
    %dma_start3A_586 = tpu.memref_slice %arg8[%dma_start3A_584, %dma_start3A_585] : memref<32x3xf32, #tpu.memory_space<vmem>> -> memref<1x3xf32, #tpu.memory_space<vmem>>
    %dma_start3A_587 = arith.constant 0 : i32
    %dma_start3A_588 = tpu.memref_slice %arg2[%reduce_sum3A_262, %dma_start3A_587] : memref<1000000x3xf32, #tpu.memory_space<hbm>> -> memref<1x3xf32, #tpu.memory_space<hbm>>
    %dma_start3A_589 = arith.constant 19 : i32
    %dma_start3A_590 = arith.constant 0 : i32
    %dma_start3A_591 = tpu.memref_slice %arg8[%dma_start3A_589, %dma_start3A_590] : memref<32x3xf32, #tpu.memory_space<vmem>> -> memref<1x3xf32, #tpu.memory_space<vmem>>
    %dma_start3A_592 = arith.constant 0 : i32
    %dma_start3A_593 = tpu.memref_slice %arg2[%reduce_sum3A_262, %dma_start3A_592] : memref<1000000x3xf32, #tpu.memory_space<hbm>> -> memref<1x3xf32, #tpu.memory_space<hbm>>
    tpu.enqueue_dma source(%dma_start3A_593 : memref<1x3xf32, #tpu.memory_space<hbm>>) target(%dma_start3A_591 : memref<1x3xf32, #tpu.memory_space<vmem>>) target_semaphore(%arg13 : memref<!tpu.dma_semaphore, #tpu.memory_space<semaphore_mem>>)
    %dma_start3A_594 = arith.constant 20 : i32
    %dma_start3A_595 = arith.constant 0 : i32
    %dma_start3A_596 = tpu.memref_slice %arg8[%dma_start3A_594, %dma_start3A_595] : memref<32x3xf32, #tpu.memory_space<vmem>> -> memref<1x3xf32, #tpu.memory_space<vmem>>
    %dma_start3A_597 = arith.constant 0 : i32
    %dma_start3A_598 = tpu.memref_slice %arg2[%reduce_sum3A_273, %dma_start3A_597] : memref<1000000x3xf32, #tpu.memory_space<hbm>> -> memref<1x3xf32, #tpu.memory_space<hbm>>
    %dma_start3A_599 = arith.constant 20 : i32
    %dma_start3A_600 = arith.constant 0 : i32
    %dma_start3A_601 = tpu.memref_slice %arg8[%dma_start3A_599, %dma_start3A_600] : memref<32x3xf32, #tpu.memory_space<vmem>> -> memref<1x3xf32, #tpu.memory_space<vmem>>
    %dma_start3A_602 = arith.constant 0 : i32
    %dma_start3A_603 = tpu.memref_slice %arg2[%reduce_sum3A_273, %dma_start3A_602] : memref<1000000x3xf32, #tpu.memory_space<hbm>> -> memref<1x3xf32, #tpu.memory_space<hbm>>
    tpu.enqueue_dma source(%dma_start3A_603 : memref<1x3xf32, #tpu.memory_space<hbm>>) target(%dma_start3A_601 : memref<1x3xf32, #tpu.memory_space<vmem>>) target_semaphore(%arg13 : memref<!tpu.dma_semaphore, #tpu.memory_space<semaphore_mem>>)
    %dma_start3A_604 = arith.constant 21 : i32
    %dma_start3A_605 = arith.constant 0 : i32
    %dma_start3A_606 = tpu.memref_slice %arg8[%dma_start3A_604, %dma_start3A_605] : memref<32x3xf32, #tpu.memory_space<vmem>> -> memref<1x3xf32, #tpu.memory_space<vmem>>
    %dma_start3A_607 = arith.constant 0 : i32
    %dma_start3A_608 = tpu.memref_slice %arg2[%reduce_sum3A_284, %dma_start3A_607] : memref<1000000x3xf32, #tpu.memory_space<hbm>> -> memref<1x3xf32, #tpu.memory_space<hbm>>
    %dma_start3A_609 = arith.constant 21 : i32
    %dma_start3A_610 = arith.constant 0 : i32
    %dma_start3A_611 = tpu.memref_slice %arg8[%dma_start3A_609, %dma_start3A_610] : memref<32x3xf32, #tpu.memory_space<vmem>> -> memref<1x3xf32, #tpu.memory_space<vmem>>
    %dma_start3A_612 = arith.constant 0 : i32
    %dma_start3A_613 = tpu.memref_slice %arg2[%reduce_sum3A_284, %dma_start3A_612] : memref<1000000x3xf32, #tpu.memory_space<hbm>> -> memref<1x3xf32, #tpu.memory_space<hbm>>
    tpu.enqueue_dma source(%dma_start3A_613 : memref<1x3xf32, #tpu.memory_space<hbm>>) target(%dma_start3A_611 : memref<1x3xf32, #tpu.memory_space<vmem>>) target_semaphore(%arg13 : memref<!tpu.dma_semaphore, #tpu.memory_space<semaphore_mem>>)
    %dma_start3A_614 = arith.constant 22 : i32
    %dma_start3A_615 = arith.constant 0 : i32
    %dma_start3A_616 = tpu.memref_slice %arg8[%dma_start3A_614, %dma_start3A_615] : memref<32x3xf32, #tpu.memory_space<vmem>> -> memref<1x3xf32, #tpu.memory_space<vmem>>
    %dma_start3A_617 = arith.constant 0 : i32
    %dma_start3A_618 = tpu.memref_slice %arg2[%reduce_sum3A_295, %dma_start3A_617] : memref<1000000x3xf32, #tpu.memory_space<hbm>> -> memref<1x3xf32, #tpu.memory_space<hbm>>
    %dma_start3A_619 = arith.constant 22 : i32
    %dma_start3A_620 = arith.constant 0 : i32
    %dma_start3A_621 = tpu.memref_slice %arg8[%dma_start3A_619, %dma_start3A_620] : memref<32x3xf32, #tpu.memory_space<vmem>> -> memref<1x3xf32, #tpu.memory_space<vmem>>
    %dma_start3A_622 = arith.constant 0 : i32
    %dma_start3A_623 = tpu.memref_slice %arg2[%reduce_sum3A_295, %dma_start3A_622] : memref<1000000x3xf32, #tpu.memory_space<hbm>> -> memref<1x3xf32, #tpu.memory_space<hbm>>
    tpu.enqueue_dma source(%dma_start3A_623 : memref<1x3xf32, #tpu.memory_space<hbm>>) target(%dma_start3A_621 : memref<1x3xf32, #tpu.memory_space<vmem>>) target_semaphore(%arg13 : memref<!tpu.dma_semaphore, #tpu.memory_space<semaphore_mem>>)
    %dma_start3A_624 = arith.constant 23 : i32
    %dma_start3A_625 = arith.constant 0 : i32
    %dma_start3A_626 = tpu.memref_slice %arg8[%dma_start3A_624, %dma_start3A_625] : memref<32x3xf32, #tpu.memory_space<vmem>> -> memref<1x3xf32, #tpu.memory_space<vmem>>
    %dma_start3A_627 = arith.constant 0 : i32
    %dma_start3A_628 = tpu.memref_slice %arg2[%reduce_sum3A_306, %dma_start3A_627] : memref<1000000x3xf32, #tpu.memory_space<hbm>> -> memref<1x3xf32, #tpu.memory_space<hbm>>
    %dma_start3A_629 = arith.constant 23 : i32
    %dma_start3A_630 = arith.constant 0 : i32
    %dma_start3A_631 = tpu.memref_slice %arg8[%dma_start3A_629, %dma_start3A_630] : memref<32x3xf32, #tpu.memory_space<vmem>> -> memref<1x3xf32, #tpu.memory_space<vmem>>
    %dma_start3A_632 = arith.constant 0 : i32
    %dma_start3A_633 = tpu.memref_slice %arg2[%reduce_sum3A_306, %dma_start3A_632] : memref<1000000x3xf32, #tpu.memory_space<hbm>> -> memref<1x3xf32, #tpu.memory_space<hbm>>
    tpu.enqueue_dma source(%dma_start3A_633 : memref<1x3xf32, #tpu.memory_space<hbm>>) target(%dma_start3A_631 : memref<1x3xf32, #tpu.memory_space<vmem>>) target_semaphore(%arg13 : memref<!tpu.dma_semaphore, #tpu.memory_space<semaphore_mem>>)
    %dma_start3A_634 = arith.constant 24 : i32
    %dma_start3A_635 = arith.constant 0 : i32
    %dma_start3A_636 = tpu.memref_slice %arg8[%dma_start3A_634, %dma_start3A_635] : memref<32x3xf32, #tpu.memory_space<vmem>> -> memref<1x3xf32, #tpu.memory_space<vmem>>
    %dma_start3A_637 = arith.constant 0 : i32
    %dma_start3A_638 = tpu.memref_slice %arg2[%reduce_sum3A_317, %dma_start3A_637] : memref<1000000x3xf32, #tpu.memory_space<hbm>> -> memref<1x3xf32, #tpu.memory_space<hbm>>
    %dma_start3A_639 = arith.constant 24 : i32
    %dma_start3A_640 = arith.constant 0 : i32
    %dma_start3A_641 = tpu.memref_slice %arg8[%dma_start3A_639, %dma_start3A_640] : memref<32x3xf32, #tpu.memory_space<vmem>> -> memref<1x3xf32, #tpu.memory_space<vmem>>
    %dma_start3A_642 = arith.constant 0 : i32
    %dma_start3A_643 = tpu.memref_slice %arg2[%reduce_sum3A_317, %dma_start3A_642] : memref<1000000x3xf32, #tpu.memory_space<hbm>> -> memref<1x3xf32, #tpu.memory_space<hbm>>
    tpu.enqueue_dma source(%dma_start3A_643 : memref<1x3xf32, #tpu.memory_space<hbm>>) target(%dma_start3A_641 : memref<1x3xf32, #tpu.memory_space<vmem>>) target_semaphore(%arg13 : memref<!tpu.dma_semaphore, #tpu.memory_space<semaphore_mem>>)
    %dma_start3A_644 = arith.constant 25 : i32
    %dma_start3A_645 = arith.constant 0 : i32
    %dma_start3A_646 = tpu.memref_slice %arg8[%dma_start3A_644, %dma_start3A_645] : memref<32x3xf32, #tpu.memory_space<vmem>> -> memref<1x3xf32, #tpu.memory_space<vmem>>
    %dma_start3A_647 = arith.constant 0 : i32
    %dma_start3A_648 = tpu.memref_slice %arg2[%reduce_sum3A_328, %dma_start3A_647] : memref<1000000x3xf32, #tpu.memory_space<hbm>> -> memref<1x3xf32, #tpu.memory_space<hbm>>
    %dma_start3A_649 = arith.constant 25 : i32
    %dma_start3A_650 = arith.constant 0 : i32
    %dma_start3A_651 = tpu.memref_slice %arg8[%dma_start3A_649, %dma_start3A_650] : memref<32x3xf32, #tpu.memory_space<vmem>> -> memref<1x3xf32, #tpu.memory_space<vmem>>
    %dma_start3A_652 = arith.constant 0 : i32
    %dma_start3A_653 = tpu.memref_slice %arg2[%reduce_sum3A_328, %dma_start3A_652] : memref<1000000x3xf32, #tpu.memory_space<hbm>> -> memref<1x3xf32, #tpu.memory_space<hbm>>
    tpu.enqueue_dma source(%dma_start3A_653 : memref<1x3xf32, #tpu.memory_space<hbm>>) target(%dma_start3A_651 : memref<1x3xf32, #tpu.memory_space<vmem>>) target_semaphore(%arg13 : memref<!tpu.dma_semaphore, #tpu.memory_space<semaphore_mem>>)
    %dma_start3A_654 = arith.constant 26 : i32
    %dma_start3A_655 = arith.constant 0 : i32
    %dma_start3A_656 = tpu.memref_slice %arg8[%dma_start3A_654, %dma_start3A_655] : memref<32x3xf32, #tpu.memory_space<vmem>> -> memref<1x3xf32, #tpu.memory_space<vmem>>
    %dma_start3A_657 = arith.constant 0 : i32
    %dma_start3A_658 = tpu.memref_slice %arg2[%reduce_sum3A_339, %dma_start3A_657] : memref<1000000x3xf32, #tpu.memory_space<hbm>> -> memref<1x3xf32, #tpu.memory_space<hbm>>
    %dma_start3A_659 = arith.constant 26 : i32
    %dma_start3A_660 = arith.constant 0 : i32
    %dma_start3A_661 = tpu.memref_slice %arg8[%dma_start3A_659, %dma_start3A_660] : memref<32x3xf32, #tpu.memory_space<vmem>> -> memref<1x3xf32, #tpu.memory_space<vmem>>
    %dma_start3A_662 = arith.constant 0 : i32
    %dma_start3A_663 = tpu.memref_slice %arg2[%reduce_sum3A_339, %dma_start3A_662] : memref<1000000x3xf32, #tpu.memory_space<hbm>> -> memref<1x3xf32, #tpu.memory_space<hbm>>
    tpu.enqueue_dma source(%dma_start3A_663 : memref<1x3xf32, #tpu.memory_space<hbm>>) target(%dma_start3A_661 : memref<1x3xf32, #tpu.memory_space<vmem>>) target_semaphore(%arg13 : memref<!tpu.dma_semaphore, #tpu.memory_space<semaphore_mem>>)
    %dma_start3A_664 = arith.constant 27 : i32
    %dma_start3A_665 = arith.constant 0 : i32
    %dma_start3A_666 = tpu.memref_slice %arg8[%dma_start3A_664, %dma_start3A_665] : memref<32x3xf32, #tpu.memory_space<vmem>> -> memref<1x3xf32, #tpu.memory_space<vmem>>
    %dma_start3A_667 = arith.constant 0 : i32
    %dma_start3A_668 = tpu.memref_slice %arg2[%reduce_sum3A_350, %dma_start3A_667] : memref<1000000x3xf32, #tpu.memory_space<hbm>> -> memref<1x3xf32, #tpu.memory_space<hbm>>
    %dma_start3A_669 = arith.constant 27 : i32
    %dma_start3A_670 = arith.constant 0 : i32
    %dma_start3A_671 = tpu.memref_slice %arg8[%dma_start3A_669, %dma_start3A_670] : memref<32x3xf32, #tpu.memory_space<vmem>> -> memref<1x3xf32, #tpu.memory_space<vmem>>
    %dma_start3A_672 = arith.constant 0 : i32
    %dma_start3A_673 = tpu.memref_slice %arg2[%reduce_sum3A_350, %dma_start3A_672] : memref<1000000x3xf32, #tpu.memory_space<hbm>> -> memref<1x3xf32, #tpu.memory_space<hbm>>
    tpu.enqueue_dma source(%dma_start3A_673 : memref<1x3xf32, #tpu.memory_space<hbm>>) target(%dma_start3A_671 : memref<1x3xf32, #tpu.memory_space<vmem>>) target_semaphore(%arg13 : memref<!tpu.dma_semaphore, #tpu.memory_space<semaphore_mem>>)
    %dma_start3A_674 = arith.constant 28 : i32
    %dma_start3A_675 = arith.constant 0 : i32
    %dma_start3A_676 = tpu.memref_slice %arg8[%dma_start3A_674, %dma_start3A_675] : memref<32x3xf32, #tpu.memory_space<vmem>> -> memref<1x3xf32, #tpu.memory_space<vmem>>
    %dma_start3A_677 = arith.constant 0 : i32
    %dma_start3A_678 = tpu.memref_slice %arg2[%reduce_sum3A_361, %dma_start3A_677] : memref<1000000x3xf32, #tpu.memory_space<hbm>> -> memref<1x3xf32, #tpu.memory_space<hbm>>
    %dma_start3A_679 = arith.constant 28 : i32
    %dma_start3A_680 = arith.constant 0 : i32
    %dma_start3A_681 = tpu.memref_slice %arg8[%dma_start3A_679, %dma_start3A_680] : memref<32x3xf32, #tpu.memory_space<vmem>> -> memref<1x3xf32, #tpu.memory_space<vmem>>
    %dma_start3A_682 = arith.constant 0 : i32
    %dma_start3A_683 = tpu.memref_slice %arg2[%reduce_sum3A_361, %dma_start3A_682] : memref<1000000x3xf32, #tpu.memory_space<hbm>> -> memref<1x3xf32, #tpu.memory_space<hbm>>
    tpu.enqueue_dma source(%dma_start3A_683 : memref<1x3xf32, #tpu.memory_space<hbm>>) target(%dma_start3A_681 : memref<1x3xf32, #tpu.memory_space<vmem>>) target_semaphore(%arg13 : memref<!tpu.dma_semaphore, #tpu.memory_space<semaphore_mem>>)
    %dma_start3A_684 = arith.constant 29 : i32
    %dma_start3A_685 = arith.constant 0 : i32
    %dma_start3A_686 = tpu.memref_slice %arg8[%dma_start3A_684, %dma_start3A_685] : memref<32x3xf32, #tpu.memory_space<vmem>> -> memref<1x3xf32, #tpu.memory_space<vmem>>
    %dma_start3A_687 = arith.constant 0 : i32
    %dma_start3A_688 = tpu.memref_slice %arg2[%reduce_sum3A_372, %dma_start3A_687] : memref<1000000x3xf32, #tpu.memory_space<hbm>> -> memref<1x3xf32, #tpu.memory_space<hbm>>
    %dma_start3A_689 = arith.constant 29 : i32
    %dma_start3A_690 = arith.constant 0 : i32
    %dma_start3A_691 = tpu.memref_slice %arg8[%dma_start3A_689, %dma_start3A_690] : memref<32x3xf32, #tpu.memory_space<vmem>> -> memref<1x3xf32, #tpu.memory_space<vmem>>
    %dma_start3A_692 = arith.constant 0 : i32
    %dma_start3A_693 = tpu.memref_slice %arg2[%reduce_sum3A_372, %dma_start3A_692] : memref<1000000x3xf32, #tpu.memory_space<hbm>> -> memref<1x3xf32, #tpu.memory_space<hbm>>
    tpu.enqueue_dma source(%dma_start3A_693 : memref<1x3xf32, #tpu.memory_space<hbm>>) target(%dma_start3A_691 : memref<1x3xf32, #tpu.memory_space<vmem>>) target_semaphore(%arg13 : memref<!tpu.dma_semaphore, #tpu.memory_space<semaphore_mem>>)
    %dma_start3A_694 = arith.constant 30 : i32
    %dma_start3A_695 = arith.constant 0 : i32
    %dma_start3A_696 = tpu.memref_slice %arg8[%dma_start3A_694, %dma_start3A_695] : memref<32x3xf32, #tpu.memory_space<vmem>> -> memref<1x3xf32, #tpu.memory_space<vmem>>
    %dma_start3A_697 = arith.constant 0 : i32
    %dma_start3A_698 = tpu.memref_slice %arg2[%reduce_sum3A_383, %dma_start3A_697] : memref<1000000x3xf32, #tpu.memory_space<hbm>> -> memref<1x3xf32, #tpu.memory_space<hbm>>
    %dma_start3A_699 = arith.constant 30 : i32
    %dma_start3A_700 = arith.constant 0 : i32
    %dma_start3A_701 = tpu.memref_slice %arg8[%dma_start3A_699, %dma_start3A_700] : memref<32x3xf32, #tpu.memory_space<vmem>> -> memref<1x3xf32, #tpu.memory_space<vmem>>
    %dma_start3A_702 = arith.constant 0 : i32
    %dma_start3A_703 = tpu.memref_slice %arg2[%reduce_sum3A_383, %dma_start3A_702] : memref<1000000x3xf32, #tpu.memory_space<hbm>> -> memref<1x3xf32, #tpu.memory_space<hbm>>
    tpu.enqueue_dma source(%dma_start3A_703 : memref<1x3xf32, #tpu.memory_space<hbm>>) target(%dma_start3A_701 : memref<1x3xf32, #tpu.memory_space<vmem>>) target_semaphore(%arg13 : memref<!tpu.dma_semaphore, #tpu.memory_space<semaphore_mem>>)
    %dma_start3A_704 = arith.constant 31 : i32
    %dma_start3A_705 = arith.constant 0 : i32
    %dma_start3A_706 = tpu.memref_slice %arg8[%dma_start3A_704, %dma_start3A_705] : memref<32x3xf32, #tpu.memory_space<vmem>> -> memref<1x3xf32, #tpu.memory_space<vmem>>
    %dma_start3A_707 = arith.constant 0 : i32
    %dma_start3A_708 = tpu.memref_slice %arg2[%reduce_sum3A_394, %dma_start3A_707] : memref<1000000x3xf32, #tpu.memory_space<hbm>> -> memref<1x3xf32, #tpu.memory_space<hbm>>
    %dma_start3A_709 = arith.constant 31 : i32
    %dma_start3A_710 = arith.constant 0 : i32
    %dma_start3A_711 = tpu.memref_slice %arg8[%dma_start3A_709, %dma_start3A_710] : memref<32x3xf32, #tpu.memory_space<vmem>> -> memref<1x3xf32, #tpu.memory_space<vmem>>
    %dma_start3A_712 = arith.constant 0 : i32
    %dma_start3A_713 = tpu.memref_slice %arg2[%reduce_sum3A_394, %dma_start3A_712] : memref<1000000x3xf32, #tpu.memory_space<hbm>> -> memref<1x3xf32, #tpu.memory_space<hbm>>
    tpu.enqueue_dma source(%dma_start3A_713 : memref<1x3xf32, #tpu.memory_space<hbm>>) target(%dma_start3A_711 : memref<1x3xf32, #tpu.memory_space<vmem>>) target_semaphore(%arg13 : memref<!tpu.dma_semaphore, #tpu.memory_space<semaphore_mem>>)
    %dma_wait3A = arith.constant 0 : i32
    %dma_wait3A_714 = arith.constant 0 : i32
    %dma_wait3A_715 = tpu.memref_slice %arg8[%dma_wait3A, %dma_wait3A_714] : memref<32x3xf32, #tpu.memory_space<vmem>> -> memref<1x3xf32, #tpu.memory_space<vmem>>
    %dma_wait3A_716 = arith.constant 0 : i32
    %dma_wait3A_717 = tpu.memref_slice %arg2[%reduce_sum3A_53, %dma_wait3A_716] : memref<1000000x3xf32, #tpu.memory_space<hbm>> -> memref<1x3xf32, #tpu.memory_space<hbm>>
    %dma_wait3A_718 = arith.constant 0 : i32
    %dma_wait3A_719 = arith.constant 0 : i32
    %dma_wait3A_720 = tpu.memref_slice %arg8[%dma_wait3A_718, %dma_wait3A_719] : memref<32x3xf32, #tpu.memory_space<vmem>> -> memref<1x3xf32, #tpu.memory_space<vmem>>
    %dma_wait3A_721 = arith.constant 0 : i32
    %dma_wait3A_722 = tpu.memref_slice %arg2[%reduce_sum3A_53, %dma_wait3A_721] : memref<1000000x3xf32, #tpu.memory_space<hbm>> -> memref<1x3xf32, #tpu.memory_space<hbm>>
    tpu.wait_dma2 semaphore(%arg13 : memref<!tpu.dma_semaphore, #tpu.memory_space<semaphore_mem>>) src(%dma_wait3A_722 : memref<1x3xf32, #tpu.memory_space<hbm>>) dst(%dma_wait3A_720 : memref<1x3xf32, #tpu.memory_space<vmem>>)
    %dma_wait3A_723 = arith.constant 1 : i32
    %dma_wait3A_724 = arith.constant 0 : i32
    %dma_wait3A_725 = tpu.memref_slice %arg8[%dma_wait3A_723, %dma_wait3A_724] : memref<32x3xf32, #tpu.memory_space<vmem>> -> memref<1x3xf32, #tpu.memory_space<vmem>>
    %dma_wait3A_726 = arith.constant 0 : i32
    %dma_wait3A_727 = tpu.memref_slice %arg2[%reduce_sum3A_64, %dma_wait3A_726] : memref<1000000x3xf32, #tpu.memory_space<hbm>> -> memref<1x3xf32, #tpu.memory_space<hbm>>
    %dma_wait3A_728 = arith.constant 1 : i32
    %dma_wait3A_729 = arith.constant 0 : i32
    %dma_wait3A_730 = tpu.memref_slice %arg8[%dma_wait3A_728, %dma_wait3A_729] : memref<32x3xf32, #tpu.memory_space<vmem>> -> memref<1x3xf32, #tpu.memory_space<vmem>>
    %dma_wait3A_731 = arith.constant 0 : i32
    %dma_wait3A_732 = tpu.memref_slice %arg2[%reduce_sum3A_64, %dma_wait3A_731] : memref<1000000x3xf32, #tpu.memory_space<hbm>> -> memref<1x3xf32, #tpu.memory_space<hbm>>
    tpu.wait_dma2 semaphore(%arg13 : memref<!tpu.dma_semaphore, #tpu.memory_space<semaphore_mem>>) src(%dma_wait3A_732 : memref<1x3xf32, #tpu.memory_space<hbm>>) dst(%dma_wait3A_730 : memref<1x3xf32, #tpu.memory_space<vmem>>)
    %dma_wait3A_733 = arith.constant 2 : i32
    %dma_wait3A_734 = arith.constant 0 : i32
    %dma_wait3A_735 = tpu.memref_slice %arg8[%dma_wait3A_733, %dma_wait3A_734] : memref<32x3xf32, #tpu.memory_space<vmem>> -> memref<1x3xf32, #tpu.memory_space<vmem>>
    %dma_wait3A_736 = arith.constant 0 : i32
    %dma_wait3A_737 = tpu.memref_slice %arg2[%reduce_sum3A_75, %dma_wait3A_736] : memref<1000000x3xf32, #tpu.memory_space<hbm>> -> memref<1x3xf32, #tpu.memory_space<hbm>>
    %dma_wait3A_738 = arith.constant 2 : i32
    %dma_wait3A_739 = arith.constant 0 : i32
    %dma_wait3A_740 = tpu.memref_slice %arg8[%dma_wait3A_738, %dma_wait3A_739] : memref<32x3xf32, #tpu.memory_space<vmem>> -> memref<1x3xf32, #tpu.memory_space<vmem>>
    %dma_wait3A_741 = arith.constant 0 : i32
    %dma_wait3A_742 = tpu.memref_slice %arg2[%reduce_sum3A_75, %dma_wait3A_741] : memref<1000000x3xf32, #tpu.memory_space<hbm>> -> memref<1x3xf32, #tpu.memory_space<hbm>>
    tpu.wait_dma2 semaphore(%arg13 : memref<!tpu.dma_semaphore, #tpu.memory_space<semaphore_mem>>) src(%dma_wait3A_742 : memref<1x3xf32, #tpu.memory_space<hbm>>) dst(%dma_wait3A_740 : memref<1x3xf32, #tpu.memory_space<vmem>>)
    %dma_wait3A_743 = arith.constant 3 : i32
    %dma_wait3A_744 = arith.constant 0 : i32
    %dma_wait3A_745 = tpu.memref_slice %arg8[%dma_wait3A_743, %dma_wait3A_744] : memref<32x3xf32, #tpu.memory_space<vmem>> -> memref<1x3xf32, #tpu.memory_space<vmem>>
    %dma_wait3A_746 = arith.constant 0 : i32
    %dma_wait3A_747 = tpu.memref_slice %arg2[%reduce_sum3A_86, %dma_wait3A_746] : memref<1000000x3xf32, #tpu.memory_space<hbm>> -> memref<1x3xf32, #tpu.memory_space<hbm>>
    %dma_wait3A_748 = arith.constant 3 : i32
    %dma_wait3A_749 = arith.constant 0 : i32
    %dma_wait3A_750 = tpu.memref_slice %arg8[%dma_wait3A_748, %dma_wait3A_749] : memref<32x3xf32, #tpu.memory_space<vmem>> -> memref<1x3xf32, #tpu.memory_space<vmem>>
    %dma_wait3A_751 = arith.constant 0 : i32
    %dma_wait3A_752 = tpu.memref_slice %arg2[%reduce_sum3A_86, %dma_wait3A_751] : memref<1000000x3xf32, #tpu.memory_space<hbm>> -> memref<1x3xf32, #tpu.memory_space<hbm>>
    tpu.wait_dma2 semaphore(%arg13 : memref<!tpu.dma_semaphore, #tpu.memory_space<semaphore_mem>>) src(%dma_wait3A_752 : memref<1x3xf32, #tpu.memory_space<hbm>>) dst(%dma_wait3A_750 : memref<1x3xf32, #tpu.memory_space<vmem>>)
    %dma_wait3A_753 = arith.constant 4 : i32
    %dma_wait3A_754 = arith.constant 0 : i32
    %dma_wait3A_755 = tpu.memref_slice %arg8[%dma_wait3A_753, %dma_wait3A_754] : memref<32x3xf32, #tpu.memory_space<vmem>> -> memref<1x3xf32, #tpu.memory_space<vmem>>
    %dma_wait3A_756 = arith.constant 0 : i32
    %dma_wait3A_757 = tpu.memref_slice %arg2[%reduce_sum3A_97, %dma_wait3A_756] : memref<1000000x3xf32, #tpu.memory_space<hbm>> -> memref<1x3xf32, #tpu.memory_space<hbm>>
    %dma_wait3A_758 = arith.constant 4 : i32
    %dma_wait3A_759 = arith.constant 0 : i32
    %dma_wait3A_760 = tpu.memref_slice %arg8[%dma_wait3A_758, %dma_wait3A_759] : memref<32x3xf32, #tpu.memory_space<vmem>> -> memref<1x3xf32, #tpu.memory_space<vmem>>
    %dma_wait3A_761 = arith.constant 0 : i32
    %dma_wait3A_762 = tpu.memref_slice %arg2[%reduce_sum3A_97, %dma_wait3A_761] : memref<1000000x3xf32, #tpu.memory_space<hbm>> -> memref<1x3xf32, #tpu.memory_space<hbm>>
    tpu.wait_dma2 semaphore(%arg13 : memref<!tpu.dma_semaphore, #tpu.memory_space<semaphore_mem>>) src(%dma_wait3A_762 : memref<1x3xf32, #tpu.memory_space<hbm>>) dst(%dma_wait3A_760 : memref<1x3xf32, #tpu.memory_space<vmem>>)
    %dma_wait3A_763 = arith.constant 5 : i32
    %dma_wait3A_764 = arith.constant 0 : i32
    %dma_wait3A_765 = tpu.memref_slice %arg8[%dma_wait3A_763, %dma_wait3A_764] : memref<32x3xf32, #tpu.memory_space<vmem>> -> memref<1x3xf32, #tpu.memory_space<vmem>>
    %dma_wait3A_766 = arith.constant 0 : i32
    %dma_wait3A_767 = tpu.memref_slice %arg2[%reduce_sum3A_108, %dma_wait3A_766] : memref<1000000x3xf32, #tpu.memory_space<hbm>> -> memref<1x3xf32, #tpu.memory_space<hbm>>
    %dma_wait3A_768 = arith.constant 5 : i32
    %dma_wait3A_769 = arith.constant 0 : i32
    %dma_wait3A_770 = tpu.memref_slice %arg8[%dma_wait3A_768, %dma_wait3A_769] : memref<32x3xf32, #tpu.memory_space<vmem>> -> memref<1x3xf32, #tpu.memory_space<vmem>>
    %dma_wait3A_771 = arith.constant 0 : i32
    %dma_wait3A_772 = tpu.memref_slice %arg2[%reduce_sum3A_108, %dma_wait3A_771] : memref<1000000x3xf32, #tpu.memory_space<hbm>> -> memref<1x3xf32, #tpu.memory_space<hbm>>
    tpu.wait_dma2 semaphore(%arg13 : memref<!tpu.dma_semaphore, #tpu.memory_space<semaphore_mem>>) src(%dma_wait3A_772 : memref<1x3xf32, #tpu.memory_space<hbm>>) dst(%dma_wait3A_770 : memref<1x3xf32, #tpu.memory_space<vmem>>)
    %dma_wait3A_773 = arith.constant 6 : i32
    %dma_wait3A_774 = arith.constant 0 : i32
    %dma_wait3A_775 = tpu.memref_slice %arg8[%dma_wait3A_773, %dma_wait3A_774] : memref<32x3xf32, #tpu.memory_space<vmem>> -> memref<1x3xf32, #tpu.memory_space<vmem>>
    %dma_wait3A_776 = arith.constant 0 : i32
    %dma_wait3A_777 = tpu.memref_slice %arg2[%reduce_sum3A_119, %dma_wait3A_776] : memref<1000000x3xf32, #tpu.memory_space<hbm>> -> memref<1x3xf32, #tpu.memory_space<hbm>>
    %dma_wait3A_778 = arith.constant 6 : i32
    %dma_wait3A_779 = arith.constant 0 : i32
    %dma_wait3A_780 = tpu.memref_slice %arg8[%dma_wait3A_778, %dma_wait3A_779] : memref<32x3xf32, #tpu.memory_space<vmem>> -> memref<1x3xf32, #tpu.memory_space<vmem>>
    %dma_wait3A_781 = arith.constant 0 : i32
    %dma_wait3A_782 = tpu.memref_slice %arg2[%reduce_sum3A_119, %dma_wait3A_781] : memref<1000000x3xf32, #tpu.memory_space<hbm>> -> memref<1x3xf32, #tpu.memory_space<hbm>>
    tpu.wait_dma2 semaphore(%arg13 : memref<!tpu.dma_semaphore, #tpu.memory_space<semaphore_mem>>) src(%dma_wait3A_782 : memref<1x3xf32, #tpu.memory_space<hbm>>) dst(%dma_wait3A_780 : memref<1x3xf32, #tpu.memory_space<vmem>>)
    %dma_wait3A_783 = arith.constant 7 : i32
    %dma_wait3A_784 = arith.constant 0 : i32
    %dma_wait3A_785 = tpu.memref_slice %arg8[%dma_wait3A_783, %dma_wait3A_784] : memref<32x3xf32, #tpu.memory_space<vmem>> -> memref<1x3xf32, #tpu.memory_space<vmem>>
    %dma_wait3A_786 = arith.constant 0 : i32
    %dma_wait3A_787 = tpu.memref_slice %arg2[%reduce_sum3A_130, %dma_wait3A_786] : memref<1000000x3xf32, #tpu.memory_space<hbm>> -> memref<1x3xf32, #tpu.memory_space<hbm>>
    %dma_wait3A_788 = arith.constant 7 : i32
    %dma_wait3A_789 = arith.constant 0 : i32
    %dma_wait3A_790 = tpu.memref_slice %arg8[%dma_wait3A_788, %dma_wait3A_789] : memref<32x3xf32, #tpu.memory_space<vmem>> -> memref<1x3xf32, #tpu.memory_space<vmem>>
    %dma_wait3A_791 = arith.constant 0 : i32
    %dma_wait3A_792 = tpu.memref_slice %arg2[%reduce_sum3A_130, %dma_wait3A_791] : memref<1000000x3xf32, #tpu.memory_space<hbm>> -> memref<1x3xf32, #tpu.memory_space<hbm>>
    tpu.wait_dma2 semaphore(%arg13 : memref<!tpu.dma_semaphore, #tpu.memory_space<semaphore_mem>>) src(%dma_wait3A_792 : memref<1x3xf32, #tpu.memory_space<hbm>>) dst(%dma_wait3A_790 : memref<1x3xf32, #tpu.memory_space<vmem>>)
    %dma_wait3A_793 = arith.constant 8 : i32
    %dma_wait3A_794 = arith.constant 0 : i32
    %dma_wait3A_795 = tpu.memref_slice %arg8[%dma_wait3A_793, %dma_wait3A_794] : memref<32x3xf32, #tpu.memory_space<vmem>> -> memref<1x3xf32, #tpu.memory_space<vmem>>
    %dma_wait3A_796 = arith.constant 0 : i32
    %dma_wait3A_797 = tpu.memref_slice %arg2[%reduce_sum3A_141, %dma_wait3A_796] : memref<1000000x3xf32, #tpu.memory_space<hbm>> -> memref<1x3xf32, #tpu.memory_space<hbm>>
    %dma_wait3A_798 = arith.constant 8 : i32
    %dma_wait3A_799 = arith.constant 0 : i32
    %dma_wait3A_800 = tpu.memref_slice %arg8[%dma_wait3A_798, %dma_wait3A_799] : memref<32x3xf32, #tpu.memory_space<vmem>> -> memref<1x3xf32, #tpu.memory_space<vmem>>
    %dma_wait3A_801 = arith.constant 0 : i32
    %dma_wait3A_802 = tpu.memref_slice %arg2[%reduce_sum3A_141, %dma_wait3A_801] : memref<1000000x3xf32, #tpu.memory_space<hbm>> -> memref<1x3xf32, #tpu.memory_space<hbm>>
    tpu.wait_dma2 semaphore(%arg13 : memref<!tpu.dma_semaphore, #tpu.memory_space<semaphore_mem>>) src(%dma_wait3A_802 : memref<1x3xf32, #tpu.memory_space<hbm>>) dst(%dma_wait3A_800 : memref<1x3xf32, #tpu.memory_space<vmem>>)
    %dma_wait3A_803 = arith.constant 9 : i32
    %dma_wait3A_804 = arith.constant 0 : i32
    %dma_wait3A_805 = tpu.memref_slice %arg8[%dma_wait3A_803, %dma_wait3A_804] : memref<32x3xf32, #tpu.memory_space<vmem>> -> memref<1x3xf32, #tpu.memory_space<vmem>>
    %dma_wait3A_806 = arith.constant 0 : i32
    %dma_wait3A_807 = tpu.memref_slice %arg2[%reduce_sum3A_152, %dma_wait3A_806] : memref<1000000x3xf32, #tpu.memory_space<hbm>> -> memref<1x3xf32, #tpu.memory_space<hbm>>
    %dma_wait3A_808 = arith.constant 9 : i32
    %dma_wait3A_809 = arith.constant 0 : i32
    %dma_wait3A_810 = tpu.memref_slice %arg8[%dma_wait3A_808, %dma_wait3A_809] : memref<32x3xf32, #tpu.memory_space<vmem>> -> memref<1x3xf32, #tpu.memory_space<vmem>>
    %dma_wait3A_811 = arith.constant 0 : i32
    %dma_wait3A_812 = tpu.memref_slice %arg2[%reduce_sum3A_152, %dma_wait3A_811] : memref<1000000x3xf32, #tpu.memory_space<hbm>> -> memref<1x3xf32, #tpu.memory_space<hbm>>
    tpu.wait_dma2 semaphore(%arg13 : memref<!tpu.dma_semaphore, #tpu.memory_space<semaphore_mem>>) src(%dma_wait3A_812 : memref<1x3xf32, #tpu.memory_space<hbm>>) dst(%dma_wait3A_810 : memref<1x3xf32, #tpu.memory_space<vmem>>)
    %dma_wait3A_813 = arith.constant 10 : i32
    %dma_wait3A_814 = arith.constant 0 : i32
    %dma_wait3A_815 = tpu.memref_slice %arg8[%dma_wait3A_813, %dma_wait3A_814] : memref<32x3xf32, #tpu.memory_space<vmem>> -> memref<1x3xf32, #tpu.memory_space<vmem>>
    %dma_wait3A_816 = arith.constant 0 : i32
    %dma_wait3A_817 = tpu.memref_slice %arg2[%reduce_sum3A_163, %dma_wait3A_816] : memref<1000000x3xf32, #tpu.memory_space<hbm>> -> memref<1x3xf32, #tpu.memory_space<hbm>>
    %dma_wait3A_818 = arith.constant 10 : i32
    %dma_wait3A_819 = arith.constant 0 : i32
    %dma_wait3A_820 = tpu.memref_slice %arg8[%dma_wait3A_818, %dma_wait3A_819] : memref<32x3xf32, #tpu.memory_space<vmem>> -> memref<1x3xf32, #tpu.memory_space<vmem>>
    %dma_wait3A_821 = arith.constant 0 : i32
    %dma_wait3A_822 = tpu.memref_slice %arg2[%reduce_sum3A_163, %dma_wait3A_821] : memref<1000000x3xf32, #tpu.memory_space<hbm>> -> memref<1x3xf32, #tpu.memory_space<hbm>>
    tpu.wait_dma2 semaphore(%arg13 : memref<!tpu.dma_semaphore, #tpu.memory_space<semaphore_mem>>) src(%dma_wait3A_822 : memref<1x3xf32, #tpu.memory_space<hbm>>) dst(%dma_wait3A_820 : memref<1x3xf32, #tpu.memory_space<vmem>>)
    %dma_wait3A_823 = arith.constant 11 : i32
    %dma_wait3A_824 = arith.constant 0 : i32
    %dma_wait3A_825 = tpu.memref_slice %arg8[%dma_wait3A_823, %dma_wait3A_824] : memref<32x3xf32, #tpu.memory_space<vmem>> -> memref<1x3xf32, #tpu.memory_space<vmem>>
    %dma_wait3A_826 = arith.constant 0 : i32
    %dma_wait3A_827 = tpu.memref_slice %arg2[%reduce_sum3A_174, %dma_wait3A_826] : memref<1000000x3xf32, #tpu.memory_space<hbm>> -> memref<1x3xf32, #tpu.memory_space<hbm>>
    %dma_wait3A_828 = arith.constant 11 : i32
    %dma_wait3A_829 = arith.constant 0 : i32
    %dma_wait3A_830 = tpu.memref_slice %arg8[%dma_wait3A_828, %dma_wait3A_829] : memref<32x3xf32, #tpu.memory_space<vmem>> -> memref<1x3xf32, #tpu.memory_space<vmem>>
    %dma_wait3A_831 = arith.constant 0 : i32
    %dma_wait3A_832 = tpu.memref_slice %arg2[%reduce_sum3A_174, %dma_wait3A_831] : memref<1000000x3xf32, #tpu.memory_space<hbm>> -> memref<1x3xf32, #tpu.memory_space<hbm>>
    tpu.wait_dma2 semaphore(%arg13 : memref<!tpu.dma_semaphore, #tpu.memory_space<semaphore_mem>>) src(%dma_wait3A_832 : memref<1x3xf32, #tpu.memory_space<hbm>>) dst(%dma_wait3A_830 : memref<1x3xf32, #tpu.memory_space<vmem>>)
    %dma_wait3A_833 = arith.constant 12 : i32
    %dma_wait3A_834 = arith.constant 0 : i32
    %dma_wait3A_835 = tpu.memref_slice %arg8[%dma_wait3A_833, %dma_wait3A_834] : memref<32x3xf32, #tpu.memory_space<vmem>> -> memref<1x3xf32, #tpu.memory_space<vmem>>
    %dma_wait3A_836 = arith.constant 0 : i32
    %dma_wait3A_837 = tpu.memref_slice %arg2[%reduce_sum3A_185, %dma_wait3A_836] : memref<1000000x3xf32, #tpu.memory_space<hbm>> -> memref<1x3xf32, #tpu.memory_space<hbm>>
    %dma_wait3A_838 = arith.constant 12 : i32
    %dma_wait3A_839 = arith.constant 0 : i32
    %dma_wait3A_840 = tpu.memref_slice %arg8[%dma_wait3A_838, %dma_wait3A_839] : memref<32x3xf32, #tpu.memory_space<vmem>> -> memref<1x3xf32, #tpu.memory_space<vmem>>
    %dma_wait3A_841 = arith.constant 0 : i32
    %dma_wait3A_842 = tpu.memref_slice %arg2[%reduce_sum3A_185, %dma_wait3A_841] : memref<1000000x3xf32, #tpu.memory_space<hbm>> -> memref<1x3xf32, #tpu.memory_space<hbm>>
    tpu.wait_dma2 semaphore(%arg13 : memref<!tpu.dma_semaphore, #tpu.memory_space<semaphore_mem>>) src(%dma_wait3A_842 : memref<1x3xf32, #tpu.memory_space<hbm>>) dst(%dma_wait3A_840 : memref<1x3xf32, #tpu.memory_space<vmem>>)
    %dma_wait3A_843 = arith.constant 13 : i32
    %dma_wait3A_844 = arith.constant 0 : i32
    %dma_wait3A_845 = tpu.memref_slice %arg8[%dma_wait3A_843, %dma_wait3A_844] : memref<32x3xf32, #tpu.memory_space<vmem>> -> memref<1x3xf32, #tpu.memory_space<vmem>>
    %dma_wait3A_846 = arith.constant 0 : i32
    %dma_wait3A_847 = tpu.memref_slice %arg2[%reduce_sum3A_196, %dma_wait3A_846] : memref<1000000x3xf32, #tpu.memory_space<hbm>> -> memref<1x3xf32, #tpu.memory_space<hbm>>
    %dma_wait3A_848 = arith.constant 13 : i32
    %dma_wait3A_849 = arith.constant 0 : i32
    %dma_wait3A_850 = tpu.memref_slice %arg8[%dma_wait3A_848, %dma_wait3A_849] : memref<32x3xf32, #tpu.memory_space<vmem>> -> memref<1x3xf32, #tpu.memory_space<vmem>>
    %dma_wait3A_851 = arith.constant 0 : i32
    %dma_wait3A_852 = tpu.memref_slice %arg2[%reduce_sum3A_196, %dma_wait3A_851] : memref<1000000x3xf32, #tpu.memory_space<hbm>> -> memref<1x3xf32, #tpu.memory_space<hbm>>
    tpu.wait_dma2 semaphore(%arg13 : memref<!tpu.dma_semaphore, #tpu.memory_space<semaphore_mem>>) src(%dma_wait3A_852 : memref<1x3xf32, #tpu.memory_space<hbm>>) dst(%dma_wait3A_850 : memref<1x3xf32, #tpu.memory_space<vmem>>)
    %dma_wait3A_853 = arith.constant 14 : i32
    %dma_wait3A_854 = arith.constant 0 : i32
    %dma_wait3A_855 = tpu.memref_slice %arg8[%dma_wait3A_853, %dma_wait3A_854] : memref<32x3xf32, #tpu.memory_space<vmem>> -> memref<1x3xf32, #tpu.memory_space<vmem>>
    %dma_wait3A_856 = arith.constant 0 : i32
    %dma_wait3A_857 = tpu.memref_slice %arg2[%reduce_sum3A_207, %dma_wait3A_856] : memref<1000000x3xf32, #tpu.memory_space<hbm>> -> memref<1x3xf32, #tpu.memory_space<hbm>>
    %dma_wait3A_858 = arith.constant 14 : i32
    %dma_wait3A_859 = arith.constant 0 : i32
    %dma_wait3A_860 = tpu.memref_slice %arg8[%dma_wait3A_858, %dma_wait3A_859] : memref<32x3xf32, #tpu.memory_space<vmem>> -> memref<1x3xf32, #tpu.memory_space<vmem>>
    %dma_wait3A_861 = arith.constant 0 : i32
    %dma_wait3A_862 = tpu.memref_slice %arg2[%reduce_sum3A_207, %dma_wait3A_861] : memref<1000000x3xf32, #tpu.memory_space<hbm>> -> memref<1x3xf32, #tpu.memory_space<hbm>>
    tpu.wait_dma2 semaphore(%arg13 : memref<!tpu.dma_semaphore, #tpu.memory_space<semaphore_mem>>) src(%dma_wait3A_862 : memref<1x3xf32, #tpu.memory_space<hbm>>) dst(%dma_wait3A_860 : memref<1x3xf32, #tpu.memory_space<vmem>>)
    %dma_wait3A_863 = arith.constant 15 : i32
    %dma_wait3A_864 = arith.constant 0 : i32
    %dma_wait3A_865 = tpu.memref_slice %arg8[%dma_wait3A_863, %dma_wait3A_864] : memref<32x3xf32, #tpu.memory_space<vmem>> -> memref<1x3xf32, #tpu.memory_space<vmem>>
    %dma_wait3A_866 = arith.constant 0 : i32
    %dma_wait3A_867 = tpu.memref_slice %arg2[%reduce_sum3A_218, %dma_wait3A_866] : memref<1000000x3xf32, #tpu.memory_space<hbm>> -> memref<1x3xf32, #tpu.memory_space<hbm>>
    %dma_wait3A_868 = arith.constant 15 : i32
    %dma_wait3A_869 = arith.constant 0 : i32
    %dma_wait3A_870 = tpu.memref_slice %arg8[%dma_wait3A_868, %dma_wait3A_869] : memref<32x3xf32, #tpu.memory_space<vmem>> -> memref<1x3xf32, #tpu.memory_space<vmem>>
    %dma_wait3A_871 = arith.constant 0 : i32
    %dma_wait3A_872 = tpu.memref_slice %arg2[%reduce_sum3A_218, %dma_wait3A_871] : memref<1000000x3xf32, #tpu.memory_space<hbm>> -> memref<1x3xf32, #tpu.memory_space<hbm>>
    tpu.wait_dma2 semaphore(%arg13 : memref<!tpu.dma_semaphore, #tpu.memory_space<semaphore_mem>>) src(%dma_wait3A_872 : memref<1x3xf32, #tpu.memory_space<hbm>>) dst(%dma_wait3A_870 : memref<1x3xf32, #tpu.memory_space<vmem>>)
    %dma_wait3A_873 = arith.constant 16 : i32
    %dma_wait3A_874 = arith.constant 0 : i32
    %dma_wait3A_875 = tpu.memref_slice %arg8[%dma_wait3A_873, %dma_wait3A_874] : memref<32x3xf32, #tpu.memory_space<vmem>> -> memref<1x3xf32, #tpu.memory_space<vmem>>
    %dma_wait3A_876 = arith.constant 0 : i32
    %dma_wait3A_877 = tpu.memref_slice %arg2[%reduce_sum3A_229, %dma_wait3A_876] : memref<1000000x3xf32, #tpu.memory_space<hbm>> -> memref<1x3xf32, #tpu.memory_space<hbm>>
    %dma_wait3A_878 = arith.constant 16 : i32
    %dma_wait3A_879 = arith.constant 0 : i32
    %dma_wait3A_880 = tpu.memref_slice %arg8[%dma_wait3A_878, %dma_wait3A_879] : memref<32x3xf32, #tpu.memory_space<vmem>> -> memref<1x3xf32, #tpu.memory_space<vmem>>
    %dma_wait3A_881 = arith.constant 0 : i32
    %dma_wait3A_882 = tpu.memref_slice %arg2[%reduce_sum3A_229, %dma_wait3A_881] : memref<1000000x3xf32, #tpu.memory_space<hbm>> -> memref<1x3xf32, #tpu.memory_space<hbm>>
    tpu.wait_dma2 semaphore(%arg13 : memref<!tpu.dma_semaphore, #tpu.memory_space<semaphore_mem>>) src(%dma_wait3A_882 : memref<1x3xf32, #tpu.memory_space<hbm>>) dst(%dma_wait3A_880 : memref<1x3xf32, #tpu.memory_space<vmem>>)
    %dma_wait3A_883 = arith.constant 17 : i32
    %dma_wait3A_884 = arith.constant 0 : i32
    %dma_wait3A_885 = tpu.memref_slice %arg8[%dma_wait3A_883, %dma_wait3A_884] : memref<32x3xf32, #tpu.memory_space<vmem>> -> memref<1x3xf32, #tpu.memory_space<vmem>>
    %dma_wait3A_886 = arith.constant 0 : i32
    %dma_wait3A_887 = tpu.memref_slice %arg2[%reduce_sum3A_240, %dma_wait3A_886] : memref<1000000x3xf32, #tpu.memory_space<hbm>> -> memref<1x3xf32, #tpu.memory_space<hbm>>
    %dma_wait3A_888 = arith.constant 17 : i32
    %dma_wait3A_889 = arith.constant 0 : i32
    %dma_wait3A_890 = tpu.memref_slice %arg8[%dma_wait3A_888, %dma_wait3A_889] : memref<32x3xf32, #tpu.memory_space<vmem>> -> memref<1x3xf32, #tpu.memory_space<vmem>>
    %dma_wait3A_891 = arith.constant 0 : i32
    %dma_wait3A_892 = tpu.memref_slice %arg2[%reduce_sum3A_240, %dma_wait3A_891] : memref<1000000x3xf32, #tpu.memory_space<hbm>> -> memref<1x3xf32, #tpu.memory_space<hbm>>
    tpu.wait_dma2 semaphore(%arg13 : memref<!tpu.dma_semaphore, #tpu.memory_space<semaphore_mem>>) src(%dma_wait3A_892 : memref<1x3xf32, #tpu.memory_space<hbm>>) dst(%dma_wait3A_890 : memref<1x3xf32, #tpu.memory_space<vmem>>)
    %dma_wait3A_893 = arith.constant 18 : i32
    %dma_wait3A_894 = arith.constant 0 : i32
    %dma_wait3A_895 = tpu.memref_slice %arg8[%dma_wait3A_893, %dma_wait3A_894] : memref<32x3xf32, #tpu.memory_space<vmem>> -> memref<1x3xf32, #tpu.memory_space<vmem>>
    %dma_wait3A_896 = arith.constant 0 : i32
    %dma_wait3A_897 = tpu.memref_slice %arg2[%reduce_sum3A_251, %dma_wait3A_896] : memref<1000000x3xf32, #tpu.memory_space<hbm>> -> memref<1x3xf32, #tpu.memory_space<hbm>>
    %dma_wait3A_898 = arith.constant 18 : i32
    %dma_wait3A_899 = arith.constant 0 : i32
    %dma_wait3A_900 = tpu.memref_slice %arg8[%dma_wait3A_898, %dma_wait3A_899] : memref<32x3xf32, #tpu.memory_space<vmem>> -> memref<1x3xf32, #tpu.memory_space<vmem>>
    %dma_wait3A_901 = arith.constant 0 : i32
    %dma_wait3A_902 = tpu.memref_slice %arg2[%reduce_sum3A_251, %dma_wait3A_901] : memref<1000000x3xf32, #tpu.memory_space<hbm>> -> memref<1x3xf32, #tpu.memory_space<hbm>>
    tpu.wait_dma2 semaphore(%arg13 : memref<!tpu.dma_semaphore, #tpu.memory_space<semaphore_mem>>) src(%dma_wait3A_902 : memref<1x3xf32, #tpu.memory_space<hbm>>) dst(%dma_wait3A_900 : memref<1x3xf32, #tpu.memory_space<vmem>>)
    %dma_wait3A_903 = arith.constant 19 : i32
    %dma_wait3A_904 = arith.constant 0 : i32
    %dma_wait3A_905 = tpu.memref_slice %arg8[%dma_wait3A_903, %dma_wait3A_904] : memref<32x3xf32, #tpu.memory_space<vmem>> -> memref<1x3xf32, #tpu.memory_space<vmem>>
    %dma_wait3A_906 = arith.constant 0 : i32
    %dma_wait3A_907 = tpu.memref_slice %arg2[%reduce_sum3A_262, %dma_wait3A_906] : memref<1000000x3xf32, #tpu.memory_space<hbm>> -> memref<1x3xf32, #tpu.memory_space<hbm>>
    %dma_wait3A_908 = arith.constant 19 : i32
    %dma_wait3A_909 = arith.constant 0 : i32
    %dma_wait3A_910 = tpu.memref_slice %arg8[%dma_wait3A_908, %dma_wait3A_909] : memref<32x3xf32, #tpu.memory_space<vmem>> -> memref<1x3xf32, #tpu.memory_space<vmem>>
    %dma_wait3A_911 = arith.constant 0 : i32
    %dma_wait3A_912 = tpu.memref_slice %arg2[%reduce_sum3A_262, %dma_wait3A_911] : memref<1000000x3xf32, #tpu.memory_space<hbm>> -> memref<1x3xf32, #tpu.memory_space<hbm>>
    tpu.wait_dma2 semaphore(%arg13 : memref<!tpu.dma_semaphore, #tpu.memory_space<semaphore_mem>>) src(%dma_wait3A_912 : memref<1x3xf32, #tpu.memory_space<hbm>>) dst(%dma_wait3A_910 : memref<1x3xf32, #tpu.memory_space<vmem>>)
    %dma_wait3A_913 = arith.constant 20 : i32
    %dma_wait3A_914 = arith.constant 0 : i32
    %dma_wait3A_915 = tpu.memref_slice %arg8[%dma_wait3A_913, %dma_wait3A_914] : memref<32x3xf32, #tpu.memory_space<vmem>> -> memref<1x3xf32, #tpu.memory_space<vmem>>
    %dma_wait3A_916 = arith.constant 0 : i32
    %dma_wait3A_917 = tpu.memref_slice %arg2[%reduce_sum3A_273, %dma_wait3A_916] : memref<1000000x3xf32, #tpu.memory_space<hbm>> -> memref<1x3xf32, #tpu.memory_space<hbm>>
    %dma_wait3A_918 = arith.constant 20 : i32
    %dma_wait3A_919 = arith.constant 0 : i32
    %dma_wait3A_920 = tpu.memref_slice %arg8[%dma_wait3A_918, %dma_wait3A_919] : memref<32x3xf32, #tpu.memory_space<vmem>> -> memref<1x3xf32, #tpu.memory_space<vmem>>
    %dma_wait3A_921 = arith.constant 0 : i32
    %dma_wait3A_922 = tpu.memref_slice %arg2[%reduce_sum3A_273, %dma_wait3A_921] : memref<1000000x3xf32, #tpu.memory_space<hbm>> -> memref<1x3xf32, #tpu.memory_space<hbm>>
    tpu.wait_dma2 semaphore(%arg13 : memref<!tpu.dma_semaphore, #tpu.memory_space<semaphore_mem>>) src(%dma_wait3A_922 : memref<1x3xf32, #tpu.memory_space<hbm>>) dst(%dma_wait3A_920 : memref<1x3xf32, #tpu.memory_space<vmem>>)
    %dma_wait3A_923 = arith.constant 21 : i32
    %dma_wait3A_924 = arith.constant 0 : i32
    %dma_wait3A_925 = tpu.memref_slice %arg8[%dma_wait3A_923, %dma_wait3A_924] : memref<32x3xf32, #tpu.memory_space<vmem>> -> memref<1x3xf32, #tpu.memory_space<vmem>>
    %dma_wait3A_926 = arith.constant 0 : i32
    %dma_wait3A_927 = tpu.memref_slice %arg2[%reduce_sum3A_284, %dma_wait3A_926] : memref<1000000x3xf32, #tpu.memory_space<hbm>> -> memref<1x3xf32, #tpu.memory_space<hbm>>
    %dma_wait3A_928 = arith.constant 21 : i32
    %dma_wait3A_929 = arith.constant 0 : i32
    %dma_wait3A_930 = tpu.memref_slice %arg8[%dma_wait3A_928, %dma_wait3A_929] : memref<32x3xf32, #tpu.memory_space<vmem>> -> memref<1x3xf32, #tpu.memory_space<vmem>>
    %dma_wait3A_931 = arith.constant 0 : i32
    %dma_wait3A_932 = tpu.memref_slice %arg2[%reduce_sum3A_284, %dma_wait3A_931] : memref<1000000x3xf32, #tpu.memory_space<hbm>> -> memref<1x3xf32, #tpu.memory_space<hbm>>
    tpu.wait_dma2 semaphore(%arg13 : memref<!tpu.dma_semaphore, #tpu.memory_space<semaphore_mem>>) src(%dma_wait3A_932 : memref<1x3xf32, #tpu.memory_space<hbm>>) dst(%dma_wait3A_930 : memref<1x3xf32, #tpu.memory_space<vmem>>)
    %dma_wait3A_933 = arith.constant 22 : i32
    %dma_wait3A_934 = arith.constant 0 : i32
    %dma_wait3A_935 = tpu.memref_slice %arg8[%dma_wait3A_933, %dma_wait3A_934] : memref<32x3xf32, #tpu.memory_space<vmem>> -> memref<1x3xf32, #tpu.memory_space<vmem>>
    %dma_wait3A_936 = arith.constant 0 : i32
    %dma_wait3A_937 = tpu.memref_slice %arg2[%reduce_sum3A_295, %dma_wait3A_936] : memref<1000000x3xf32, #tpu.memory_space<hbm>> -> memref<1x3xf32, #tpu.memory_space<hbm>>
    %dma_wait3A_938 = arith.constant 22 : i32
    %dma_wait3A_939 = arith.constant 0 : i32
    %dma_wait3A_940 = tpu.memref_slice %arg8[%dma_wait3A_938, %dma_wait3A_939] : memref<32x3xf32, #tpu.memory_space<vmem>> -> memref<1x3xf32, #tpu.memory_space<vmem>>
    %dma_wait3A_941 = arith.constant 0 : i32
    %dma_wait3A_942 = tpu.memref_slice %arg2[%reduce_sum3A_295, %dma_wait3A_941] : memref<1000000x3xf32, #tpu.memory_space<hbm>> -> memref<1x3xf32, #tpu.memory_space<hbm>>
    tpu.wait_dma2 semaphore(%arg13 : memref<!tpu.dma_semaphore, #tpu.memory_space<semaphore_mem>>) src(%dma_wait3A_942 : memref<1x3xf32, #tpu.memory_space<hbm>>) dst(%dma_wait3A_940 : memref<1x3xf32, #tpu.memory_space<vmem>>)
    %dma_wait3A_943 = arith.constant 23 : i32
    %dma_wait3A_944 = arith.constant 0 : i32
    %dma_wait3A_945 = tpu.memref_slice %arg8[%dma_wait3A_943, %dma_wait3A_944] : memref<32x3xf32, #tpu.memory_space<vmem>> -> memref<1x3xf32, #tpu.memory_space<vmem>>
    %dma_wait3A_946 = arith.constant 0 : i32
    %dma_wait3A_947 = tpu.memref_slice %arg2[%reduce_sum3A_306, %dma_wait3A_946] : memref<1000000x3xf32, #tpu.memory_space<hbm>> -> memref<1x3xf32, #tpu.memory_space<hbm>>
    %dma_wait3A_948 = arith.constant 23 : i32
    %dma_wait3A_949 = arith.constant 0 : i32
    %dma_wait3A_950 = tpu.memref_slice %arg8[%dma_wait3A_948, %dma_wait3A_949] : memref<32x3xf32, #tpu.memory_space<vmem>> -> memref<1x3xf32, #tpu.memory_space<vmem>>
    %dma_wait3A_951 = arith.constant 0 : i32
    %dma_wait3A_952 = tpu.memref_slice %arg2[%reduce_sum3A_306, %dma_wait3A_951] : memref<1000000x3xf32, #tpu.memory_space<hbm>> -> memref<1x3xf32, #tpu.memory_space<hbm>>
    tpu.wait_dma2 semaphore(%arg13 : memref<!tpu.dma_semaphore, #tpu.memory_space<semaphore_mem>>) src(%dma_wait3A_952 : memref<1x3xf32, #tpu.memory_space<hbm>>) dst(%dma_wait3A_950 : memref<1x3xf32, #tpu.memory_space<vmem>>)
    %dma_wait3A_953 = arith.constant 24 : i32
    %dma_wait3A_954 = arith.constant 0 : i32
    %dma_wait3A_955 = tpu.memref_slice %arg8[%dma_wait3A_953, %dma_wait3A_954] : memref<32x3xf32, #tpu.memory_space<vmem>> -> memref<1x3xf32, #tpu.memory_space<vmem>>
    %dma_wait3A_956 = arith.constant 0 : i32
    %dma_wait3A_957 = tpu.memref_slice %arg2[%reduce_sum3A_317, %dma_wait3A_956] : memref<1000000x3xf32, #tpu.memory_space<hbm>> -> memref<1x3xf32, #tpu.memory_space<hbm>>
    %dma_wait3A_958 = arith.constant 24 : i32
    %dma_wait3A_959 = arith.constant 0 : i32
    %dma_wait3A_960 = tpu.memref_slice %arg8[%dma_wait3A_958, %dma_wait3A_959] : memref<32x3xf32, #tpu.memory_space<vmem>> -> memref<1x3xf32, #tpu.memory_space<vmem>>
    %dma_wait3A_961 = arith.constant 0 : i32
    %dma_wait3A_962 = tpu.memref_slice %arg2[%reduce_sum3A_317, %dma_wait3A_961] : memref<1000000x3xf32, #tpu.memory_space<hbm>> -> memref<1x3xf32, #tpu.memory_space<hbm>>
    tpu.wait_dma2 semaphore(%arg13 : memref<!tpu.dma_semaphore, #tpu.memory_space<semaphore_mem>>) src(%dma_wait3A_962 : memref<1x3xf32, #tpu.memory_space<hbm>>) dst(%dma_wait3A_960 : memref<1x3xf32, #tpu.memory_space<vmem>>)
    %dma_wait3A_963 = arith.constant 25 : i32
    %dma_wait3A_964 = arith.constant 0 : i32
    %dma_wait3A_965 = tpu.memref_slice %arg8[%dma_wait3A_963, %dma_wait3A_964] : memref<32x3xf32, #tpu.memory_space<vmem>> -> memref<1x3xf32, #tpu.memory_space<vmem>>
    %dma_wait3A_966 = arith.constant 0 : i32
    %dma_wait3A_967 = tpu.memref_slice %arg2[%reduce_sum3A_328, %dma_wait3A_966] : memref<1000000x3xf32, #tpu.memory_space<hbm>> -> memref<1x3xf32, #tpu.memory_space<hbm>>
    %dma_wait3A_968 = arith.constant 25 : i32
    %dma_wait3A_969 = arith.constant 0 : i32
    %dma_wait3A_970 = tpu.memref_slice %arg8[%dma_wait3A_968, %dma_wait3A_969] : memref<32x3xf32, #tpu.memory_space<vmem>> -> memref<1x3xf32, #tpu.memory_space<vmem>>
    %dma_wait3A_971 = arith.constant 0 : i32
    %dma_wait3A_972 = tpu.memref_slice %arg2[%reduce_sum3A_328, %dma_wait3A_971] : memref<1000000x3xf32, #tpu.memory_space<hbm>> -> memref<1x3xf32, #tpu.memory_space<hbm>>
    tpu.wait_dma2 semaphore(%arg13 : memref<!tpu.dma_semaphore, #tpu.memory_space<semaphore_mem>>) src(%dma_wait3A_972 : memref<1x3xf32, #tpu.memory_space<hbm>>) dst(%dma_wait3A_970 : memref<1x3xf32, #tpu.memory_space<vmem>>)
    %dma_wait3A_973 = arith.constant 26 : i32
    %dma_wait3A_974 = arith.constant 0 : i32
    %dma_wait3A_975 = tpu.memref_slice %arg8[%dma_wait3A_973, %dma_wait3A_974] : memref<32x3xf32, #tpu.memory_space<vmem>> -> memref<1x3xf32, #tpu.memory_space<vmem>>
    %dma_wait3A_976 = arith.constant 0 : i32
    %dma_wait3A_977 = tpu.memref_slice %arg2[%reduce_sum3A_339, %dma_wait3A_976] : memref<1000000x3xf32, #tpu.memory_space<hbm>> -> memref<1x3xf32, #tpu.memory_space<hbm>>
    %dma_wait3A_978 = arith.constant 26 : i32
    %dma_wait3A_979 = arith.constant 0 : i32
    %dma_wait3A_980 = tpu.memref_slice %arg8[%dma_wait3A_978, %dma_wait3A_979] : memref<32x3xf32, #tpu.memory_space<vmem>> -> memref<1x3xf32, #tpu.memory_space<vmem>>
    %dma_wait3A_981 = arith.constant 0 : i32
    %dma_wait3A_982 = tpu.memref_slice %arg2[%reduce_sum3A_339, %dma_wait3A_981] : memref<1000000x3xf32, #tpu.memory_space<hbm>> -> memref<1x3xf32, #tpu.memory_space<hbm>>
    tpu.wait_dma2 semaphore(%arg13 : memref<!tpu.dma_semaphore, #tpu.memory_space<semaphore_mem>>) src(%dma_wait3A_982 : memref<1x3xf32, #tpu.memory_space<hbm>>) dst(%dma_wait3A_980 : memref<1x3xf32, #tpu.memory_space<vmem>>)
    %dma_wait3A_983 = arith.constant 27 : i32
    %dma_wait3A_984 = arith.constant 0 : i32
    %dma_wait3A_985 = tpu.memref_slice %arg8[%dma_wait3A_983, %dma_wait3A_984] : memref<32x3xf32, #tpu.memory_space<vmem>> -> memref<1x3xf32, #tpu.memory_space<vmem>>
    %dma_wait3A_986 = arith.constant 0 : i32
    %dma_wait3A_987 = tpu.memref_slice %arg2[%reduce_sum3A_350, %dma_wait3A_986] : memref<1000000x3xf32, #tpu.memory_space<hbm>> -> memref<1x3xf32, #tpu.memory_space<hbm>>
    %dma_wait3A_988 = arith.constant 27 : i32
    %dma_wait3A_989 = arith.constant 0 : i32
    %dma_wait3A_990 = tpu.memref_slice %arg8[%dma_wait3A_988, %dma_wait3A_989] : memref<32x3xf32, #tpu.memory_space<vmem>> -> memref<1x3xf32, #tpu.memory_space<vmem>>
    %dma_wait3A_991 = arith.constant 0 : i32
    %dma_wait3A_992 = tpu.memref_slice %arg2[%reduce_sum3A_350, %dma_wait3A_991] : memref<1000000x3xf32, #tpu.memory_space<hbm>> -> memref<1x3xf32, #tpu.memory_space<hbm>>
    tpu.wait_dma2 semaphore(%arg13 : memref<!tpu.dma_semaphore, #tpu.memory_space<semaphore_mem>>) src(%dma_wait3A_992 : memref<1x3xf32, #tpu.memory_space<hbm>>) dst(%dma_wait3A_990 : memref<1x3xf32, #tpu.memory_space<vmem>>)
    %dma_wait3A_993 = arith.constant 28 : i32
    %dma_wait3A_994 = arith.constant 0 : i32
    %dma_wait3A_995 = tpu.memref_slice %arg8[%dma_wait3A_993, %dma_wait3A_994] : memref<32x3xf32, #tpu.memory_space<vmem>> -> memref<1x3xf32, #tpu.memory_space<vmem>>
    %dma_wait3A_996 = arith.constant 0 : i32
    %dma_wait3A_997 = tpu.memref_slice %arg2[%reduce_sum3A_361, %dma_wait3A_996] : memref<1000000x3xf32, #tpu.memory_space<hbm>> -> memref<1x3xf32, #tpu.memory_space<hbm>>
    %dma_wait3A_998 = arith.constant 28 : i32
    %dma_wait3A_999 = arith.constant 0 : i32
    %dma_wait3A_1000 = tpu.memref_slice %arg8[%dma_wait3A_998, %dma_wait3A_999] : memref<32x3xf32, #tpu.memory_space<vmem>> -> memref<1x3xf32, #tpu.memory_space<vmem>>
    %dma_wait3A_1001 = arith.constant 0 : i32
    %dma_wait3A_1002 = tpu.memref_slice %arg2[%reduce_sum3A_361, %dma_wait3A_1001] : memref<1000000x3xf32, #tpu.memory_space<hbm>> -> memref<1x3xf32, #tpu.memory_space<hbm>>
    tpu.wait_dma2 semaphore(%arg13 : memref<!tpu.dma_semaphore, #tpu.memory_space<semaphore_mem>>) src(%dma_wait3A_1002 : memref<1x3xf32, #tpu.memory_space<hbm>>) dst(%dma_wait3A_1000 : memref<1x3xf32, #tpu.memory_space<vmem>>)
    %dma_wait3A_1003 = arith.constant 29 : i32
    %dma_wait3A_1004 = arith.constant 0 : i32
    %dma_wait3A_1005 = tpu.memref_slice %arg8[%dma_wait3A_1003, %dma_wait3A_1004] : memref<32x3xf32, #tpu.memory_space<vmem>> -> memref<1x3xf32, #tpu.memory_space<vmem>>
    %dma_wait3A_1006 = arith.constant 0 : i32
    %dma_wait3A_1007 = tpu.memref_slice %arg2[%reduce_sum3A_372, %dma_wait3A_1006] : memref<1000000x3xf32, #tpu.memory_space<hbm>> -> memref<1x3xf32, #tpu.memory_space<hbm>>
    %dma_wait3A_1008 = arith.constant 29 : i32
    %dma_wait3A_1009 = arith.constant 0 : i32
    %dma_wait3A_1010 = tpu.memref_slice %arg8[%dma_wait3A_1008, %dma_wait3A_1009] : memref<32x3xf32, #tpu.memory_space<vmem>> -> memref<1x3xf32, #tpu.memory_space<vmem>>
    %dma_wait3A_1011 = arith.constant 0 : i32
    %dma_wait3A_1012 = tpu.memref_slice %arg2[%reduce_sum3A_372, %dma_wait3A_1011] : memref<1000000x3xf32, #tpu.memory_space<hbm>> -> memref<1x3xf32, #tpu.memory_space<hbm>>
    tpu.wait_dma2 semaphore(%arg13 : memref<!tpu.dma_semaphore, #tpu.memory_space<semaphore_mem>>) src(%dma_wait3A_1012 : memref<1x3xf32, #tpu.memory_space<hbm>>) dst(%dma_wait3A_1010 : memref<1x3xf32, #tpu.memory_space<vmem>>)
    %dma_wait3A_1013 = arith.constant 30 : i32
    %dma_wait3A_1014 = arith.constant 0 : i32
    %dma_wait3A_1015 = tpu.memref_slice %arg8[%dma_wait3A_1013, %dma_wait3A_1014] : memref<32x3xf32, #tpu.memory_space<vmem>> -> memref<1x3xf32, #tpu.memory_space<vmem>>
    %dma_wait3A_1016 = arith.constant 0 : i32
    %dma_wait3A_1017 = tpu.memref_slice %arg2[%reduce_sum3A_383, %dma_wait3A_1016] : memref<1000000x3xf32, #tpu.memory_space<hbm>> -> memref<1x3xf32, #tpu.memory_space<hbm>>
    %dma_wait3A_1018 = arith.constant 30 : i32
    %dma_wait3A_1019 = arith.constant 0 : i32
    %dma_wait3A_1020 = tpu.memref_slice %arg8[%dma_wait3A_1018, %dma_wait3A_1019] : memref<32x3xf32, #tpu.memory_space<vmem>> -> memref<1x3xf32, #tpu.memory_space<vmem>>
    %dma_wait3A_1021 = arith.constant 0 : i32
    %dma_wait3A_1022 = tpu.memref_slice %arg2[%reduce_sum3A_383, %dma_wait3A_1021] : memref<1000000x3xf32, #tpu.memory_space<hbm>> -> memref<1x3xf32, #tpu.memory_space<hbm>>
    tpu.wait_dma2 semaphore(%arg13 : memref<!tpu.dma_semaphore, #tpu.memory_space<semaphore_mem>>) src(%dma_wait3A_1022 : memref<1x3xf32, #tpu.memory_space<hbm>>) dst(%dma_wait3A_1020 : memref<1x3xf32, #tpu.memory_space<vmem>>)
    %dma_wait3A_1023 = arith.constant 31 : i32
    %dma_wait3A_1024 = arith.constant 0 : i32
    %dma_wait3A_1025 = tpu.memref_slice %arg8[%dma_wait3A_1023, %dma_wait3A_1024] : memref<32x3xf32, #tpu.memory_space<vmem>> -> memref<1x3xf32, #tpu.memory_space<vmem>>
    %dma_wait3A_1026 = arith.constant 0 : i32
    %dma_wait3A_1027 = tpu.memref_slice %arg2[%reduce_sum3A_394, %dma_wait3A_1026] : memref<1000000x3xf32, #tpu.memory_space<hbm>> -> memref<1x3xf32, #tpu.memory_space<hbm>>
    %dma_wait3A_1028 = arith.constant 31 : i32
    %dma_wait3A_1029 = arith.constant 0 : i32
    %dma_wait3A_1030 = tpu.memref_slice %arg8[%dma_wait3A_1028, %dma_wait3A_1029] : memref<32x3xf32, #tpu.memory_space<vmem>> -> memref<1x3xf32, #tpu.memory_space<vmem>>
    %dma_wait3A_1031 = arith.constant 0 : i32
    %dma_wait3A_1032 = tpu.memref_slice %arg2[%reduce_sum3A_394, %dma_wait3A_1031] : memref<1000000x3xf32, #tpu.memory_space<hbm>> -> memref<1x3xf32, #tpu.memory_space<hbm>>
    tpu.wait_dma2 semaphore(%arg13 : memref<!tpu.dma_semaphore, #tpu.memory_space<semaphore_mem>>) src(%dma_wait3A_1032 : memref<1x3xf32, #tpu.memory_space<hbm>>) dst(%dma_wait3A_1030 : memref<1x3xf32, #tpu.memory_space<vmem>>)
    %get3A_1033 = arith.constant 0 : index
    %get3A_1034 = tpu.vector_load %arg10[%get3A_1033] {strides = array<i32>} : memref<16xf32, #tpu.memory_space<vmem>>, vector<16xf32>,
    %broadcast_in_dim3A_1035 = arith.constant 0 : i32
    %broadcast_in_dim3A_1036 = vector.broadcast %broadcast_in_dim3A_1035 : i32 to vector<16xi32>
    %add3A_1037 = arith.constant 0 : i32
    %add3A_1038 = vector.broadcast %add3A_1037 : i32 to vector<16xi32>
    %add3A_1039 = arith.addi %iota3A, %add3A_1038 : vector<16xi32>
    %gather3A = tpu.vector_load_idx %arg8[%add3A_1039, %broadcast_in_dim3A_1036] : memref<32x3xf32, #tpu.memory_space<vmem>>[vector<16xi32>, vector<16xi32>], vector<16xf32>,
    %reduce_sum3A_1040 = arith.constant true
    %reduce_sum3A_1041 = vector.broadcast %reduce_sum3A_1040 : i1 to vector<16xi1>
    %reduce_sum3A_1042 = tpu.scan <sum>, %gather3A masked %reduce_sum3A_1041 : vector<16xf32>, vector<16xi1> -> vector<16xf32>
    %reduce_sum3A_1043 = vector.extract %reduce_sum3A_1042[15] : f32 from vector<16xf32>
    %add3A_1044 = arith.constant 0.000000e+00 : f32
    %add3A_1045 = arith.addf %add3A_1044, %reduce_sum3A_1043 : f32
    %add3A_1046 = arith.constant 16 : i32
    %add3A_1047 = vector.broadcast %add3A_1046 : i32 to vector<16xi32>
    %add3A_1048 = arith.addi %iota3A, %add3A_1047 : vector<16xi32>
    %gather3A_1049 = tpu.vector_load_idx %arg8[%add3A_1048, %broadcast_in_dim3A_1036] : memref<32x3xf32, #tpu.memory_space<vmem>>[vector<16xi32>, vector<16xi32>], vector<16xf32>,
    %reduce_sum3A_1050 = arith.constant true
    %reduce_sum3A_1051 = vector.broadcast %reduce_sum3A_1050 : i1 to vector<16xi1>
    %reduce_sum3A_1052 = tpu.scan <sum>, %gather3A_1049 masked %reduce_sum3A_1051 : vector<16xf32>, vector<16xi1> -> vector<16xf32>
    %reduce_sum3A_1053 = vector.extract %reduce_sum3A_1052[15] : f32 from vector<16xf32>
    %add3A_1054 = arith.addf %add3A_1045, %reduce_sum3A_1053 : f32
    %mul3A_1055 = arith.constant 3.125000e-02 : f32
    %mul3A_1056 = arith.mulf %add3A_1054, %mul3A_1055 : f32
    %broadcast_in_dim3A_1057 = arith.constant 1 : i32
    %broadcast_in_dim3A_1058 = vector.broadcast %broadcast_in_dim3A_1057 : i32 to vector<16xi32>
    %add3A_1059 = arith.constant 0 : i32
    %add3A_1060 = vector.broadcast %add3A_1059 : i32 to vector<16xi32>
    %add3A_1061 = arith.addi %iota3A, %add3A_1060 : vector<16xi32>
    %gather3A_1062 = tpu.vector_load_idx %arg8[%add3A_1061, %broadcast_in_dim3A_1058] : memref<32x3xf32, #tpu.memory_space<vmem>>[vector<16xi32>, vector<16xi32>], vector<16xf32>,
    %reduce_sum3A_1063 = arith.constant true
    %reduce_sum3A_1064 = vector.broadcast %reduce_sum3A_1063 : i1 to vector<16xi1>
    %reduce_sum3A_1065 = tpu.scan <sum>, %gather3A_1062 masked %reduce_sum3A_1064 : vector<16xf32>, vector<16xi1> -> vector<16xf32>
    %reduce_sum3A_1066 = vector.extract %reduce_sum3A_1065[15] : f32 from vector<16xf32>
    %add3A_1067 = arith.constant 0.000000e+00 : f32
    %add3A_1068 = arith.addf %add3A_1067, %reduce_sum3A_1066 : f32
    %add3A_1069 = arith.constant 16 : i32
    %add3A_1070 = vector.broadcast %add3A_1069 : i32 to vector<16xi32>
    %add3A_1071 = arith.addi %iota3A, %add3A_1070 : vector<16xi32>
    %gather3A_1072 = tpu.vector_load_idx %arg8[%add3A_1071, %broadcast_in_dim3A_1058] : memref<32x3xf32, #tpu.memory_space<vmem>>[vector<16xi32>, vector<16xi32>], vector<16xf32>,
    %reduce_sum3A_1073 = arith.constant true
    %reduce_sum3A_1074 = vector.broadcast %reduce_sum3A_1073 : i1 to vector<16xi1>
    %reduce_sum3A_1075 = tpu.scan <sum>, %gather3A_1072 masked %reduce_sum3A_1074 : vector<16xf32>, vector<16xi1> -> vector<16xf32>
    %reduce_sum3A_1076 = vector.extract %reduce_sum3A_1075[15] : f32 from vector<16xf32>
    %add3A_1077 = arith.addf %add3A_1068, %reduce_sum3A_1076 : f32
    %mul3A_1078 = arith.constant 3.125000e-02 : f32
    %mul3A_1079 = arith.mulf %add3A_1077, %mul3A_1078 : f32
    %broadcast_in_dim3A_1080 = arith.constant 2 : i32
    %broadcast_in_dim3A_1081 = vector.broadcast %broadcast_in_dim3A_1080 : i32 to vector<16xi32>
    %add3A_1082 = arith.constant 0 : i32
    %add3A_1083 = vector.broadcast %add3A_1082 : i32 to vector<16xi32>
    %add3A_1084 = arith.addi %iota3A, %add3A_1083 : vector<16xi32>
    %gather3A_1085 = tpu.vector_load_idx %arg8[%add3A_1084, %broadcast_in_dim3A_1081] : memref<32x3xf32, #tpu.memory_space<vmem>>[vector<16xi32>, vector<16xi32>], vector<16xf32>,
    %reduce_sum3A_1086 = arith.constant true
    %reduce_sum3A_1087 = vector.broadcast %reduce_sum3A_1086 : i1 to vector<16xi1>
    %reduce_sum3A_1088 = tpu.scan <sum>, %gather3A_1085 masked %reduce_sum3A_1087 : vector<16xf32>, vector<16xi1> -> vector<16xf32>
    %reduce_sum3A_1089 = vector.extract %reduce_sum3A_1088[15] : f32 from vector<16xf32>
    %add3A_1090 = arith.constant 0.000000e+00 : f32
    %add3A_1091 = arith.addf %add3A_1090, %reduce_sum3A_1089 : f32
    %add3A_1092 = arith.constant 16 : i32
    %add3A_1093 = vector.broadcast %add3A_1092 : i32 to vector<16xi32>
    %add3A_1094 = arith.addi %iota3A, %add3A_1093 : vector<16xi32>
    %gather3A_1095 = tpu.vector_load_idx %arg8[%add3A_1094, %broadcast_in_dim3A_1081] : memref<32x3xf32, #tpu.memory_space<vmem>>[vector<16xi32>, vector<16xi32>], vector<16xf32>,
    %reduce_sum3A_1096 = arith.constant true
    %reduce_sum3A_1097 = vector.broadcast %reduce_sum3A_1096 : i1 to vector<16xi1>
    %reduce_sum3A_1098 = tpu.scan <sum>, %gather3A_1095 masked %reduce_sum3A_1097 : vector<16xf32>, vector<16xi1> -> vector<16xf32>
    %reduce_sum3A_1099 = vector.extract %reduce_sum3A_1098[15] : f32 from vector<16xf32>
    %add3A_1100 = arith.addf %add3A_1091, %reduce_sum3A_1099 : f32
    %mul3A_1101 = arith.constant 3.125000e-02 : f32
    %mul3A_1102 = arith.mulf %add3A_1100, %mul3A_1101 : f32
    %iota3A_1103 = tpu.iota {dimensions = array<i32: 0>} : vector<16xi32>
    %eq3A_1104 = arith.constant 0 : i32
    %eq3A_1105 = vector.broadcast %eq3A_1104 : i32 to vector<16xi32>
    %eq3A_1106 = arith.cmpi eq, %iota3A_1103, %eq3A_1105 : vector<16xi32>
    %jit3A_1107 = arith.constant 0.000000e+00 : f32
    %broadcast_in_dim3A_1108 = vector.broadcast %jit3A_1107 : f32 to vector<16xf32>
    %select_n3A_1109 = arith.select %eq3A_1106, %get3A_1034, %broadcast_in_dim3A_1108 : vector<16xi1>, vector<16xf32>
    %reduce_sum3A_1110 = arith.constant true
    %reduce_sum3A_1111 = vector.broadcast %reduce_sum3A_1110 : i1 to vector<16xi1>
    %reduce_sum3A_1112 = tpu.scan <sum>, %select_n3A_1109 masked %reduce_sum3A_1111 : vector<16xf32>, vector<16xi1> -> vector<16xf32>
    %reduce_sum3A_1113 = vector.extract %reduce_sum3A_1112[15] : f32 from vector<16xf32>
    %iota3A_1114 = tpu.iota {dimensions = array<i32: 0>} : vector<16xi32>
    %eq3A_1115 = arith.constant 1 : i32
    %eq3A_1116 = vector.broadcast %eq3A_1115 : i32 to vector<16xi32>
    %eq3A_1117 = arith.cmpi eq, %iota3A_1114, %eq3A_1116 : vector<16xi32>
    %jit3A_1118 = arith.constant 0.000000e+00 : f32
    %broadcast_in_dim3A_1119 = vector.broadcast %jit3A_1118 : f32 to vector<16xf32>
    %select_n3A_1120 = arith.select %eq3A_1117, %get3A_1034, %broadcast_in_dim3A_1119 : vector<16xi1>, vector<16xf32>
    %reduce_sum3A_1121 = arith.constant true
    %reduce_sum3A_1122 = vector.broadcast %reduce_sum3A_1121 : i1 to vector<16xi1>
    %reduce_sum3A_1123 = tpu.scan <sum>, %select_n3A_1120 masked %reduce_sum3A_1122 : vector<16xf32>, vector<16xi1> -> vector<16xf32>
    %reduce_sum3A_1124 = vector.extract %reduce_sum3A_1123[15] : f32 from vector<16xf32>
    %iota3A_1125 = tpu.iota {dimensions = array<i32: 0>} : vector<16xi32>
    %eq3A_1126 = arith.constant 2 : i32
    %eq3A_1127 = vector.broadcast %eq3A_1126 : i32 to vector<16xi32>
    %eq3A_1128 = arith.cmpi eq, %iota3A_1125, %eq3A_1127 : vector<16xi32>
    %jit3A_1129 = arith.constant 0.000000e+00 : f32
    %broadcast_in_dim3A_1130 = vector.broadcast %jit3A_1129 : f32 to vector<16xf32>
    %select_n3A_1131 = arith.select %eq3A_1128, %get3A_1034, %broadcast_in_dim3A_1130 : vector<16xi1>, vector<16xf32>
    %reduce_sum3A_1132 = arith.constant true
    %reduce_sum3A_1133 = vector.broadcast %reduce_sum3A_1132 : i1 to vector<16xi1>
    %reduce_sum3A_1134 = tpu.scan <sum>, %select_n3A_1131 masked %reduce_sum3A_1133 : vector<16xf32>, vector<16xi1> -> vector<16xf32>
    %reduce_sum3A_1135 = vector.extract %reduce_sum3A_1134[15] : f32 from vector<16xf32>
    %iota3A_1136 = tpu.iota {dimensions = array<i32: 0>} : vector<16xi32>
    %eq3A_1137 = arith.constant 3 : i32
    %eq3A_1138 = vector.broadcast %eq3A_1137 : i32 to vector<16xi32>
    %eq3A_1139 = arith.cmpi eq, %iota3A_1136, %eq3A_1138 : vector<16xi32>
    %jit3A_1140 = arith.constant 0.000000e+00 : f32
    %broadcast_in_dim3A_1141 = vector.broadcast %jit3A_1140 : f32 to vector<16xf32>
    %select_n3A_1142 = arith.select %eq3A_1139, %get3A_1034, %broadcast_in_dim3A_1141 : vector<16xi1>, vector<16xf32>
    %reduce_sum3A_1143 = arith.constant true
    %reduce_sum3A_1144 = vector.broadcast %reduce_sum3A_1143 : i1 to vector<16xi1>
    %reduce_sum3A_1145 = tpu.scan <sum>, %select_n3A_1142 masked %reduce_sum3A_1144 : vector<16xf32>, vector<16xi1> -> vector<16xf32>
    %reduce_sum3A_1146 = vector.extract %reduce_sum3A_1145[15] : f32 from vector<16xf32>
    %iota3A_1147 = tpu.iota {dimensions = array<i32: 0>} : vector<16xi32>
    %eq3A_1148 = arith.constant 4 : i32
    %eq3A_1149 = vector.broadcast %eq3A_1148 : i32 to vector<16xi32>
    %eq3A_1150 = arith.cmpi eq, %iota3A_1147, %eq3A_1149 : vector<16xi32>
    %jit3A_1151 = arith.constant 0.000000e+00 : f32
    %broadcast_in_dim3A_1152 = vector.broadcast %jit3A_1151 : f32 to vector<16xf32>
    %select_n3A_1153 = arith.select %eq3A_1150, %get3A_1034, %broadcast_in_dim3A_1152 : vector<16xi1>, vector<16xf32>
    %reduce_sum3A_1154 = arith.constant true
    %reduce_sum3A_1155 = vector.broadcast %reduce_sum3A_1154 : i1 to vector<16xi1>
    %reduce_sum3A_1156 = tpu.scan <sum>, %select_n3A_1153 masked %reduce_sum3A_1155 : vector<16xf32>, vector<16xi1> -> vector<16xf32>
    %reduce_sum3A_1157 = vector.extract %reduce_sum3A_1156[15] : f32 from vector<16xf32>
    %iota3A_1158 = tpu.iota {dimensions = array<i32: 0>} : vector<16xi32>
    %eq3A_1159 = arith.constant 5 : i32
    %eq3A_1160 = vector.broadcast %eq3A_1159 : i32 to vector<16xi32>
    %eq3A_1161 = arith.cmpi eq, %iota3A_1158, %eq3A_1160 : vector<16xi32>
    %jit3A_1162 = arith.constant 0.000000e+00 : f32
    %broadcast_in_dim3A_1163 = vector.broadcast %jit3A_1162 : f32 to vector<16xf32>
    %select_n3A_1164 = arith.select %eq3A_1161, %get3A_1034, %broadcast_in_dim3A_1163 : vector<16xi1>, vector<16xf32>
    %reduce_sum3A_1165 = arith.constant true
    %reduce_sum3A_1166 = vector.broadcast %reduce_sum3A_1165 : i1 to vector<16xi1>
    %reduce_sum3A_1167 = tpu.scan <sum>, %select_n3A_1164 masked %reduce_sum3A_1166 : vector<16xf32>, vector<16xi1> -> vector<16xf32>
    %reduce_sum3A_1168 = vector.extract %reduce_sum3A_1167[15] : f32 from vector<16xf32>
    %iota3A_1169 = tpu.iota {dimensions = array<i32: 0>} : vector<16xi32>
    %eq3A_1170 = arith.constant 6 : i32
    %eq3A_1171 = vector.broadcast %eq3A_1170 : i32 to vector<16xi32>
    %eq3A_1172 = arith.cmpi eq, %iota3A_1169, %eq3A_1171 : vector<16xi32>
    %jit3A_1173 = arith.constant 0.000000e+00 : f32
    %broadcast_in_dim3A_1174 = vector.broadcast %jit3A_1173 : f32 to vector<16xf32>
    %select_n3A_1175 = arith.select %eq3A_1172, %get3A_1034, %broadcast_in_dim3A_1174 : vector<16xi1>, vector<16xf32>
    %reduce_sum3A_1176 = arith.constant true
    %reduce_sum3A_1177 = vector.broadcast %reduce_sum3A_1176 : i1 to vector<16xi1>
    %reduce_sum3A_1178 = tpu.scan <sum>, %select_n3A_1175 masked %reduce_sum3A_1177 : vector<16xf32>, vector<16xi1> -> vector<16xf32>
    %reduce_sum3A_1179 = vector.extract %reduce_sum3A_1178[15] : f32 from vector<16xf32>
    %iota3A_1180 = tpu.iota {dimensions = array<i32: 0>} : vector<16xi32>
    %eq3A_1181 = arith.constant 7 : i32
    %eq3A_1182 = vector.broadcast %eq3A_1181 : i32 to vector<16xi32>
    %eq3A_1183 = arith.cmpi eq, %iota3A_1180, %eq3A_1182 : vector<16xi32>
    %jit3A_1184 = arith.constant 0.000000e+00 : f32
    %broadcast_in_dim3A_1185 = vector.broadcast %jit3A_1184 : f32 to vector<16xf32>
    %select_n3A_1186 = arith.select %eq3A_1183, %get3A_1034, %broadcast_in_dim3A_1185 : vector<16xi1>, vector<16xf32>
    %reduce_sum3A_1187 = arith.constant true
    %reduce_sum3A_1188 = vector.broadcast %reduce_sum3A_1187 : i1 to vector<16xi1>
    %reduce_sum3A_1189 = tpu.scan <sum>, %select_n3A_1186 masked %reduce_sum3A_1188 : vector<16xf32>, vector<16xi1> -> vector<16xf32>
    %reduce_sum3A_1190 = vector.extract %reduce_sum3A_1189[15] : f32 from vector<16xf32>
    %iota3A_1191 = tpu.iota {dimensions = array<i32: 0>} : vector<16xi32>
    %eq3A_1192 = arith.constant 8 : i32
    %eq3A_1193 = vector.broadcast %eq3A_1192 : i32 to vector<16xi32>
    %eq3A_1194 = arith.cmpi eq, %iota3A_1191, %eq3A_1193 : vector<16xi32>
    %jit3A_1195 = arith.constant 0.000000e+00 : f32
    %broadcast_in_dim3A_1196 = vector.broadcast %jit3A_1195 : f32 to vector<16xf32>
    %select_n3A_1197 = arith.select %eq3A_1194, %get3A_1034, %broadcast_in_dim3A_1196 : vector<16xi1>, vector<16xf32>
    %reduce_sum3A_1198 = arith.constant true
    %reduce_sum3A_1199 = vector.broadcast %reduce_sum3A_1198 : i1 to vector<16xi1>
    %reduce_sum3A_1200 = tpu.scan <sum>, %select_n3A_1197 masked %reduce_sum3A_1199 : vector<16xf32>, vector<16xi1> -> vector<16xf32>
    %reduce_sum3A_1201 = vector.extract %reduce_sum3A_1200[15] : f32 from vector<16xf32>
    %iota3A_1202 = tpu.iota {dimensions = array<i32: 0>} : vector<16xi32>
    %eq3A_1203 = arith.constant 9 : i32
    %eq3A_1204 = vector.broadcast %eq3A_1203 : i32 to vector<16xi32>
    %eq3A_1205 = arith.cmpi eq, %iota3A_1202, %eq3A_1204 : vector<16xi32>
    %jit3A_1206 = arith.constant 0.000000e+00 : f32
    %broadcast_in_dim3A_1207 = vector.broadcast %jit3A_1206 : f32 to vector<16xf32>
    %select_n3A_1208 = arith.select %eq3A_1205, %get3A_1034, %broadcast_in_dim3A_1207 : vector<16xi1>, vector<16xf32>
    %reduce_sum3A_1209 = arith.constant true
    %reduce_sum3A_1210 = vector.broadcast %reduce_sum3A_1209 : i1 to vector<16xi1>
    %reduce_sum3A_1211 = tpu.scan <sum>, %select_n3A_1208 masked %reduce_sum3A_1210 : vector<16xf32>, vector<16xi1> -> vector<16xf32>
    %reduce_sum3A_1212 = vector.extract %reduce_sum3A_1211[15] : f32 from vector<16xf32>
    %iota3A_1213 = tpu.iota {dimensions = array<i32: 0>} : vector<16xi32>
    %eq3A_1214 = arith.constant 10 : i32
    %eq3A_1215 = vector.broadcast %eq3A_1214 : i32 to vector<16xi32>
    %eq3A_1216 = arith.cmpi eq, %iota3A_1213, %eq3A_1215 : vector<16xi32>
    %jit3A_1217 = arith.constant 0.000000e+00 : f32
    %broadcast_in_dim3A_1218 = vector.broadcast %jit3A_1217 : f32 to vector<16xf32>
    %select_n3A_1219 = arith.select %eq3A_1216, %get3A_1034, %broadcast_in_dim3A_1218 : vector<16xi1>, vector<16xf32>
    %reduce_sum3A_1220 = arith.constant true
    %reduce_sum3A_1221 = vector.broadcast %reduce_sum3A_1220 : i1 to vector<16xi1>
    %reduce_sum3A_1222 = tpu.scan <sum>, %select_n3A_1219 masked %reduce_sum3A_1221 : vector<16xf32>, vector<16xi1> -> vector<16xf32>
    %reduce_sum3A_1223 = vector.extract %reduce_sum3A_1222[15] : f32 from vector<16xf32>
    %iota3A_1224 = tpu.iota {dimensions = array<i32: 0>} : vector<16xi32>
    %eq3A_1225 = arith.constant 11 : i32
    %eq3A_1226 = vector.broadcast %eq3A_1225 : i32 to vector<16xi32>
    %eq3A_1227 = arith.cmpi eq, %iota3A_1224, %eq3A_1226 : vector<16xi32>
    %jit3A_1228 = arith.constant 0.000000e+00 : f32
    %broadcast_in_dim3A_1229 = vector.broadcast %jit3A_1228 : f32 to vector<16xf32>
    %select_n3A_1230 = arith.select %eq3A_1227, %get3A_1034, %broadcast_in_dim3A_1229 : vector<16xi1>, vector<16xf32>
    %reduce_sum3A_1231 = arith.constant true
    %reduce_sum3A_1232 = vector.broadcast %reduce_sum3A_1231 : i1 to vector<16xi1>
    %reduce_sum3A_1233 = tpu.scan <sum>, %select_n3A_1230 masked %reduce_sum3A_1232 : vector<16xf32>, vector<16xi1> -> vector<16xf32>
    %reduce_sum3A_1234 = vector.extract %reduce_sum3A_1233[15] : f32 from vector<16xf32>
    %iota3A_1235 = tpu.iota {dimensions = array<i32: 0>} : vector<16xi32>
    %eq3A_1236 = arith.constant 12 : i32
    %eq3A_1237 = vector.broadcast %eq3A_1236 : i32 to vector<16xi32>
    %eq3A_1238 = arith.cmpi eq, %iota3A_1235, %eq3A_1237 : vector<16xi32>
    %jit3A_1239 = arith.constant 0.000000e+00 : f32
    %broadcast_in_dim3A_1240 = vector.broadcast %jit3A_1239 : f32 to vector<16xf32>
    %select_n3A_1241 = arith.select %eq3A_1238, %get3A_1034, %broadcast_in_dim3A_1240 : vector<16xi1>, vector<16xf32>
    %reduce_sum3A_1242 = arith.constant true
    %reduce_sum3A_1243 = vector.broadcast %reduce_sum3A_1242 : i1 to vector<16xi1>
    %reduce_sum3A_1244 = tpu.scan <sum>, %select_n3A_1241 masked %reduce_sum3A_1243 : vector<16xf32>, vector<16xi1> -> vector<16xf32>
    %reduce_sum3A_1245 = vector.extract %reduce_sum3A_1244[15] : f32 from vector<16xf32>
    %sub3A_1246 = arith.subf %mul3A_1056, %reduce_sum3A_1212 : f32
    %sub3A_1247 = arith.subf %mul3A_1079, %reduce_sum3A_1223 : f32
    %sub3A_1248 = arith.subf %mul3A_1102, %reduce_sum3A_1234 : f32
    %bitcast_convert_type3A = arith.bitcast %reduce_sum3A_1201 : f32 to i32
    %sub3A_1249 = arith.constant 2129950677 : i32
    %sub3A_1250 = arith.subi %sub3A_1249, %bitcast_convert_type3A : i32
    %bitcast_convert_type3A_1251 = arith.bitcast %sub3A_1250 : i32 to f32
    %mul3A_1252 = arith.mulf %reduce_sum3A_1201, %bitcast_convert_type3A_1251 : f32
    %sub3A_1253 = arith.constant 2.000000e+00 : f32
    %sub3A_1254 = arith.subf %sub3A_1253, %mul3A_1252 : f32
    %mul3A_1255 = arith.mulf %bitcast_convert_type3A_1251, %sub3A_1254 : f32
    %mul3A_1256 = arith.mulf %reduce_sum3A_1201, %mul3A_1255 : f32
    %sub3A_1257 = arith.constant 2.000000e+00 : f32
    %sub3A_1258 = arith.subf %sub3A_1257, %mul3A_1256 : f32
    %mul3A_1259 = arith.mulf %mul3A_1255, %sub3A_1258 : f32
    %mul3A_1260 = arith.mulf %reduce_sum3A_1201, %mul3A_1259 : f32
    %sub3A_1261 = arith.constant 2.000000e+00 : f32
    %sub3A_1262 = arith.subf %sub3A_1261, %mul3A_1260 : f32
    %mul3A_1263 = arith.mulf %mul3A_1259, %sub3A_1262 : f32
    %mul3A_1264 = arith.mulf %sub3A_1248, %mul3A_1263 : f32
    %add3A_1265 = arith.constant 0x4B400000 : f32
    %add3A_1266 = arith.addf %mul3A_1264, %add3A_1265 : f32
    %sub3A_1267 = arith.constant 0x4B400000 : f32
    %sub3A_1268 = arith.subf %add3A_1266, %sub3A_1267 : f32
    %mul3A_1269 = arith.mulf %sub3A_1268, %reduce_sum3A_1179 : f32
    %sub3A_1270 = arith.subf %sub3A_1246, %mul3A_1269 : f32
    %mul3A_1271 = arith.mulf %sub3A_1268, %reduce_sum3A_1190 : f32
    %sub3A_1272 = arith.subf %sub3A_1247, %mul3A_1271 : f32
    %mul3A_1273 = arith.mulf %sub3A_1268, %reduce_sum3A_1201 : f32
    %sub3A_1274 = arith.subf %sub3A_1248, %mul3A_1273 : f32
    %bitcast_convert_type3A_1275 = arith.bitcast %reduce_sum3A_1157 : f32 to i32
    %sub3A_1276 = arith.constant 2129950677 : i32
    %sub3A_1277 = arith.subi %sub3A_1276, %bitcast_convert_type3A_1275 : i32
    %bitcast_convert_type3A_1278 = arith.bitcast %sub3A_1277 : i32 to f32
    %mul3A_1279 = arith.mulf %reduce_sum3A_1157, %bitcast_convert_type3A_1278 : f32
    %sub3A_1280 = arith.constant 2.000000e+00 : f32
    %sub3A_1281 = arith.subf %sub3A_1280, %mul3A_1279 : f32
    %mul3A_1282 = arith.mulf %bitcast_convert_type3A_1278, %sub3A_1281 : f32
    %mul3A_1283 = arith.mulf %reduce_sum3A_1157, %mul3A_1282 : f32
    %sub3A_1284 = arith.constant 2.000000e+00 : f32
    %sub3A_1285 = arith.subf %sub3A_1284, %mul3A_1283 : f32
    %mul3A_1286 = arith.mulf %mul3A_1282, %sub3A_1285 : f32
    %mul3A_1287 = arith.mulf %reduce_sum3A_1157, %mul3A_1286 : f32
    %sub3A_1288 = arith.constant 2.000000e+00 : f32
    %sub3A_1289 = arith.subf %sub3A_1288, %mul3A_1287 : f32
    %mul3A_1290 = arith.mulf %mul3A_1286, %sub3A_1289 : f32
    %mul3A_1291 = arith.mulf %sub3A_1272, %mul3A_1290 : f32
    %add3A_1292 = arith.constant 0x4B400000 : f32
    %add3A_1293 = arith.addf %mul3A_1291, %add3A_1292 : f32
    %sub3A_1294 = arith.constant 0x4B400000 : f32
    %sub3A_1295 = arith.subf %add3A_1293, %sub3A_1294 : f32
    %mul3A_1296 = arith.mulf %sub3A_1295, %reduce_sum3A_1146 : f32
    %sub3A_1297 = arith.subf %sub3A_1270, %mul3A_1296 : f32
    %mul3A_1298 = arith.mulf %sub3A_1295, %reduce_sum3A_1157 : f32
    %sub3A_1299 = arith.subf %sub3A_1272, %mul3A_1298 : f32
    %mul3A_1300 = arith.mulf %sub3A_1295, %reduce_sum3A_1168 : f32
    %sub3A_1301 = arith.subf %sub3A_1274, %mul3A_1300 : f32
    %bitcast_convert_type3A_1302 = arith.bitcast %reduce_sum3A_1113 : f32 to i32
    %sub3A_1303 = arith.constant 2129950677 : i32
    %sub3A_1304 = arith.subi %sub3A_1303, %bitcast_convert_type3A_1302 : i32
    %bitcast_convert_type3A_1305 = arith.bitcast %sub3A_1304 : i32 to f32
    %mul3A_1306 = arith.mulf %reduce_sum3A_1113, %bitcast_convert_type3A_1305 : f32
    %sub3A_1307 = arith.constant 2.000000e+00 : f32
    %sub3A_1308 = arith.subf %sub3A_1307, %mul3A_1306 : f32
    %mul3A_1309 = arith.mulf %bitcast_convert_type3A_1305, %sub3A_1308 : f32
    %mul3A_1310 = arith.mulf %reduce_sum3A_1113, %mul3A_1309 : f32
    %sub3A_1311 = arith.constant 2.000000e+00 : f32
    %sub3A_1312 = arith.subf %sub3A_1311, %mul3A_1310 : f32
    %mul3A_1313 = arith.mulf %mul3A_1309, %sub3A_1312 : f32
    %mul3A_1314 = arith.mulf %reduce_sum3A_1113, %mul3A_1313 : f32
    %sub3A_1315 = arith.constant 2.000000e+00 : f32
    %sub3A_1316 = arith.subf %sub3A_1315, %mul3A_1314 : f32
    %mul3A_1317 = arith.mulf %mul3A_1313, %sub3A_1316 : f32
    %mul3A_1318 = arith.mulf %sub3A_1297, %mul3A_1317 : f32
    %add3A_1319 = arith.constant 0x4B400000 : f32
    %add3A_1320 = arith.addf %mul3A_1318, %add3A_1319 : f32
    %sub3A_1321 = arith.constant 0x4B400000 : f32
    %sub3A_1322 = arith.subf %add3A_1320, %sub3A_1321 : f32
    %mul3A_1323 = arith.mulf %sub3A_1322, %reduce_sum3A_1113 : f32
    %sub3A_1324 = arith.subf %sub3A_1297, %mul3A_1323 : f32
    %mul3A_1325 = arith.mulf %sub3A_1322, %reduce_sum3A_1124 : f32
    %sub3A_1326 = arith.subf %sub3A_1299, %mul3A_1325 : f32
    %mul3A_1327 = arith.mulf %sub3A_1322, %reduce_sum3A_1135 : f32
    %sub3A_1328 = arith.subf %sub3A_1301, %mul3A_1327 : f32
    %mul3A_1329 = arith.mulf %sub3A_1324, %sub3A_1324 : f32
    %mul3A_1330 = arith.mulf %sub3A_1326, %sub3A_1326 : f32
    %add3A_1331 = arith.addf %mul3A_1329, %mul3A_1330 : f32
    %mul3A_1332 = arith.mulf %sub3A_1328, %sub3A_1328 : f32
    %add3A_1333 = arith.addf %add3A_1331, %mul3A_1332 : f32
    %mul3A_1334 = arith.mulf %reduce_sum3A_1245, %add3A_1333 : f32
    %mul3A_1335 = arith.constant -6.250000e-02 : f32
    %mul3A_1336 = arith.mulf %mul3A_1335, %reduce_sum3A_1245 : f32
    %mul3A_1337 = arith.mulf %mul3A_1336, %sub3A_1324 : f32
    %mul3A_1338 = arith.constant -6.250000e-02 : f32
    %mul3A_1339 = arith.mulf %mul3A_1338, %reduce_sum3A_1245 : f32
    %mul3A_1340 = arith.mulf %mul3A_1339, %sub3A_1326 : f32
    %mul3A_1341 = arith.constant -6.250000e-02 : f32
    %mul3A_1342 = arith.mulf %mul3A_1341, %reduce_sum3A_1245 : f32
    %mul3A_1343 = arith.mulf %mul3A_1342, %sub3A_1328 : f32
    %add3A_1344 = arith.constant 0 : i32
    %add3A_1345 = vector.broadcast %add3A_1344 : i32 to vector<16xi32>
    %add3A_1346 = arith.addi %iota3A, %add3A_1345 : vector<16xi32>
    %rem3A_1347 = arith.constant 3 : i32
    %rem3A_1348 = vector.broadcast %rem3A_1347 : i32 to vector<16xi32>
    %rem3A_1349 = arith.remsi %add3A_1346, %rem3A_1348 : vector<16xi32>
    %eq3A_1350 = arith.constant 0 : i32
    %eq3A_1351 = vector.broadcast %eq3A_1350 : i32 to vector<16xi32>
    %eq3A_1352 = arith.cmpi eq, %rem3A_1349, %eq3A_1351 : vector<16xi32>
    %eq3A_1353 = arith.constant 1 : i32
    %eq3A_1354 = vector.broadcast %eq3A_1353 : i32 to vector<16xi32>
    %eq3A_1355 = arith.cmpi eq, %rem3A_1349, %eq3A_1354 : vector<16xi32>
    %broadcast_in_dim3A_1356 = vector.broadcast %mul3A_1340 : f32 to vector<16xf32>
    %broadcast_in_dim3A_1357 = vector.broadcast %mul3A_1343 : f32 to vector<16xf32>
    %select_n3A_1358 = arith.select %eq3A_1355, %broadcast_in_dim3A_1356, %broadcast_in_dim3A_1357 : vector<16xi1>, vector<16xf32>
    %broadcast_in_dim3A_1359 = vector.broadcast %mul3A_1337 : f32 to vector<16xf32>
    %select_n3A_1360 = arith.select %eq3A_1352, %broadcast_in_dim3A_1359, %select_n3A_1358 : vector<16xi1>, vector<16xf32>
    %div3A_1361 = arith.constant 3 : i32
    %div3A_1362 = vector.broadcast %div3A_1361 : i32 to vector<16xi32>
    %div3A_1363 = arith.divsi %add3A_1346, %div3A_1362 : vector<16xi32>
    tpu.vector_store_idx %arg9[%div3A_1363, %rem3A_1349], %select_n3A_1360 : memref<32x3xf32, #tpu.memory_space<vmem>>[vector<16xi32>, vector<16xi32>], vector<16xf32>,
    %add3A_1364 = arith.constant 16 : i32
    %add3A_1365 = vector.broadcast %add3A_1364 : i32 to vector<16xi32>
    %add3A_1366 = arith.addi %iota3A, %add3A_1365 : vector<16xi32>
    %rem3A_1367 = arith.constant 3 : i32
    %rem3A_1368 = vector.broadcast %rem3A_1367 : i32 to vector<16xi32>
    %rem3A_1369 = arith.remsi %add3A_1366, %rem3A_1368 : vector<16xi32>
    %eq3A_1370 = arith.constant 0 : i32
    %eq3A_1371 = vector.broadcast %eq3A_1370 : i32 to vector<16xi32>
    %eq3A_1372 = arith.cmpi eq, %rem3A_1369, %eq3A_1371 : vector<16xi32>
    %eq3A_1373 = arith.constant 1 : i32
    %eq3A_1374 = vector.broadcast %eq3A_1373 : i32 to vector<16xi32>
    %eq3A_1375 = arith.cmpi eq, %rem3A_1369, %eq3A_1374 : vector<16xi32>
    %broadcast_in_dim3A_1376 = vector.broadcast %mul3A_1340 : f32 to vector<16xf32>
    %broadcast_in_dim3A_1377 = vector.broadcast %mul3A_1343 : f32 to vector<16xf32>
    %select_n3A_1378 = arith.select %eq3A_1375, %broadcast_in_dim3A_1376, %broadcast_in_dim3A_1377 : vector<16xi1>, vector<16xf32>
    %broadcast_in_dim3A_1379 = vector.broadcast %mul3A_1337 : f32 to vector<16xf32>
    %select_n3A_1380 = arith.select %eq3A_1372, %broadcast_in_dim3A_1379, %select_n3A_1378 : vector<16xi1>, vector<16xf32>
    %div3A_1381 = arith.constant 3 : i32
    %div3A_1382 = vector.broadcast %div3A_1381 : i32 to vector<16xi32>
    %div3A_1383 = arith.divsi %add3A_1366, %div3A_1382 : vector<16xi32>
    tpu.vector_store_idx %arg9[%div3A_1383, %rem3A_1369], %select_n3A_1380 : memref<32x3xf32, #tpu.memory_space<vmem>>[vector<16xi32>, vector<16xi32>], vector<16xf32>,
    %add3A_1384 = arith.constant 32 : i32
    %add3A_1385 = vector.broadcast %add3A_1384 : i32 to vector<16xi32>
    %add3A_1386 = arith.addi %iota3A, %add3A_1385 : vector<16xi32>
    %rem3A_1387 = arith.constant 3 : i32
    %rem3A_1388 = vector.broadcast %rem3A_1387 : i32 to vector<16xi32>
    %rem3A_1389 = arith.remsi %add3A_1386, %rem3A_1388 : vector<16xi32>
    %eq3A_1390 = arith.constant 0 : i32
    %eq3A_1391 = vector.broadcast %eq3A_1390 : i32 to vector<16xi32>
    %eq3A_1392 = arith.cmpi eq, %rem3A_1389, %eq3A_1391 : vector<16xi32>
    %eq3A_1393 = arith.constant 1 : i32
    %eq3A_1394 = vector.broadcast %eq3A_1393 : i32 to vector<16xi32>
    %eq3A_1395 = arith.cmpi eq, %rem3A_1389, %eq3A_1394 : vector<16xi32>
    %broadcast_in_dim3A_1396 = vector.broadcast %mul3A_1340 : f32 to vector<16xf32>
    %broadcast_in_dim3A_1397 = vector.broadcast %mul3A_1343 : f32 to vector<16xf32>
    %select_n3A_1398 = arith.select %eq3A_1395, %broadcast_in_dim3A_1396, %broadcast_in_dim3A_1397 : vector<16xi1>, vector<16xf32>
    %broadcast_in_dim3A_1399 = vector.broadcast %mul3A_1337 : f32 to vector<16xf32>
    %select_n3A_1400 = arith.select %eq3A_1392, %broadcast_in_dim3A_1399, %select_n3A_1398 : vector<16xi1>, vector<16xf32>
    %div3A_1401 = arith.constant 3 : i32
    %div3A_1402 = vector.broadcast %div3A_1401 : i32 to vector<16xi32>
    %div3A_1403 = arith.divsi %add3A_1386, %div3A_1402 : vector<16xi32>
    tpu.vector_store_idx %arg9[%div3A_1403, %rem3A_1389], %select_n3A_1400 : memref<32x3xf32, #tpu.memory_space<vmem>>[vector<16xi32>, vector<16xi32>], vector<16xf32>,
    %add3A_1404 = arith.constant 48 : i32
    %add3A_1405 = vector.broadcast %add3A_1404 : i32 to vector<16xi32>
    %add3A_1406 = arith.addi %iota3A, %add3A_1405 : vector<16xi32>
    %rem3A_1407 = arith.constant 3 : i32
    %rem3A_1408 = vector.broadcast %rem3A_1407 : i32 to vector<16xi32>
    %rem3A_1409 = arith.remsi %add3A_1406, %rem3A_1408 : vector<16xi32>
    %eq3A_1410 = arith.constant 0 : i32
    %eq3A_1411 = vector.broadcast %eq3A_1410 : i32 to vector<16xi32>
    %eq3A_1412 = arith.cmpi eq, %rem3A_1409, %eq3A_1411 : vector<16xi32>
    %eq3A_1413 = arith.constant 1 : i32
    %eq3A_1414 = vector.broadcast %eq3A_1413 : i32 to vector<16xi32>
    %eq3A_1415 = arith.cmpi eq, %rem3A_1409, %eq3A_1414 : vector<16xi32>
    %broadcast_in_dim3A_1416 = vector.broadcast %mul3A_1340 : f32 to vector<16xf32>
    %broadcast_in_dim3A_1417 = vector.broadcast %mul3A_1343 : f32 to vector<16xf32>
    %select_n3A_1418 = arith.select %eq3A_1415, %broadcast_in_dim3A_1416, %broadcast_in_dim3A_1417 : vector<16xi1>, vector<16xf32>
    %broadcast_in_dim3A_1419 = vector.broadcast %mul3A_1337 : f32 to vector<16xf32>
    %select_n3A_1420 = arith.select %eq3A_1412, %broadcast_in_dim3A_1419, %select_n3A_1418 : vector<16xi1>, vector<16xf32>
    %div3A_1421 = arith.constant 3 : i32
    %div3A_1422 = vector.broadcast %div3A_1421 : i32 to vector<16xi32>
    %div3A_1423 = arith.divsi %add3A_1406, %div3A_1422 : vector<16xi32>
    tpu.vector_store_idx %arg9[%div3A_1423, %rem3A_1409], %select_n3A_1420 : memref<32x3xf32, #tpu.memory_space<vmem>>[vector<16xi32>, vector<16xi32>], vector<16xf32>,
    %add3A_1424 = arith.constant 64 : i32
    %add3A_1425 = vector.broadcast %add3A_1424 : i32 to vector<16xi32>
    %add3A_1426 = arith.addi %iota3A, %add3A_1425 : vector<16xi32>
    %rem3A_1427 = arith.constant 3 : i32
    %rem3A_1428 = vector.broadcast %rem3A_1427 : i32 to vector<16xi32>
    %rem3A_1429 = arith.remsi %add3A_1426, %rem3A_1428 : vector<16xi32>
    %eq3A_1430 = arith.constant 0 : i32
    %eq3A_1431 = vector.broadcast %eq3A_1430 : i32 to vector<16xi32>
    %eq3A_1432 = arith.cmpi eq, %rem3A_1429, %eq3A_1431 : vector<16xi32>
    %eq3A_1433 = arith.constant 1 : i32
    %eq3A_1434 = vector.broadcast %eq3A_1433 : i32 to vector<16xi32>
    %eq3A_1435 = arith.cmpi eq, %rem3A_1429, %eq3A_1434 : vector<16xi32>
    %broadcast_in_dim3A_1436 = vector.broadcast %mul3A_1340 : f32 to vector<16xf32>
    %broadcast_in_dim3A_1437 = vector.broadcast %mul3A_1343 : f32 to vector<16xf32>
    %select_n3A_1438 = arith.select %eq3A_1435, %broadcast_in_dim3A_1436, %broadcast_in_dim3A_1437 : vector<16xi1>, vector<16xf32>
    %broadcast_in_dim3A_1439 = vector.broadcast %mul3A_1337 : f32 to vector<16xf32>
    %select_n3A_1440 = arith.select %eq3A_1432, %broadcast_in_dim3A_1439, %select_n3A_1438 : vector<16xi1>, vector<16xf32>
    %div3A_1441 = arith.constant 3 : i32
    %div3A_1442 = vector.broadcast %div3A_1441 : i32 to vector<16xi32>
    %div3A_1443 = arith.divsi %add3A_1426, %div3A_1442 : vector<16xi32>
    tpu.vector_store_idx %arg9[%div3A_1443, %rem3A_1429], %select_n3A_1440 : memref<32x3xf32, #tpu.memory_space<vmem>>[vector<16xi32>, vector<16xi32>], vector<16xf32>,
    %add3A_1444 = arith.constant 80 : i32
    %add3A_1445 = vector.broadcast %add3A_1444 : i32 to vector<16xi32>
    %add3A_1446 = arith.addi %iota3A, %add3A_1445 : vector<16xi32>
    %rem3A_1447 = arith.constant 3 : i32
    %rem3A_1448 = vector.broadcast %rem3A_1447 : i32 to vector<16xi32>
    %rem3A_1449 = arith.remsi %add3A_1446, %rem3A_1448 : vector<16xi32>
    %eq3A_1450 = arith.constant 0 : i32
    %eq3A_1451 = vector.broadcast %eq3A_1450 : i32 to vector<16xi32>
    %eq3A_1452 = arith.cmpi eq, %rem3A_1449, %eq3A_1451 : vector<16xi32>
    %eq3A_1453 = arith.constant 1 : i32
    %eq3A_1454 = vector.broadcast %eq3A_1453 : i32 to vector<16xi32>
    %eq3A_1455 = arith.cmpi eq, %rem3A_1449, %eq3A_1454 : vector<16xi32>
    %broadcast_in_dim3A_1456 = vector.broadcast %mul3A_1340 : f32 to vector<16xf32>
    %broadcast_in_dim3A_1457 = vector.broadcast %mul3A_1343 : f32 to vector<16xf32>
    %select_n3A_1458 = arith.select %eq3A_1455, %broadcast_in_dim3A_1456, %broadcast_in_dim3A_1457 : vector<16xi1>, vector<16xf32>
    %broadcast_in_dim3A_1459 = vector.broadcast %mul3A_1337 : f32 to vector<16xf32>
    %select_n3A_1460 = arith.select %eq3A_1452, %broadcast_in_dim3A_1459, %select_n3A_1458 : vector<16xi1>, vector<16xf32>
    %div3A_1461 = arith.constant 3 : i32
    %div3A_1462 = vector.broadcast %div3A_1461 : i32 to vector<16xi32>
    %div3A_1463 = arith.divsi %add3A_1446, %div3A_1462 : vector<16xi32>
    tpu.vector_store_idx %arg9[%div3A_1463, %rem3A_1449], %select_n3A_1460 : memref<32x3xf32, #tpu.memory_space<vmem>>[vector<16xi32>, vector<16xi32>], vector<16xf32>,
    %while3A_1464 = arith.constant 0 : i32
    %while3A_1465 = arith.constant 0 : i32
    %while3A_1466 = arith.subi %select_n3A, %while3A_1465 : i32
    %while3A_1467 = arith.addi %while3A_1465, %while3A_1466 : i32
    %while3A_1468 = arith.constant 1 : i32
    %while3A_1469 = arith.divsi %while3A_1466, %while3A_1468 : i32
    %while3A_1470 = arith.muli %while3A_1469, %while3A_1468 : i32
    %while3A_1471 = arith.addi %while3A_1465, %while3A_1470 : i32
    %while3A_1472 = arith.constant 1 : i32
    scf.for %while3A_1740 = %while3A_1465 to %while3A_1471 step %while3A_1472  : i32 {
      %mul3A_1741 = arith.constant 32 : i32
      %mul3A_1742 = arith.muli %while3A_1740, %mul3A_1741 : i32
      %add3A_1743 = arith.addi %add3A, %mul3A_1742 : i32
      %mul3A_1744 = arith.constant 2048 : i32
      %mul3A_1745 = arith.muli %add3A_1743, %mul3A_1744 : i32
      %dma_wait3A_1746 = arith.constant 0 : i32
      %dma_wait3A_1747 = tpu.memref_slice %arg6[%mul3A_1745, %dma_wait3A_1746] : memref<1000000x3xf32, #tpu.memory_space<hbm>> -> memref<2048x3xf32, #tpu.memory_space<hbm>>
      %dma_wait3A_1748 = arith.constant 0 : i32
      %dma_wait3A_1749 = tpu.memref_slice %arg6[%mul3A_1745, %dma_wait3A_1748] : memref<1000000x3xf32, #tpu.memory_space<hbm>> -> memref<2048x3xf32, #tpu.memory_space<hbm>>
      tpu.wait_dma2 semaphore(%arg12 : memref<!tpu.dma_semaphore, #tpu.memory_space<semaphore_mem>>) src(%arg11 : memref<2048x3xf32, #tpu.memory_space<vmem>>) dst(%dma_wait3A_1749 : memref<2048x3xf32, #tpu.memory_space<hbm>>)
    }
    %while3A_1473 = arith.constant 1 : i32
    scf.for %while3A_1740 = %while3A_1471 to %while3A_1467 step %while3A_1473  : i32 {
      %mul3A_1741 = arith.constant 32 : i32
      %mul3A_1742 = arith.muli %while3A_1740, %mul3A_1741 : i32
      %add3A_1743 = arith.addi %add3A, %mul3A_1742 : i32
      %mul3A_1744 = arith.constant 2048 : i32
      %mul3A_1745 = arith.muli %add3A_1743, %mul3A_1744 : i32
      %dma_wait3A_1746 = arith.constant 0 : i32
      %dma_wait3A_1747 = tpu.memref_slice %arg6[%mul3A_1745, %dma_wait3A_1746] : memref<1000000x3xf32, #tpu.memory_space<hbm>> -> memref<2048x3xf32, #tpu.memory_space<hbm>>
      %dma_wait3A_1748 = arith.constant 0 : i32
      %dma_wait3A_1749 = tpu.memref_slice %arg6[%mul3A_1745, %dma_wait3A_1748] : memref<1000000x3xf32, #tpu.memory_space<hbm>> -> memref<2048x3xf32, #tpu.memory_space<hbm>>
      tpu.wait_dma2 semaphore(%arg12 : memref<!tpu.dma_semaphore, #tpu.memory_space<semaphore_mem>>) src(%arg11 : memref<2048x3xf32, #tpu.memory_space<vmem>>) dst(%dma_wait3A_1749 : memref<2048x3xf32, #tpu.memory_space<hbm>>)
    }
    %eq3A_1474 = arith.constant 8 : i32
    %eq3A_1475 = arith.cmpi eq, %add3A, %eq3A_1474 : i32
    %convert_element_type3A_1476 = arith.extui %eq3A_1475 : i1 to i32
    %cond3A_1477 = arith.constant 0 : i32
    %cond3A_1478 = arith.cmpi ne, %convert_element_type3A_1476, %cond3A_1477 : i32
    scf.if %cond3A_1478 {
      %dma_wait3A_1740 = arith.constant 0 : i32
      %dma_wait3A_1741 = arith.constant 0 : i32
      %dma_wait3A_1742 = tpu.memref_slice %arg11[%dma_wait3A_1740, %dma_wait3A_1741] : memref<2048x3xf32, #tpu.memory_space<vmem>> -> memref<576x3xf32, #tpu.memory_space<vmem>>
      %dma_wait3A_1743 = arith.constant 999424 : i32
      %dma_wait3A_1744 = arith.constant 0 : i32
      %dma_wait3A_1745 = tpu.memref_slice %arg6[%dma_wait3A_1743, %dma_wait3A_1744] : memref<1000000x3xf32, #tpu.memory_space<hbm>> -> memref<576x3xf32, #tpu.memory_space<hbm>>
      %dma_wait3A_1746 = arith.constant 999424 : i32
      %dma_wait3A_1747 = arith.constant 0 : i32
      %dma_wait3A_1748 = tpu.memref_slice %arg6[%dma_wait3A_1746, %dma_wait3A_1747] : memref<1000000x3xf32, #tpu.memory_space<hbm>> -> memref<576x3xf32, #tpu.memory_space<hbm>>
      %dma_wait3A_1749 = arith.constant 0 : i32
      %dma_wait3A_1750 = arith.constant 0 : i32
      %dma_wait3A_1751 = tpu.memref_slice %arg11[%dma_wait3A_1749, %dma_wait3A_1750] : memref<2048x3xf32, #tpu.memory_space<vmem>> -> memref<576x3xf32, #tpu.memory_space<vmem>>
      tpu.wait_dma2 semaphore(%arg12 : memref<!tpu.dma_semaphore, #tpu.memory_space<semaphore_mem>>) src(%dma_wait3A_1751 : memref<576x3xf32, #tpu.memory_space<vmem>>) dst(%dma_wait3A_1748 : memref<576x3xf32, #tpu.memory_space<hbm>>)
    } else {
    }
    %div3A_1479 = arith.constant 2048 : i32
    %div3A_1480 = arith.divsi %reduce_sum3A_53, %div3A_1479 : i32
    %rem3A_1481 = arith.constant 32 : i32
    %rem3A_1482 = arith.remsi %div3A_1480, %rem3A_1481 : i32
    %eq3A_1483 = arith.cmpi eq, %rem3A_1482, %add3A : i32
    %convert_element_type3A_1484 = arith.extui %eq3A_1483 : i1 to i32
    %cond3A_1485 = arith.constant 0 : i32
    %cond3A_1486 = arith.cmpi ne, %convert_element_type3A_1484, %cond3A_1485 : i32
    scf.if %cond3A_1486 {
      %dma_start3A_1740 = arith.constant 0 : i32
      %dma_start3A_1741 = arith.constant 0 : i32
      %dma_start3A_1742 = tpu.memref_slice %arg9[%dma_start3A_1740, %dma_start3A_1741] : memref<32x3xf32, #tpu.memory_space<vmem>> -> memref<1x3xf32, #tpu.memory_space<vmem>>
      %dma_start3A_1743 = arith.constant 0 : i32
      %dma_start3A_1744 = tpu.memref_slice %arg6[%reduce_sum3A_53, %dma_start3A_1743] : memref<1000000x3xf32, #tpu.memory_space<hbm>> -> memref<1x3xf32, #tpu.memory_space<hbm>>
      %dma_start3A_1745 = arith.constant 0 : i32
      %dma_start3A_1746 = tpu.memref_slice %arg6[%reduce_sum3A_53, %dma_start3A_1745] : memref<1000000x3xf32, #tpu.memory_space<hbm>> -> memref<1x3xf32, #tpu.memory_space<hbm>>
      %dma_start3A_1747 = arith.constant 0 : i32
      %dma_start3A_1748 = arith.constant 0 : i32
      %dma_start3A_1749 = tpu.memref_slice %arg9[%dma_start3A_1747, %dma_start3A_1748] : memref<32x3xf32, #tpu.memory_space<vmem>> -> memref<1x3xf32, #tpu.memory_space<vmem>>
      tpu.enqueue_dma source(%dma_start3A_1749 : memref<1x3xf32, #tpu.memory_space<vmem>>) target(%dma_start3A_1746 : memref<1x3xf32, #tpu.memory_space<hbm>>) target_semaphore(%arg14 : memref<!tpu.dma_semaphore, #tpu.memory_space<semaphore_mem>>)
      %dma_wait3A_1750 = arith.constant 0 : i32
      %dma_wait3A_1751 = arith.constant 0 : i32
      %dma_wait3A_1752 = tpu.memref_slice %arg9[%dma_wait3A_1750, %dma_wait3A_1751] : memref<32x3xf32, #tpu.memory_space<vmem>> -> memref<1x3xf32, #tpu.memory_space<vmem>>
      %dma_wait3A_1753 = arith.constant 0 : i32
      %dma_wait3A_1754 = tpu.memref_slice %arg6[%reduce_sum3A_53, %dma_wait3A_1753] : memref<1000000x3xf32, #tpu.memory_space<hbm>> -> memref<1x3xf32, #tpu.memory_space<hbm>>
      %dma_wait3A_1755 = arith.constant 0 : i32
      %dma_wait3A_1756 = tpu.memref_slice %arg6[%reduce_sum3A_53, %dma_wait3A_1755] : memref<1000000x3xf32, #tpu.memory_space<hbm>> -> memref<1x3xf32, #tpu.memory_space<hbm>>
      %dma_wait3A_1757 = arith.constant 0 : i32
      %dma_wait3A_1758 = arith.constant 0 : i32
      %dma_wait3A_1759 = tpu.memref_slice %arg9[%dma_wait3A_1757, %dma_wait3A_1758] : memref<32x3xf32, #tpu.memory_space<vmem>> -> memref<1x3xf32, #tpu.memory_space<vmem>>
      tpu.wait_dma2 semaphore(%arg14 : memref<!tpu.dma_semaphore, #tpu.memory_space<semaphore_mem>>) src(%dma_wait3A_1759 : memref<1x3xf32, #tpu.memory_space<vmem>>) dst(%dma_wait3A_1756 : memref<1x3xf32, #tpu.memory_space<hbm>>)
    } else {
    }
    %div3A_1487 = arith.constant 2048 : i32
    %div3A_1488 = arith.divsi %reduce_sum3A_64, %div3A_1487 : i32
    %rem3A_1489 = arith.constant 32 : i32
    %rem3A_1490 = arith.remsi %div3A_1488, %rem3A_1489 : i32
    %eq3A_1491 = arith.cmpi eq, %rem3A_1490, %add3A : i32
    %convert_element_type3A_1492 = arith.extui %eq3A_1491 : i1 to i32
    %cond3A_1493 = arith.constant 0 : i32
    %cond3A_1494 = arith.cmpi ne, %convert_element_type3A_1492, %cond3A_1493 : i32
    scf.if %cond3A_1494 {
      %dma_start3A_1740 = arith.constant 1 : i32
      %dma_start3A_1741 = arith.constant 0 : i32
      %dma_start3A_1742 = tpu.memref_slice %arg9[%dma_start3A_1740, %dma_start3A_1741] : memref<32x3xf32, #tpu.memory_space<vmem>> -> memref<1x3xf32, #tpu.memory_space<vmem>>
      %dma_start3A_1743 = arith.constant 0 : i32
      %dma_start3A_1744 = tpu.memref_slice %arg6[%reduce_sum3A_64, %dma_start3A_1743] : memref<1000000x3xf32, #tpu.memory_space<hbm>> -> memref<1x3xf32, #tpu.memory_space<hbm>>
      %dma_start3A_1745 = arith.constant 0 : i32
      %dma_start3A_1746 = tpu.memref_slice %arg6[%reduce_sum3A_64, %dma_start3A_1745] : memref<1000000x3xf32, #tpu.memory_space<hbm>> -> memref<1x3xf32, #tpu.memory_space<hbm>>
      %dma_start3A_1747 = arith.constant 1 : i32
      %dma_start3A_1748 = arith.constant 0 : i32
      %dma_start3A_1749 = tpu.memref_slice %arg9[%dma_start3A_1747, %dma_start3A_1748] : memref<32x3xf32, #tpu.memory_space<vmem>> -> memref<1x3xf32, #tpu.memory_space<vmem>>
      tpu.enqueue_dma source(%dma_start3A_1749 : memref<1x3xf32, #tpu.memory_space<vmem>>) target(%dma_start3A_1746 : memref<1x3xf32, #tpu.memory_space<hbm>>) target_semaphore(%arg14 : memref<!tpu.dma_semaphore, #tpu.memory_space<semaphore_mem>>)
      %dma_wait3A_1750 = arith.constant 1 : i32
      %dma_wait3A_1751 = arith.constant 0 : i32
      %dma_wait3A_1752 = tpu.memref_slice %arg9[%dma_wait3A_1750, %dma_wait3A_1751] : memref<32x3xf32, #tpu.memory_space<vmem>> -> memref<1x3xf32, #tpu.memory_space<vmem>>
      %dma_wait3A_1753 = arith.constant 0 : i32
      %dma_wait3A_1754 = tpu.memref_slice %arg6[%reduce_sum3A_64, %dma_wait3A_1753] : memref<1000000x3xf32, #tpu.memory_space<hbm>> -> memref<1x3xf32, #tpu.memory_space<hbm>>
      %dma_wait3A_1755 = arith.constant 0 : i32
      %dma_wait3A_1756 = tpu.memref_slice %arg6[%reduce_sum3A_64, %dma_wait3A_1755] : memref<1000000x3xf32, #tpu.memory_space<hbm>> -> memref<1x3xf32, #tpu.memory_space<hbm>>
      %dma_wait3A_1757 = arith.constant 1 : i32
      %dma_wait3A_1758 = arith.constant 0 : i32
      %dma_wait3A_1759 = tpu.memref_slice %arg9[%dma_wait3A_1757, %dma_wait3A_1758] : memref<32x3xf32, #tpu.memory_space<vmem>> -> memref<1x3xf32, #tpu.memory_space<vmem>>
      tpu.wait_dma2 semaphore(%arg14 : memref<!tpu.dma_semaphore, #tpu.memory_space<semaphore_mem>>) src(%dma_wait3A_1759 : memref<1x3xf32, #tpu.memory_space<vmem>>) dst(%dma_wait3A_1756 : memref<1x3xf32, #tpu.memory_space<hbm>>)
    } else {
    }
    %div3A_1495 = arith.constant 2048 : i32
    %div3A_1496 = arith.divsi %reduce_sum3A_75, %div3A_1495 : i32
    %rem3A_1497 = arith.constant 32 : i32
    %rem3A_1498 = arith.remsi %div3A_1496, %rem3A_1497 : i32
    %eq3A_1499 = arith.cmpi eq, %rem3A_1498, %add3A : i32
    %convert_element_type3A_1500 = arith.extui %eq3A_1499 : i1 to i32
    %cond3A_1501 = arith.constant 0 : i32
    %cond3A_1502 = arith.cmpi ne, %convert_element_type3A_1500, %cond3A_1501 : i32
    scf.if %cond3A_1502 {
      %dma_start3A_1740 = arith.constant 2 : i32
      %dma_start3A_1741 = arith.constant 0 : i32
      %dma_start3A_1742 = tpu.memref_slice %arg9[%dma_start3A_1740, %dma_start3A_1741] : memref<32x3xf32, #tpu.memory_space<vmem>> -> memref<1x3xf32, #tpu.memory_space<vmem>>
      %dma_start3A_1743 = arith.constant 0 : i32
      %dma_start3A_1744 = tpu.memref_slice %arg6[%reduce_sum3A_75, %dma_start3A_1743] : memref<1000000x3xf32, #tpu.memory_space<hbm>> -> memref<1x3xf32, #tpu.memory_space<hbm>>
      %dma_start3A_1745 = arith.constant 0 : i32
      %dma_start3A_1746 = tpu.memref_slice %arg6[%reduce_sum3A_75, %dma_start3A_1745] : memref<1000000x3xf32, #tpu.memory_space<hbm>> -> memref<1x3xf32, #tpu.memory_space<hbm>>
      %dma_start3A_1747 = arith.constant 2 : i32
      %dma_start3A_1748 = arith.constant 0 : i32
      %dma_start3A_1749 = tpu.memref_slice %arg9[%dma_start3A_1747, %dma_start3A_1748] : memref<32x3xf32, #tpu.memory_space<vmem>> -> memref<1x3xf32, #tpu.memory_space<vmem>>
      tpu.enqueue_dma source(%dma_start3A_1749 : memref<1x3xf32, #tpu.memory_space<vmem>>) target(%dma_start3A_1746 : memref<1x3xf32, #tpu.memory_space<hbm>>) target_semaphore(%arg14 : memref<!tpu.dma_semaphore, #tpu.memory_space<semaphore_mem>>)
      %dma_wait3A_1750 = arith.constant 2 : i32
      %dma_wait3A_1751 = arith.constant 0 : i32
      %dma_wait3A_1752 = tpu.memref_slice %arg9[%dma_wait3A_1750, %dma_wait3A_1751] : memref<32x3xf32, #tpu.memory_space<vmem>> -> memref<1x3xf32, #tpu.memory_space<vmem>>
      %dma_wait3A_1753 = arith.constant 0 : i32
      %dma_wait3A_1754 = tpu.memref_slice %arg6[%reduce_sum3A_75, %dma_wait3A_1753] : memref<1000000x3xf32, #tpu.memory_space<hbm>> -> memref<1x3xf32, #tpu.memory_space<hbm>>
      %dma_wait3A_1755 = arith.constant 0 : i32
      %dma_wait3A_1756 = tpu.memref_slice %arg6[%reduce_sum3A_75, %dma_wait3A_1755] : memref<1000000x3xf32, #tpu.memory_space<hbm>> -> memref<1x3xf32, #tpu.memory_space<hbm>>
      %dma_wait3A_1757 = arith.constant 2 : i32
      %dma_wait3A_1758 = arith.constant 0 : i32
      %dma_wait3A_1759 = tpu.memref_slice %arg9[%dma_wait3A_1757, %dma_wait3A_1758] : memref<32x3xf32, #tpu.memory_space<vmem>> -> memref<1x3xf32, #tpu.memory_space<vmem>>
      tpu.wait_dma2 semaphore(%arg14 : memref<!tpu.dma_semaphore, #tpu.memory_space<semaphore_mem>>) src(%dma_wait3A_1759 : memref<1x3xf32, #tpu.memory_space<vmem>>) dst(%dma_wait3A_1756 : memref<1x3xf32, #tpu.memory_space<hbm>>)
    } else {
    }
    %div3A_1503 = arith.constant 2048 : i32
    %div3A_1504 = arith.divsi %reduce_sum3A_86, %div3A_1503 : i32
    %rem3A_1505 = arith.constant 32 : i32
    %rem3A_1506 = arith.remsi %div3A_1504, %rem3A_1505 : i32
    %eq3A_1507 = arith.cmpi eq, %rem3A_1506, %add3A : i32
    %convert_element_type3A_1508 = arith.extui %eq3A_1507 : i1 to i32
    %cond3A_1509 = arith.constant 0 : i32
    %cond3A_1510 = arith.cmpi ne, %convert_element_type3A_1508, %cond3A_1509 : i32
    scf.if %cond3A_1510 {
      %dma_start3A_1740 = arith.constant 3 : i32
      %dma_start3A_1741 = arith.constant 0 : i32
      %dma_start3A_1742 = tpu.memref_slice %arg9[%dma_start3A_1740, %dma_start3A_1741] : memref<32x3xf32, #tpu.memory_space<vmem>> -> memref<1x3xf32, #tpu.memory_space<vmem>>
      %dma_start3A_1743 = arith.constant 0 : i32
      %dma_start3A_1744 = tpu.memref_slice %arg6[%reduce_sum3A_86, %dma_start3A_1743] : memref<1000000x3xf32, #tpu.memory_space<hbm>> -> memref<1x3xf32, #tpu.memory_space<hbm>>
      %dma_start3A_1745 = arith.constant 0 : i32
      %dma_start3A_1746 = tpu.memref_slice %arg6[%reduce_sum3A_86, %dma_start3A_1745] : memref<1000000x3xf32, #tpu.memory_space<hbm>> -> memref<1x3xf32, #tpu.memory_space<hbm>>
      %dma_start3A_1747 = arith.constant 3 : i32
      %dma_start3A_1748 = arith.constant 0 : i32
      %dma_start3A_1749 = tpu.memref_slice %arg9[%dma_start3A_1747, %dma_start3A_1748] : memref<32x3xf32, #tpu.memory_space<vmem>> -> memref<1x3xf32, #tpu.memory_space<vmem>>
      tpu.enqueue_dma source(%dma_start3A_1749 : memref<1x3xf32, #tpu.memory_space<vmem>>) target(%dma_start3A_1746 : memref<1x3xf32, #tpu.memory_space<hbm>>) target_semaphore(%arg14 : memref<!tpu.dma_semaphore, #tpu.memory_space<semaphore_mem>>)
      %dma_wait3A_1750 = arith.constant 3 : i32
      %dma_wait3A_1751 = arith.constant 0 : i32
      %dma_wait3A_1752 = tpu.memref_slice %arg9[%dma_wait3A_1750, %dma_wait3A_1751] : memref<32x3xf32, #tpu.memory_space<vmem>> -> memref<1x3xf32, #tpu.memory_space<vmem>>
      %dma_wait3A_1753 = arith.constant 0 : i32
      %dma_wait3A_1754 = tpu.memref_slice %arg6[%reduce_sum3A_86, %dma_wait3A_1753] : memref<1000000x3xf32, #tpu.memory_space<hbm>> -> memref<1x3xf32, #tpu.memory_space<hbm>>
      %dma_wait3A_1755 = arith.constant 0 : i32
      %dma_wait3A_1756 = tpu.memref_slice %arg6[%reduce_sum3A_86, %dma_wait3A_1755] : memref<1000000x3xf32, #tpu.memory_space<hbm>> -> memref<1x3xf32, #tpu.memory_space<hbm>>
      %dma_wait3A_1757 = arith.constant 3 : i32
      %dma_wait3A_1758 = arith.constant 0 : i32
      %dma_wait3A_1759 = tpu.memref_slice %arg9[%dma_wait3A_1757, %dma_wait3A_1758] : memref<32x3xf32, #tpu.memory_space<vmem>> -> memref<1x3xf32, #tpu.memory_space<vmem>>
      tpu.wait_dma2 semaphore(%arg14 : memref<!tpu.dma_semaphore, #tpu.memory_space<semaphore_mem>>) src(%dma_wait3A_1759 : memref<1x3xf32, #tpu.memory_space<vmem>>) dst(%dma_wait3A_1756 : memref<1x3xf32, #tpu.memory_space<hbm>>)
    } else {
    }
    %div3A_1511 = arith.constant 2048 : i32
    %div3A_1512 = arith.divsi %reduce_sum3A_97, %div3A_1511 : i32
    %rem3A_1513 = arith.constant 32 : i32
    %rem3A_1514 = arith.remsi %div3A_1512, %rem3A_1513 : i32
    %eq3A_1515 = arith.cmpi eq, %rem3A_1514, %add3A : i32
    %convert_element_type3A_1516 = arith.extui %eq3A_1515 : i1 to i32
    %cond3A_1517 = arith.constant 0 : i32
    %cond3A_1518 = arith.cmpi ne, %convert_element_type3A_1516, %cond3A_1517 : i32
    scf.if %cond3A_1518 {
      %dma_start3A_1740 = arith.constant 4 : i32
      %dma_start3A_1741 = arith.constant 0 : i32
      %dma_start3A_1742 = tpu.memref_slice %arg9[%dma_start3A_1740, %dma_start3A_1741] : memref<32x3xf32, #tpu.memory_space<vmem>> -> memref<1x3xf32, #tpu.memory_space<vmem>>
      %dma_start3A_1743 = arith.constant 0 : i32
      %dma_start3A_1744 = tpu.memref_slice %arg6[%reduce_sum3A_97, %dma_start3A_1743] : memref<1000000x3xf32, #tpu.memory_space<hbm>> -> memref<1x3xf32, #tpu.memory_space<hbm>>
      %dma_start3A_1745 = arith.constant 0 : i32
      %dma_start3A_1746 = tpu.memref_slice %arg6[%reduce_sum3A_97, %dma_start3A_1745] : memref<1000000x3xf32, #tpu.memory_space<hbm>> -> memref<1x3xf32, #tpu.memory_space<hbm>>
      %dma_start3A_1747 = arith.constant 4 : i32
      %dma_start3A_1748 = arith.constant 0 : i32
      %dma_start3A_1749 = tpu.memref_slice %arg9[%dma_start3A_1747, %dma_start3A_1748] : memref<32x3xf32, #tpu.memory_space<vmem>> -> memref<1x3xf32, #tpu.memory_space<vmem>>
      tpu.enqueue_dma source(%dma_start3A_1749 : memref<1x3xf32, #tpu.memory_space<vmem>>) target(%dma_start3A_1746 : memref<1x3xf32, #tpu.memory_space<hbm>>) target_semaphore(%arg14 : memref<!tpu.dma_semaphore, #tpu.memory_space<semaphore_mem>>)
      %dma_wait3A_1750 = arith.constant 4 : i32
      %dma_wait3A_1751 = arith.constant 0 : i32
      %dma_wait3A_1752 = tpu.memref_slice %arg9[%dma_wait3A_1750, %dma_wait3A_1751] : memref<32x3xf32, #tpu.memory_space<vmem>> -> memref<1x3xf32, #tpu.memory_space<vmem>>
      %dma_wait3A_1753 = arith.constant 0 : i32
      %dma_wait3A_1754 = tpu.memref_slice %arg6[%reduce_sum3A_97, %dma_wait3A_1753] : memref<1000000x3xf32, #tpu.memory_space<hbm>> -> memref<1x3xf32, #tpu.memory_space<hbm>>
      %dma_wait3A_1755 = arith.constant 0 : i32
      %dma_wait3A_1756 = tpu.memref_slice %arg6[%reduce_sum3A_97, %dma_wait3A_1755] : memref<1000000x3xf32, #tpu.memory_space<hbm>> -> memref<1x3xf32, #tpu.memory_space<hbm>>
      %dma_wait3A_1757 = arith.constant 4 : i32
      %dma_wait3A_1758 = arith.constant 0 : i32
      %dma_wait3A_1759 = tpu.memref_slice %arg9[%dma_wait3A_1757, %dma_wait3A_1758] : memref<32x3xf32, #tpu.memory_space<vmem>> -> memref<1x3xf32, #tpu.memory_space<vmem>>
      tpu.wait_dma2 semaphore(%arg14 : memref<!tpu.dma_semaphore, #tpu.memory_space<semaphore_mem>>) src(%dma_wait3A_1759 : memref<1x3xf32, #tpu.memory_space<vmem>>) dst(%dma_wait3A_1756 : memref<1x3xf32, #tpu.memory_space<hbm>>)
    } else {
    }
    %div3A_1519 = arith.constant 2048 : i32
    %div3A_1520 = arith.divsi %reduce_sum3A_108, %div3A_1519 : i32
    %rem3A_1521 = arith.constant 32 : i32
    %rem3A_1522 = arith.remsi %div3A_1520, %rem3A_1521 : i32
    %eq3A_1523 = arith.cmpi eq, %rem3A_1522, %add3A : i32
    %convert_element_type3A_1524 = arith.extui %eq3A_1523 : i1 to i32
    %cond3A_1525 = arith.constant 0 : i32
    %cond3A_1526 = arith.cmpi ne, %convert_element_type3A_1524, %cond3A_1525 : i32
    scf.if %cond3A_1526 {
      %dma_start3A_1740 = arith.constant 5 : i32
      %dma_start3A_1741 = arith.constant 0 : i32
      %dma_start3A_1742 = tpu.memref_slice %arg9[%dma_start3A_1740, %dma_start3A_1741] : memref<32x3xf32, #tpu.memory_space<vmem>> -> memref<1x3xf32, #tpu.memory_space<vmem>>
      %dma_start3A_1743 = arith.constant 0 : i32
      %dma_start3A_1744 = tpu.memref_slice %arg6[%reduce_sum3A_108, %dma_start3A_1743] : memref<1000000x3xf32, #tpu.memory_space<hbm>> -> memref<1x3xf32, #tpu.memory_space<hbm>>
      %dma_start3A_1745 = arith.constant 0 : i32
      %dma_start3A_1746 = tpu.memref_slice %arg6[%reduce_sum3A_108, %dma_start3A_1745] : memref<1000000x3xf32, #tpu.memory_space<hbm>> -> memref<1x3xf32, #tpu.memory_space<hbm>>
      %dma_start3A_1747 = arith.constant 5 : i32
      %dma_start3A_1748 = arith.constant 0 : i32
      %dma_start3A_1749 = tpu.memref_slice %arg9[%dma_start3A_1747, %dma_start3A_1748] : memref<32x3xf32, #tpu.memory_space<vmem>> -> memref<1x3xf32, #tpu.memory_space<vmem>>
      tpu.enqueue_dma source(%dma_start3A_1749 : memref<1x3xf32, #tpu.memory_space<vmem>>) target(%dma_start3A_1746 : memref<1x3xf32, #tpu.memory_space<hbm>>) target_semaphore(%arg14 : memref<!tpu.dma_semaphore, #tpu.memory_space<semaphore_mem>>)
      %dma_wait3A_1750 = arith.constant 5 : i32
      %dma_wait3A_1751 = arith.constant 0 : i32
      %dma_wait3A_1752 = tpu.memref_slice %arg9[%dma_wait3A_1750, %dma_wait3A_1751] : memref<32x3xf32, #tpu.memory_space<vmem>> -> memref<1x3xf32, #tpu.memory_space<vmem>>
      %dma_wait3A_1753 = arith.constant 0 : i32
      %dma_wait3A_1754 = tpu.memref_slice %arg6[%reduce_sum3A_108, %dma_wait3A_1753] : memref<1000000x3xf32, #tpu.memory_space<hbm>> -> memref<1x3xf32, #tpu.memory_space<hbm>>
      %dma_wait3A_1755 = arith.constant 0 : i32
      %dma_wait3A_1756 = tpu.memref_slice %arg6[%reduce_sum3A_108, %dma_wait3A_1755] : memref<1000000x3xf32, #tpu.memory_space<hbm>> -> memref<1x3xf32, #tpu.memory_space<hbm>>
      %dma_wait3A_1757 = arith.constant 5 : i32
      %dma_wait3A_1758 = arith.constant 0 : i32
      %dma_wait3A_1759 = tpu.memref_slice %arg9[%dma_wait3A_1757, %dma_wait3A_1758] : memref<32x3xf32, #tpu.memory_space<vmem>> -> memref<1x3xf32, #tpu.memory_space<vmem>>
      tpu.wait_dma2 semaphore(%arg14 : memref<!tpu.dma_semaphore, #tpu.memory_space<semaphore_mem>>) src(%dma_wait3A_1759 : memref<1x3xf32, #tpu.memory_space<vmem>>) dst(%dma_wait3A_1756 : memref<1x3xf32, #tpu.memory_space<hbm>>)
    } else {
    }
    %div3A_1527 = arith.constant 2048 : i32
    %div3A_1528 = arith.divsi %reduce_sum3A_119, %div3A_1527 : i32
    %rem3A_1529 = arith.constant 32 : i32
    %rem3A_1530 = arith.remsi %div3A_1528, %rem3A_1529 : i32
    %eq3A_1531 = arith.cmpi eq, %rem3A_1530, %add3A : i32
    %convert_element_type3A_1532 = arith.extui %eq3A_1531 : i1 to i32
    %cond3A_1533 = arith.constant 0 : i32
    %cond3A_1534 = arith.cmpi ne, %convert_element_type3A_1532, %cond3A_1533 : i32
    scf.if %cond3A_1534 {
      %dma_start3A_1740 = arith.constant 6 : i32
      %dma_start3A_1741 = arith.constant 0 : i32
      %dma_start3A_1742 = tpu.memref_slice %arg9[%dma_start3A_1740, %dma_start3A_1741] : memref<32x3xf32, #tpu.memory_space<vmem>> -> memref<1x3xf32, #tpu.memory_space<vmem>>
      %dma_start3A_1743 = arith.constant 0 : i32
      %dma_start3A_1744 = tpu.memref_slice %arg6[%reduce_sum3A_119, %dma_start3A_1743] : memref<1000000x3xf32, #tpu.memory_space<hbm>> -> memref<1x3xf32, #tpu.memory_space<hbm>>
      %dma_start3A_1745 = arith.constant 0 : i32
      %dma_start3A_1746 = tpu.memref_slice %arg6[%reduce_sum3A_119, %dma_start3A_1745] : memref<1000000x3xf32, #tpu.memory_space<hbm>> -> memref<1x3xf32, #tpu.memory_space<hbm>>
      %dma_start3A_1747 = arith.constant 6 : i32
      %dma_start3A_1748 = arith.constant 0 : i32
      %dma_start3A_1749 = tpu.memref_slice %arg9[%dma_start3A_1747, %dma_start3A_1748] : memref<32x3xf32, #tpu.memory_space<vmem>> -> memref<1x3xf32, #tpu.memory_space<vmem>>
      tpu.enqueue_dma source(%dma_start3A_1749 : memref<1x3xf32, #tpu.memory_space<vmem>>) target(%dma_start3A_1746 : memref<1x3xf32, #tpu.memory_space<hbm>>) target_semaphore(%arg14 : memref<!tpu.dma_semaphore, #tpu.memory_space<semaphore_mem>>)
      %dma_wait3A_1750 = arith.constant 6 : i32
      %dma_wait3A_1751 = arith.constant 0 : i32
      %dma_wait3A_1752 = tpu.memref_slice %arg9[%dma_wait3A_1750, %dma_wait3A_1751] : memref<32x3xf32, #tpu.memory_space<vmem>> -> memref<1x3xf32, #tpu.memory_space<vmem>>
      %dma_wait3A_1753 = arith.constant 0 : i32
      %dma_wait3A_1754 = tpu.memref_slice %arg6[%reduce_sum3A_119, %dma_wait3A_1753] : memref<1000000x3xf32, #tpu.memory_space<hbm>> -> memref<1x3xf32, #tpu.memory_space<hbm>>
      %dma_wait3A_1755 = arith.constant 0 : i32
      %dma_wait3A_1756 = tpu.memref_slice %arg6[%reduce_sum3A_119, %dma_wait3A_1755] : memref<1000000x3xf32, #tpu.memory_space<hbm>> -> memref<1x3xf32, #tpu.memory_space<hbm>>
      %dma_wait3A_1757 = arith.constant 6 : i32
      %dma_wait3A_1758 = arith.constant 0 : i32
      %dma_wait3A_1759 = tpu.memref_slice %arg9[%dma_wait3A_1757, %dma_wait3A_1758] : memref<32x3xf32, #tpu.memory_space<vmem>> -> memref<1x3xf32, #tpu.memory_space<vmem>>
      tpu.wait_dma2 semaphore(%arg14 : memref<!tpu.dma_semaphore, #tpu.memory_space<semaphore_mem>>) src(%dma_wait3A_1759 : memref<1x3xf32, #tpu.memory_space<vmem>>) dst(%dma_wait3A_1756 : memref<1x3xf32, #tpu.memory_space<hbm>>)
    } else {
    }
    %div3A_1535 = arith.constant 2048 : i32
    %div3A_1536 = arith.divsi %reduce_sum3A_130, %div3A_1535 : i32
    %rem3A_1537 = arith.constant 32 : i32
    %rem3A_1538 = arith.remsi %div3A_1536, %rem3A_1537 : i32
    %eq3A_1539 = arith.cmpi eq, %rem3A_1538, %add3A : i32
    %convert_element_type3A_1540 = arith.extui %eq3A_1539 : i1 to i32
    %cond3A_1541 = arith.constant 0 : i32
    %cond3A_1542 = arith.cmpi ne, %convert_element_type3A_1540, %cond3A_1541 : i32
    scf.if %cond3A_1542 {
      %dma_start3A_1740 = arith.constant 7 : i32
      %dma_start3A_1741 = arith.constant 0 : i32
      %dma_start3A_1742 = tpu.memref_slice %arg9[%dma_start3A_1740, %dma_start3A_1741] : memref<32x3xf32, #tpu.memory_space<vmem>> -> memref<1x3xf32, #tpu.memory_space<vmem>>
      %dma_start3A_1743 = arith.constant 0 : i32
      %dma_start3A_1744 = tpu.memref_slice %arg6[%reduce_sum3A_130, %dma_start3A_1743] : memref<1000000x3xf32, #tpu.memory_space<hbm>> -> memref<1x3xf32, #tpu.memory_space<hbm>>
      %dma_start3A_1745 = arith.constant 0 : i32
      %dma_start3A_1746 = tpu.memref_slice %arg6[%reduce_sum3A_130, %dma_start3A_1745] : memref<1000000x3xf32, #tpu.memory_space<hbm>> -> memref<1x3xf32, #tpu.memory_space<hbm>>
      %dma_start3A_1747 = arith.constant 7 : i32
      %dma_start3A_1748 = arith.constant 0 : i32
      %dma_start3A_1749 = tpu.memref_slice %arg9[%dma_start3A_1747, %dma_start3A_1748] : memref<32x3xf32, #tpu.memory_space<vmem>> -> memref<1x3xf32, #tpu.memory_space<vmem>>
      tpu.enqueue_dma source(%dma_start3A_1749 : memref<1x3xf32, #tpu.memory_space<vmem>>) target(%dma_start3A_1746 : memref<1x3xf32, #tpu.memory_space<hbm>>) target_semaphore(%arg14 : memref<!tpu.dma_semaphore, #tpu.memory_space<semaphore_mem>>)
      %dma_wait3A_1750 = arith.constant 7 : i32
      %dma_wait3A_1751 = arith.constant 0 : i32
      %dma_wait3A_1752 = tpu.memref_slice %arg9[%dma_wait3A_1750, %dma_wait3A_1751] : memref<32x3xf32, #tpu.memory_space<vmem>> -> memref<1x3xf32, #tpu.memory_space<vmem>>
      %dma_wait3A_1753 = arith.constant 0 : i32
      %dma_wait3A_1754 = tpu.memref_slice %arg6[%reduce_sum3A_130, %dma_wait3A_1753] : memref<1000000x3xf32, #tpu.memory_space<hbm>> -> memref<1x3xf32, #tpu.memory_space<hbm>>
      %dma_wait3A_1755 = arith.constant 0 : i32
      %dma_wait3A_1756 = tpu.memref_slice %arg6[%reduce_sum3A_130, %dma_wait3A_1755] : memref<1000000x3xf32, #tpu.memory_space<hbm>> -> memref<1x3xf32, #tpu.memory_space<hbm>>
      %dma_wait3A_1757 = arith.constant 7 : i32
      %dma_wait3A_1758 = arith.constant 0 : i32
      %dma_wait3A_1759 = tpu.memref_slice %arg9[%dma_wait3A_1757, %dma_wait3A_1758] : memref<32x3xf32, #tpu.memory_space<vmem>> -> memref<1x3xf32, #tpu.memory_space<vmem>>
      tpu.wait_dma2 semaphore(%arg14 : memref<!tpu.dma_semaphore, #tpu.memory_space<semaphore_mem>>) src(%dma_wait3A_1759 : memref<1x3xf32, #tpu.memory_space<vmem>>) dst(%dma_wait3A_1756 : memref<1x3xf32, #tpu.memory_space<hbm>>)
    } else {
    }
    %div3A_1543 = arith.constant 2048 : i32
    %div3A_1544 = arith.divsi %reduce_sum3A_141, %div3A_1543 : i32
    %rem3A_1545 = arith.constant 32 : i32
    %rem3A_1546 = arith.remsi %div3A_1544, %rem3A_1545 : i32
    %eq3A_1547 = arith.cmpi eq, %rem3A_1546, %add3A : i32
    %convert_element_type3A_1548 = arith.extui %eq3A_1547 : i1 to i32
    %cond3A_1549 = arith.constant 0 : i32
    %cond3A_1550 = arith.cmpi ne, %convert_element_type3A_1548, %cond3A_1549 : i32
    scf.if %cond3A_1550 {
      %dma_start3A_1740 = arith.constant 8 : i32
      %dma_start3A_1741 = arith.constant 0 : i32
      %dma_start3A_1742 = tpu.memref_slice %arg9[%dma_start3A_1740, %dma_start3A_1741] : memref<32x3xf32, #tpu.memory_space<vmem>> -> memref<1x3xf32, #tpu.memory_space<vmem>>
      %dma_start3A_1743 = arith.constant 0 : i32
      %dma_start3A_1744 = tpu.memref_slice %arg6[%reduce_sum3A_141, %dma_start3A_1743] : memref<1000000x3xf32, #tpu.memory_space<hbm>> -> memref<1x3xf32, #tpu.memory_space<hbm>>
      %dma_start3A_1745 = arith.constant 0 : i32
      %dma_start3A_1746 = tpu.memref_slice %arg6[%reduce_sum3A_141, %dma_start3A_1745] : memref<1000000x3xf32, #tpu.memory_space<hbm>> -> memref<1x3xf32, #tpu.memory_space<hbm>>
      %dma_start3A_1747 = arith.constant 8 : i32
      %dma_start3A_1748 = arith.constant 0 : i32
      %dma_start3A_1749 = tpu.memref_slice %arg9[%dma_start3A_1747, %dma_start3A_1748] : memref<32x3xf32, #tpu.memory_space<vmem>> -> memref<1x3xf32, #tpu.memory_space<vmem>>
      tpu.enqueue_dma source(%dma_start3A_1749 : memref<1x3xf32, #tpu.memory_space<vmem>>) target(%dma_start3A_1746 : memref<1x3xf32, #tpu.memory_space<hbm>>) target_semaphore(%arg14 : memref<!tpu.dma_semaphore, #tpu.memory_space<semaphore_mem>>)
      %dma_wait3A_1750 = arith.constant 8 : i32
      %dma_wait3A_1751 = arith.constant 0 : i32
      %dma_wait3A_1752 = tpu.memref_slice %arg9[%dma_wait3A_1750, %dma_wait3A_1751] : memref<32x3xf32, #tpu.memory_space<vmem>> -> memref<1x3xf32, #tpu.memory_space<vmem>>
      %dma_wait3A_1753 = arith.constant 0 : i32
      %dma_wait3A_1754 = tpu.memref_slice %arg6[%reduce_sum3A_141, %dma_wait3A_1753] : memref<1000000x3xf32, #tpu.memory_space<hbm>> -> memref<1x3xf32, #tpu.memory_space<hbm>>
      %dma_wait3A_1755 = arith.constant 0 : i32
      %dma_wait3A_1756 = tpu.memref_slice %arg6[%reduce_sum3A_141, %dma_wait3A_1755] : memref<1000000x3xf32, #tpu.memory_space<hbm>> -> memref<1x3xf32, #tpu.memory_space<hbm>>
      %dma_wait3A_1757 = arith.constant 8 : i32
      %dma_wait3A_1758 = arith.constant 0 : i32
      %dma_wait3A_1759 = tpu.memref_slice %arg9[%dma_wait3A_1757, %dma_wait3A_1758] : memref<32x3xf32, #tpu.memory_space<vmem>> -> memref<1x3xf32, #tpu.memory_space<vmem>>
      tpu.wait_dma2 semaphore(%arg14 : memref<!tpu.dma_semaphore, #tpu.memory_space<semaphore_mem>>) src(%dma_wait3A_1759 : memref<1x3xf32, #tpu.memory_space<vmem>>) dst(%dma_wait3A_1756 : memref<1x3xf32, #tpu.memory_space<hbm>>)
    } else {
    }
    %div3A_1551 = arith.constant 2048 : i32
    %div3A_1552 = arith.divsi %reduce_sum3A_152, %div3A_1551 : i32
    %rem3A_1553 = arith.constant 32 : i32
    %rem3A_1554 = arith.remsi %div3A_1552, %rem3A_1553 : i32
    %eq3A_1555 = arith.cmpi eq, %rem3A_1554, %add3A : i32
    %convert_element_type3A_1556 = arith.extui %eq3A_1555 : i1 to i32
    %cond3A_1557 = arith.constant 0 : i32
    %cond3A_1558 = arith.cmpi ne, %convert_element_type3A_1556, %cond3A_1557 : i32
    scf.if %cond3A_1558 {
      %dma_start3A_1740 = arith.constant 9 : i32
      %dma_start3A_1741 = arith.constant 0 : i32
      %dma_start3A_1742 = tpu.memref_slice %arg9[%dma_start3A_1740, %dma_start3A_1741] : memref<32x3xf32, #tpu.memory_space<vmem>> -> memref<1x3xf32, #tpu.memory_space<vmem>>
      %dma_start3A_1743 = arith.constant 0 : i32
      %dma_start3A_1744 = tpu.memref_slice %arg6[%reduce_sum3A_152, %dma_start3A_1743] : memref<1000000x3xf32, #tpu.memory_space<hbm>> -> memref<1x3xf32, #tpu.memory_space<hbm>>
      %dma_start3A_1745 = arith.constant 0 : i32
      %dma_start3A_1746 = tpu.memref_slice %arg6[%reduce_sum3A_152, %dma_start3A_1745] : memref<1000000x3xf32, #tpu.memory_space<hbm>> -> memref<1x3xf32, #tpu.memory_space<hbm>>
      %dma_start3A_1747 = arith.constant 9 : i32
      %dma_start3A_1748 = arith.constant 0 : i32
      %dma_start3A_1749 = tpu.memref_slice %arg9[%dma_start3A_1747, %dma_start3A_1748] : memref<32x3xf32, #tpu.memory_space<vmem>> -> memref<1x3xf32, #tpu.memory_space<vmem>>
      tpu.enqueue_dma source(%dma_start3A_1749 : memref<1x3xf32, #tpu.memory_space<vmem>>) target(%dma_start3A_1746 : memref<1x3xf32, #tpu.memory_space<hbm>>) target_semaphore(%arg14 : memref<!tpu.dma_semaphore, #tpu.memory_space<semaphore_mem>>)
      %dma_wait3A_1750 = arith.constant 9 : i32
      %dma_wait3A_1751 = arith.constant 0 : i32
      %dma_wait3A_1752 = tpu.memref_slice %arg9[%dma_wait3A_1750, %dma_wait3A_1751] : memref<32x3xf32, #tpu.memory_space<vmem>> -> memref<1x3xf32, #tpu.memory_space<vmem>>
      %dma_wait3A_1753 = arith.constant 0 : i32
      %dma_wait3A_1754 = tpu.memref_slice %arg6[%reduce_sum3A_152, %dma_wait3A_1753] : memref<1000000x3xf32, #tpu.memory_space<hbm>> -> memref<1x3xf32, #tpu.memory_space<hbm>>
      %dma_wait3A_1755 = arith.constant 0 : i32
      %dma_wait3A_1756 = tpu.memref_slice %arg6[%reduce_sum3A_152, %dma_wait3A_1755] : memref<1000000x3xf32, #tpu.memory_space<hbm>> -> memref<1x3xf32, #tpu.memory_space<hbm>>
      %dma_wait3A_1757 = arith.constant 9 : i32
      %dma_wait3A_1758 = arith.constant 0 : i32
      %dma_wait3A_1759 = tpu.memref_slice %arg9[%dma_wait3A_1757, %dma_wait3A_1758] : memref<32x3xf32, #tpu.memory_space<vmem>> -> memref<1x3xf32, #tpu.memory_space<vmem>>
      tpu.wait_dma2 semaphore(%arg14 : memref<!tpu.dma_semaphore, #tpu.memory_space<semaphore_mem>>) src(%dma_wait3A_1759 : memref<1x3xf32, #tpu.memory_space<vmem>>) dst(%dma_wait3A_1756 : memref<1x3xf32, #tpu.memory_space<hbm>>)
    } else {
    }
    %div3A_1559 = arith.constant 2048 : i32
    %div3A_1560 = arith.divsi %reduce_sum3A_163, %div3A_1559 : i32
    %rem3A_1561 = arith.constant 32 : i32
    %rem3A_1562 = arith.remsi %div3A_1560, %rem3A_1561 : i32
    %eq3A_1563 = arith.cmpi eq, %rem3A_1562, %add3A : i32
    %convert_element_type3A_1564 = arith.extui %eq3A_1563 : i1 to i32
    %cond3A_1565 = arith.constant 0 : i32
    %cond3A_1566 = arith.cmpi ne, %convert_element_type3A_1564, %cond3A_1565 : i32
    scf.if %cond3A_1566 {
      %dma_start3A_1740 = arith.constant 10 : i32
      %dma_start3A_1741 = arith.constant 0 : i32
      %dma_start3A_1742 = tpu.memref_slice %arg9[%dma_start3A_1740, %dma_start3A_1741] : memref<32x3xf32, #tpu.memory_space<vmem>> -> memref<1x3xf32, #tpu.memory_space<vmem>>
      %dma_start3A_1743 = arith.constant 0 : i32
      %dma_start3A_1744 = tpu.memref_slice %arg6[%reduce_sum3A_163, %dma_start3A_1743] : memref<1000000x3xf32, #tpu.memory_space<hbm>> -> memref<1x3xf32, #tpu.memory_space<hbm>>
      %dma_start3A_1745 = arith.constant 0 : i32
      %dma_start3A_1746 = tpu.memref_slice %arg6[%reduce_sum3A_163, %dma_start3A_1745] : memref<1000000x3xf32, #tpu.memory_space<hbm>> -> memref<1x3xf32, #tpu.memory_space<hbm>>
      %dma_start3A_1747 = arith.constant 10 : i32
      %dma_start3A_1748 = arith.constant 0 : i32
      %dma_start3A_1749 = tpu.memref_slice %arg9[%dma_start3A_1747, %dma_start3A_1748] : memref<32x3xf32, #tpu.memory_space<vmem>> -> memref<1x3xf32, #tpu.memory_space<vmem>>
      tpu.enqueue_dma source(%dma_start3A_1749 : memref<1x3xf32, #tpu.memory_space<vmem>>) target(%dma_start3A_1746 : memref<1x3xf32, #tpu.memory_space<hbm>>) target_semaphore(%arg14 : memref<!tpu.dma_semaphore, #tpu.memory_space<semaphore_mem>>)
      %dma_wait3A_1750 = arith.constant 10 : i32
      %dma_wait3A_1751 = arith.constant 0 : i32
      %dma_wait3A_1752 = tpu.memref_slice %arg9[%dma_wait3A_1750, %dma_wait3A_1751] : memref<32x3xf32, #tpu.memory_space<vmem>> -> memref<1x3xf32, #tpu.memory_space<vmem>>
      %dma_wait3A_1753 = arith.constant 0 : i32
      %dma_wait3A_1754 = tpu.memref_slice %arg6[%reduce_sum3A_163, %dma_wait3A_1753] : memref<1000000x3xf32, #tpu.memory_space<hbm>> -> memref<1x3xf32, #tpu.memory_space<hbm>>
      %dma_wait3A_1755 = arith.constant 0 : i32
      %dma_wait3A_1756 = tpu.memref_slice %arg6[%reduce_sum3A_163, %dma_wait3A_1755] : memref<1000000x3xf32, #tpu.memory_space<hbm>> -> memref<1x3xf32, #tpu.memory_space<hbm>>
      %dma_wait3A_1757 = arith.constant 10 : i32
      %dma_wait3A_1758 = arith.constant 0 : i32
      %dma_wait3A_1759 = tpu.memref_slice %arg9[%dma_wait3A_1757, %dma_wait3A_1758] : memref<32x3xf32, #tpu.memory_space<vmem>> -> memref<1x3xf32, #tpu.memory_space<vmem>>
      tpu.wait_dma2 semaphore(%arg14 : memref<!tpu.dma_semaphore, #tpu.memory_space<semaphore_mem>>) src(%dma_wait3A_1759 : memref<1x3xf32, #tpu.memory_space<vmem>>) dst(%dma_wait3A_1756 : memref<1x3xf32, #tpu.memory_space<hbm>>)
    } else {
    }
    %div3A_1567 = arith.constant 2048 : i32
    %div3A_1568 = arith.divsi %reduce_sum3A_174, %div3A_1567 : i32
    %rem3A_1569 = arith.constant 32 : i32
    %rem3A_1570 = arith.remsi %div3A_1568, %rem3A_1569 : i32
    %eq3A_1571 = arith.cmpi eq, %rem3A_1570, %add3A : i32
    %convert_element_type3A_1572 = arith.extui %eq3A_1571 : i1 to i32
    %cond3A_1573 = arith.constant 0 : i32
    %cond3A_1574 = arith.cmpi ne, %convert_element_type3A_1572, %cond3A_1573 : i32
    scf.if %cond3A_1574 {
      %dma_start3A_1740 = arith.constant 11 : i32
      %dma_start3A_1741 = arith.constant 0 : i32
      %dma_start3A_1742 = tpu.memref_slice %arg9[%dma_start3A_1740, %dma_start3A_1741] : memref<32x3xf32, #tpu.memory_space<vmem>> -> memref<1x3xf32, #tpu.memory_space<vmem>>
      %dma_start3A_1743 = arith.constant 0 : i32
      %dma_start3A_1744 = tpu.memref_slice %arg6[%reduce_sum3A_174, %dma_start3A_1743] : memref<1000000x3xf32, #tpu.memory_space<hbm>> -> memref<1x3xf32, #tpu.memory_space<hbm>>
      %dma_start3A_1745 = arith.constant 0 : i32
      %dma_start3A_1746 = tpu.memref_slice %arg6[%reduce_sum3A_174, %dma_start3A_1745] : memref<1000000x3xf32, #tpu.memory_space<hbm>> -> memref<1x3xf32, #tpu.memory_space<hbm>>
      %dma_start3A_1747 = arith.constant 11 : i32
      %dma_start3A_1748 = arith.constant 0 : i32
      %dma_start3A_1749 = tpu.memref_slice %arg9[%dma_start3A_1747, %dma_start3A_1748] : memref<32x3xf32, #tpu.memory_space<vmem>> -> memref<1x3xf32, #tpu.memory_space<vmem>>
      tpu.enqueue_dma source(%dma_start3A_1749 : memref<1x3xf32, #tpu.memory_space<vmem>>) target(%dma_start3A_1746 : memref<1x3xf32, #tpu.memory_space<hbm>>) target_semaphore(%arg14 : memref<!tpu.dma_semaphore, #tpu.memory_space<semaphore_mem>>)
      %dma_wait3A_1750 = arith.constant 11 : i32
      %dma_wait3A_1751 = arith.constant 0 : i32
      %dma_wait3A_1752 = tpu.memref_slice %arg9[%dma_wait3A_1750, %dma_wait3A_1751] : memref<32x3xf32, #tpu.memory_space<vmem>> -> memref<1x3xf32, #tpu.memory_space<vmem>>
      %dma_wait3A_1753 = arith.constant 0 : i32
      %dma_wait3A_1754 = tpu.memref_slice %arg6[%reduce_sum3A_174, %dma_wait3A_1753] : memref<1000000x3xf32, #tpu.memory_space<hbm>> -> memref<1x3xf32, #tpu.memory_space<hbm>>
      %dma_wait3A_1755 = arith.constant 0 : i32
      %dma_wait3A_1756 = tpu.memref_slice %arg6[%reduce_sum3A_174, %dma_wait3A_1755] : memref<1000000x3xf32, #tpu.memory_space<hbm>> -> memref<1x3xf32, #tpu.memory_space<hbm>>
      %dma_wait3A_1757 = arith.constant 11 : i32
      %dma_wait3A_1758 = arith.constant 0 : i32
      %dma_wait3A_1759 = tpu.memref_slice %arg9[%dma_wait3A_1757, %dma_wait3A_1758] : memref<32x3xf32, #tpu.memory_space<vmem>> -> memref<1x3xf32, #tpu.memory_space<vmem>>
      tpu.wait_dma2 semaphore(%arg14 : memref<!tpu.dma_semaphore, #tpu.memory_space<semaphore_mem>>) src(%dma_wait3A_1759 : memref<1x3xf32, #tpu.memory_space<vmem>>) dst(%dma_wait3A_1756 : memref<1x3xf32, #tpu.memory_space<hbm>>)
    } else {
    }
    %div3A_1575 = arith.constant 2048 : i32
    %div3A_1576 = arith.divsi %reduce_sum3A_185, %div3A_1575 : i32
    %rem3A_1577 = arith.constant 32 : i32
    %rem3A_1578 = arith.remsi %div3A_1576, %rem3A_1577 : i32
    %eq3A_1579 = arith.cmpi eq, %rem3A_1578, %add3A : i32
    %convert_element_type3A_1580 = arith.extui %eq3A_1579 : i1 to i32
    %cond3A_1581 = arith.constant 0 : i32
    %cond3A_1582 = arith.cmpi ne, %convert_element_type3A_1580, %cond3A_1581 : i32
    scf.if %cond3A_1582 {
      %dma_start3A_1740 = arith.constant 12 : i32
      %dma_start3A_1741 = arith.constant 0 : i32
      %dma_start3A_1742 = tpu.memref_slice %arg9[%dma_start3A_1740, %dma_start3A_1741] : memref<32x3xf32, #tpu.memory_space<vmem>> -> memref<1x3xf32, #tpu.memory_space<vmem>>
      %dma_start3A_1743 = arith.constant 0 : i32
      %dma_start3A_1744 = tpu.memref_slice %arg6[%reduce_sum3A_185, %dma_start3A_1743] : memref<1000000x3xf32, #tpu.memory_space<hbm>> -> memref<1x3xf32, #tpu.memory_space<hbm>>
      %dma_start3A_1745 = arith.constant 0 : i32
      %dma_start3A_1746 = tpu.memref_slice %arg6[%reduce_sum3A_185, %dma_start3A_1745] : memref<1000000x3xf32, #tpu.memory_space<hbm>> -> memref<1x3xf32, #tpu.memory_space<hbm>>
      %dma_start3A_1747 = arith.constant 12 : i32
      %dma_start3A_1748 = arith.constant 0 : i32
      %dma_start3A_1749 = tpu.memref_slice %arg9[%dma_start3A_1747, %dma_start3A_1748] : memref<32x3xf32, #tpu.memory_space<vmem>> -> memref<1x3xf32, #tpu.memory_space<vmem>>
      tpu.enqueue_dma source(%dma_start3A_1749 : memref<1x3xf32, #tpu.memory_space<vmem>>) target(%dma_start3A_1746 : memref<1x3xf32, #tpu.memory_space<hbm>>) target_semaphore(%arg14 : memref<!tpu.dma_semaphore, #tpu.memory_space<semaphore_mem>>)
      %dma_wait3A_1750 = arith.constant 12 : i32
      %dma_wait3A_1751 = arith.constant 0 : i32
      %dma_wait3A_1752 = tpu.memref_slice %arg9[%dma_wait3A_1750, %dma_wait3A_1751] : memref<32x3xf32, #tpu.memory_space<vmem>> -> memref<1x3xf32, #tpu.memory_space<vmem>>
      %dma_wait3A_1753 = arith.constant 0 : i32
      %dma_wait3A_1754 = tpu.memref_slice %arg6[%reduce_sum3A_185, %dma_wait3A_1753] : memref<1000000x3xf32, #tpu.memory_space<hbm>> -> memref<1x3xf32, #tpu.memory_space<hbm>>
      %dma_wait3A_1755 = arith.constant 0 : i32
      %dma_wait3A_1756 = tpu.memref_slice %arg6[%reduce_sum3A_185, %dma_wait3A_1755] : memref<1000000x3xf32, #tpu.memory_space<hbm>> -> memref<1x3xf32, #tpu.memory_space<hbm>>
      %dma_wait3A_1757 = arith.constant 12 : i32
      %dma_wait3A_1758 = arith.constant 0 : i32
      %dma_wait3A_1759 = tpu.memref_slice %arg9[%dma_wait3A_1757, %dma_wait3A_1758] : memref<32x3xf32, #tpu.memory_space<vmem>> -> memref<1x3xf32, #tpu.memory_space<vmem>>
      tpu.wait_dma2 semaphore(%arg14 : memref<!tpu.dma_semaphore, #tpu.memory_space<semaphore_mem>>) src(%dma_wait3A_1759 : memref<1x3xf32, #tpu.memory_space<vmem>>) dst(%dma_wait3A_1756 : memref<1x3xf32, #tpu.memory_space<hbm>>)
    } else {
    }
    %div3A_1583 = arith.constant 2048 : i32
    %div3A_1584 = arith.divsi %reduce_sum3A_196, %div3A_1583 : i32
    %rem3A_1585 = arith.constant 32 : i32
    %rem3A_1586 = arith.remsi %div3A_1584, %rem3A_1585 : i32
    %eq3A_1587 = arith.cmpi eq, %rem3A_1586, %add3A : i32
    %convert_element_type3A_1588 = arith.extui %eq3A_1587 : i1 to i32
    %cond3A_1589 = arith.constant 0 : i32
    %cond3A_1590 = arith.cmpi ne, %convert_element_type3A_1588, %cond3A_1589 : i32
    scf.if %cond3A_1590 {
      %dma_start3A_1740 = arith.constant 13 : i32
      %dma_start3A_1741 = arith.constant 0 : i32
      %dma_start3A_1742 = tpu.memref_slice %arg9[%dma_start3A_1740, %dma_start3A_1741] : memref<32x3xf32, #tpu.memory_space<vmem>> -> memref<1x3xf32, #tpu.memory_space<vmem>>
      %dma_start3A_1743 = arith.constant 0 : i32
      %dma_start3A_1744 = tpu.memref_slice %arg6[%reduce_sum3A_196, %dma_start3A_1743] : memref<1000000x3xf32, #tpu.memory_space<hbm>> -> memref<1x3xf32, #tpu.memory_space<hbm>>
      %dma_start3A_1745 = arith.constant 0 : i32
      %dma_start3A_1746 = tpu.memref_slice %arg6[%reduce_sum3A_196, %dma_start3A_1745] : memref<1000000x3xf32, #tpu.memory_space<hbm>> -> memref<1x3xf32, #tpu.memory_space<hbm>>
      %dma_start3A_1747 = arith.constant 13 : i32
      %dma_start3A_1748 = arith.constant 0 : i32
      %dma_start3A_1749 = tpu.memref_slice %arg9[%dma_start3A_1747, %dma_start3A_1748] : memref<32x3xf32, #tpu.memory_space<vmem>> -> memref<1x3xf32, #tpu.memory_space<vmem>>
      tpu.enqueue_dma source(%dma_start3A_1749 : memref<1x3xf32, #tpu.memory_space<vmem>>) target(%dma_start3A_1746 : memref<1x3xf32, #tpu.memory_space<hbm>>) target_semaphore(%arg14 : memref<!tpu.dma_semaphore, #tpu.memory_space<semaphore_mem>>)
      %dma_wait3A_1750 = arith.constant 13 : i32
      %dma_wait3A_1751 = arith.constant 0 : i32
      %dma_wait3A_1752 = tpu.memref_slice %arg9[%dma_wait3A_1750, %dma_wait3A_1751] : memref<32x3xf32, #tpu.memory_space<vmem>> -> memref<1x3xf32, #tpu.memory_space<vmem>>
      %dma_wait3A_1753 = arith.constant 0 : i32
      %dma_wait3A_1754 = tpu.memref_slice %arg6[%reduce_sum3A_196, %dma_wait3A_1753] : memref<1000000x3xf32, #tpu.memory_space<hbm>> -> memref<1x3xf32, #tpu.memory_space<hbm>>
      %dma_wait3A_1755 = arith.constant 0 : i32
      %dma_wait3A_1756 = tpu.memref_slice %arg6[%reduce_sum3A_196, %dma_wait3A_1755] : memref<1000000x3xf32, #tpu.memory_space<hbm>> -> memref<1x3xf32, #tpu.memory_space<hbm>>
      %dma_wait3A_1757 = arith.constant 13 : i32
      %dma_wait3A_1758 = arith.constant 0 : i32
      %dma_wait3A_1759 = tpu.memref_slice %arg9[%dma_wait3A_1757, %dma_wait3A_1758] : memref<32x3xf32, #tpu.memory_space<vmem>> -> memref<1x3xf32, #tpu.memory_space<vmem>>
      tpu.wait_dma2 semaphore(%arg14 : memref<!tpu.dma_semaphore, #tpu.memory_space<semaphore_mem>>) src(%dma_wait3A_1759 : memref<1x3xf32, #tpu.memory_space<vmem>>) dst(%dma_wait3A_1756 : memref<1x3xf32, #tpu.memory_space<hbm>>)
    } else {
    }
    %div3A_1591 = arith.constant 2048 : i32
    %div3A_1592 = arith.divsi %reduce_sum3A_207, %div3A_1591 : i32
    %rem3A_1593 = arith.constant 32 : i32
    %rem3A_1594 = arith.remsi %div3A_1592, %rem3A_1593 : i32
    %eq3A_1595 = arith.cmpi eq, %rem3A_1594, %add3A : i32
    %convert_element_type3A_1596 = arith.extui %eq3A_1595 : i1 to i32
    %cond3A_1597 = arith.constant 0 : i32
    %cond3A_1598 = arith.cmpi ne, %convert_element_type3A_1596, %cond3A_1597 : i32
    scf.if %cond3A_1598 {
      %dma_start3A_1740 = arith.constant 14 : i32
      %dma_start3A_1741 = arith.constant 0 : i32
      %dma_start3A_1742 = tpu.memref_slice %arg9[%dma_start3A_1740, %dma_start3A_1741] : memref<32x3xf32, #tpu.memory_space<vmem>> -> memref<1x3xf32, #tpu.memory_space<vmem>>
      %dma_start3A_1743 = arith.constant 0 : i32
      %dma_start3A_1744 = tpu.memref_slice %arg6[%reduce_sum3A_207, %dma_start3A_1743] : memref<1000000x3xf32, #tpu.memory_space<hbm>> -> memref<1x3xf32, #tpu.memory_space<hbm>>
      %dma_start3A_1745 = arith.constant 0 : i32
      %dma_start3A_1746 = tpu.memref_slice %arg6[%reduce_sum3A_207, %dma_start3A_1745] : memref<1000000x3xf32, #tpu.memory_space<hbm>> -> memref<1x3xf32, #tpu.memory_space<hbm>>
      %dma_start3A_1747 = arith.constant 14 : i32
      %dma_start3A_1748 = arith.constant 0 : i32
      %dma_start3A_1749 = tpu.memref_slice %arg9[%dma_start3A_1747, %dma_start3A_1748] : memref<32x3xf32, #tpu.memory_space<vmem>> -> memref<1x3xf32, #tpu.memory_space<vmem>>
      tpu.enqueue_dma source(%dma_start3A_1749 : memref<1x3xf32, #tpu.memory_space<vmem>>) target(%dma_start3A_1746 : memref<1x3xf32, #tpu.memory_space<hbm>>) target_semaphore(%arg14 : memref<!tpu.dma_semaphore, #tpu.memory_space<semaphore_mem>>)
      %dma_wait3A_1750 = arith.constant 14 : i32
      %dma_wait3A_1751 = arith.constant 0 : i32
      %dma_wait3A_1752 = tpu.memref_slice %arg9[%dma_wait3A_1750, %dma_wait3A_1751] : memref<32x3xf32, #tpu.memory_space<vmem>> -> memref<1x3xf32, #tpu.memory_space<vmem>>
      %dma_wait3A_1753 = arith.constant 0 : i32
      %dma_wait3A_1754 = tpu.memref_slice %arg6[%reduce_sum3A_207, %dma_wait3A_1753] : memref<1000000x3xf32, #tpu.memory_space<hbm>> -> memref<1x3xf32, #tpu.memory_space<hbm>>
      %dma_wait3A_1755 = arith.constant 0 : i32
      %dma_wait3A_1756 = tpu.memref_slice %arg6[%reduce_sum3A_207, %dma_wait3A_1755] : memref<1000000x3xf32, #tpu.memory_space<hbm>> -> memref<1x3xf32, #tpu.memory_space<hbm>>
      %dma_wait3A_1757 = arith.constant 14 : i32
      %dma_wait3A_1758 = arith.constant 0 : i32
      %dma_wait3A_1759 = tpu.memref_slice %arg9[%dma_wait3A_1757, %dma_wait3A_1758] : memref<32x3xf32, #tpu.memory_space<vmem>> -> memref<1x3xf32, #tpu.memory_space<vmem>>
      tpu.wait_dma2 semaphore(%arg14 : memref<!tpu.dma_semaphore, #tpu.memory_space<semaphore_mem>>) src(%dma_wait3A_1759 : memref<1x3xf32, #tpu.memory_space<vmem>>) dst(%dma_wait3A_1756 : memref<1x3xf32, #tpu.memory_space<hbm>>)
    } else {
    }
    %div3A_1599 = arith.constant 2048 : i32
    %div3A_1600 = arith.divsi %reduce_sum3A_218, %div3A_1599 : i32
    %rem3A_1601 = arith.constant 32 : i32
    %rem3A_1602 = arith.remsi %div3A_1600, %rem3A_1601 : i32
    %eq3A_1603 = arith.cmpi eq, %rem3A_1602, %add3A : i32
    %convert_element_type3A_1604 = arith.extui %eq3A_1603 : i1 to i32
    %cond3A_1605 = arith.constant 0 : i32
    %cond3A_1606 = arith.cmpi ne, %convert_element_type3A_1604, %cond3A_1605 : i32
    scf.if %cond3A_1606 {
      %dma_start3A_1740 = arith.constant 15 : i32
      %dma_start3A_1741 = arith.constant 0 : i32
      %dma_start3A_1742 = tpu.memref_slice %arg9[%dma_start3A_1740, %dma_start3A_1741] : memref<32x3xf32, #tpu.memory_space<vmem>> -> memref<1x3xf32, #tpu.memory_space<vmem>>
      %dma_start3A_1743 = arith.constant 0 : i32
      %dma_start3A_1744 = tpu.memref_slice %arg6[%reduce_sum3A_218, %dma_start3A_1743] : memref<1000000x3xf32, #tpu.memory_space<hbm>> -> memref<1x3xf32, #tpu.memory_space<hbm>>
      %dma_start3A_1745 = arith.constant 0 : i32
      %dma_start3A_1746 = tpu.memref_slice %arg6[%reduce_sum3A_218, %dma_start3A_1745] : memref<1000000x3xf32, #tpu.memory_space<hbm>> -> memref<1x3xf32, #tpu.memory_space<hbm>>
      %dma_start3A_1747 = arith.constant 15 : i32
      %dma_start3A_1748 = arith.constant 0 : i32
      %dma_start3A_1749 = tpu.memref_slice %arg9[%dma_start3A_1747, %dma_start3A_1748] : memref<32x3xf32, #tpu.memory_space<vmem>> -> memref<1x3xf32, #tpu.memory_space<vmem>>
      tpu.enqueue_dma source(%dma_start3A_1749 : memref<1x3xf32, #tpu.memory_space<vmem>>) target(%dma_start3A_1746 : memref<1x3xf32, #tpu.memory_space<hbm>>) target_semaphore(%arg14 : memref<!tpu.dma_semaphore, #tpu.memory_space<semaphore_mem>>)
      %dma_wait3A_1750 = arith.constant 15 : i32
      %dma_wait3A_1751 = arith.constant 0 : i32
      %dma_wait3A_1752 = tpu.memref_slice %arg9[%dma_wait3A_1750, %dma_wait3A_1751] : memref<32x3xf32, #tpu.memory_space<vmem>> -> memref<1x3xf32, #tpu.memory_space<vmem>>
      %dma_wait3A_1753 = arith.constant 0 : i32
      %dma_wait3A_1754 = tpu.memref_slice %arg6[%reduce_sum3A_218, %dma_wait3A_1753] : memref<1000000x3xf32, #tpu.memory_space<hbm>> -> memref<1x3xf32, #tpu.memory_space<hbm>>
      %dma_wait3A_1755 = arith.constant 0 : i32
      %dma_wait3A_1756 = tpu.memref_slice %arg6[%reduce_sum3A_218, %dma_wait3A_1755] : memref<1000000x3xf32, #tpu.memory_space<hbm>> -> memref<1x3xf32, #tpu.memory_space<hbm>>
      %dma_wait3A_1757 = arith.constant 15 : i32
      %dma_wait3A_1758 = arith.constant 0 : i32
      %dma_wait3A_1759 = tpu.memref_slice %arg9[%dma_wait3A_1757, %dma_wait3A_1758] : memref<32x3xf32, #tpu.memory_space<vmem>> -> memref<1x3xf32, #tpu.memory_space<vmem>>
      tpu.wait_dma2 semaphore(%arg14 : memref<!tpu.dma_semaphore, #tpu.memory_space<semaphore_mem>>) src(%dma_wait3A_1759 : memref<1x3xf32, #tpu.memory_space<vmem>>) dst(%dma_wait3A_1756 : memref<1x3xf32, #tpu.memory_space<hbm>>)
    } else {
    }
    %div3A_1607 = arith.constant 2048 : i32
    %div3A_1608 = arith.divsi %reduce_sum3A_229, %div3A_1607 : i32
    %rem3A_1609 = arith.constant 32 : i32
    %rem3A_1610 = arith.remsi %div3A_1608, %rem3A_1609 : i32
    %eq3A_1611 = arith.cmpi eq, %rem3A_1610, %add3A : i32
    %convert_element_type3A_1612 = arith.extui %eq3A_1611 : i1 to i32
    %cond3A_1613 = arith.constant 0 : i32
    %cond3A_1614 = arith.cmpi ne, %convert_element_type3A_1612, %cond3A_1613 : i32
    scf.if %cond3A_1614 {
      %dma_start3A_1740 = arith.constant 16 : i32
      %dma_start3A_1741 = arith.constant 0 : i32
      %dma_start3A_1742 = tpu.memref_slice %arg9[%dma_start3A_1740, %dma_start3A_1741] : memref<32x3xf32, #tpu.memory_space<vmem>> -> memref<1x3xf32, #tpu.memory_space<vmem>>
      %dma_start3A_1743 = arith.constant 0 : i32
      %dma_start3A_1744 = tpu.memref_slice %arg6[%reduce_sum3A_229, %dma_start3A_1743] : memref<1000000x3xf32, #tpu.memory_space<hbm>> -> memref<1x3xf32, #tpu.memory_space<hbm>>
      %dma_start3A_1745 = arith.constant 0 : i32
      %dma_start3A_1746 = tpu.memref_slice %arg6[%reduce_sum3A_229, %dma_start3A_1745] : memref<1000000x3xf32, #tpu.memory_space<hbm>> -> memref<1x3xf32, #tpu.memory_space<hbm>>
      %dma_start3A_1747 = arith.constant 16 : i32
      %dma_start3A_1748 = arith.constant 0 : i32
      %dma_start3A_1749 = tpu.memref_slice %arg9[%dma_start3A_1747, %dma_start3A_1748] : memref<32x3xf32, #tpu.memory_space<vmem>> -> memref<1x3xf32, #tpu.memory_space<vmem>>
      tpu.enqueue_dma source(%dma_start3A_1749 : memref<1x3xf32, #tpu.memory_space<vmem>>) target(%dma_start3A_1746 : memref<1x3xf32, #tpu.memory_space<hbm>>) target_semaphore(%arg14 : memref<!tpu.dma_semaphore, #tpu.memory_space<semaphore_mem>>)
      %dma_wait3A_1750 = arith.constant 16 : i32
      %dma_wait3A_1751 = arith.constant 0 : i32
      %dma_wait3A_1752 = tpu.memref_slice %arg9[%dma_wait3A_1750, %dma_wait3A_1751] : memref<32x3xf32, #tpu.memory_space<vmem>> -> memref<1x3xf32, #tpu.memory_space<vmem>>
      %dma_wait3A_1753 = arith.constant 0 : i32
      %dma_wait3A_1754 = tpu.memref_slice %arg6[%reduce_sum3A_229, %dma_wait3A_1753] : memref<1000000x3xf32, #tpu.memory_space<hbm>> -> memref<1x3xf32, #tpu.memory_space<hbm>>
      %dma_wait3A_1755 = arith.constant 0 : i32
      %dma_wait3A_1756 = tpu.memref_slice %arg6[%reduce_sum3A_229, %dma_wait3A_1755] : memref<1000000x3xf32, #tpu.memory_space<hbm>> -> memref<1x3xf32, #tpu.memory_space<hbm>>
      %dma_wait3A_1757 = arith.constant 16 : i32
      %dma_wait3A_1758 = arith.constant 0 : i32
      %dma_wait3A_1759 = tpu.memref_slice %arg9[%dma_wait3A_1757, %dma_wait3A_1758] : memref<32x3xf32, #tpu.memory_space<vmem>> -> memref<1x3xf32, #tpu.memory_space<vmem>>
      tpu.wait_dma2 semaphore(%arg14 : memref<!tpu.dma_semaphore, #tpu.memory_space<semaphore_mem>>) src(%dma_wait3A_1759 : memref<1x3xf32, #tpu.memory_space<vmem>>) dst(%dma_wait3A_1756 : memref<1x3xf32, #tpu.memory_space<hbm>>)
    } else {
    }
    %div3A_1615 = arith.constant 2048 : i32
    %div3A_1616 = arith.divsi %reduce_sum3A_240, %div3A_1615 : i32
    %rem3A_1617 = arith.constant 32 : i32
    %rem3A_1618 = arith.remsi %div3A_1616, %rem3A_1617 : i32
    %eq3A_1619 = arith.cmpi eq, %rem3A_1618, %add3A : i32
    %convert_element_type3A_1620 = arith.extui %eq3A_1619 : i1 to i32
    %cond3A_1621 = arith.constant 0 : i32
    %cond3A_1622 = arith.cmpi ne, %convert_element_type3A_1620, %cond3A_1621 : i32
    scf.if %cond3A_1622 {
      %dma_start3A_1740 = arith.constant 17 : i32
      %dma_start3A_1741 = arith.constant 0 : i32
      %dma_start3A_1742 = tpu.memref_slice %arg9[%dma_start3A_1740, %dma_start3A_1741] : memref<32x3xf32, #tpu.memory_space<vmem>> -> memref<1x3xf32, #tpu.memory_space<vmem>>
      %dma_start3A_1743 = arith.constant 0 : i32
      %dma_start3A_1744 = tpu.memref_slice %arg6[%reduce_sum3A_240, %dma_start3A_1743] : memref<1000000x3xf32, #tpu.memory_space<hbm>> -> memref<1x3xf32, #tpu.memory_space<hbm>>
      %dma_start3A_1745 = arith.constant 0 : i32
      %dma_start3A_1746 = tpu.memref_slice %arg6[%reduce_sum3A_240, %dma_start3A_1745] : memref<1000000x3xf32, #tpu.memory_space<hbm>> -> memref<1x3xf32, #tpu.memory_space<hbm>>
      %dma_start3A_1747 = arith.constant 17 : i32
      %dma_start3A_1748 = arith.constant 0 : i32
      %dma_start3A_1749 = tpu.memref_slice %arg9[%dma_start3A_1747, %dma_start3A_1748] : memref<32x3xf32, #tpu.memory_space<vmem>> -> memref<1x3xf32, #tpu.memory_space<vmem>>
      tpu.enqueue_dma source(%dma_start3A_1749 : memref<1x3xf32, #tpu.memory_space<vmem>>) target(%dma_start3A_1746 : memref<1x3xf32, #tpu.memory_space<hbm>>) target_semaphore(%arg14 : memref<!tpu.dma_semaphore, #tpu.memory_space<semaphore_mem>>)
      %dma_wait3A_1750 = arith.constant 17 : i32
      %dma_wait3A_1751 = arith.constant 0 : i32
      %dma_wait3A_1752 = tpu.memref_slice %arg9[%dma_wait3A_1750, %dma_wait3A_1751] : memref<32x3xf32, #tpu.memory_space<vmem>> -> memref<1x3xf32, #tpu.memory_space<vmem>>
      %dma_wait3A_1753 = arith.constant 0 : i32
      %dma_wait3A_1754 = tpu.memref_slice %arg6[%reduce_sum3A_240, %dma_wait3A_1753] : memref<1000000x3xf32, #tpu.memory_space<hbm>> -> memref<1x3xf32, #tpu.memory_space<hbm>>
      %dma_wait3A_1755 = arith.constant 0 : i32
      %dma_wait3A_1756 = tpu.memref_slice %arg6[%reduce_sum3A_240, %dma_wait3A_1755] : memref<1000000x3xf32, #tpu.memory_space<hbm>> -> memref<1x3xf32, #tpu.memory_space<hbm>>
      %dma_wait3A_1757 = arith.constant 17 : i32
      %dma_wait3A_1758 = arith.constant 0 : i32
      %dma_wait3A_1759 = tpu.memref_slice %arg9[%dma_wait3A_1757, %dma_wait3A_1758] : memref<32x3xf32, #tpu.memory_space<vmem>> -> memref<1x3xf32, #tpu.memory_space<vmem>>
      tpu.wait_dma2 semaphore(%arg14 : memref<!tpu.dma_semaphore, #tpu.memory_space<semaphore_mem>>) src(%dma_wait3A_1759 : memref<1x3xf32, #tpu.memory_space<vmem>>) dst(%dma_wait3A_1756 : memref<1x3xf32, #tpu.memory_space<hbm>>)
    } else {
    }
    %div3A_1623 = arith.constant 2048 : i32
    %div3A_1624 = arith.divsi %reduce_sum3A_251, %div3A_1623 : i32
    %rem3A_1625 = arith.constant 32 : i32
    %rem3A_1626 = arith.remsi %div3A_1624, %rem3A_1625 : i32
    %eq3A_1627 = arith.cmpi eq, %rem3A_1626, %add3A : i32
    %convert_element_type3A_1628 = arith.extui %eq3A_1627 : i1 to i32
    %cond3A_1629 = arith.constant 0 : i32
    %cond3A_1630 = arith.cmpi ne, %convert_element_type3A_1628, %cond3A_1629 : i32
    scf.if %cond3A_1630 {
      %dma_start3A_1740 = arith.constant 18 : i32
      %dma_start3A_1741 = arith.constant 0 : i32
      %dma_start3A_1742 = tpu.memref_slice %arg9[%dma_start3A_1740, %dma_start3A_1741] : memref<32x3xf32, #tpu.memory_space<vmem>> -> memref<1x3xf32, #tpu.memory_space<vmem>>
      %dma_start3A_1743 = arith.constant 0 : i32
      %dma_start3A_1744 = tpu.memref_slice %arg6[%reduce_sum3A_251, %dma_start3A_1743] : memref<1000000x3xf32, #tpu.memory_space<hbm>> -> memref<1x3xf32, #tpu.memory_space<hbm>>
      %dma_start3A_1745 = arith.constant 0 : i32
      %dma_start3A_1746 = tpu.memref_slice %arg6[%reduce_sum3A_251, %dma_start3A_1745] : memref<1000000x3xf32, #tpu.memory_space<hbm>> -> memref<1x3xf32, #tpu.memory_space<hbm>>
      %dma_start3A_1747 = arith.constant 18 : i32
      %dma_start3A_1748 = arith.constant 0 : i32
      %dma_start3A_1749 = tpu.memref_slice %arg9[%dma_start3A_1747, %dma_start3A_1748] : memref<32x3xf32, #tpu.memory_space<vmem>> -> memref<1x3xf32, #tpu.memory_space<vmem>>
      tpu.enqueue_dma source(%dma_start3A_1749 : memref<1x3xf32, #tpu.memory_space<vmem>>) target(%dma_start3A_1746 : memref<1x3xf32, #tpu.memory_space<hbm>>) target_semaphore(%arg14 : memref<!tpu.dma_semaphore, #tpu.memory_space<semaphore_mem>>)
      %dma_wait3A_1750 = arith.constant 18 : i32
      %dma_wait3A_1751 = arith.constant 0 : i32
      %dma_wait3A_1752 = tpu.memref_slice %arg9[%dma_wait3A_1750, %dma_wait3A_1751] : memref<32x3xf32, #tpu.memory_space<vmem>> -> memref<1x3xf32, #tpu.memory_space<vmem>>
      %dma_wait3A_1753 = arith.constant 0 : i32
      %dma_wait3A_1754 = tpu.memref_slice %arg6[%reduce_sum3A_251, %dma_wait3A_1753] : memref<1000000x3xf32, #tpu.memory_space<hbm>> -> memref<1x3xf32, #tpu.memory_space<hbm>>
      %dma_wait3A_1755 = arith.constant 0 : i32
      %dma_wait3A_1756 = tpu.memref_slice %arg6[%reduce_sum3A_251, %dma_wait3A_1755] : memref<1000000x3xf32, #tpu.memory_space<hbm>> -> memref<1x3xf32, #tpu.memory_space<hbm>>
      %dma_wait3A_1757 = arith.constant 18 : i32
      %dma_wait3A_1758 = arith.constant 0 : i32
      %dma_wait3A_1759 = tpu.memref_slice %arg9[%dma_wait3A_1757, %dma_wait3A_1758] : memref<32x3xf32, #tpu.memory_space<vmem>> -> memref<1x3xf32, #tpu.memory_space<vmem>>
      tpu.wait_dma2 semaphore(%arg14 : memref<!tpu.dma_semaphore, #tpu.memory_space<semaphore_mem>>) src(%dma_wait3A_1759 : memref<1x3xf32, #tpu.memory_space<vmem>>) dst(%dma_wait3A_1756 : memref<1x3xf32, #tpu.memory_space<hbm>>)
    } else {
    }
    %div3A_1631 = arith.constant 2048 : i32
    %div3A_1632 = arith.divsi %reduce_sum3A_262, %div3A_1631 : i32
    %rem3A_1633 = arith.constant 32 : i32
    %rem3A_1634 = arith.remsi %div3A_1632, %rem3A_1633 : i32
    %eq3A_1635 = arith.cmpi eq, %rem3A_1634, %add3A : i32
    %convert_element_type3A_1636 = arith.extui %eq3A_1635 : i1 to i32
    %cond3A_1637 = arith.constant 0 : i32
    %cond3A_1638 = arith.cmpi ne, %convert_element_type3A_1636, %cond3A_1637 : i32
    scf.if %cond3A_1638 {
      %dma_start3A_1740 = arith.constant 19 : i32
      %dma_start3A_1741 = arith.constant 0 : i32
      %dma_start3A_1742 = tpu.memref_slice %arg9[%dma_start3A_1740, %dma_start3A_1741] : memref<32x3xf32, #tpu.memory_space<vmem>> -> memref<1x3xf32, #tpu.memory_space<vmem>>
      %dma_start3A_1743 = arith.constant 0 : i32
      %dma_start3A_1744 = tpu.memref_slice %arg6[%reduce_sum3A_262, %dma_start3A_1743] : memref<1000000x3xf32, #tpu.memory_space<hbm>> -> memref<1x3xf32, #tpu.memory_space<hbm>>
      %dma_start3A_1745 = arith.constant 0 : i32
      %dma_start3A_1746 = tpu.memref_slice %arg6[%reduce_sum3A_262, %dma_start3A_1745] : memref<1000000x3xf32, #tpu.memory_space<hbm>> -> memref<1x3xf32, #tpu.memory_space<hbm>>
      %dma_start3A_1747 = arith.constant 19 : i32
      %dma_start3A_1748 = arith.constant 0 : i32
      %dma_start3A_1749 = tpu.memref_slice %arg9[%dma_start3A_1747, %dma_start3A_1748] : memref<32x3xf32, #tpu.memory_space<vmem>> -> memref<1x3xf32, #tpu.memory_space<vmem>>
      tpu.enqueue_dma source(%dma_start3A_1749 : memref<1x3xf32, #tpu.memory_space<vmem>>) target(%dma_start3A_1746 : memref<1x3xf32, #tpu.memory_space<hbm>>) target_semaphore(%arg14 : memref<!tpu.dma_semaphore, #tpu.memory_space<semaphore_mem>>)
      %dma_wait3A_1750 = arith.constant 19 : i32
      %dma_wait3A_1751 = arith.constant 0 : i32
      %dma_wait3A_1752 = tpu.memref_slice %arg9[%dma_wait3A_1750, %dma_wait3A_1751] : memref<32x3xf32, #tpu.memory_space<vmem>> -> memref<1x3xf32, #tpu.memory_space<vmem>>
      %dma_wait3A_1753 = arith.constant 0 : i32
      %dma_wait3A_1754 = tpu.memref_slice %arg6[%reduce_sum3A_262, %dma_wait3A_1753] : memref<1000000x3xf32, #tpu.memory_space<hbm>> -> memref<1x3xf32, #tpu.memory_space<hbm>>
      %dma_wait3A_1755 = arith.constant 0 : i32
      %dma_wait3A_1756 = tpu.memref_slice %arg6[%reduce_sum3A_262, %dma_wait3A_1755] : memref<1000000x3xf32, #tpu.memory_space<hbm>> -> memref<1x3xf32, #tpu.memory_space<hbm>>
      %dma_wait3A_1757 = arith.constant 19 : i32
      %dma_wait3A_1758 = arith.constant 0 : i32
      %dma_wait3A_1759 = tpu.memref_slice %arg9[%dma_wait3A_1757, %dma_wait3A_1758] : memref<32x3xf32, #tpu.memory_space<vmem>> -> memref<1x3xf32, #tpu.memory_space<vmem>>
      tpu.wait_dma2 semaphore(%arg14 : memref<!tpu.dma_semaphore, #tpu.memory_space<semaphore_mem>>) src(%dma_wait3A_1759 : memref<1x3xf32, #tpu.memory_space<vmem>>) dst(%dma_wait3A_1756 : memref<1x3xf32, #tpu.memory_space<hbm>>)
    } else {
    }
    %div3A_1639 = arith.constant 2048 : i32
    %div3A_1640 = arith.divsi %reduce_sum3A_273, %div3A_1639 : i32
    %rem3A_1641 = arith.constant 32 : i32
    %rem3A_1642 = arith.remsi %div3A_1640, %rem3A_1641 : i32
    %eq3A_1643 = arith.cmpi eq, %rem3A_1642, %add3A : i32
    %convert_element_type3A_1644 = arith.extui %eq3A_1643 : i1 to i32
    %cond3A_1645 = arith.constant 0 : i32
    %cond3A_1646 = arith.cmpi ne, %convert_element_type3A_1644, %cond3A_1645 : i32
    scf.if %cond3A_1646 {
      %dma_start3A_1740 = arith.constant 20 : i32
      %dma_start3A_1741 = arith.constant 0 : i32
      %dma_start3A_1742 = tpu.memref_slice %arg9[%dma_start3A_1740, %dma_start3A_1741] : memref<32x3xf32, #tpu.memory_space<vmem>> -> memref<1x3xf32, #tpu.memory_space<vmem>>
      %dma_start3A_1743 = arith.constant 0 : i32
      %dma_start3A_1744 = tpu.memref_slice %arg6[%reduce_sum3A_273, %dma_start3A_1743] : memref<1000000x3xf32, #tpu.memory_space<hbm>> -> memref<1x3xf32, #tpu.memory_space<hbm>>
      %dma_start3A_1745 = arith.constant 0 : i32
      %dma_start3A_1746 = tpu.memref_slice %arg6[%reduce_sum3A_273, %dma_start3A_1745] : memref<1000000x3xf32, #tpu.memory_space<hbm>> -> memref<1x3xf32, #tpu.memory_space<hbm>>
      %dma_start3A_1747 = arith.constant 20 : i32
      %dma_start3A_1748 = arith.constant 0 : i32
      %dma_start3A_1749 = tpu.memref_slice %arg9[%dma_start3A_1747, %dma_start3A_1748] : memref<32x3xf32, #tpu.memory_space<vmem>> -> memref<1x3xf32, #tpu.memory_space<vmem>>
      tpu.enqueue_dma source(%dma_start3A_1749 : memref<1x3xf32, #tpu.memory_space<vmem>>) target(%dma_start3A_1746 : memref<1x3xf32, #tpu.memory_space<hbm>>) target_semaphore(%arg14 : memref<!tpu.dma_semaphore, #tpu.memory_space<semaphore_mem>>)
      %dma_wait3A_1750 = arith.constant 20 : i32
      %dma_wait3A_1751 = arith.constant 0 : i32
      %dma_wait3A_1752 = tpu.memref_slice %arg9[%dma_wait3A_1750, %dma_wait3A_1751] : memref<32x3xf32, #tpu.memory_space<vmem>> -> memref<1x3xf32, #tpu.memory_space<vmem>>
      %dma_wait3A_1753 = arith.constant 0 : i32
      %dma_wait3A_1754 = tpu.memref_slice %arg6[%reduce_sum3A_273, %dma_wait3A_1753] : memref<1000000x3xf32, #tpu.memory_space<hbm>> -> memref<1x3xf32, #tpu.memory_space<hbm>>
      %dma_wait3A_1755 = arith.constant 0 : i32
      %dma_wait3A_1756 = tpu.memref_slice %arg6[%reduce_sum3A_273, %dma_wait3A_1755] : memref<1000000x3xf32, #tpu.memory_space<hbm>> -> memref<1x3xf32, #tpu.memory_space<hbm>>
      %dma_wait3A_1757 = arith.constant 20 : i32
      %dma_wait3A_1758 = arith.constant 0 : i32
      %dma_wait3A_1759 = tpu.memref_slice %arg9[%dma_wait3A_1757, %dma_wait3A_1758] : memref<32x3xf32, #tpu.memory_space<vmem>> -> memref<1x3xf32, #tpu.memory_space<vmem>>
      tpu.wait_dma2 semaphore(%arg14 : memref<!tpu.dma_semaphore, #tpu.memory_space<semaphore_mem>>) src(%dma_wait3A_1759 : memref<1x3xf32, #tpu.memory_space<vmem>>) dst(%dma_wait3A_1756 : memref<1x3xf32, #tpu.memory_space<hbm>>)
    } else {
    }
    %div3A_1647 = arith.constant 2048 : i32
    %div3A_1648 = arith.divsi %reduce_sum3A_284, %div3A_1647 : i32
    %rem3A_1649 = arith.constant 32 : i32
    %rem3A_1650 = arith.remsi %div3A_1648, %rem3A_1649 : i32
    %eq3A_1651 = arith.cmpi eq, %rem3A_1650, %add3A : i32
    %convert_element_type3A_1652 = arith.extui %eq3A_1651 : i1 to i32
    %cond3A_1653 = arith.constant 0 : i32
    %cond3A_1654 = arith.cmpi ne, %convert_element_type3A_1652, %cond3A_1653 : i32
    scf.if %cond3A_1654 {
      %dma_start3A_1740 = arith.constant 21 : i32
      %dma_start3A_1741 = arith.constant 0 : i32
      %dma_start3A_1742 = tpu.memref_slice %arg9[%dma_start3A_1740, %dma_start3A_1741] : memref<32x3xf32, #tpu.memory_space<vmem>> -> memref<1x3xf32, #tpu.memory_space<vmem>>
      %dma_start3A_1743 = arith.constant 0 : i32
      %dma_start3A_1744 = tpu.memref_slice %arg6[%reduce_sum3A_284, %dma_start3A_1743] : memref<1000000x3xf32, #tpu.memory_space<hbm>> -> memref<1x3xf32, #tpu.memory_space<hbm>>
      %dma_start3A_1745 = arith.constant 0 : i32
      %dma_start3A_1746 = tpu.memref_slice %arg6[%reduce_sum3A_284, %dma_start3A_1745] : memref<1000000x3xf32, #tpu.memory_space<hbm>> -> memref<1x3xf32, #tpu.memory_space<hbm>>
      %dma_start3A_1747 = arith.constant 21 : i32
      %dma_start3A_1748 = arith.constant 0 : i32
      %dma_start3A_1749 = tpu.memref_slice %arg9[%dma_start3A_1747, %dma_start3A_1748] : memref<32x3xf32, #tpu.memory_space<vmem>> -> memref<1x3xf32, #tpu.memory_space<vmem>>
      tpu.enqueue_dma source(%dma_start3A_1749 : memref<1x3xf32, #tpu.memory_space<vmem>>) target(%dma_start3A_1746 : memref<1x3xf32, #tpu.memory_space<hbm>>) target_semaphore(%arg14 : memref<!tpu.dma_semaphore, #tpu.memory_space<semaphore_mem>>)
      %dma_wait3A_1750 = arith.constant 21 : i32
      %dma_wait3A_1751 = arith.constant 0 : i32
      %dma_wait3A_1752 = tpu.memref_slice %arg9[%dma_wait3A_1750, %dma_wait3A_1751] : memref<32x3xf32, #tpu.memory_space<vmem>> -> memref<1x3xf32, #tpu.memory_space<vmem>>
      %dma_wait3A_1753 = arith.constant 0 : i32
      %dma_wait3A_1754 = tpu.memref_slice %arg6[%reduce_sum3A_284, %dma_wait3A_1753] : memref<1000000x3xf32, #tpu.memory_space<hbm>> -> memref<1x3xf32, #tpu.memory_space<hbm>>
      %dma_wait3A_1755 = arith.constant 0 : i32
      %dma_wait3A_1756 = tpu.memref_slice %arg6[%reduce_sum3A_284, %dma_wait3A_1755] : memref<1000000x3xf32, #tpu.memory_space<hbm>> -> memref<1x3xf32, #tpu.memory_space<hbm>>
      %dma_wait3A_1757 = arith.constant 21 : i32
      %dma_wait3A_1758 = arith.constant 0 : i32
      %dma_wait3A_1759 = tpu.memref_slice %arg9[%dma_wait3A_1757, %dma_wait3A_1758] : memref<32x3xf32, #tpu.memory_space<vmem>> -> memref<1x3xf32, #tpu.memory_space<vmem>>
      tpu.wait_dma2 semaphore(%arg14 : memref<!tpu.dma_semaphore, #tpu.memory_space<semaphore_mem>>) src(%dma_wait3A_1759 : memref<1x3xf32, #tpu.memory_space<vmem>>) dst(%dma_wait3A_1756 : memref<1x3xf32, #tpu.memory_space<hbm>>)
    } else {
    }
    %div3A_1655 = arith.constant 2048 : i32
    %div3A_1656 = arith.divsi %reduce_sum3A_295, %div3A_1655 : i32
    %rem3A_1657 = arith.constant 32 : i32
    %rem3A_1658 = arith.remsi %div3A_1656, %rem3A_1657 : i32
    %eq3A_1659 = arith.cmpi eq, %rem3A_1658, %add3A : i32
    %convert_element_type3A_1660 = arith.extui %eq3A_1659 : i1 to i32
    %cond3A_1661 = arith.constant 0 : i32
    %cond3A_1662 = arith.cmpi ne, %convert_element_type3A_1660, %cond3A_1661 : i32
    scf.if %cond3A_1662 {
      %dma_start3A_1740 = arith.constant 22 : i32
      %dma_start3A_1741 = arith.constant 0 : i32
      %dma_start3A_1742 = tpu.memref_slice %arg9[%dma_start3A_1740, %dma_start3A_1741] : memref<32x3xf32, #tpu.memory_space<vmem>> -> memref<1x3xf32, #tpu.memory_space<vmem>>
      %dma_start3A_1743 = arith.constant 0 : i32
      %dma_start3A_1744 = tpu.memref_slice %arg6[%reduce_sum3A_295, %dma_start3A_1743] : memref<1000000x3xf32, #tpu.memory_space<hbm>> -> memref<1x3xf32, #tpu.memory_space<hbm>>
      %dma_start3A_1745 = arith.constant 0 : i32
      %dma_start3A_1746 = tpu.memref_slice %arg6[%reduce_sum3A_295, %dma_start3A_1745] : memref<1000000x3xf32, #tpu.memory_space<hbm>> -> memref<1x3xf32, #tpu.memory_space<hbm>>
      %dma_start3A_1747 = arith.constant 22 : i32
      %dma_start3A_1748 = arith.constant 0 : i32
      %dma_start3A_1749 = tpu.memref_slice %arg9[%dma_start3A_1747, %dma_start3A_1748] : memref<32x3xf32, #tpu.memory_space<vmem>> -> memref<1x3xf32, #tpu.memory_space<vmem>>
      tpu.enqueue_dma source(%dma_start3A_1749 : memref<1x3xf32, #tpu.memory_space<vmem>>) target(%dma_start3A_1746 : memref<1x3xf32, #tpu.memory_space<hbm>>) target_semaphore(%arg14 : memref<!tpu.dma_semaphore, #tpu.memory_space<semaphore_mem>>)
      %dma_wait3A_1750 = arith.constant 22 : i32
      %dma_wait3A_1751 = arith.constant 0 : i32
      %dma_wait3A_1752 = tpu.memref_slice %arg9[%dma_wait3A_1750, %dma_wait3A_1751] : memref<32x3xf32, #tpu.memory_space<vmem>> -> memref<1x3xf32, #tpu.memory_space<vmem>>
      %dma_wait3A_1753 = arith.constant 0 : i32
      %dma_wait3A_1754 = tpu.memref_slice %arg6[%reduce_sum3A_295, %dma_wait3A_1753] : memref<1000000x3xf32, #tpu.memory_space<hbm>> -> memref<1x3xf32, #tpu.memory_space<hbm>>
      %dma_wait3A_1755 = arith.constant 0 : i32
      %dma_wait3A_1756 = tpu.memref_slice %arg6[%reduce_sum3A_295, %dma_wait3A_1755] : memref<1000000x3xf32, #tpu.memory_space<hbm>> -> memref<1x3xf32, #tpu.memory_space<hbm>>
      %dma_wait3A_1757 = arith.constant 22 : i32
      %dma_wait3A_1758 = arith.constant 0 : i32
      %dma_wait3A_1759 = tpu.memref_slice %arg9[%dma_wait3A_1757, %dma_wait3A_1758] : memref<32x3xf32, #tpu.memory_space<vmem>> -> memref<1x3xf32, #tpu.memory_space<vmem>>
      tpu.wait_dma2 semaphore(%arg14 : memref<!tpu.dma_semaphore, #tpu.memory_space<semaphore_mem>>) src(%dma_wait3A_1759 : memref<1x3xf32, #tpu.memory_space<vmem>>) dst(%dma_wait3A_1756 : memref<1x3xf32, #tpu.memory_space<hbm>>)
    } else {
    }
    %div3A_1663 = arith.constant 2048 : i32
    %div3A_1664 = arith.divsi %reduce_sum3A_306, %div3A_1663 : i32
    %rem3A_1665 = arith.constant 32 : i32
    %rem3A_1666 = arith.remsi %div3A_1664, %rem3A_1665 : i32
    %eq3A_1667 = arith.cmpi eq, %rem3A_1666, %add3A : i32
    %convert_element_type3A_1668 = arith.extui %eq3A_1667 : i1 to i32
    %cond3A_1669 = arith.constant 0 : i32
    %cond3A_1670 = arith.cmpi ne, %convert_element_type3A_1668, %cond3A_1669 : i32
    scf.if %cond3A_1670 {
      %dma_start3A_1740 = arith.constant 23 : i32
      %dma_start3A_1741 = arith.constant 0 : i32
      %dma_start3A_1742 = tpu.memref_slice %arg9[%dma_start3A_1740, %dma_start3A_1741] : memref<32x3xf32, #tpu.memory_space<vmem>> -> memref<1x3xf32, #tpu.memory_space<vmem>>
      %dma_start3A_1743 = arith.constant 0 : i32
      %dma_start3A_1744 = tpu.memref_slice %arg6[%reduce_sum3A_306, %dma_start3A_1743] : memref<1000000x3xf32, #tpu.memory_space<hbm>> -> memref<1x3xf32, #tpu.memory_space<hbm>>
      %dma_start3A_1745 = arith.constant 0 : i32
      %dma_start3A_1746 = tpu.memref_slice %arg6[%reduce_sum3A_306, %dma_start3A_1745] : memref<1000000x3xf32, #tpu.memory_space<hbm>> -> memref<1x3xf32, #tpu.memory_space<hbm>>
      %dma_start3A_1747 = arith.constant 23 : i32
      %dma_start3A_1748 = arith.constant 0 : i32
      %dma_start3A_1749 = tpu.memref_slice %arg9[%dma_start3A_1747, %dma_start3A_1748] : memref<32x3xf32, #tpu.memory_space<vmem>> -> memref<1x3xf32, #tpu.memory_space<vmem>>
      tpu.enqueue_dma source(%dma_start3A_1749 : memref<1x3xf32, #tpu.memory_space<vmem>>) target(%dma_start3A_1746 : memref<1x3xf32, #tpu.memory_space<hbm>>) target_semaphore(%arg14 : memref<!tpu.dma_semaphore, #tpu.memory_space<semaphore_mem>>)
      %dma_wait3A_1750 = arith.constant 23 : i32
      %dma_wait3A_1751 = arith.constant 0 : i32
      %dma_wait3A_1752 = tpu.memref_slice %arg9[%dma_wait3A_1750, %dma_wait3A_1751] : memref<32x3xf32, #tpu.memory_space<vmem>> -> memref<1x3xf32, #tpu.memory_space<vmem>>
      %dma_wait3A_1753 = arith.constant 0 : i32
      %dma_wait3A_1754 = tpu.memref_slice %arg6[%reduce_sum3A_306, %dma_wait3A_1753] : memref<1000000x3xf32, #tpu.memory_space<hbm>> -> memref<1x3xf32, #tpu.memory_space<hbm>>
      %dma_wait3A_1755 = arith.constant 0 : i32
      %dma_wait3A_1756 = tpu.memref_slice %arg6[%reduce_sum3A_306, %dma_wait3A_1755] : memref<1000000x3xf32, #tpu.memory_space<hbm>> -> memref<1x3xf32, #tpu.memory_space<hbm>>
      %dma_wait3A_1757 = arith.constant 23 : i32
      %dma_wait3A_1758 = arith.constant 0 : i32
      %dma_wait3A_1759 = tpu.memref_slice %arg9[%dma_wait3A_1757, %dma_wait3A_1758] : memref<32x3xf32, #tpu.memory_space<vmem>> -> memref<1x3xf32, #tpu.memory_space<vmem>>
      tpu.wait_dma2 semaphore(%arg14 : memref<!tpu.dma_semaphore, #tpu.memory_space<semaphore_mem>>) src(%dma_wait3A_1759 : memref<1x3xf32, #tpu.memory_space<vmem>>) dst(%dma_wait3A_1756 : memref<1x3xf32, #tpu.memory_space<hbm>>)
    } else {
    }
    %div3A_1671 = arith.constant 2048 : i32
    %div3A_1672 = arith.divsi %reduce_sum3A_317, %div3A_1671 : i32
    %rem3A_1673 = arith.constant 32 : i32
    %rem3A_1674 = arith.remsi %div3A_1672, %rem3A_1673 : i32
    %eq3A_1675 = arith.cmpi eq, %rem3A_1674, %add3A : i32
    %convert_element_type3A_1676 = arith.extui %eq3A_1675 : i1 to i32
    %cond3A_1677 = arith.constant 0 : i32
    %cond3A_1678 = arith.cmpi ne, %convert_element_type3A_1676, %cond3A_1677 : i32
    scf.if %cond3A_1678 {
      %dma_start3A_1740 = arith.constant 24 : i32
      %dma_start3A_1741 = arith.constant 0 : i32
      %dma_start3A_1742 = tpu.memref_slice %arg9[%dma_start3A_1740, %dma_start3A_1741] : memref<32x3xf32, #tpu.memory_space<vmem>> -> memref<1x3xf32, #tpu.memory_space<vmem>>
      %dma_start3A_1743 = arith.constant 0 : i32
      %dma_start3A_1744 = tpu.memref_slice %arg6[%reduce_sum3A_317, %dma_start3A_1743] : memref<1000000x3xf32, #tpu.memory_space<hbm>> -> memref<1x3xf32, #tpu.memory_space<hbm>>
      %dma_start3A_1745 = arith.constant 0 : i32
      %dma_start3A_1746 = tpu.memref_slice %arg6[%reduce_sum3A_317, %dma_start3A_1745] : memref<1000000x3xf32, #tpu.memory_space<hbm>> -> memref<1x3xf32, #tpu.memory_space<hbm>>
      %dma_start3A_1747 = arith.constant 24 : i32
      %dma_start3A_1748 = arith.constant 0 : i32
      %dma_start3A_1749 = tpu.memref_slice %arg9[%dma_start3A_1747, %dma_start3A_1748] : memref<32x3xf32, #tpu.memory_space<vmem>> -> memref<1x3xf32, #tpu.memory_space<vmem>>
      tpu.enqueue_dma source(%dma_start3A_1749 : memref<1x3xf32, #tpu.memory_space<vmem>>) target(%dma_start3A_1746 : memref<1x3xf32, #tpu.memory_space<hbm>>) target_semaphore(%arg14 : memref<!tpu.dma_semaphore, #tpu.memory_space<semaphore_mem>>)
      %dma_wait3A_1750 = arith.constant 24 : i32
      %dma_wait3A_1751 = arith.constant 0 : i32
      %dma_wait3A_1752 = tpu.memref_slice %arg9[%dma_wait3A_1750, %dma_wait3A_1751] : memref<32x3xf32, #tpu.memory_space<vmem>> -> memref<1x3xf32, #tpu.memory_space<vmem>>
      %dma_wait3A_1753 = arith.constant 0 : i32
      %dma_wait3A_1754 = tpu.memref_slice %arg6[%reduce_sum3A_317, %dma_wait3A_1753] : memref<1000000x3xf32, #tpu.memory_space<hbm>> -> memref<1x3xf32, #tpu.memory_space<hbm>>
      %dma_wait3A_1755 = arith.constant 0 : i32
      %dma_wait3A_1756 = tpu.memref_slice %arg6[%reduce_sum3A_317, %dma_wait3A_1755] : memref<1000000x3xf32, #tpu.memory_space<hbm>> -> memref<1x3xf32, #tpu.memory_space<hbm>>
      %dma_wait3A_1757 = arith.constant 24 : i32
      %dma_wait3A_1758 = arith.constant 0 : i32
      %dma_wait3A_1759 = tpu.memref_slice %arg9[%dma_wait3A_1757, %dma_wait3A_1758] : memref<32x3xf32, #tpu.memory_space<vmem>> -> memref<1x3xf32, #tpu.memory_space<vmem>>
      tpu.wait_dma2 semaphore(%arg14 : memref<!tpu.dma_semaphore, #tpu.memory_space<semaphore_mem>>) src(%dma_wait3A_1759 : memref<1x3xf32, #tpu.memory_space<vmem>>) dst(%dma_wait3A_1756 : memref<1x3xf32, #tpu.memory_space<hbm>>)
    } else {
    }
    %div3A_1679 = arith.constant 2048 : i32
    %div3A_1680 = arith.divsi %reduce_sum3A_328, %div3A_1679 : i32
    %rem3A_1681 = arith.constant 32 : i32
    %rem3A_1682 = arith.remsi %div3A_1680, %rem3A_1681 : i32
    %eq3A_1683 = arith.cmpi eq, %rem3A_1682, %add3A : i32
    %convert_element_type3A_1684 = arith.extui %eq3A_1683 : i1 to i32
    %cond3A_1685 = arith.constant 0 : i32
    %cond3A_1686 = arith.cmpi ne, %convert_element_type3A_1684, %cond3A_1685 : i32
    scf.if %cond3A_1686 {
      %dma_start3A_1740 = arith.constant 25 : i32
      %dma_start3A_1741 = arith.constant 0 : i32
      %dma_start3A_1742 = tpu.memref_slice %arg9[%dma_start3A_1740, %dma_start3A_1741] : memref<32x3xf32, #tpu.memory_space<vmem>> -> memref<1x3xf32, #tpu.memory_space<vmem>>
      %dma_start3A_1743 = arith.constant 0 : i32
      %dma_start3A_1744 = tpu.memref_slice %arg6[%reduce_sum3A_328, %dma_start3A_1743] : memref<1000000x3xf32, #tpu.memory_space<hbm>> -> memref<1x3xf32, #tpu.memory_space<hbm>>
      %dma_start3A_1745 = arith.constant 0 : i32
      %dma_start3A_1746 = tpu.memref_slice %arg6[%reduce_sum3A_328, %dma_start3A_1745] : memref<1000000x3xf32, #tpu.memory_space<hbm>> -> memref<1x3xf32, #tpu.memory_space<hbm>>
      %dma_start3A_1747 = arith.constant 25 : i32
      %dma_start3A_1748 = arith.constant 0 : i32
      %dma_start3A_1749 = tpu.memref_slice %arg9[%dma_start3A_1747, %dma_start3A_1748] : memref<32x3xf32, #tpu.memory_space<vmem>> -> memref<1x3xf32, #tpu.memory_space<vmem>>
      tpu.enqueue_dma source(%dma_start3A_1749 : memref<1x3xf32, #tpu.memory_space<vmem>>) target(%dma_start3A_1746 : memref<1x3xf32, #tpu.memory_space<hbm>>) target_semaphore(%arg14 : memref<!tpu.dma_semaphore, #tpu.memory_space<semaphore_mem>>)
      %dma_wait3A_1750 = arith.constant 25 : i32
      %dma_wait3A_1751 = arith.constant 0 : i32
      %dma_wait3A_1752 = tpu.memref_slice %arg9[%dma_wait3A_1750, %dma_wait3A_1751] : memref<32x3xf32, #tpu.memory_space<vmem>> -> memref<1x3xf32, #tpu.memory_space<vmem>>
      %dma_wait3A_1753 = arith.constant 0 : i32
      %dma_wait3A_1754 = tpu.memref_slice %arg6[%reduce_sum3A_328, %dma_wait3A_1753] : memref<1000000x3xf32, #tpu.memory_space<hbm>> -> memref<1x3xf32, #tpu.memory_space<hbm>>
      %dma_wait3A_1755 = arith.constant 0 : i32
      %dma_wait3A_1756 = tpu.memref_slice %arg6[%reduce_sum3A_328, %dma_wait3A_1755] : memref<1000000x3xf32, #tpu.memory_space<hbm>> -> memref<1x3xf32, #tpu.memory_space<hbm>>
      %dma_wait3A_1757 = arith.constant 25 : i32
      %dma_wait3A_1758 = arith.constant 0 : i32
      %dma_wait3A_1759 = tpu.memref_slice %arg9[%dma_wait3A_1757, %dma_wait3A_1758] : memref<32x3xf32, #tpu.memory_space<vmem>> -> memref<1x3xf32, #tpu.memory_space<vmem>>
      tpu.wait_dma2 semaphore(%arg14 : memref<!tpu.dma_semaphore, #tpu.memory_space<semaphore_mem>>) src(%dma_wait3A_1759 : memref<1x3xf32, #tpu.memory_space<vmem>>) dst(%dma_wait3A_1756 : memref<1x3xf32, #tpu.memory_space<hbm>>)
    } else {
    }
    %div3A_1687 = arith.constant 2048 : i32
    %div3A_1688 = arith.divsi %reduce_sum3A_339, %div3A_1687 : i32
    %rem3A_1689 = arith.constant 32 : i32
    %rem3A_1690 = arith.remsi %div3A_1688, %rem3A_1689 : i32
    %eq3A_1691 = arith.cmpi eq, %rem3A_1690, %add3A : i32
    %convert_element_type3A_1692 = arith.extui %eq3A_1691 : i1 to i32
    %cond3A_1693 = arith.constant 0 : i32
    %cond3A_1694 = arith.cmpi ne, %convert_element_type3A_1692, %cond3A_1693 : i32
    scf.if %cond3A_1694 {
      %dma_start3A_1740 = arith.constant 26 : i32
      %dma_start3A_1741 = arith.constant 0 : i32
      %dma_start3A_1742 = tpu.memref_slice %arg9[%dma_start3A_1740, %dma_start3A_1741] : memref<32x3xf32, #tpu.memory_space<vmem>> -> memref<1x3xf32, #tpu.memory_space<vmem>>
      %dma_start3A_1743 = arith.constant 0 : i32
      %dma_start3A_1744 = tpu.memref_slice %arg6[%reduce_sum3A_339, %dma_start3A_1743] : memref<1000000x3xf32, #tpu.memory_space<hbm>> -> memref<1x3xf32, #tpu.memory_space<hbm>>
      %dma_start3A_1745 = arith.constant 0 : i32
      %dma_start3A_1746 = tpu.memref_slice %arg6[%reduce_sum3A_339, %dma_start3A_1745] : memref<1000000x3xf32, #tpu.memory_space<hbm>> -> memref<1x3xf32, #tpu.memory_space<hbm>>
      %dma_start3A_1747 = arith.constant 26 : i32
      %dma_start3A_1748 = arith.constant 0 : i32
      %dma_start3A_1749 = tpu.memref_slice %arg9[%dma_start3A_1747, %dma_start3A_1748] : memref<32x3xf32, #tpu.memory_space<vmem>> -> memref<1x3xf32, #tpu.memory_space<vmem>>
      tpu.enqueue_dma source(%dma_start3A_1749 : memref<1x3xf32, #tpu.memory_space<vmem>>) target(%dma_start3A_1746 : memref<1x3xf32, #tpu.memory_space<hbm>>) target_semaphore(%arg14 : memref<!tpu.dma_semaphore, #tpu.memory_space<semaphore_mem>>)
      %dma_wait3A_1750 = arith.constant 26 : i32
      %dma_wait3A_1751 = arith.constant 0 : i32
      %dma_wait3A_1752 = tpu.memref_slice %arg9[%dma_wait3A_1750, %dma_wait3A_1751] : memref<32x3xf32, #tpu.memory_space<vmem>> -> memref<1x3xf32, #tpu.memory_space<vmem>>
      %dma_wait3A_1753 = arith.constant 0 : i32
      %dma_wait3A_1754 = tpu.memref_slice %arg6[%reduce_sum3A_339, %dma_wait3A_1753] : memref<1000000x3xf32, #tpu.memory_space<hbm>> -> memref<1x3xf32, #tpu.memory_space<hbm>>
      %dma_wait3A_1755 = arith.constant 0 : i32
      %dma_wait3A_1756 = tpu.memref_slice %arg6[%reduce_sum3A_339, %dma_wait3A_1755] : memref<1000000x3xf32, #tpu.memory_space<hbm>> -> memref<1x3xf32, #tpu.memory_space<hbm>>
      %dma_wait3A_1757 = arith.constant 26 : i32
      %dma_wait3A_1758 = arith.constant 0 : i32
      %dma_wait3A_1759 = tpu.memref_slice %arg9[%dma_wait3A_1757, %dma_wait3A_1758] : memref<32x3xf32, #tpu.memory_space<vmem>> -> memref<1x3xf32, #tpu.memory_space<vmem>>
      tpu.wait_dma2 semaphore(%arg14 : memref<!tpu.dma_semaphore, #tpu.memory_space<semaphore_mem>>) src(%dma_wait3A_1759 : memref<1x3xf32, #tpu.memory_space<vmem>>) dst(%dma_wait3A_1756 : memref<1x3xf32, #tpu.memory_space<hbm>>)
    } else {
    }
    %div3A_1695 = arith.constant 2048 : i32
    %div3A_1696 = arith.divsi %reduce_sum3A_350, %div3A_1695 : i32
    %rem3A_1697 = arith.constant 32 : i32
    %rem3A_1698 = arith.remsi %div3A_1696, %rem3A_1697 : i32
    %eq3A_1699 = arith.cmpi eq, %rem3A_1698, %add3A : i32
    %convert_element_type3A_1700 = arith.extui %eq3A_1699 : i1 to i32
    %cond3A_1701 = arith.constant 0 : i32
    %cond3A_1702 = arith.cmpi ne, %convert_element_type3A_1700, %cond3A_1701 : i32
    scf.if %cond3A_1702 {
      %dma_start3A_1740 = arith.constant 27 : i32
      %dma_start3A_1741 = arith.constant 0 : i32
      %dma_start3A_1742 = tpu.memref_slice %arg9[%dma_start3A_1740, %dma_start3A_1741] : memref<32x3xf32, #tpu.memory_space<vmem>> -> memref<1x3xf32, #tpu.memory_space<vmem>>
      %dma_start3A_1743 = arith.constant 0 : i32
      %dma_start3A_1744 = tpu.memref_slice %arg6[%reduce_sum3A_350, %dma_start3A_1743] : memref<1000000x3xf32, #tpu.memory_space<hbm>> -> memref<1x3xf32, #tpu.memory_space<hbm>>
      %dma_start3A_1745 = arith.constant 0 : i32
      %dma_start3A_1746 = tpu.memref_slice %arg6[%reduce_sum3A_350, %dma_start3A_1745] : memref<1000000x3xf32, #tpu.memory_space<hbm>> -> memref<1x3xf32, #tpu.memory_space<hbm>>
      %dma_start3A_1747 = arith.constant 27 : i32
      %dma_start3A_1748 = arith.constant 0 : i32
      %dma_start3A_1749 = tpu.memref_slice %arg9[%dma_start3A_1747, %dma_start3A_1748] : memref<32x3xf32, #tpu.memory_space<vmem>> -> memref<1x3xf32, #tpu.memory_space<vmem>>
      tpu.enqueue_dma source(%dma_start3A_1749 : memref<1x3xf32, #tpu.memory_space<vmem>>) target(%dma_start3A_1746 : memref<1x3xf32, #tpu.memory_space<hbm>>) target_semaphore(%arg14 : memref<!tpu.dma_semaphore, #tpu.memory_space<semaphore_mem>>)
      %dma_wait3A_1750 = arith.constant 27 : i32
      %dma_wait3A_1751 = arith.constant 0 : i32
      %dma_wait3A_1752 = tpu.memref_slice %arg9[%dma_wait3A_1750, %dma_wait3A_1751] : memref<32x3xf32, #tpu.memory_space<vmem>> -> memref<1x3xf32, #tpu.memory_space<vmem>>
      %dma_wait3A_1753 = arith.constant 0 : i32
      %dma_wait3A_1754 = tpu.memref_slice %arg6[%reduce_sum3A_350, %dma_wait3A_1753] : memref<1000000x3xf32, #tpu.memory_space<hbm>> -> memref<1x3xf32, #tpu.memory_space<hbm>>
      %dma_wait3A_1755 = arith.constant 0 : i32
      %dma_wait3A_1756 = tpu.memref_slice %arg6[%reduce_sum3A_350, %dma_wait3A_1755] : memref<1000000x3xf32, #tpu.memory_space<hbm>> -> memref<1x3xf32, #tpu.memory_space<hbm>>
      %dma_wait3A_1757 = arith.constant 27 : i32
      %dma_wait3A_1758 = arith.constant 0 : i32
      %dma_wait3A_1759 = tpu.memref_slice %arg9[%dma_wait3A_1757, %dma_wait3A_1758] : memref<32x3xf32, #tpu.memory_space<vmem>> -> memref<1x3xf32, #tpu.memory_space<vmem>>
      tpu.wait_dma2 semaphore(%arg14 : memref<!tpu.dma_semaphore, #tpu.memory_space<semaphore_mem>>) src(%dma_wait3A_1759 : memref<1x3xf32, #tpu.memory_space<vmem>>) dst(%dma_wait3A_1756 : memref<1x3xf32, #tpu.memory_space<hbm>>)
    } else {
    }
    %div3A_1703 = arith.constant 2048 : i32
    %div3A_1704 = arith.divsi %reduce_sum3A_361, %div3A_1703 : i32
    %rem3A_1705 = arith.constant 32 : i32
    %rem3A_1706 = arith.remsi %div3A_1704, %rem3A_1705 : i32
    %eq3A_1707 = arith.cmpi eq, %rem3A_1706, %add3A : i32
    %convert_element_type3A_1708 = arith.extui %eq3A_1707 : i1 to i32
    %cond3A_1709 = arith.constant 0 : i32
    %cond3A_1710 = arith.cmpi ne, %convert_element_type3A_1708, %cond3A_1709 : i32
    scf.if %cond3A_1710 {
      %dma_start3A_1740 = arith.constant 28 : i32
      %dma_start3A_1741 = arith.constant 0 : i32
      %dma_start3A_1742 = tpu.memref_slice %arg9[%dma_start3A_1740, %dma_start3A_1741] : memref<32x3xf32, #tpu.memory_space<vmem>> -> memref<1x3xf32, #tpu.memory_space<vmem>>
      %dma_start3A_1743 = arith.constant 0 : i32
      %dma_start3A_1744 = tpu.memref_slice %arg6[%reduce_sum3A_361, %dma_start3A_1743] : memref<1000000x3xf32, #tpu.memory_space<hbm>> -> memref<1x3xf32, #tpu.memory_space<hbm>>
      %dma_start3A_1745 = arith.constant 0 : i32
      %dma_start3A_1746 = tpu.memref_slice %arg6[%reduce_sum3A_361, %dma_start3A_1745] : memref<1000000x3xf32, #tpu.memory_space<hbm>> -> memref<1x3xf32, #tpu.memory_space<hbm>>
      %dma_start3A_1747 = arith.constant 28 : i32
      %dma_start3A_1748 = arith.constant 0 : i32
      %dma_start3A_1749 = tpu.memref_slice %arg9[%dma_start3A_1747, %dma_start3A_1748] : memref<32x3xf32, #tpu.memory_space<vmem>> -> memref<1x3xf32, #tpu.memory_space<vmem>>
      tpu.enqueue_dma source(%dma_start3A_1749 : memref<1x3xf32, #tpu.memory_space<vmem>>) target(%dma_start3A_1746 : memref<1x3xf32, #tpu.memory_space<hbm>>) target_semaphore(%arg14 : memref<!tpu.dma_semaphore, #tpu.memory_space<semaphore_mem>>)
      %dma_wait3A_1750 = arith.constant 28 : i32
      %dma_wait3A_1751 = arith.constant 0 : i32
      %dma_wait3A_1752 = tpu.memref_slice %arg9[%dma_wait3A_1750, %dma_wait3A_1751] : memref<32x3xf32, #tpu.memory_space<vmem>> -> memref<1x3xf32, #tpu.memory_space<vmem>>
      %dma_wait3A_1753 = arith.constant 0 : i32
      %dma_wait3A_1754 = tpu.memref_slice %arg6[%reduce_sum3A_361, %dma_wait3A_1753] : memref<1000000x3xf32, #tpu.memory_space<hbm>> -> memref<1x3xf32, #tpu.memory_space<hbm>>
      %dma_wait3A_1755 = arith.constant 0 : i32
      %dma_wait3A_1756 = tpu.memref_slice %arg6[%reduce_sum3A_361, %dma_wait3A_1755] : memref<1000000x3xf32, #tpu.memory_space<hbm>> -> memref<1x3xf32, #tpu.memory_space<hbm>>
      %dma_wait3A_1757 = arith.constant 28 : i32
      %dma_wait3A_1758 = arith.constant 0 : i32
      %dma_wait3A_1759 = tpu.memref_slice %arg9[%dma_wait3A_1757, %dma_wait3A_1758] : memref<32x3xf32, #tpu.memory_space<vmem>> -> memref<1x3xf32, #tpu.memory_space<vmem>>
      tpu.wait_dma2 semaphore(%arg14 : memref<!tpu.dma_semaphore, #tpu.memory_space<semaphore_mem>>) src(%dma_wait3A_1759 : memref<1x3xf32, #tpu.memory_space<vmem>>) dst(%dma_wait3A_1756 : memref<1x3xf32, #tpu.memory_space<hbm>>)
    } else {
    }
    %div3A_1711 = arith.constant 2048 : i32
    %div3A_1712 = arith.divsi %reduce_sum3A_372, %div3A_1711 : i32
    %rem3A_1713 = arith.constant 32 : i32
    %rem3A_1714 = arith.remsi %div3A_1712, %rem3A_1713 : i32
    %eq3A_1715 = arith.cmpi eq, %rem3A_1714, %add3A : i32
    %convert_element_type3A_1716 = arith.extui %eq3A_1715 : i1 to i32
    %cond3A_1717 = arith.constant 0 : i32
    %cond3A_1718 = arith.cmpi ne, %convert_element_type3A_1716, %cond3A_1717 : i32
    scf.if %cond3A_1718 {
      %dma_start3A_1740 = arith.constant 29 : i32
      %dma_start3A_1741 = arith.constant 0 : i32
      %dma_start3A_1742 = tpu.memref_slice %arg9[%dma_start3A_1740, %dma_start3A_1741] : memref<32x3xf32, #tpu.memory_space<vmem>> -> memref<1x3xf32, #tpu.memory_space<vmem>>
      %dma_start3A_1743 = arith.constant 0 : i32
      %dma_start3A_1744 = tpu.memref_slice %arg6[%reduce_sum3A_372, %dma_start3A_1743] : memref<1000000x3xf32, #tpu.memory_space<hbm>> -> memref<1x3xf32, #tpu.memory_space<hbm>>
      %dma_start3A_1745 = arith.constant 0 : i32
      %dma_start3A_1746 = tpu.memref_slice %arg6[%reduce_sum3A_372, %dma_start3A_1745] : memref<1000000x3xf32, #tpu.memory_space<hbm>> -> memref<1x3xf32, #tpu.memory_space<hbm>>
      %dma_start3A_1747 = arith.constant 29 : i32
      %dma_start3A_1748 = arith.constant 0 : i32
      %dma_start3A_1749 = tpu.memref_slice %arg9[%dma_start3A_1747, %dma_start3A_1748] : memref<32x3xf32, #tpu.memory_space<vmem>> -> memref<1x3xf32, #tpu.memory_space<vmem>>
      tpu.enqueue_dma source(%dma_start3A_1749 : memref<1x3xf32, #tpu.memory_space<vmem>>) target(%dma_start3A_1746 : memref<1x3xf32, #tpu.memory_space<hbm>>) target_semaphore(%arg14 : memref<!tpu.dma_semaphore, #tpu.memory_space<semaphore_mem>>)
      %dma_wait3A_1750 = arith.constant 29 : i32
      %dma_wait3A_1751 = arith.constant 0 : i32
      %dma_wait3A_1752 = tpu.memref_slice %arg9[%dma_wait3A_1750, %dma_wait3A_1751] : memref<32x3xf32, #tpu.memory_space<vmem>> -> memref<1x3xf32, #tpu.memory_space<vmem>>
      %dma_wait3A_1753 = arith.constant 0 : i32
      %dma_wait3A_1754 = tpu.memref_slice %arg6[%reduce_sum3A_372, %dma_wait3A_1753] : memref<1000000x3xf32, #tpu.memory_space<hbm>> -> memref<1x3xf32, #tpu.memory_space<hbm>>
      %dma_wait3A_1755 = arith.constant 0 : i32
      %dma_wait3A_1756 = tpu.memref_slice %arg6[%reduce_sum3A_372, %dma_wait3A_1755] : memref<1000000x3xf32, #tpu.memory_space<hbm>> -> memref<1x3xf32, #tpu.memory_space<hbm>>
      %dma_wait3A_1757 = arith.constant 29 : i32
      %dma_wait3A_1758 = arith.constant 0 : i32
      %dma_wait3A_1759 = tpu.memref_slice %arg9[%dma_wait3A_1757, %dma_wait3A_1758] : memref<32x3xf32, #tpu.memory_space<vmem>> -> memref<1x3xf32, #tpu.memory_space<vmem>>
      tpu.wait_dma2 semaphore(%arg14 : memref<!tpu.dma_semaphore, #tpu.memory_space<semaphore_mem>>) src(%dma_wait3A_1759 : memref<1x3xf32, #tpu.memory_space<vmem>>) dst(%dma_wait3A_1756 : memref<1x3xf32, #tpu.memory_space<hbm>>)
    } else {
    }
    %div3A_1719 = arith.constant 2048 : i32
    %div3A_1720 = arith.divsi %reduce_sum3A_383, %div3A_1719 : i32
    %rem3A_1721 = arith.constant 32 : i32
    %rem3A_1722 = arith.remsi %div3A_1720, %rem3A_1721 : i32
    %eq3A_1723 = arith.cmpi eq, %rem3A_1722, %add3A : i32
    %convert_element_type3A_1724 = arith.extui %eq3A_1723 : i1 to i32
    %cond3A_1725 = arith.constant 0 : i32
    %cond3A_1726 = arith.cmpi ne, %convert_element_type3A_1724, %cond3A_1725 : i32
    scf.if %cond3A_1726 {
      %dma_start3A_1740 = arith.constant 30 : i32
      %dma_start3A_1741 = arith.constant 0 : i32
      %dma_start3A_1742 = tpu.memref_slice %arg9[%dma_start3A_1740, %dma_start3A_1741] : memref<32x3xf32, #tpu.memory_space<vmem>> -> memref<1x3xf32, #tpu.memory_space<vmem>>
      %dma_start3A_1743 = arith.constant 0 : i32
      %dma_start3A_1744 = tpu.memref_slice %arg6[%reduce_sum3A_383, %dma_start3A_1743] : memref<1000000x3xf32, #tpu.memory_space<hbm>> -> memref<1x3xf32, #tpu.memory_space<hbm>>
      %dma_start3A_1745 = arith.constant 0 : i32
      %dma_start3A_1746 = tpu.memref_slice %arg6[%reduce_sum3A_383, %dma_start3A_1745] : memref<1000000x3xf32, #tpu.memory_space<hbm>> -> memref<1x3xf32, #tpu.memory_space<hbm>>
      %dma_start3A_1747 = arith.constant 30 : i32
      %dma_start3A_1748 = arith.constant 0 : i32
      %dma_start3A_1749 = tpu.memref_slice %arg9[%dma_start3A_1747, %dma_start3A_1748] : memref<32x3xf32, #tpu.memory_space<vmem>> -> memref<1x3xf32, #tpu.memory_space<vmem>>
      tpu.enqueue_dma source(%dma_start3A_1749 : memref<1x3xf32, #tpu.memory_space<vmem>>) target(%dma_start3A_1746 : memref<1x3xf32, #tpu.memory_space<hbm>>) target_semaphore(%arg14 : memref<!tpu.dma_semaphore, #tpu.memory_space<semaphore_mem>>)
      %dma_wait3A_1750 = arith.constant 30 : i32
      %dma_wait3A_1751 = arith.constant 0 : i32
      %dma_wait3A_1752 = tpu.memref_slice %arg9[%dma_wait3A_1750, %dma_wait3A_1751] : memref<32x3xf32, #tpu.memory_space<vmem>> -> memref<1x3xf32, #tpu.memory_space<vmem>>
      %dma_wait3A_1753 = arith.constant 0 : i32
      %dma_wait3A_1754 = tpu.memref_slice %arg6[%reduce_sum3A_383, %dma_wait3A_1753] : memref<1000000x3xf32, #tpu.memory_space<hbm>> -> memref<1x3xf32, #tpu.memory_space<hbm>>
      %dma_wait3A_1755 = arith.constant 0 : i32
      %dma_wait3A_1756 = tpu.memref_slice %arg6[%reduce_sum3A_383, %dma_wait3A_1755] : memref<1000000x3xf32, #tpu.memory_space<hbm>> -> memref<1x3xf32, #tpu.memory_space<hbm>>
      %dma_wait3A_1757 = arith.constant 30 : i32
      %dma_wait3A_1758 = arith.constant 0 : i32
      %dma_wait3A_1759 = tpu.memref_slice %arg9[%dma_wait3A_1757, %dma_wait3A_1758] : memref<32x3xf32, #tpu.memory_space<vmem>> -> memref<1x3xf32, #tpu.memory_space<vmem>>
      tpu.wait_dma2 semaphore(%arg14 : memref<!tpu.dma_semaphore, #tpu.memory_space<semaphore_mem>>) src(%dma_wait3A_1759 : memref<1x3xf32, #tpu.memory_space<vmem>>) dst(%dma_wait3A_1756 : memref<1x3xf32, #tpu.memory_space<hbm>>)
    } else {
    }
    %div3A_1727 = arith.constant 2048 : i32
    %div3A_1728 = arith.divsi %reduce_sum3A_394, %div3A_1727 : i32
    %rem3A_1729 = arith.constant 32 : i32
    %rem3A_1730 = arith.remsi %div3A_1728, %rem3A_1729 : i32
    %eq3A_1731 = arith.cmpi eq, %rem3A_1730, %add3A : i32
    %convert_element_type3A_1732 = arith.extui %eq3A_1731 : i1 to i32
    %cond3A_1733 = arith.constant 0 : i32
    %cond3A_1734 = arith.cmpi ne, %convert_element_type3A_1732, %cond3A_1733 : i32
    scf.if %cond3A_1734 {
      %dma_start3A_1740 = arith.constant 31 : i32
      %dma_start3A_1741 = arith.constant 0 : i32
      %dma_start3A_1742 = tpu.memref_slice %arg9[%dma_start3A_1740, %dma_start3A_1741] : memref<32x3xf32, #tpu.memory_space<vmem>> -> memref<1x3xf32, #tpu.memory_space<vmem>>
      %dma_start3A_1743 = arith.constant 0 : i32
      %dma_start3A_1744 = tpu.memref_slice %arg6[%reduce_sum3A_394, %dma_start3A_1743] : memref<1000000x3xf32, #tpu.memory_space<hbm>> -> memref<1x3xf32, #tpu.memory_space<hbm>>
      %dma_start3A_1745 = arith.constant 0 : i32
      %dma_start3A_1746 = tpu.memref_slice %arg6[%reduce_sum3A_394, %dma_start3A_1745] : memref<1000000x3xf32, #tpu.memory_space<hbm>> -> memref<1x3xf32, #tpu.memory_space<hbm>>
      %dma_start3A_1747 = arith.constant 31 : i32
      %dma_start3A_1748 = arith.constant 0 : i32
      %dma_start3A_1749 = tpu.memref_slice %arg9[%dma_start3A_1747, %dma_start3A_1748] : memref<32x3xf32, #tpu.memory_space<vmem>> -> memref<1x3xf32, #tpu.memory_space<vmem>>
      tpu.enqueue_dma source(%dma_start3A_1749 : memref<1x3xf32, #tpu.memory_space<vmem>>) target(%dma_start3A_1746 : memref<1x3xf32, #tpu.memory_space<hbm>>) target_semaphore(%arg14 : memref<!tpu.dma_semaphore, #tpu.memory_space<semaphore_mem>>)
      %dma_wait3A_1750 = arith.constant 31 : i32
      %dma_wait3A_1751 = arith.constant 0 : i32
      %dma_wait3A_1752 = tpu.memref_slice %arg9[%dma_wait3A_1750, %dma_wait3A_1751] : memref<32x3xf32, #tpu.memory_space<vmem>> -> memref<1x3xf32, #tpu.memory_space<vmem>>
      %dma_wait3A_1753 = arith.constant 0 : i32
      %dma_wait3A_1754 = tpu.memref_slice %arg6[%reduce_sum3A_394, %dma_wait3A_1753] : memref<1000000x3xf32, #tpu.memory_space<hbm>> -> memref<1x3xf32, #tpu.memory_space<hbm>>
      %dma_wait3A_1755 = arith.constant 0 : i32
      %dma_wait3A_1756 = tpu.memref_slice %arg6[%reduce_sum3A_394, %dma_wait3A_1755] : memref<1000000x3xf32, #tpu.memory_space<hbm>> -> memref<1x3xf32, #tpu.memory_space<hbm>>
      %dma_wait3A_1757 = arith.constant 31 : i32
      %dma_wait3A_1758 = arith.constant 0 : i32
      %dma_wait3A_1759 = tpu.memref_slice %arg9[%dma_wait3A_1757, %dma_wait3A_1758] : memref<32x3xf32, #tpu.memory_space<vmem>> -> memref<1x3xf32, #tpu.memory_space<vmem>>
      tpu.wait_dma2 semaphore(%arg14 : memref<!tpu.dma_semaphore, #tpu.memory_space<semaphore_mem>>) src(%dma_wait3A_1759 : memref<1x3xf32, #tpu.memory_space<vmem>>) dst(%dma_wait3A_1756 : memref<1x3xf32, #tpu.memory_space<hbm>>)
    } else {
    }
    %eq3A_1735 = arith.constant 0 : i32
    %eq3A_1736 = arith.cmpi eq, %add3A, %eq3A_1735 : i32
    %convert_element_type3A_1737 = arith.extui %eq3A_1736 : i1 to i32
    %cond3A_1738 = arith.constant 0 : i32
    %cond3A_1739 = arith.cmpi ne, %convert_element_type3A_1737, %cond3A_1738 : i32
    scf.if %cond3A_1739 {
      %eq3A_1740 = arith.constant 0 : i32
      %eq3A_1741 = vector.broadcast %eq3A_1740 : i32 to vector<16xi32>
      %eq3A_1742 = arith.cmpi eq, %iota3A, %eq3A_1741 : vector<16xi32>
      %jit3A_1743 = arith.constant 0.000000e+00 : f32
      %broadcast_in_dim3A_1744 = vector.broadcast %mul3A_1334 : f32 to vector<16xf32>
      %broadcast_in_dim3A_1745 = vector.broadcast %jit3A_1743 : f32 to vector<16xf32>
      %select_n3A_1746 = arith.select %eq3A_1742, %broadcast_in_dim3A_1744, %broadcast_in_dim3A_1745 : vector<16xi1>, vector<16xf32>
      %swap3A = arith.constant 0 : index
      %swap3A_1747 = tpu.vector_load %arg10[%swap3A] {strides = array<i32>} : memref<16xf32, #tpu.memory_space<vmem>>, vector<16xf32>,
      tpu.vector_store %arg10[%swap3A], %select_n3A_1746 {strides = array<i32>} : memref<16xf32, #tpu.memory_space<vmem>>, vector<16xf32>,
      "tpu.region"() ({
        %run_scoped3A = tpu.sem_alloc : memref<!tpu.dma_semaphore, #tpu.memory_space<semaphore_mem>>
        tpu.enqueue_dma source(%arg10 : memref<16xf32, #tpu.memory_space<vmem>>) target(%arg5 : memref<16xf32, #tpu.memory_space<hbm>>) target_semaphore(%run_scoped3A : memref<!tpu.dma_semaphore, #tpu.memory_space<semaphore_mem>>)
        tpu.wait_dma2 semaphore(%run_scoped3A : memref<!tpu.dma_semaphore, #tpu.memory_space<semaphore_mem>>) src(%arg10 : memref<16xf32, #tpu.memory_space<vmem>>) dst(%arg5 : memref<16xf32, #tpu.memory_space<hbm>>)
        tpu.yield
      }) : () -> ()
    } else {
    }
    return
  }
}

</mosaic_0001>

<sc_bundles>
// kernel: kernel.3.cloned.1.call-start
scs
__scs_entry_jumppad:
0x0: {  	(pc) =	sbr.rel $0x88, $3  }
0x1: {  	(tag) =	ssettag $0x0;
	lr =	simm.s32 $0x1  }
0x2: {  	[smem:$0x3F9C] =	sst lr;
	_ =	strace $0xD0000000  }
0x3: {  	_ = 	snop  }
0x4: {  	_ = 	snop  }
0x5: {  	_ = 	snop  }
0x6: {  	_ = 	snop  }
0x7: {  	_ = 	snop  }
__scs_overlays_trampoline_lowered:
0x8: {  	[smem:$0x3FAB] =	sst s0  }
0x9: {  	[smem:$0x3FAC] =	sst s1  }
0xa: {  	[smem:$0x3FAD] =	sst s2  }
0xb: {  	[smem:$0x3FAE] =	sst s3  }
0xc: {  	[smem:$0x3FAF] =	sst s4  }
0xd: {  	[smem:$0x3FB0] =	sst s5  }
0xe: {  	[smem:$0x3FB1] =	sst s6  }
0xf: {  	[smem:$0x3FB2] =	sst s7  }
0x10: {  	[smem:$0x3FB3] =	sst s8  }
0x11: {  	[smem:$0x3FB4] =	sst s9;
	s0 =	simm.s32 @!p0 $0x0  }
0x12: {  	s1 =	sld [smem:$0x3F9A];
	s0 =	simm.s32 @p0 $0x1  }
0x13: {  	[smem:$0x3FB5] =	sst s0;
	s0 =	simm.s32 @!p1 $0x0  }
0x14: {  	s2 =	sld [smem:$0x3F99];
	s0 =	simm.s32 @p1 $0x1  }
0x15: {  	[smem:$0x3FB6] =	sst s0;
	s0 =	simm.s32 @!p2 $0x0  }
0x16: {  	s3 =	sld [smem:$0x3FDB];
	s0 =	simm.s32 @p2 $0x1  }
0x17: {  	s4 =	simm.s32 $0x1BF5;
	[smem:$0x3FB8] =	sst s0  }
0x18: {  	s0 =	sld [smem:$0x3F9B];
	_ =	swait.ge [sflag:s4], $0x0  }
0x19: {  	s7 =	sld [smem:$0x3F9C]  }
0x1a: {  	s8 =	sadd.s32 $0xFFFFE003, lr  }
0x1b: {  	s9 =	sadd.s32 $0xFFFFFEF7, lr;
	s5 =	simm.s32 $0xFFFFFFFF;
	p2 =	slt.u32 s8, $0xFFFFF086  }
0x1c: {  	p1 =	slt.u32 s9, $0xF7A;
	s5 =	simm.s32 @!p2 $0x0  }
0x1d: {  	s5 =	simm.s32 @p1 $0x1;
	p0 =	seq.s32 s7, s2  }
0x1e: {  	s7 =	smul.u32 @!p0 $0xF7A, s2;
	p2 =	seq.s32 @!p0 s5, $0x0  }
0x1f: {  	s9 =	smul.u32 $0xF7A, s1;
	s8 =	simm.s32 @!p0 $0x1BF5;
	p2 =	por !p2, p0  }
0x20: {  	[sflag:s8] =	ssyncset.s32 @!p0 $0xFFFFF086;
	s6 =	sadd.s32 @!p0 s3, s7;
	s7 =	simm.s32 @!p0 $0x108  }
0x21: {  	s3 =	sadd.s32 s3, s9;
	s6 =	sadd.s32 @!p0 $0x88, s6;
	s7 =	simm.s32 @p2 $0x1082  }
0x22: {  	[simem:s7], [sflag:s8] =	dma.local @!p0 [hbm:s6], $0xF7A  }
0x23: {  	s9 =	sor.u32 $0xD0000000, s2;
	s6 =	simm.s32 $0x108;
	_ =	swait.ge @!p0 [sflag:s8], $0x0  }
0x24: {  	s3 =	sadd.s32 $0x88, s3;
	s6 =	simm.s32 @!p1 $0x1082;
	[sflag:s4] =	ssyncset.s32 $0xFFFFF086  }
0x25: {  	[simem:s6], [sflag:s4] =	dma.local [hbm:s3], $0xF7A  }
0x26: {  	[smem:$0x3F9C] =	sst s1;
	(tag) =	ssettag s2;
	_ =	strace s9  }
0x27: {  	s1 =	sld [smem:$0x3FAC]  }
0x28: {  	s2 =	sld [smem:$0x3FAD]  }
0x29: {  	s4 =	sld [smem:$0x3FAF]  }
0x2a: {  	p0 =	seq.s32 s5, $0x0;
	s5 =	sld [smem:$0x3FB0]  }
0x2b: {  	s6 =	sld [smem:$0x3FB1]  }
0x2c: {  	s7 =	sld [smem:$0x3FB2]  }
0x2d: {  	s3 =	simm.s32 $0x108;
	s8 =	sld [smem:$0x3FB3]  }
0x2e: {  	s3 =	simm.s32 @!p0 $0x1082;
	s9 =	sld [smem:$0x3FB4]  }
0x2f: {  	lr =	sadd.s32 s0, s3;
	s0 =	sld [smem:$0x3FAB]  }
0x30: {  	s3 =	sld [smem:$0x3FAE]  }
0x31: {  	[smem:$0x3FB7] =	sst s10  }
0x32: {  	s10 =	sld [smem:$0x3FB5];
	_ =	sdelay $0x3  }
0x33: {  	p0 =	seq.s32 s10, $0x1;
	s10 =	sld [smem:$0x3FB7];
	_ =	sdelay $0x3  }
0x34: {  	[smem:$0x3FB7] =	sst s10  }
0x35: {  	s10 =	sld [smem:$0x3FB6];
	_ =	sdelay $0x3  }
0x36: {  	p1 =	seq.s32 s10, $0x1;
	s10 =	sld [smem:$0x3FB7];
	_ =	sdelay $0x3  }
0x37: {  	[smem:$0x3FB7] =	sst s10  }
0x38: {  	s10 =	sld [smem:$0x3FB8]  }
0x39: {  	_ = 	snop;
	(pc) =	sbr.ind lr, $3  }
0x3a: {  	_ = 	snop  }
0x3b: {  	_ = 	snop  }
0x3c: {  	p2 =	seq.s32 s10, $0x1;
	s10 =	sld [smem:$0x3FB7]  }
0x3d: {  	_ =	shalt  }
0x3e: {  	_ =	shalt  }
0x3f: {  	_ =	shalt  }
0x40: {  	_ =	shalt  }
0x41: {  	_ =	shalt  }
0x42: {  	_ =	shalt  }
0x43: {  	_ =	shalt  }
0x44: {  	_ =	shalt  }
0x45: {  	_ =	shalt  }
0x46: {  	_ =	shalt  }
0x47: {  	_ =	shalt  }
0x48: {  	_ =	shalt  }
0x49: {  	_ =	shalt  }
0x4a: {  	_ =	shalt  }
0x4b: {  	_ =	shalt  }
0x4c: {  	_ =	shalt  }
0x4d: {  	_ =	shalt  }
0x4e: {  	_ =	shalt  }
0x4f: {  	_ =	shalt  }
0x50: {  	_ =	shalt  }
0x51: {  	_ =	shalt  }
0x52: {  	_ =	shalt  }
0x53: {  	_ =	shalt  }
0x54: {  	_ =	shalt  }
0x55: {  	_ =	shalt  }
0x56: {  	_ =	shalt  }
0x57: {  	_ =	shalt  }
0x58: {  	_ =	shalt  }
0x59: {  	_ =	shalt  }
0x5a: {  	_ =	shalt  }
0x5b: {  	_ =	shalt  }
0x5c: {  	_ =	shalt  }
0x5d: {  	_ =	shalt  }
0x5e: {  	_ =	shalt  }
0x5f: {  	_ =	shalt  }
0x60: {  	_ =	shalt  }
0x61: {  	_ =	shalt  }
0x62: {  	_ =	shalt  }
0x63: {  	_ =	shalt  }
0x64: {  	_ =	shalt  }
0x65: {  	_ =	shalt  }
0x66: {  	_ =	shalt  }
0x67: {  	_ =	shalt  }
0x68: {  	_ =	shalt  }
0x69: {  	_ =	shalt  }
0x6a: {  	_ =	shalt  }
0x6b: {  	_ =	shalt  }
0x6c: {  	_ =	shalt  }
0x6d: {  	_ =	shalt  }
0x6e: {  	_ =	shalt  }
0x6f: {  	_ =	shalt  }
0x70: {  	_ =	shalt  }
0x71: {  	_ =	shalt  }
0x72: {  	_ =	shalt  }
0x73: {  	_ =	shalt  }
0x74: {  	_ =	shalt  }
0x75: {  	_ =	shalt  }
0x76: {  	_ =	shalt  }
0x77: {  	_ =	shalt  }
0x78: {  	_ =	shalt  }
0x79: {  	_ =	shalt  }
0x7a: {  	_ =	shalt  }
0x7b: {  	_ =	shalt  }
0x7c: {  	_ =	shalt  }
0x7d: {  	_ =	shalt  }
0x7e: {  	_ =	shalt  }
0x7f: {  	_ =	shalt  }
0x80: {  	_ =	shalt  }
0x81: {  	_ =	shalt  }
0x82: {  	_ =	shalt  }
0x83: {  	_ =	shalt  }
0x84: {  	_ =	shalt  }
0x85: {  	_ =	shalt  }
0x86: {  	_ =	shalt  }
0x87: {  	_ =	shalt  }
.Lfunc_end0:
.L_simem_size_0:
called_computation_lowered:
.L_overlay_start_0:
0x88: {  	s2 =	sld [smem:$0x3FD9]  }
0x89: {  	s3 =	sld [smem:$0x3FFE];
	_ =	sdelay $0x1  }
0x8a: {  	s1 =	srdreg.scid  }
0x8b: {  	s0 =	sand.u32 $0x1, s1  }
0x8c: {  	s14 =	sshll.u32 s0, $0xA;
	s2 =	sadd.s32 s3, s2  }
0x8d: {  	s2 =	sadd.s32 s2, s14  }
0x8e: {  	[smem:$0x3FC3] =	sst s2  }
0x8f: {  	_ = 	snop  }
0x90: {  	s2 =	sld [smem:$0x3FD0];
	_ =	sdelay $0x2  }
0x91: {  	s4 =	simm.s32 $0xA;
	s5 =	simm.s32 $0x10;
	s15 =	sld [smem:$0x3FC7]  }
0x92: {  	[smem:s5], [sflag:s4] =	dma.local [hbm:s2], $0x1  }
0x93: {  	_ =	swait.eq [sflag:s4], $0x1  }
0x94: {  	[sflag:s4] =	ssyncset.done $0x0  }
0x95: {  	s16 =	sld [smem:$0x10];
	[sflag:s4] =	ssyncadd.s32 $0xFFFFFFFF  }
0x96: {  	s17 =	sld [smem:$0x11];
	(tm) =	ssettm $0x1  }
0x97: {  	s18 =	sld [smem:$0x3FFB];
	_ =	sdelay $0x3  }
0x98: {  	_ =	strace s18  }
0x99: {  	s5 =	sld [smem:$0x3FFC];
	_ =	sdelay $0x3  }
0x9a: {  	_ =	strace s5  }
0x9b: {  	s5 =	sld [smem:$0x3FFD];
	_ =	sdelay $0x3  }
0x9c: {  	_ =	strace s5  }
0x9d: {  	_ =	strace $0x8FFFFFFF  }
0x9e: {  	s19 =	sld [smem:$0x3FDB];
	_ =	sdelay $0x1  }
0x9f: {  	s6 =	simm.s32 $_scs_section_size  }
0xa0: {  	s7 =	simm.s32 $_size__tile_overlayer_lowered;
	s8 =	simm.s32 $_tile_overlayer_lowered  }
0xa1: {  	s22 =	simm.s32 $0x1BFF;
	s21 =	sshll.u32 s8, $0x1;
	s5 =	sadd.s32 s6, s19  }
0xa2: {  	s9 =	simm.s32 $0x0;
	s20 =	sshll.u32 s7, $0x1;
	s7 =	sadd.s32 s21, s5  }
0xa3: {  	[timem:s9], [sflag:s22] =	dma.local [hbm:s7], s20  }
0xa4: {  	_ =	swait.ge [sflag:s22], s20  }
0xa5: {  	s6 =	ssub.s32 $0x0, s20;
	[sflag:s22] =	ssyncset.done $0x0  }
0xa6: {  	[sflag:s22] =	ssyncadd.s32 s6;
	_ =	sdelay $0x1  }
0xa7: {  	s23 =	simm.s32 $0x1B8B  }
0xa8: {  	_ =	swait.ge [sflag:s23], $0x1  }
0xa9: {  	[sflag:s23] =	ssyncset.done $0x0  }
0xaa: {  	s25 =	simm.s32 $0x1B8E;
	s24 =	sld [smem:$0x3FFE];
	[sflag:s23] =	ssyncadd.s32 $0xFFFFFFFF  }
0xab: {  	s26 =	simm.s32 $execute0_lowered;
	[smem:$0x3FD2] =	sst s25  }
0xac: {  	s7 =	sshll.u32 s26, $0x1;
	_ =	strace $0x80000046;
	[dreg:$0x1] =	wrdreg $0xFFFFFFFF  }
0xad: {  	s28 =	simm.s32 $_size_execute0_lowered;
	s5 =	sadd.s32 s5, s7;
	[dreg:$0x0] =	wrdreg $0x0  }
0xae: {  	s7 =	sshll.u32 s28, $0x1;
	[dreg:$0x2] =	wrdreg s5  }
0xaf: {  	[dreg:$0x3] =	wrdreg s7  }
0xb0: {  	[dreg:$0x4] =	wrdreg $0xC0  }
0xb1: {  	_ =	task [dreg:s9], $0x5FFFF  }
0xb2: {  	[dreg:$0x1] =	wrdreg $0xFFFFFFFF  }
0xb3: {  	[dreg:$0x0] =	wrdreg $0x60  }
0xb4: {  	[dreg:$0x2] =	wrdreg s24  }
0xb5: {  	[dreg:$0x3] =	wrdreg s15  }
0xb6: {  	[dreg:$0x4] =	wrdreg s17  }
0xb7: {  	[dreg:$0x5] =	wrdreg s16  }
0xb8: {  	[dreg:$0x6] =	wrdreg $0x9  }
0xb9: {  	_ =	task.clear_ibuf [dreg:s9], $0x7FFFF;
	_ =	strace $0x90000046  }
0xba: {  	s29 =	simm.s32 $0x9;
	_ =	strace $0x80000048  }
0xbb: {  	_ =	swait.ge [sflag:s29], $0x1  }
0xbc: {  	[sflag:s29] =	ssyncadd.s32 $0xFFFFFFFF  }
0xbd: {  	_ =	strace $0x90000048  }
0xbe: {  	_ =	sfence  }
0xbf: {  	s30 =	sld [smem:$0x0];
	_ =	sdelay $0x2  }
0xc0: {  	s31 =	sshll.u32 s1, $0xD;
	s1 =	sshrl.u32 s1, $0x2  }
0xc1: {  	s3 =	sand.u32 $0x4000, s31;
	s1 =	sadd.s32 s1, s30  }
0xc2: {  	s0 =	sor.u32 s3, s0;
	s1 =	sshll.u32 s1, $0x11  }
0xc3: {  	s0 =	sor.u32 s1, s0  }
0xc4: {  	s0 =	sadd.s32 $0x8F2B, s0  }
0xc5: {  	[sflag:s0] =	ssyncadd.remote.s32 $0x1  }
0xc6: {  	_ =	sfence.sel $0xFFFF  }
0xc7: {  	[dreg:$0x0] =	wrdreg $0xFFFFFFFF;
	(pc) =	sbr.abs _section_cstart, $3  }
0xc8: {  	[dreg:$0x1] =	wrdreg $0xFFFFFFFF  }
0xc9: {  	_ =	task.clear_ibuf [dreg:s9], $0x2FFFF;
	_ =	strace $0x9FFFFFFF  }
0xca: {  	(tm) =	ssettm $0x7FFFFFFF  }
0xcb: {  	_ =	shalt  }
tec
execute0_lowered:
.L_overlay_start_1:
0x0: {  	(tag) =	ssettag $0x1  }
0x1: {  	v0 =	vlaneseq.u32  }
0x2: {  	v1 =	vimm.f32 $0.0e+00;
	vm0 =	vmmov $0x1;
	vm8 =	vcmask $0x1714  }
0x3: {  	vm9 =	vcmask $0xB08;
	vm10 =	vcmask $0x2320;
	v2 =	vimm.s32 $0xA98210  }
0x4: {  	vm11 =	vcmask $0x1710;
	vm12 =	vcmask $0xB04;
	v3 =	vimm.s32 $0x0  }
0x5: {  	v4 =	vimm.s32 $0x1A192120;
	v5 =	vimm.s32 $0x0;
	vm13 =	vcmask $0x1F18  }
0x6: {  	v6 =	vimm.s32 $0x3A393832;
	v7 =	vimm.s32 $0x9A999892;
	v10 =	vimm.s32 $0xA8A2A1A0  }
0x7: {  	v11 =	vimm.s32 $0x88828180;
	v12 =	vimm.s32 $0x91908A89;
	v13 =	vimm.s32 $0xC8C2C1C0  }
0x8: {  	v14 =	vimm.s32 $0xD1D0CAC9;
	v15 =	vimm.s32 $0x0;
	vm2 =	vcmask $0x308  }
0x9: {  	vm3 =	vcmask $0x70C;
	vm4 =	vcmask $0xB10;
	vm5 =	vcmask $0xF14  }
0xa: {  	vm6 =	vcmask $0x1318;
	vm7 =	vcmask $0x171C;
	vm14 =	vcmask $0x1F24  }
0xb: {  	vm15 =	vcmask $0x2328;
	vm9 =	vmor vm9, vm8;
	v2 =	vunpack.c.l.s4.s8 v2  }
0xc: {  	v6 =	vunpack.c.0.s8.s32 v6;
	v7 =	vunpack.c.0.s8.s32 v7;
	v10 =	vunpack.c.0.s8.s32 v10  }
0xd: {  	v11 =	vunpack.c.0.s8.s32 v11;
	vm9 =	vmor vm9, vm10;
	vm10 =	vcmask $0x2F2C  }
0xe: {  	v12 =	vunpack.c.0.s8.s32 v12;
	vm9 =	vmor vm9, vm10;
	vm10 =	vcmask $0x3B38  }
0xf: {  	v13 =	vunpack.c.0.s8.s32 v13;
	v2 =	vunpack.c.0.s8.s32 v2;
	vm9 =	vmor vm9, vm10  }
0x10: {  	v14 =	vunpack.c.0.s8.s32 v14;
	vm8 =	vcmask $0x1B20;
	v3 =	vsel vm9, $0xFFFFFFFF, v3  }
0x11: {  	vm9 =	vmor vm12, vm11;
	vm11 =	vcmask $0x231C;
	v2 =	vand.u32 $0xF, v2  }
0x12: {  	vm12 =	vcmask $0x1700;
	vm9 =	vmor vm9, vm11;
	vm11 =	vcmask $0x2F28  }
0x13: {  	[tilespmem:$0x1FFB0] =	vst v3;
	v3 =	vimm.s32 $0x11101812;
	vm9 =	vmor vm9, vm11;
	vm11 =	vcmask $0x3B34  }
0x14: {  	v2 =	vnsel vm12, $0x28, v2;
	v3 =	vunpack.c.0.s8.s32 v3;
	vm9 =	vmor vm9, vm11  }
0x15: {  	vm12 =	vcmask $0x2718;
	vm11 =	vcmask $0xF0C;
	v5 =	vsel vm9, $0xFFFFFFFF, v5  }
0x16: {  	v2 =	vsel vm12, v3, v2;
	v3 =	vunpack.c.0.s8.s32 v4;
	vm9 =	vcmask $0x3728  }
0x17: {  	vm12 =	vcmask $0x33C;
	v4 =	vimm.s32 $0x0;
	[tilespmem:$0x1FFC0] =	vst v5;
	v5 =	vimm.s32 $0x31302A29  }
0x18: {  	v2 =	vsel vm9, v3, v2;
	vm9 =	vmor vm12, vm11;
	vm11 =	vcmask $0x1B18  }
0x19: {  	vm12 =	vcmask $0x3330;
	v3 =	vimm.s32 $0x0;
	v5 =	vunpack.c.0.s8.s32 v5  }
0x1a: {  	v2 =	vsel vm10, $0x22, v2;
	vm9 =	vmor vm9, vm11;
	vm10 =	vcmask $0x2724  }
0x1b: {  	vm11 =	vcmask $0x73C;
	vm9 =	vmor vm9, vm10;
	vm10 =	vcmask $0x130C  }
0x1c: {  	vm10 =	vmor vm11, vm10;
	vm1 =	vmor vm9, vm12;
	vm12 =	vcmask $0x338  }
0x1d: {  	v3 =	vsel vm1, $0xFFFFFFFF, v3;
	vm9 =	vmor vm10, vm13;
	vm10 =	vcmask $0x2B24  }
0x1e: {  	[tilespmem:$0x1FFD0] =	vst v3;
	vm9 =	vmor vm9, vm10;
	vm10 =	vcmask $0x3730;
	v3 =	vimm.s32 $0x48424140  }
0x1f: {  	vm11 =	vcmask $0x2F34;
	vm9 =	vmor vm9, vm10;
	v3 =	vunpack.c.0.s8.s32 v3  }
0x20: {  	vm10 =	vcmask $0xF08;
	v4 =	vsel vm9, $0xFFFFFFFF, v4;
	vm9 =	vcmask $0x1F10  }
0x21: {  	vm10 =	vmor vm12, vm10;
	vm12 =	vcmask $0x1B14;
	[tilespmem:$0x1FFE0] =	vst v4;
	v4 =	vimm.s32 $0x51504A49  }
0x22: {  	v9 =	vsel vm9, v6, v5;
	vm10 =	vmor vm10, vm12;
	vm12 =	vcmask $0x2720  }
0x23: {  	v5 =	vimm.s32 $0x5A595852;
	v6 =	vimm.s32 $0x68626160;
	v4 =	vunpack.c.0.s8.s32 v4  }
0x24: {  	vm10 =	vmor vm10, vm12;
	vm12 =	vcmask $0x332C;
	v5 =	vunpack.c.0.s8.s32 v5  }
0x25: {  	v6 =	vunpack.c.0.s8.s32 v6;
	vm10 =	vmor vm10, vm12;
	vm12 =	vmmov $0x7fff  }
0x26: {  	v8 =	vsel vm9, v4, v3;
	v3 =	vimm.s32 $0x71706A69;
	v4 =	vimm.s32 $0x7A797872  }
0x27: {  	v15 =	vsel vm10, $0xFFFFFFFF, v15;
	v16 =	vsel vm9, v6, v5;
	v6 =	vsel vm9, v10, v7  }
0x28: {  	v7 =	vsel vm9, v12, v11;
	v10 =	vsel vm9, v14, v13;
	v5 =	vimm.s32 $0xF1F0EAE9  }
0x29: {  	s0 =	rddreg [dreg:$0x0];
	s4 =	simm.s32 $0x0;
	v11 =	vimm.s32 $0xFAF9F8F2;
	v12 =	vimm.s32 $0xDAD9D8D2;
	v13 =	vimm.s32 $0xE8E2E1E0  }
0x2a: {  	s1 =	srdreg.scid;
	[smem:$0x7FF] =	sst s4;
	v3 =	vunpack.c.0.s8.s32 v3;
	v4 =	vunpack.c.0.s8.s32 v4;
	v5 =	vunpack.c.0.s8.s32 v5  }
0x2b: {  	s9 =	stileid.u32;
	s14 =	simm.s32 $0x230;
	_ =	strace $0x80000047;
	v11 =	vunpack.c.0.s8.s32 v11;
	v12 =	vunpack.c.0.s8.s32 v12;
	v13 =	vunpack.c.0.s8.s32 v13  }
0x2c: {  	s29 =	simm.s32 $0x2;
	s31 =	simm.s32 $0x1;
	s1 =	sand.u32 $0x1, s1;
	[tilespmem:$0x1FFF0] =	vst v15;
	v15 =	vsel vm9, v4, v3;
	v3 =	vimm.s32 $0xB1B0AAA9;
	v4 =	vimm.s32 $0xBAB9B8B2  }
0x2d: {  	s5 =	sadd.s32 $0xC00, s0;
	s7 =	sadd.s32 $0xF5000, s0;
	s2 =	ssub.s32 $0x2, s1;
	v11 =	vsel vm9, v11, v5;
	v12 =	vsel vm9, v13, v12;
	v13 =	vcombine.low v7, v6  }
0x2e: {  	s3 =	sshll.u32 s9, $0x1;
	s0 =	sadd.s32 $0x1E9000, s0;
	s6 =	sshrl.u32 s2, $0x1;
	v3 =	vunpack.c.0.s8.s32 v3;
	v4 =	vunpack.c.0.s8.s32 v4;
	v17 =	vcombine.low v12, v11  }
0x2f: {  	s30 =	sshll.u32 s9, $0xF;
	s8 =	sor.u32 s1, s3;
	s2 =	ssub.s32 s2, s6;
	vm10 =	vcmask $0x2B30;
	v8 =	vcombine.low v9, v8;
	v11 =	vand.u32 $0xFF, v13  }
0x30: {  	s28 =	ssub.s32 $0x207, s8;
	s2 =	smax.u32 s2, $0x1;
	[dreg:$0x5] =	wrdreg s0;
	v14 =	vsel vm9, v4, v3;
	v3 =	vmul.u32 $0x8, v0;
	v13 =	vand.u32 $0xFF, v17  }
0x31: {  	s1 =	sshll.u32 s1, $0xE;
	s3 =	sshrl.u32 s28, $0x5;
	[dreg:$0x6] =	wrdreg s2;
	vm9 =	vcmask $0x272C;
	v14 =	vcombine.low v14, v10;
	v10 =	vcombine.low v16, v15  }
0x32: {  	p0 =	sne.s32 s8, $0x8;
	s0 =	sor.u32 s1, s30;
	[dreg:$0x7] =	wrdreg s3;
	v4 =	vor.u32 $0x80, v3;
	v5 =	vor.u32 $0x1, v3;
	v6 =	vor.u32 $0x81, v3  }
0x33: {  	p1 =	sne.s32 s8, $0x0;
	s2 =	simm.s32 $0x0;
	[dreg:$0x8] =	wrdreg s0;
	v7 =	vor.u32 $0x2, v3;
	v9 =	vor.u32 $0x82, v3;
	v12 =	vand.u32 $0xFF, v14  }
.LBB2_1:
0x34: {  	[dreg:$0x9] =	wrdreg s2;
	v15 =	vor.u32 s4, v0  }
0x35: {  	s0 =	rddreg [dreg:$0x1];
	s26 =	simm.s32 $0x4;
	v14 =	vmulhi.u32 $0xAAAAAAAB, v15  }
0x36: {  	[tilespmem:s4], [sflag:$0x4] =	stream.linear.gather [hbm4b:s0+s4], $0x20, $0x38;
	[tilespmem:$0x4230] =	vst v63  }
0x37: {  	_ =	swait.ge [sflag:s26], $0x20;
	v16 =	vshrl.u32 v14, $0x1  }
0x38: {  	[sflag:s26] =	ssyncset.done $0x0;
	v17 =	vmul.u32 $0xFFFFFFFD, v16  }
0x39: {  	s28 =	simm.s32 $0x10;
	[sflag:s26] =	ssyncadd.s32 $0xFFFFFFE0  }
0x3a: {  	s1 =	simm.s32 $0x220;
	v14 =	vor.u32 s28, v0;
	s30 =	rddreg [dreg:$0x2];
	v15 =	vadd.s32 v15, v17;
	v17 =	vshll.u32 v16, $0x3  }
0x3b: {  	v18 =	vmulhi.u32 $0xAAAAAAAB, v14;
	[tilespmem:s1], [sflag:$0x4] =	stream.linear.gather [hbm4b:s30+s4], $0x10, $0x38;
	v15 =	vor.u32 v15, v17;
	[tilespmem:$0x4230] =	vst v63  }
0x3c: {  	_ =	swait.ge [sflag:s26], $0x10  }
0x3d: {  	v16 =	vshrl.u32 v18, $0x1;
	[sflag:s26] =	ssyncset.done $0x0  }
0x3e: {  	s0 =	simm.s32 $0x20;
	v17 =	vmul.u32 $0xFFFFFFFD, v16;
	[sflag:s26] =	ssyncadd.s32 $0xFFFFFFF0  }
.LBB2_2:
0x3f: {  	p2 =	sne.s32 s0, $0x17F0  }
.Ltmp0:
0x40: {  	v16 =	vshll.u32 v16, $0x3;
	[tilespmem:v15+s14+$0x0] =	vst.idx.msk $0xffff, v1;
	v17 =	vadd.s32 v14, v17;
	v14 =	vor.u32 s0, v0;
	s0 =	sadd.s32 $0x10, s0;
	(pc) =	sbr.rel @p2 .LBB2_2-.Ltmp0, $3  }
0x41: {  	v18 =	vmulhi.u32 $0xAAAAAAAB, v14;
	v15 =	vor.u32 v17, v16;
	_ =	sdelay $0x1  }
0x42: {  	v16 =	vshrl.u32 v18, $0x1  }
0x43: {  	v17 =	vmul.u32 $0xFFFFFFFD, v16  }
0x44: {  	_ = 	snop  }
0x45: {  	v16 =	vshll.u32 v16, $0x3;
	v14 =	vadd.s32 v14, v17  }
0x46: {  	p2 =	sne.s32 s3, $0x1;
	v14 =	vor.u32 v14, v16  }
.Ltmp1:
0x47: {  	_ = 	snop;
	(pc) =	sbr.rel @!p2 .LBB2_5-.Ltmp1, $4  }
0x48: {  	_ = 	snop  }
0x49: {  	s6 =	rddreg [dreg:$0x8]  }
0x4a: {  	[tilespmem:v15+s14+$0x0] =	vst.idx.msk $0xffff, v1;
	s1 =	sshrl.u32 s6, $0x3  }
0x4b: {  	s0 =	sadd.s32 $0xFFFFFFFF, s3;
	s2 =	sadd.s32 s7, s1;
	s1 =	sadd.s32 $0x80000, s6;
	[tilespmem:v14+s14+$0x0] =	vst.idx.msk $0xffff, v1  }
.LBB2_4:
0x4c: {  	[hbm4b:s2+s4] =	stream.linear.scatter [tilespmem:s14], [sflag:$0x1], $0x4000, $0x38;
	[tilespmem:$0x4230] =	vst v63  }
0x4d: {  	p3 =	sne.s32 s0, $0x1  }
.Ltmp2:
0x4e: {  	s0 =	sadd.s32 $0xFFFFFFFF, s0;
	(pc) =	sbr.rel @p3 .LBB2_4-.Ltmp2, $3  }
0x4f: {  	_ =	sdelay $0x1  }
0x50: {  	s2 =	sshrl.u32 s1, $0x3  }
0x51: {  	s1 =	sadd.s32 $0x80000, s1;
	s2 =	sadd.s32 s7, s2  }
.LBB2_5:
0x52: {  	[hbm4b:s2+s4] =	stream.linear.scatter [tilespmem:s14], [sflag:$0x1], $0x4000, $0x38;
	[tilespmem:$0x4230] =	vst v63  }
0x53: {  	s0 =	simm.s32 @!p0 $0x0;
	s1 =	simm.s32 @!p0 $0x230;
	s2 =	rddreg [dreg:$0x5]  }
0x54: {  	[hbm4b:s2+s0] =	stream.linear.scatter @!p0 [tilespmem:s1], [sflag:$0x1], $0x1200, $0x38;
	[tilespmem:$0x4230] =	vst v63  }
0x55: {  	v15 =	vld [tilespmem:$0x0];
	_ =	sdelay $0x4  }
0x56: {  	v14 =	vnsel vm0, $0x0, v15  }
0x57: {  	(xrf0) =	vadd.scan.msk.s32 $0xffff, v14;
	v14 =	vsel vm2, $0x0, v15  }
0x58: {  	(xrf0) =	vadd.scan.msk.s32 $0xffff, v14;
	v14 =	vsel vm3, $0x0, v15  }
0x59: {  	(xrf0) =	vadd.scan.msk.s32 $0xffff, v14;
	_ =	sdelay $0x3  }
0x5a: {  	v14, _, _ =	vpop (xrf0)  }
0x5b: {  	(v2sf) =	vpush v14, $0xF;
	v14 =	vsel vm4, $0x0, v15;
	v16, _, _ =	vpop (xrf0)  }
0x5c: {  	(xrf0) =	vadd.scan.msk.s32 $0xffff, v14;
	(v2sf) =	vpush v16, $0xF;
	v14 =	vsel vm5, $0x0, v15;
	v30, _, _ =	vpop (xrf0)  }
0x5d: {  	(xrf0) =	vadd.scan.msk.s32 $0xffff, v14;
	(v2sf) =	vpush v30, $0xF;
	_ =	sdelay $0x3  }
0x5e: {  	v14 =	vsel vm6, $0x0, v15  }
0x5f: {  	v31, _, _ =	vpop (xrf0);
	(xrf0) =	vadd.scan.msk.s32 $0xffff, v14  }
0x60: {  	v14 =	vsel vm7, $0x0, v15;
	(v2sf) =	vpush v31, $0xF;
	v32, _, _ =	vpop (xrf0)  }
0x61: {  	(xrf0) =	vadd.scan.msk.s32 $0xffff, v14;
	(v2sf) =	vpush v32, $0xF;
	_ =	sdelay $0x2  }
0x62: {  	v14 =	vsel vm8, $0x0, v15  }
0x63: {  	v33, _, _ =	vpop (xrf0);
	(xrf0) =	vadd.scan.msk.s32 $0xffff, v14  }
0x64: {  	v14 =	vsel vm14, $0x0, v15;
	(v2sf) =	vpush v33, $0xF  }
0x65: {  	v34, _, _ =	vpop (xrf0);
	(xrf0) =	vadd.scan.msk.s32 $0xffff, v14;
	s11 =	spop (v2sf)  }
0x66: {  	s3 =	simm.s32 $0x20;
	(v2sf) =	vpush v34, $0xF;
	s30 =	sand.u32 $0x1FFFFFFF, s11;
	s10 =	spop (v2sf)  }
0x67: {  	s0 =	sadd.s32 s5, s30;
	s1 =	sand.u32 $0x1FFFFFFF, s10;
	s28 =	spop (v2sf)  }
0x68: {  	v35 =	vsel vm15, $0x0, v15;
	v14 =	vld [tilespmem:$0x10];
	[tilespmem:s3], [sflag:$0x2] =	stream.linear.gather [hbm4b:s0+s4], $0x8, $0x38  }
0x69: {  	s2 =	simm.s32 $0x28;
	s0 =	sadd.s32 s5, s1;
	s6 =	sand.u32 $0x1FFFFFFF, s28;
	v17, _, _ =	vpop (xrf0);
	(xrf0) =	vadd.scan.msk.s32 $0xffff, v35  }
0x6a: {  	v36 =	vsel vm9, $0x0, v15;
	[tilespmem:s2], [sflag:$0x2] =	stream.linear.gather [hbm4b:s0+s4], $0x8, $0x38;
	[tilespmem:$0x4230] =	vst v63  }
0x6b: {  	s12 =	simm.s32 $0x30;
	(v2sf) =	vpush v17, $0xF;
	v37, _, _ =	vpop (xrf0);
	(xrf0) =	vadd.scan.msk.s32 $0xffff, v36;
	s0 =	sadd.s32 s5, s6  }
0x6c: {  	(v2sf) =	vpush v37, $0xF;
	[tilespmem:s12], [sflag:$0x2] =	stream.linear.gather [hbm4b:s0+s4], $0x8, $0x38;
	[tilespmem:$0x4230] =	vst v63  }
0x6d: {  	s9 =	spop (v2sf)  }
0x6e: {  	v38 =	vsel vm10, $0x0, v15;
	s13 =	sand.u32 $0x1FFFFFFF, s9;
	s15 =	spop (v2sf)  }
0x6f: {  	s16 =	simm.s32 $0x38;
	v39, _, _ =	vpop (xrf0);
	(xrf0) =	vadd.scan.msk.s32 $0xffff, v38;
	s0 =	sadd.s32 s5, s13;
	s17 =	sand.u32 $0x1FFFFFFF, s15  }
0x70: {  	v40 =	vsel vm11, $0x0, v15;
	[tilespmem:s16], [sflag:$0x2] =	stream.linear.gather [hbm4b:s0+s4], $0x8, $0x38;
	[tilespmem:$0x4230] =	vst v63  }
0x71: {  	s19 =	simm.s32 $0x40;
	(v2sf) =	vpush v39, $0xF;
	v41, _, _ =	vpop (xrf0);
	(xrf0) =	vadd.scan.msk.s32 $0xffff, v40;
	s0 =	sadd.s32 s5, s17  }
0x72: {  	(v2sf) =	vpush v41, $0xF;
	[tilespmem:s19], [sflag:$0x2] =	stream.linear.gather [hbm4b:s0+s4], $0x8, $0x38;
	[tilespmem:$0x4230] =	vst v63  }
0x73: {  	vm13 =	vcmask $0x3338;
	s18 =	spop (v2sf)  }
0x74: {  	s22 =	simm.s32 $0x48;
	v43 =	vsel vm13, $0x0, v15;
	[smem:$0x7D7] =	sst s30;
	s20 =	sand.u32 $0x1FFFFFFF, s18  }
0x75: {  	vm1 =	vcmask $0x373C;
	[smem:$0x7D8] =	sst s1;
	s21 =	spop (v2sf);
	v42, _, _ =	vpop (xrf0);
	(xrf0) =	vadd.scan.msk.s32 $0xffff, v43;
	s0 =	sadd.s32 s5, s20  }
0x76: {  	v45 =	vsel vm1, $0x0, v15;
	[tilespmem:s22], [sflag:$0x2] =	stream.linear.gather [hbm4b:s0+s4], $0x8, $0x38;
	[tilespmem:$0x4230] =	vst v63  }
0x77: {  	[smem:$0x7D9] =	sst s6;
	s23 =	sand.u32 $0x1FFFFFFF, s21;
	(v2sf) =	vpush v42, $0xF;
	v44, _, _ =	vpop (xrf0);
	(xrf0) =	vadd.scan.msk.s32 $0xffff, v45  }
0x78: {  	s25 =	simm.s32 $0x50;
	[smem:$0x7DA] =	sst s9;
	s0 =	sadd.s32 s5, s23;
	(v2sf) =	vpush v44, $0xF  }
0x79: {  	[tilespmem:s25], [sflag:$0x2] =	stream.linear.gather [hbm4b:s0+s4], $0x8, $0x38;
	[tilespmem:$0x4230] =	vst v63  }
0x7a: {  	v15 =	vsel vm12, $0x0, v15;
	s6 =	simm.s32 $0x58;
	[smem:$0x7DB] =	sst s13;
	s24 =	spop (v2sf)  }
0x7b: {  	[smem:$0x7DC] =	sst s15;
	s26 =	sand.u32 $0x1FFFFFFF, s24;
	s30 =	spop (v2sf)  }
0x7c: {  	[smem:$0x7DD] =	sst s17;
	s0 =	sadd.s32 s5, s26;
	v46, _, _ =	vpop (xrf0);
	s9 =	sand.u32 $0x1FFFFFFF, s30;
	(xrf0) =	vadd.scan.msk.s32 $0xffff, v15  }
0x7d: {  	[tilespmem:s6], [sflag:$0x2] =	stream.linear.gather [hbm4b:s0+s4], $0x8, $0x38;
	(v2sf) =	vpush v46, $0xF;
	v15, _, _ =	vpop (xrf0);
	[tilespmem:$0x4230] =	vst v63  }
0x7e: {  	s15 =	simm.s32 $0x60;
	[smem:$0x7DE] =	sst s18;
	s13 =	sadd.s32 s5, s9;
	(v2sf) =	vpush v15, $0xF  }
0x7f: {  	v47 =	vnsel vm0, $0x0, v14;
	[tilespmem:s15], [sflag:$0x2] =	stream.linear.gather [hbm4b:s13+s4], $0x8, $0x38;
	[tilespmem:$0x4230] =	vst v63  }
0x80: {  	s19 =	simm.s32 $0x68;
	[smem:$0x7DF] =	sst s20;
	(xrf0) =	vadd.scan.msk.s32 $0xffff, v47;
	s12 =	spop (v2sf)  }
0x81: {  	[smem:$0x7E0] =	sst s21;
	s16 =	sand.u32 $0x1FFFFFFF, s12;
	s17 =	spop (v2sf)  }
0x82: {  	[smem:$0x7E1] =	sst s23;
	s18 =	sadd.s32 s5, s16;
	s20 =	sand.u32 $0x1FFFFFFF, s17;
	v15, _, _ =	vpop (xrf0)  }
0x83: {  	[tilespmem:s19], [sflag:$0x2] =	stream.linear.gather [hbm4b:s18+s4], $0x8, $0x38;
	(v2sf) =	vpush v15, $0xF;
	v15 =	vsel vm2, $0x0, v14;
	[tilespmem:$0x4230] =	vst v63  }
0x84: {  	s23 =	simm.s32 $0x70;
	[smem:$0x7E2] =	sst s24;
	s22 =	sadd.s32 s5, s20;
	(xrf0) =	vadd.scan.msk.s32 $0xffff, v15  }
0x85: {  	[tilespmem:s23], [sflag:$0x2] =	stream.linear.gather [hbm4b:s22+s4], $0x8, $0x38;
	[tilespmem:$0x4230] =	vst v63  }
0x86: {  	[smem:$0x7E3] =	sst s26;
	s21 =	spop (v2sf);
	v15, _, _ =	vpop (xrf0)  }
0x87: {  	[smem:$0x7E4] =	sst s30;
	s24 =	sand.u32 $0x1FFFFFFF, s21;
	s25 =	spop (v2sf);
	(v2sf) =	vpush v15, $0xF;
	v15 =	vsel vm3, $0x0, v14  }
0x88: {  	s30 =	simm.s32 $0x78;
	s26 =	sadd.s32 s5, s24;
	s1 =	sand.u32 $0x1FFFFFFF, s25;
	(xrf0) =	vadd.scan.msk.s32 $0xffff, v15  }
0x89: {  	[tilespmem:s30], [sflag:$0x2] =	stream.linear.gather [hbm4b:s26+s4], $0x8, $0x38;
	[tilespmem:$0x4230] =	vst v63  }
0x8a: {  	[smem:$0x7E5] =	sst s9;
	s6 =	simm.s32 $0x80;
	s2 =	sadd.s32 s5, s1;
	v15, _, _ =	vpop (xrf0)  }
0x8b: {  	[tilespmem:s6], [sflag:$0x2] =	stream.linear.gather [hbm4b:s2+s4], $0x8, $0x38;
	(v2sf) =	vpush v15, $0xF;
	v15 =	vsel vm4, $0x0, v14;
	[tilespmem:$0x4230] =	vst v63  }
0x8c: {  	s13 =	simm.s32 $0x88;
	[smem:$0x7E6] =	sst s12;
	s9 =	spop (v2sf);
	(xrf0) =	vadd.scan.msk.s32 $0xffff, v15  }
0x8d: {  	[smem:$0x7E7] =	sst s16;
	s0 =	sand.u32 $0x1FFFFFFF, s9;
	s15 =	spop (v2sf)  }
0x8e: {  	[smem:$0x7EF] =	sst s0;
	s12 =	sadd.s32 s5, s0;
	v15, _, _ =	vpop (xrf0);
	s0 =	sand.u32 $0x1FFFFFFF, s15  }
0x8f: {  	[tilespmem:s13], [sflag:$0x2] =	stream.linear.gather [hbm4b:s12+s4], $0x8, $0x38;
	(v2sf) =	vpush v15, $0xF;
	v15 =	vsel vm5, $0x0, v14;
	[tilespmem:$0x4230] =	vst v63  }
0x90: {  	[smem:$0x7E8] =	sst s17;
	s17 =	simm.s32 $0x90;
	s16 =	sadd.s32 s5, s0;
	(xrf0) =	vadd.scan.msk.s32 $0xffff, v15  }
0x91: {  	[tilespmem:s17], [sflag:$0x2] =	stream.linear.gather [hbm4b:s16+s4], $0x8, $0x38;
	[tilespmem:$0x4230] =	vst v63  }
0x92: {  	v15, _, _ =	vpop (xrf0);
	s18 =	spop (v2sf)  }
0x93: {  	[smem:$0x7F1] =	sst s0;
	(v2sf) =	vpush v15, $0xF;
	v15 =	vsel vm6, $0x0, v14;
	s0 =	sand.u32 $0x1FFFFFFF, s18  }
0x94: {  	[smem:$0x7E9] =	sst s20;
	s20 =	simm.s32 $0x98;
	(xrf0) =	vadd.scan.msk.s32 $0xffff, v15;
	s19 =	sadd.s32 s5, s0  }
0x95: {  	[tilespmem:s20], [sflag:$0x2] =	stream.linear.gather [hbm4b:s19+s4], $0x8, $0x38;
	[tilespmem:$0x4230] =	vst v63  }
0x96: {  	[smem:$0x7EA] =	sst s21;
	v15, _, _ =	vpop (xrf0);
	s21 =	spop (v2sf)  }
0x97: {  	[smem:$0x7F3] =	sst s0;
	(v2sf) =	vpush v15, $0xF;
	v15 =	vsel vm7, $0x0, v14;
	s0 =	sand.u32 $0x1FFFFFFF, s21  }
0x98: {  	s23 =	simm.s32 $0xA0;
	(xrf0) =	vadd.scan.msk.s32 $0xffff, v15;
	s22 =	sadd.s32 s5, s0  }
0x99: {  	[tilespmem:s23], [sflag:$0x2] =	stream.linear.gather [hbm4b:s22+s4], $0x8, $0x38;
	[tilespmem:$0x4230] =	vst v63  }
0x9a: {  	[smem:$0x7EB] =	sst s24;
	v15, _, _ =	vpop (xrf0);
	s24 =	spop (v2sf)  }
0x9b: {  	[smem:$0x7F5] =	sst s0;
	(v2sf) =	vpush v15, $0xF;
	v15 =	vsel vm8, $0x0, v14;
	s0 =	sand.u32 $0x1FFFFFFF, s24  }
0x9c: {  	[smem:$0x7EC] =	sst s25;
	s26 =	simm.s32 $0xA8;
	(xrf0) =	vadd.scan.msk.s32 $0xffff, v15;
	s25 =	sadd.s32 s5, s0  }
0x9d: {  	[tilespmem:s26], [sflag:$0x2] =	stream.linear.gather [hbm4b:s25+s4], $0x8, $0x38;
	[tilespmem:$0x4230] =	vst v63  }
0x9e: {  	v15, _, _ =	vpop (xrf0);
	s30 =	spop (v2sf)  }
0x9f: {  	[smem:$0x7F7] =	sst s0;
	(v2sf) =	vpush v15, $0xF;
	v15 =	vsel vm14, $0x0, v14;
	s0 =	sand.u32 $0x1FFFFFFF, s30  }
0xa0: {  	[smem:$0x7ED] =	sst s1;
	s6 =	simm.s32 $0xB0;
	(xrf0) =	vadd.scan.msk.s32 $0xffff, v15;
	s1 =	sadd.s32 s5, s0  }
0xa1: {  	[tilespmem:s6], [sflag:$0x2] =	stream.linear.gather [hbm4b:s1+s4], $0x8, $0x38;
	[tilespmem:$0x4230] =	vst v63  }
0xa2: {  	[smem:$0x7EE] =	sst s9;
	v15, _, _ =	vpop (xrf0);
	s9 =	spop (v2sf)  }
0xa3: {  	[smem:$0x7F9] =	sst s0;
	(v2sf) =	vpush v15, $0xF;
	v15 =	vsel vm15, $0x0, v14;
	s0 =	sand.u32 $0x1FFFFFFF, s9  }
0xa4: {  	s13 =	simm.s32 $0xB8;
	(xrf0) =	vadd.scan.msk.s32 $0xffff, v15;
	s12 =	sadd.s32 s5, s0  }
0xa5: {  	[tilespmem:s13], [sflag:$0x2] =	stream.linear.gather [hbm4b:s12+s4], $0x8, $0x38;
	[tilespmem:$0x4230] =	vst v63  }
0xa6: {  	[smem:$0x7F0] =	sst s15;
	v15, _, _ =	vpop (xrf0);
	s15 =	spop (v2sf)  }
0xa7: {  	[smem:$0x7FB] =	sst s0;
	(v2sf) =	vpush v15, $0xF;
	v15 =	vsel vm9, $0x0, v14;
	s0 =	sand.u32 $0x1FFFFFFF, s15  }
0xa8: {  	s17 =	simm.s32 $0xC0;
	(xrf0) =	vadd.scan.msk.s32 $0xffff, v15;
	s16 =	sadd.s32 s5, s0  }
0xa9: {  	[tilespmem:s17], [sflag:$0x2] =	stream.linear.gather [hbm4b:s16+s4], $0x8, $0x38;
	[tilespmem:$0x4230] =	vst v63  }
0xaa: {  	[smem:$0x7F2] =	sst s18;
	v15, _, _ =	vpop (xrf0);
	s18 =	spop (v2sf)  }
0xab: {  	[smem:$0x7FD] =	sst s0;
	(v2sf) =	vpush v15, $0xF;
	v15 =	vsel vm10, $0x0, v14;
	s0 =	sand.u32 $0x1FFFFFFF, s18  }
0xac: {  	s20 =	simm.s32 $0xC8;
	(xrf0) =	vadd.scan.msk.s32 $0xffff, v15;
	s19 =	sadd.s32 s5, s0  }
0xad: {  	[tilespmem:s20], [sflag:$0x2] =	stream.linear.gather [hbm4b:s19+s4], $0x8, $0x38;
	[tilespmem:$0x4230] =	vst v63  }
0xae: {  	[smem:$0x7F4] =	sst s21;
	v15, _, _ =	vpop (xrf0);
	s21 =	spop (v2sf)  }
0xaf: {  	[dreg:$0x1e] =	wrdreg s0;
	(v2sf) =	vpush v15, $0xF;
	v15 =	vsel vm11, $0x0, v14;
	s0 =	sand.u32 $0x1FFFFFFF, s21  }
0xb0: {  	s23 =	simm.s32 $0xD0;
	(xrf0) =	vadd.scan.msk.s32 $0xffff, v15;
	s22 =	sadd.s32 s5, s0  }
0xb1: {  	[tilespmem:s23], [sflag:$0x2] =	stream.linear.gather [hbm4b:s22+s4], $0x8, $0x38;
	[tilespmem:$0x4230] =	vst v63  }
0xb2: {  	[smem:$0x7F6] =	sst s24;
	v15, _, _ =	vpop (xrf0);
	s24 =	spop (v2sf)  }
0xb3: {  	[dreg:$0x1c] =	wrdreg s0;
	(v2sf) =	vpush v15, $0xF;
	v15 =	vsel vm13, $0x0, v14;
	s0 =	sand.u32 $0x1FFFFFFF, s24  }
0xb4: {  	s26 =	simm.s32 $0xD8;
	(xrf0) =	vadd.scan.msk.s32 $0xffff, v15;
	s25 =	sadd.s32 s5, s0  }
0xb5: {  	[tilespmem:s26], [sflag:$0x2] =	stream.linear.gather [hbm4b:s25+s4], $0x8, $0x38;
	[tilespmem:$0x4230] =	vst v63  }
0xb6: {  	[smem:$0x7F8] =	sst s30;
	v15, _, _ =	vpop (xrf0);
	s30 =	spop (v2sf)  }
0xb7: {  	[dreg:$0x1a] =	wrdreg s0;
	(v2sf) =	vpush v15, $0xF;
	v15 =	vsel vm1, $0x0, v14;
	s0 =	sand.u32 $0x1FFFFFFF, s30  }
0xb8: {  	s6 =	simm.s32 $0xE0;
	[smem:$0x7FA] =	sst s9;
	(xrf0) =	vadd.scan.msk.s32 $0xffff, v15;
	s1 =	sadd.s32 s5, s0  }
0xb9: {  	v14 =	vsel vm12, $0x0, v14;
	[tilespmem:s6], [sflag:$0x2] =	stream.linear.gather [hbm4b:s1+s4], $0x8, $0x38;
	[tilespmem:$0x4230] =	vst v63  }
0xba: {  	[smem:$0x7FC] =	sst s15;
	v15, _, _ =	vpop (xrf0);
	s9 =	spop (v2sf);
	(xrf0) =	vadd.scan.msk.s32 $0xffff, v14  }
0xbb: {  	[dreg:$0x18] =	wrdreg s0;
	(v2sf) =	vpush v15, $0xF;
	s0 =	sand.u32 $0x1FFFFFFF, s9  }
0xbc: {  	s13 =	simm.s32 $0xE8;
	[dreg:$0x1f] =	wrdreg s18;
	s12 =	sadd.s32 s5, s0  }
0xbd: {  	[tilespmem:s13], [sflag:$0x2] =	stream.linear.gather [hbm4b:s12+s4], $0x8, $0x38;
	[tilespmem:$0x4230] =	vst v63  }
0xbe: {  	[dreg:$0x1d] =	wrdreg s21;
	v14, _, _ =	vpop (xrf0);
	s15 =	spop (v2sf)  }
0xbf: {  	[dreg:$0x16] =	wrdreg s0;
	(v2sf) =	vpush v14, $0xF;
	s0 =	sand.u32 $0x1FFFFFFF, s15  }
0xc0: {  	s17 =	simm.s32 $0xF0;
	[dreg:$0x1b] =	wrdreg s24;
	s16 =	sadd.s32 s5, s0;
	v14, _, _ =	vpop (xrf0)  }
0xc1: {  	[tilespmem:s17], [sflag:$0x2] =	stream.linear.gather [hbm4b:s16+s4], $0x8, $0x38;
	(v2sf) =	vpush v14, $0xF;
	[tilespmem:$0x4230] =	vst v63  }
0xc2: {  	[dreg:$0x19] =	wrdreg s30;
	s18 =	spop (v2sf)  }
0xc3: {  	[dreg:$0x14] =	wrdreg s0;
	s0 =	sand.u32 $0x1FFFFFFF, s18  }
0xc4: {  	s20 =	simm.s32 $0xF8;
	[dreg:$0x17] =	wrdreg s9;
	s19 =	sadd.s32 s5, s0  }
0xc5: {  	[tilespmem:s20], [sflag:$0x2] =	stream.linear.gather [hbm4b:s19+s4], $0x8, $0x38;
	[tilespmem:$0x4230] =	vst v63  }
0xc6: {  	[dreg:$0x15] =	wrdreg s15;
	s21 =	spop (v2sf)  }
0xc7: {  	[dreg:$0x12] =	wrdreg s0;
	s0 =	sand.u32 $0x1FFFFFFF, s21  }
0xc8: {  	s23 =	simm.s32 $0x100;
	[dreg:$0x13] =	wrdreg s18;
	s22 =	sadd.s32 s5, s0  }
0xc9: {  	[tilespmem:s23], [sflag:$0x2] =	stream.linear.gather [hbm4b:s22+s4], $0x8, $0x38;
	[tilespmem:$0x4230] =	vst v63  }
0xca: {  	[dreg:$0x11] =	wrdreg s21;
	s24 =	spop (v2sf)  }
0xcb: {  	[dreg:$0x10] =	wrdreg s0;
	s0 =	sand.u32 $0x1FFFFFFF, s24  }
0xcc: {  	s26 =	simm.s32 $0x108;
	[dreg:$0xf] =	wrdreg s24;
	s25 =	sadd.s32 s5, s0  }
0xcd: {  	[tilespmem:s26], [sflag:$0x2] =	stream.linear.gather [hbm4b:s25+s4], $0x8, $0x38;
	[tilespmem:$0x4230] =	vst v63  }
0xce: {  	[dreg:$0xe] =	wrdreg s0;
	s30 =	spop (v2sf)  }
0xcf: {  	s6 =	simm.s32 $0x110;
	[dreg:$0xd] =	wrdreg s30;
	s0 =	sand.u32 $0x1FFFFFFF, s30  }
0xd0: {  	[dreg:$0xc] =	wrdreg s0;
	s1 =	sadd.s32 s5, s0;
	s9 =	spop (v2sf)  }
0xd1: {  	[tilespmem:s6], [sflag:$0x2] =	stream.linear.gather [hbm4b:s1+s4], $0x8, $0x38;
	[tilespmem:$0x4230] =	vst v63  }
0xd2: {  	[dreg:$0xb] =	wrdreg s9;
	s0 =	sand.u32 $0x1FFFFFFF, s9  }
0xd3: {  	s13 =	simm.s32 $0x118;
	[dreg:$0xa] =	wrdreg s0;
	s12 =	sadd.s32 s5, s0  }
0xd4: {  	[tilespmem:s13], [sflag:$0x2] =	stream.linear.gather [hbm4b:s12+s4], $0x8, $0x38;
	[tilespmem:$0x4230] =	vst v63  }
0xd5: {  	_ =	swait.ge [sflag:s29], $0x8  }
0xd6: {  	[sflag:s29] =	ssyncset.done $0x0  }
0xd7: {  	[sflag:s29] =	ssyncadd.s32 $0xFFFFFFF8  }
0xd8: {  	_ =	swait.ge [sflag:s29], $0x8  }
0xd9: {  	[sflag:s29] =	ssyncset.done $0x0  }
0xda: {  	[sflag:s29] =	ssyncadd.s32 $0xFFFFFFF8  }
0xdb: {  	_ =	swait.ge [sflag:s29], $0x8  }
0xdc: {  	[sflag:s29] =	ssyncset.done $0x0  }
0xdd: {  	[sflag:s29] =	ssyncadd.s32 $0xFFFFFFF8  }
0xde: {  	_ =	swait.ge [sflag:s29], $0x8  }
0xdf: {  	[sflag:s29] =	ssyncset.done $0x0  }
0xe0: {  	[sflag:s29] =	ssyncadd.s32 $0xFFFFFFF8  }
0xe1: {  	_ =	swait.ge [sflag:s29], $0x8  }
0xe2: {  	[sflag:s29] =	ssyncset.done $0x0  }
0xe3: {  	[sflag:s29] =	ssyncadd.s32 $0xFFFFFFF8  }
0xe4: {  	_ =	swait.ge [sflag:s29], $0x8  }
0xe5: {  	[sflag:s29] =	ssyncset.done $0x0  }
0xe6: {  	[sflag:s29] =	ssyncadd.s32 $0xFFFFFFF8  }
0xe7: {  	_ =	swait.ge [sflag:s29], $0x8  }
0xe8: {  	[sflag:s29] =	ssyncset.done $0x0  }
0xe9: {  	[sflag:s29] =	ssyncadd.s32 $0xFFFFFFF8  }
0xea: {  	_ =	swait.ge [sflag:s29], $0x8  }
0xeb: {  	[sflag:s29] =	ssyncset.done $0x0  }
0xec: {  	[sflag:s29] =	ssyncadd.s32 $0xFFFFFFF8  }
0xed: {  	_ =	swait.ge [sflag:s29], $0x8  }
0xee: {  	[sflag:s29] =	ssyncset.done $0x0  }
0xef: {  	[sflag:s29] =	ssyncadd.s32 $0xFFFFFFF8  }
0xf0: {  	_ =	swait.ge [sflag:s29], $0x8  }
0xf1: {  	[sflag:s29] =	ssyncset.done $0x0  }
0xf2: {  	[sflag:s29] =	ssyncadd.s32 $0xFFFFFFF8  }
0xf3: {  	_ =	swait.ge [sflag:s29], $0x8  }
0xf4: {  	[sflag:s29] =	ssyncset.done $0x0  }
0xf5: {  	[sflag:s29] =	ssyncadd.s32 $0xFFFFFFF8  }
0xf6: {  	_ =	swait.ge [sflag:s29], $0x8  }
0xf7: {  	[sflag:s29] =	ssyncset.done $0x0  }
0xf8: {  	[sflag:s29] =	ssyncadd.s32 $0xFFFFFFF8  }
0xf9: {  	_ =	swait.ge [sflag:s29], $0x8  }
0xfa: {  	[sflag:s29] =	ssyncset.done $0x0  }
0xfb: {  	[sflag:s29] =	ssyncadd.s32 $0xFFFFFFF8  }
0xfc: {  	_ =	swait.ge [sflag:s29], $0x8  }
0xfd: {  	[sflag:s29] =	ssyncset.done $0x0  }
0xfe: {  	[sflag:s29] =	ssyncadd.s32 $0xFFFFFFF8  }
0xff: {  	_ =	swait.ge [sflag:s29], $0x8  }
0x100: {  	[sflag:s29] =	ssyncset.done $0x0  }
0x101: {  	[sflag:s29] =	ssyncadd.s32 $0xFFFFFFF8  }
0x102: {  	_ =	swait.ge [sflag:s29], $0x8  }
0x103: {  	[sflag:s29] =	ssyncset.done $0x0  }
0x104: {  	[sflag:s29] =	ssyncadd.s32 $0xFFFFFFF8  }
0x105: {  	_ =	swait.ge [sflag:s29], $0x8  }
0x106: {  	[sflag:s29] =	ssyncset.done $0x0  }
0x107: {  	[sflag:s29] =	ssyncadd.s32 $0xFFFFFFF8  }
0x108: {  	_ =	swait.ge [sflag:s29], $0x8  }
0x109: {  	[sflag:s29] =	ssyncset.done $0x0  }
0x10a: {  	[sflag:s29] =	ssyncadd.s32 $0xFFFFFFF8  }
0x10b: {  	_ =	swait.ge [sflag:s29], $0x8  }
0x10c: {  	[sflag:s29] =	ssyncset.done $0x0  }
0x10d: {  	[sflag:s29] =	ssyncadd.s32 $0xFFFFFFF8  }
0x10e: {  	_ =	swait.ge [sflag:s29], $0x8  }
0x10f: {  	[sflag:s29] =	ssyncset.done $0x0  }
0x110: {  	[sflag:s29] =	ssyncadd.s32 $0xFFFFFFF8  }
0x111: {  	_ =	swait.ge [sflag:s29], $0x8  }
0x112: {  	[sflag:s29] =	ssyncset.done $0x0  }
0x113: {  	[sflag:s29] =	ssyncadd.s32 $0xFFFFFFF8  }
0x114: {  	_ =	swait.ge [sflag:s29], $0x8  }
0x115: {  	[sflag:s29] =	ssyncset.done $0x0  }
0x116: {  	[sflag:s29] =	ssyncadd.s32 $0xFFFFFFF8  }
0x117: {  	_ =	swait.ge [sflag:s29], $0x8  }
0x118: {  	[sflag:s29] =	ssyncset.done $0x0  }
0x119: {  	[sflag:s29] =	ssyncadd.s32 $0xFFFFFFF8  }
0x11a: {  	_ =	swait.ge [sflag:s29], $0x8  }
0x11b: {  	[sflag:s29] =	ssyncset.done $0x0  }
0x11c: {  	[sflag:s29] =	ssyncadd.s32 $0xFFFFFFF8  }
0x11d: {  	_ =	swait.ge [sflag:s29], $0x8  }
0x11e: {  	[sflag:s29] =	ssyncset.done $0x0  }
0x11f: {  	[sflag:s29] =	ssyncadd.s32 $0xFFFFFFF8  }
0x120: {  	_ =	swait.ge [sflag:s29], $0x8  }
0x121: {  	[sflag:s29] =	ssyncset.done $0x0  }
0x122: {  	[sflag:s29] =	ssyncadd.s32 $0xFFFFFFF8  }
0x123: {  	_ =	swait.ge [sflag:s29], $0x8  }
0x124: {  	[sflag:s29] =	ssyncset.done $0x0  }
0x125: {  	[sflag:s29] =	ssyncadd.s32 $0xFFFFFFF8  }
0x126: {  	_ =	swait.ge [sflag:s29], $0x8  }
0x127: {  	[sflag:s29] =	ssyncset.done $0x0  }
0x128: {  	[sflag:s29] =	ssyncadd.s32 $0xFFFFFFF8  }
0x129: {  	_ =	swait.ge [sflag:s29], $0x8  }
0x12a: {  	[sflag:s29] =	ssyncset.done $0x0  }
0x12b: {  	[sflag:s29] =	ssyncadd.s32 $0xFFFFFFF8  }
0x12c: {  	_ =	swait.ge [sflag:s29], $0x8  }
0x12d: {  	[sflag:s29] =	ssyncset.done $0x0  }
0x12e: {  	[sflag:s29] =	ssyncadd.s32 $0xFFFFFFF8  }
0x12f: {  	_ =	swait.ge [sflag:s29], $0x8  }
0x130: {  	[sflag:s29] =	ssyncset.done $0x0  }
0x131: {  	[sflag:s29] =	ssyncadd.s32 $0xFFFFFFF8  }
0x132: {  	_ =	swait.ge [sflag:s29], $0x8  }
0x133: {  	[sflag:s29] =	ssyncset.done $0x0  }
0x134: {  	[sflag:s29] =	ssyncadd.s32 $0xFFFFFFF8  }
0x135: {  	v14 =	vld [tilespmem:$0x220]  }
0x136: {  	v15 =	vld.idx.msk [tilespmem:v3+s3+$0x0], $0xffff  }
0x137: {  	v48 =	vld.idx.msk [tilespmem:v4+s3+$0x0], $0xffff  }
0x138: {  	v49 =	vld.idx.msk [tilespmem:v5+s3+$0x0], $0xffff  }
0x139: {  	v18 =	vld.idx.msk [tilespmem:v6+s3+$0x0], $0xffff  }
0x13a: {  	v19 =	vld.idx.msk [tilespmem:v7+s3+$0x0], $0xffff  }
0x13b: {  	(xrf2) =	vadd.scan.msk.f32 $0xffff, v15;
	v15 =	vld.idx.msk [tilespmem:v9+s3+$0x0], $0xffff  }
0x13c: {  	(xrf2) =	vadd.scan.msk.f32 $0xffff, v48  }
0x13d: {  	(xrf2) =	vadd.scan.msk.f32 $0xffff, v49  }
0x13e: {  	(xrf2) =	vadd.scan.msk.f32 $0xffff, v18  }
0x13f: {  	(xrf2) =	vadd.scan.msk.f32 $0xffff, v19  }
0x140: {  	(xrf2) =	vadd.scan.msk.f32 $0xffff, v15;
	v15 =	vnsel vm0, $0x0, v14  }
0x141: {  	(xrf2) =	vadd.scan.msk.f32 $0xffff, v15;
	v15 =	vsel vm2, $0x0, v14  }
0x142: {  	(xrf2) =	vadd.scan.msk.f32 $0xffff, v15;
	v15 =	vsel vm3, $0x0, v14  }
0x143: {  	(xrf2) =	vadd.scan.msk.f32 $0xffff, v15;
	v15 =	vsel vm4, $0x0, v14  }
0x144: {  	(xrf2) =	vadd.scan.msk.f32 $0xffff, v15;
	v15 =	vsel vm5, $0x0, v14  }
0x145: {  	v50, _, _ =	vpop (xrf2);
	(xrf2) =	vadd.scan.msk.f32 $0xffff, v15;
	v15 =	vsel vm6, $0x0, v14  }
0x146: {  	v51, _, _ =	vpop (xrf2);
	(xrf2) =	vadd.scan.msk.f32 $0xffff, v15;
	v15 =	vsel vm7, $0x0, v14  }
0x147: {  	(v2sf) =	vpush v50, $0xF;
	v52, _, _ =	vpop (xrf2);
	(xrf2) =	vadd.scan.msk.f32 $0xffff, v15;
	v15 =	vsel vm8, $0x0, v14  }
0x148: {  	(v2sf) =	vpush v51, $0xF;
	v53, _, _ =	vpop (xrf2);
	(xrf2) =	vadd.scan.msk.f32 $0xffff, v15;
	v15 =	vsel vm14, $0x0, v14  }
0x149: {  	(v2sf) =	vpush v52, $0xF  }
0x14a: {  	(v2sf) =	vpush v53, $0xF;
	v54, _, _ =	vpop (xrf2);
	(xrf2) =	vadd.scan.msk.f32 $0xffff, v15  }
0x14b: {  	(v2sf) =	vpush v54, $0xF;
	v15, _, _ =	vpop (xrf2)  }
0x14c: {  	v55, _, _ =	vpop (xrf2);
	(v2sf) =	vpush v15, $0xF  }
0x14d: {  	v15, _, _ =	vpop (xrf2);
	(v2sf) =	vpush v55, $0xF  }
0x14e: {  	v56, _, _ =	vpop (xrf2);
	(v2sf) =	vpush v15, $0xF  }
0x14f: {  	v15, _, _ =	vpop (xrf2);
	(v2sf) =	vpush v56, $0xF  }
0x150: {  	v57, _, _ =	vpop (xrf2);
	(v2sf) =	vpush v15, $0xF  }
0x151: {  	v15, _, _ =	vpop (xrf2);
	(v2sf) =	vpush v57, $0xF  }
0x152: {  	(v2sf) =	vpush v15, $0xF;
	v15, _, _ =	vpop (xrf2)  }
0x153: {  	(v2sf) =	vpush v15, $0xF;
	v15, _, _ =	vpop (xrf2)  }
0x154: {  	(v2sf) =	vpush v15, $0xF;
	v15, _, _ =	vpop (xrf2)  }
0x155: {  	(v2sf) =	vpush v15, $0xF  }
0x156: {  	s2 =	spop (v2sf)  }
0x157: {  	s24 =	spop (v2sf)  }
0x158: {  	v15 =	vsel vm15, $0x0, v14;
	s1 =	spop (v2sf)  }
0x159: {  	(xrf2) =	vadd.scan.msk.f32 $0xffff, v15;
	v15 =	vsel vm9, $0x0, v14;
	s22 =	spop (v2sf)  }
0x15a: {  	(xrf2) =	vadd.scan.msk.f32 $0xffff, v15;
	v15 =	vsel vm10, $0x0, v14;
	s12 =	spop (v2sf)  }
0x15b: {  	(xrf2) =	vadd.scan.msk.f32 $0xffff, v15;
	s16 =	spop (v2sf)  }
0x15c: {  	s6 =	spop (v2sf)  }
0x15d: {  	s25 =	spop (v2sf)  }
0x15e: {  	s30 =	spop (v2sf)  }
0x15f: {  	s9 =	spop (v2sf)  }
0x160: {  	s20 =	spop (v2sf)  }
0x161: {  	s13 =	spop (v2sf)  }
0x162: {  	s19 =	spop (v2sf)  }
0x163: {  	v15, _, _ =	vpop (xrf2);
	s26 =	spop (v2sf)  }
0x164: {  	v58, _, _ =	vpop (xrf2);
	(v2sf) =	vpush v15, $0xF;
	s18 =	spop (v2sf)  }
0x165: {  	(v2sf) =	vpush v58, $0xF;
	v15, _, _ =	vpop (xrf2);
	s15 =	ssub.s32 $0x7EF477D5, s18  }
0x166: {  	(v2sf) =	vpush v15, $0xF;
	s17 =	smul.f32 s15, s18;
	_ =	sdelay $0x1  }
0x167: {  	s3 =	ssub.f32 $2.000000000e+00, s17;
	_ =	sdelay $0x1  }
0x168: {  	s0 =	smul.f32 s15, s3  }
0x169: {  	s12 =	sadd.f32 $0.0e+00, s12  }
0x16a: {  	s15 =	ssub.s32 $0x7EF477D5, s20;
	s3 =	smul.f32 s0, s18  }
0x16b: {  	s12 =	sadd.f32 s16, s12;
	s17 =	smul.f32 s15, s20  }
0x16c: {  	s3 =	ssub.f32 $2.000000000e+00, s3  }
0x16d: {  	s12 =	smul.f32 $3.125000000e-02, s12;
	s17 =	ssub.f32 $2.000000000e+00, s17  }
0x16e: {  	s0 =	smul.f32 s3, s0  }
0x16f: {  	s3 =	smul.f32 s15, s17  }
0x170: {  	s21 =	smul.f32 s0, s18  }
0x171: {  	s16 =	spop (v2sf);
	s17 =	smul.f32 s3, s20  }
0x172: {  	s15 =	ssub.f32 $2.000000000e+00, s21;
	s21 =	spop (v2sf)  }
0x173: {  	s17 =	ssub.f32 $2.000000000e+00, s17;
	s23 =	spop (v2sf)  }
0x174: {  	v14 =	vsel vm11, $0x0, v14;
	s12 =	ssub.f32 s12, s23;
	s0 =	smul.f32 s15, s0  }
0x175: {  	s1 =	sadd.f32 $0.0e+00, s1;
	(xrf2) =	vadd.scan.msk.f32 $0xffff, v14;
	s3 =	smul.f32 s17, s3  }
0x176: {  	s15 =	ssub.s32 $0x7EF477D5, s6;
	s0 =	smul.f32 s0, s12  }
0x177: {  	s1 =	sadd.f32 s22, s1;
	s22 =	smul.f32 s15, s6  }
0x178: {  	s0 =	sadd.f32 $1.258291200e+07, s0  }
0x179: {  	s23 =	smul.f32 s3, s20;
	s17 =	ssub.f32 $2.000000000e+00, s22  }
0x17a: {  	s1 =	smul.f32 $3.125000000e-02, s1;
	s0 =	sadd.f32 $-1.258291200e+07, s0  }
0x17b: {  	s23 =	ssub.f32 $2.000000000e+00, s23;
	s15 =	smul.f32 s15, s17  }
0x17c: {  	s1 =	ssub.f32 s1, s21;
	s22 =	smul.f32 s0, s26  }
0x17d: {  	s2 =	sadd.f32 $0.0e+00, s2;
	s3 =	smul.f32 s23, s3  }
0x17e: {  	s23 =	smul.f32 s15, s6;
	s1 =	ssub.f32 s1, s22  }
0x17f: {  	s2 =	sadd.f32 s24, s2;
	v14, _, _ =	vpop (xrf2)  }
0x180: {  	(v2sf) =	vpush v14, $0xF;
	s17 =	ssub.f32 $2.000000000e+00, s23;
	s3 =	smul.f32 s1, s3  }
0x181: {  	s2 =	smul.f32 $3.125000000e-02, s2  }
0x182: {  	s15 =	smul.f32 s17, s15;
	s3 =	sadd.f32 $1.258291200e+07, s3  }
0x183: {  	s2 =	ssub.f32 s2, s16;
	s26 =	smul.f32 s0, s19  }
0x184: {  	s17 =	smul.f32 s15, s6;
	s3 =	sadd.f32 $-1.258291200e+07, s3  }
0x185: {  	s2 =	ssub.f32 s2, s26  }
0x186: {  	s19 =	ssub.f32 $2.000000000e+00, s17;
	s9 =	smul.f32 s3, s9  }
0x187: {  	_ = 	snop  }
0x188: {  	s21 =	smul.f32 s19, s15;
	s2 =	ssub.f32 s2, s9  }
0x189: {  	_ = 	snop  }
0x18a: {  	s9 =	smul.f32 s2, s21;
	_ =	sdelay $0x1  }
0x18b: {  	s9 =	sadd.f32 $1.258291200e+07, s9  }
0x18c: {  	s0 =	smul.f32 s0, s18  }
0x18d: {  	s22 =	smul.f32 s3, s20;
	s9 =	sadd.f32 $-1.258291200e+07, s9  }
0x18e: {  	s24 =	spop (v2sf);
	s3 =	smul.f32 s3, s13  }
0x18f: {  	s0 =	ssub.f32 s12, s0;
	s6 =	smul.f32 s9, s6  }
0x190: {  	v59 =	vld [tilespmem:$0x1FFB0];
	s1 =	ssub.f32 s1, s22;
	s23 =	smul.f32 s9, s25  }
0x191: {  	v60 =	vld [tilespmem:$0x1FFD0];
	s0 =	ssub.f32 s0, s3;
	s9 =	smul.f32 s9, s30  }
0x192: {  	v61 =	vld [tilespmem:$0x1FFC0];
	s25 =	smul.f32 $-6.250000000e-02, s24;
	s1 =	ssub.f32 s1, s23  }
0x193: {  	v62 =	vld [tilespmem:$0x1FFE0];
	s0 =	ssub.f32 s0, s9  }
0x194: {  	v63 =	vld [tilespmem:$0x1FFF0];
	s2 =	ssub.f32 s2, s6;
	s26 =	smul.f32 s1, s25  }
0x195: {  	s9 =	smul.f32 s0, s25  }
0x196: {  	vm13 =	vnez.u8 v59;
	vm1 =	vnez.u8 v60;
	s3 =	smul.f32 s2, s25;
	v14 =	vmov s26  }
0x197: {  	v15 =	vmov s9;
	v16 =	vsel vm13, s9, v14;
	vm13 =	vnez.u8 v61  }
0x198: {  	s30 =	simm.s32 $0x120;
	v15 =	vsel vm1, s26, v15;
	v16 =	vnsel vm13, s3, v16;
	vm13 =	vnez.u8 v62  }
0x199: {  	v14 =	vsel vm1, s9, v14;
	[tilespmem:v2+s30+$0x0] =	vst.idx.msk $0xffff, v16;
	v15 =	vnsel vm13, s3, v15;
	vm13 =	vnez.u8 v63  }
0x19a: {  	s2 =	smul.f32 s2, s2;
	v14 =	vnsel vm13, s3, v14;
	[tilespmem:v8+s30+$0x0] =	vst.idx.msk $0xffff, v15  }
0x19b: {  	s1 =	smul.f32 s1, s1;
	[tilespmem:v10+s30+$0x0] =	vst.idx.msk $0xffff, v14  }
0x19c: {  	s0 =	smul.f32 s0, s0;
	[tilespmem:v11+s30+$0x0] =	vst.idx.msk $0xffff, v16  }
.Ltmp3:
0x19d: {  	s1 =	sadd.f32 s1, s2;
	[tilespmem:v12+s30+$0x0] =	vst.idx.msk $0xffff, v15;
	(pc) =	sbr.rel @!p2 .LBB2_7-.Ltmp3, $4  }
0x19e: {  	[tilespmem:v13+s30+$0x0] =	vst.idx.msk $0xffff, v14  }
0x19f: {  	s0 =	sadd.f32 s1, s0;
	_ =	swait.ge [sflag:s31], $0x4000  }
0x1a0: {  	s3 =	rddreg [dreg:$0x7]  }
0x1a1: {  	s6 =	smul.f32 s0, s24;
	[sflag:s31] =	ssyncset.done $0x0;
	s2 =	sadd.s32 $0xFFFFFFFF, s3  }
.LBB2_6:
0x1a2: {  	p2 =	sne.s32 s2, $0x1;
	s2 =	sadd.s32 $0xFFFFFFFF, s2;
	[sflag:s31] =	ssyncadd.s32 $0xFFFFC000  }
.Ltmp4:
0x1a3: {  	(pc) =	sbr.rel @p2 .LBB2_6-.Ltmp4, $3  }
0x1a4: {  	_ =	sdelay $0x1  }
0x1a5: {  	_ =	swait.ge [sflag:s31], $0x4000  }
0x1a6: {  	[sflag:s31] =	ssyncset.done $0x0  }
.LBB2_7:
0x1a7: {  	s0 =	sshra.s32 s11, $0x1F  }
0x1a8: {  	s0 =	sshrl.u32 s0, $0x15  }
0x1a9: {  	s0 =	sadd.s32 s0, s11  }
0x1aa: {  	s0 =	sshra.s32 s0, $0xB  }
0x1ab: {  	s1 =	sshrl.u32 s0, $0x1B  }
0x1ac: {  	s1 =	sadd.s32 s1, s0  }
0x1ad: {  	[sflag:s31] =	ssyncadd.s32 $0xFFFFC000;
	s2 =	simm.s32 @!p0 $0x1;
	s1 =	sand.u32 $0xFFFFFFE0, s1  }
0x1ae: {  	_ =	swait.ge @!p0 [sflag:s2], $0x1200;
	s0 =	ssub.s32 s0, s1  }
0x1af: {  	p2 =	sne.s32 s0, s8;
	s0 =	sld [smem:$0x7D7]  }
0x1b0: {  	[sflag:s2] =	ssyncset.done @!p0 $0x0  }
0x1b1: {  	s16 =	sshra.s32 s10, $0x1F;
	[sflag:s2] =	ssyncadd.s32 @!p0 $0xFFFFEE00  }
0x1b2: {  	s1 =	simm.s32 @!p2 $0x0;
	s2 =	simm.s32 @!p2 $0x120;
	s0 =	sadd.s32 @!p2 s7, s0  }
0x1b3: {  	[hbm4b:s0+s1] =	stream.linear.scatter @!p2 [tilespmem:s2], [sflag:$0x3], $0x8, $0x38;
	[tilespmem:$0x4230] =	vst v63  }
0x1b4: {  	s0 =	sshrl.u32 s16, $0x15  }
0x1b5: {  	s0 =	sadd.s32 s0, s10  }
0x1b6: {  	s0 =	sshra.s32 s0, $0xB  }
0x1b7: {  	s17 =	sshrl.u32 s0, $0x1B  }
0x1b8: {  	s2 =	simm.s32 @!p2 $0x3;
	s1 =	sadd.s32 s17, s0  }
0x1b9: {  	_ =	swait.ge @!p2 [sflag:s2], $0x8;
	s1 =	sand.u32 $0xFFFFFFE0, s1  }
0x1ba: {  	[sflag:s2] =	ssyncset.done @!p2 $0x0;
	s0 =	ssub.s32 s0, s1  }
0x1bb: {  	[sflag:s2] =	ssyncadd.s32 @!p2 $0xFFFFFFF8;
	p2 =	sne.s32 s0, s8;
	s0 =	sld [smem:$0x7D8]  }
0x1bc: {  	_ = 	snop  }
0x1bd: {  	s18 =	sshra.s32 s28, $0x1F  }
0x1be: {  	s1 =	simm.s32 @!p2 $0x0;
	s2 =	simm.s32 @!p2 $0x128;
	s0 =	sadd.s32 @!p2 s7, s0  }
0x1bf: {  	[hbm4b:s0+s1] =	stream.linear.scatter @!p2 [tilespmem:s2], [sflag:$0x3], $0x8, $0x38;
	[tilespmem:$0x4230] =	vst v63  }
0x1c0: {  	s0 =	sshrl.u32 s18, $0x15  }
0x1c1: {  	s0 =	sadd.s32 s0, s28  }
0x1c2: {  	s0 =	sshra.s32 s0, $0xB  }
0x1c3: {  	s19 =	sshrl.u32 s0, $0x1B  }
0x1c4: {  	s2 =	simm.s32 @!p2 $0x3;
	s1 =	sadd.s32 s19, s0  }
0x1c5: {  	_ =	swait.ge @!p2 [sflag:s2], $0x8;
	s1 =	sand.u32 $0xFFFFFFE0, s1  }
0x1c6: {  	[sflag:s2] =	ssyncset.done @!p2 $0x0;
	s20 =	sld [smem:$0x7DA];
	s0 =	ssub.s32 s0, s1  }
0x1c7: {  	[sflag:s2] =	ssyncadd.s32 @!p2 $0xFFFFFFF8;
	p2 =	sne.s32 s0, s8;
	s0 =	sld [smem:$0x7D9]  }
0x1c8: {  	_ = 	snop  }
0x1c9: {  	s21 =	sshra.s32 s20, $0x1F  }
0x1ca: {  	s1 =	simm.s32 @!p2 $0x0;
	s2 =	simm.s32 @!p2 $0x130;
	s0 =	sadd.s32 @!p2 s7, s0  }
0x1cb: {  	[hbm4b:s0+s1] =	stream.linear.scatter @!p2 [tilespmem:s2], [sflag:$0x3], $0x8, $0x38;
	[tilespmem:$0x4230] =	vst v63  }
0x1cc: {  	s0 =	sshrl.u32 s21, $0x15  }
0x1cd: {  	s0 =	sadd.s32 s0, s20  }
0x1ce: {  	s0 =	sshra.s32 s0, $0xB  }
0x1cf: {  	s22 =	sshrl.u32 s0, $0x1B  }
0x1d0: {  	s2 =	simm.s32 @!p2 $0x3;
	s1 =	sadd.s32 s22, s0  }
0x1d1: {  	_ =	swait.ge @!p2 [sflag:s2], $0x8;
	s1 =	sand.u32 $0xFFFFFFE0, s1  }
0x1d2: {  	[sflag:s2] =	ssyncset.done @!p2 $0x0;
	s23 =	sld [smem:$0x7DC];
	s0 =	ssub.s32 s0, s1  }
0x1d3: {  	[sflag:s2] =	ssyncadd.s32 @!p2 $0xFFFFFFF8;
	p2 =	sne.s32 s0, s8;
	s0 =	sld [smem:$0x7DB]  }
0x1d4: {  	_ = 	snop  }
0x1d5: {  	s24 =	sshra.s32 s23, $0x1F  }
0x1d6: {  	s1 =	simm.s32 @!p2 $0x0;
	s2 =	simm.s32 @!p2 $0x138;
	s0 =	sadd.s32 @!p2 s7, s0  }
0x1d7: {  	[hbm4b:s0+s1] =	stream.linear.scatter @!p2 [tilespmem:s2], [sflag:$0x3], $0x8, $0x38;
	[tilespmem:$0x4230] =	vst v63  }
0x1d8: {  	s0 =	sshrl.u32 s24, $0x15  }
0x1d9: {  	s0 =	sadd.s32 s0, s23  }
0x1da: {  	s0 =	sshra.s32 s0, $0xB  }
0x1db: {  	s25 =	sshrl.u32 s0, $0x1B  }
0x1dc: {  	s2 =	simm.s32 @!p2 $0x3;
	s1 =	sadd.s32 s25, s0  }
0x1dd: {  	_ =	swait.ge @!p2 [sflag:s2], $0x8;
	s1 =	sand.u32 $0xFFFFFFE0, s1  }
0x1de: {  	[sflag:s2] =	ssyncset.done @!p2 $0x0;
	s26 =	sld [smem:$0x7DE];
	s0 =	ssub.s32 s0, s1  }
0x1df: {  	[sflag:s2] =	ssyncadd.s32 @!p2 $0xFFFFFFF8;
	p2 =	sne.s32 s0, s8;
	s0 =	sld [smem:$0x7DD]  }
0x1e0: {  	_ = 	snop  }
0x1e1: {  	s28 =	sshra.s32 s26, $0x1F  }
0x1e2: {  	s1 =	simm.s32 @!p2 $0x0;
	s2 =	simm.s32 @!p2 $0x140;
	s0 =	sadd.s32 @!p2 s7, s0  }
0x1e3: {  	[hbm4b:s0+s1] =	stream.linear.scatter @!p2 [tilespmem:s2], [sflag:$0x3], $0x8, $0x38;
	[tilespmem:$0x4230] =	vst v63  }
0x1e4: {  	s0 =	sshrl.u32 s28, $0x15  }
0x1e5: {  	s0 =	sadd.s32 s0, s26  }
0x1e6: {  	s0 =	sshra.s32 s0, $0xB  }
0x1e7: {  	s30 =	sshrl.u32 s0, $0x1B  }
0x1e8: {  	s2 =	simm.s32 @!p2 $0x3;
	s1 =	sadd.s32 s30, s0  }
0x1e9: {  	_ =	swait.ge @!p2 [sflag:s2], $0x8;
	s1 =	sand.u32 $0xFFFFFFE0, s1  }
0x1ea: {  	[sflag:s2] =	ssyncset.done @!p2 $0x0;
	s0 =	ssub.s32 s0, s1  }
0x1eb: {  	[sflag:s2] =	ssyncadd.s32 @!p2 $0xFFFFFFF8;
	p2 =	sne.s32 s0, s8;
	s0 =	sld [smem:$0x7DF]  }
0x1ec: {  	_ =	sdelay $0x1  }
0x1ed: {  	s1 =	simm.s32 @!p2 $0x0;
	s2 =	simm.s32 @!p2 $0x148;
	s0 =	sadd.s32 @!p2 s7, s0  }
0x1ee: {  	[hbm4b:s0+s1] =	stream.linear.scatter @!p2 [tilespmem:s2], [sflag:$0x3], $0x8, $0x38;
	[tilespmem:$0x4230] =	vst v63  }
0x1ef: {  	s2 =	sld [smem:$0x7E0];
	_ =	sdelay $0x2  }
0x1f0: {  	s9 =	sshra.s32 s2, $0x1F  }
0x1f1: {  	s0 =	sshrl.u32 s9, $0x15  }
0x1f2: {  	s0 =	sadd.s32 s0, s2  }
0x1f3: {  	s0 =	sshra.s32 s0, $0xB  }
0x1f4: {  	s10 =	sshrl.u32 s0, $0x1B  }
0x1f5: {  	s2 =	simm.s32 @!p2 $0x3;
	s1 =	sadd.s32 s10, s0  }
0x1f6: {  	_ =	swait.ge @!p2 [sflag:s2], $0x8;
	s1 =	sand.u32 $0xFFFFFFE0, s1  }
0x1f7: {  	[sflag:s2] =	ssyncset.done @!p2 $0x0;
	s11 =	sld [smem:$0x7E2];
	s0 =	ssub.s32 s0, s1  }
0x1f8: {  	[sflag:s2] =	ssyncadd.s32 @!p2 $0xFFFFFFF8;
	p2 =	sne.s32 s0, s8;
	s0 =	sld [smem:$0x7E1]  }
0x1f9: {  	_ = 	snop  }
0x1fa: {  	s12 =	sshra.s32 s11, $0x1F  }
0x1fb: {  	s1 =	simm.s32 @!p2 $0x0;
	s2 =	simm.s32 @!p2 $0x150;
	s0 =	sadd.s32 @!p2 s7, s0  }
0x1fc: {  	[hbm4b:s0+s1] =	stream.linear.scatter @!p2 [tilespmem:s2], [sflag:$0x3], $0x8, $0x38;
	[tilespmem:$0x4230] =	vst v63  }
0x1fd: {  	s0 =	sshrl.u32 s12, $0x15  }
0x1fe: {  	s0 =	sadd.s32 s0, s11  }
0x1ff: {  	s0 =	sshra.s32 s0, $0xB  }
0x200: {  	s13 =	sshrl.u32 s0, $0x1B  }
0x201: {  	s2 =	simm.s32 @!p2 $0x3;
	s1 =	sadd.s32 s13, s0  }
0x202: {  	_ =	swait.ge @!p2 [sflag:s2], $0x8;
	s1 =	sand.u32 $0xFFFFFFE0, s1  }
0x203: {  	[sflag:s2] =	ssyncset.done @!p2 $0x0;
	s15 =	sld [smem:$0x7E4];
	s0 =	ssub.s32 s0, s1  }
0x204: {  	[sflag:s2] =	ssyncadd.s32 @!p2 $0xFFFFFFF8;
	p2 =	sne.s32 s0, s8;
	s0 =	sld [smem:$0x7E3]  }
0x205: {  	_ = 	snop  }
0x206: {  	s16 =	sshra.s32 s15, $0x1F  }
0x207: {  	s1 =	simm.s32 @!p2 $0x0;
	s2 =	simm.s32 @!p2 $0x158;
	s0 =	sadd.s32 @!p2 s7, s0  }
0x208: {  	[hbm4b:s0+s1] =	stream.linear.scatter @!p2 [tilespmem:s2], [sflag:$0x3], $0x8, $0x38;
	[tilespmem:$0x4230] =	vst v63  }
0x209: {  	s0 =	sshrl.u32 s16, $0x15  }
0x20a: {  	s0 =	sadd.s32 s0, s15  }
0x20b: {  	s0 =	sshra.s32 s0, $0xB  }
0x20c: {  	s17 =	sshrl.u32 s0, $0x1B  }
0x20d: {  	s2 =	simm.s32 @!p2 $0x3;
	s1 =	sadd.s32 s17, s0  }
0x20e: {  	_ =	swait.ge @!p2 [sflag:s2], $0x8;
	s1 =	sand.u32 $0xFFFFFFE0, s1  }
0x20f: {  	[sflag:s2] =	ssyncset.done @!p2 $0x0;
	s18 =	sld [smem:$0x7E6];
	s0 =	ssub.s32 s0, s1  }
0x210: {  	[sflag:s2] =	ssyncadd.s32 @!p2 $0xFFFFFFF8;
	p2 =	sne.s32 s0, s8;
	s0 =	sld [smem:$0x7E5]  }
0x211: {  	_ = 	snop  }
0x212: {  	s19 =	sshra.s32 s18, $0x1F  }
0x213: {  	s1 =	simm.s32 @!p2 $0x0;
	s2 =	simm.s32 @!p2 $0x160;
	s0 =	sadd.s32 @!p2 s7, s0  }
0x214: {  	[hbm4b:s0+s1] =	stream.linear.scatter @!p2 [tilespmem:s2], [sflag:$0x3], $0x8, $0x38;
	[tilespmem:$0x4230] =	vst v63  }
0x215: {  	s0 =	sshrl.u32 s19, $0x15  }
0x216: {  	s0 =	sadd.s32 s0, s18  }
0x217: {  	s0 =	sshra.s32 s0, $0xB  }
0x218: {  	s20 =	sshrl.u32 s0, $0x1B  }
0x219: {  	s2 =	simm.s32 @!p2 $0x3;
	s1 =	sadd.s32 s20, s0  }
0x21a: {  	_ =	swait.ge @!p2 [sflag:s2], $0x8;
	s1 =	sand.u32 $0xFFFFFFE0, s1  }
0x21b: {  	[sflag:s2] =	ssyncset.done @!p2 $0x0;
	s21 =	sld [smem:$0x7E8];
	s0 =	ssub.s32 s0, s1  }
0x21c: {  	[sflag:s2] =	ssyncadd.s32 @!p2 $0xFFFFFFF8;
	p2 =	sne.s32 s0, s8;
	s0 =	sld [smem:$0x7E7]  }
0x21d: {  	_ = 	snop  }
0x21e: {  	s22 =	sshra.s32 s21, $0x1F  }
0x21f: {  	s1 =	simm.s32 @!p2 $0x0;
	s2 =	simm.s32 @!p2 $0x168;
	s0 =	sadd.s32 @!p2 s7, s0  }
0x220: {  	[hbm4b:s0+s1] =	stream.linear.scatter @!p2 [tilespmem:s2], [sflag:$0x3], $0x8, $0x38;
	[tilespmem:$0x4230] =	vst v63  }
0x221: {  	s0 =	sshrl.u32 s22, $0x15  }
0x222: {  	s0 =	sadd.s32 s0, s21  }
0x223: {  	s0 =	sshra.s32 s0, $0xB  }
0x224: {  	s23 =	sshrl.u32 s0, $0x1B  }
0x225: {  	s2 =	simm.s32 @!p2 $0x3;
	s1 =	sadd.s32 s23, s0  }
0x226: {  	_ =	swait.ge @!p2 [sflag:s2], $0x8;
	s1 =	sand.u32 $0xFFFFFFE0, s1  }
0x227: {  	[sflag:s2] =	ssyncset.done @!p2 $0x0;
	s24 =	sld [smem:$0x7EA];
	s0 =	ssub.s32 s0, s1  }
0x228: {  	[sflag:s2] =	ssyncadd.s32 @!p2 $0xFFFFFFF8;
	p2 =	sne.s32 s0, s8;
	s0 =	sld [smem:$0x7E9]  }
0x229: {  	_ = 	snop  }
0x22a: {  	s25 =	sshra.s32 s24, $0x1F  }
0x22b: {  	s1 =	simm.s32 @!p2 $0x0;
	s2 =	simm.s32 @!p2 $0x170;
	s0 =	sadd.s32 @!p2 s7, s0  }
0x22c: {  	[hbm4b:s0+s1] =	stream.linear.scatter @!p2 [tilespmem:s2], [sflag:$0x3], $0x8, $0x38;
	[tilespmem:$0x4230] =	vst v63  }
0x22d: {  	s0 =	sshrl.u32 s25, $0x15  }
0x22e: {  	s0 =	sadd.s32 s0, s24  }
0x22f: {  	s0 =	sshra.s32 s0, $0xB  }
0x230: {  	s26 =	sshrl.u32 s0, $0x1B  }
0x231: {  	s2 =	simm.s32 @!p2 $0x3;
	s1 =	sadd.s32 s26, s0  }
0x232: {  	_ =	swait.ge @!p2 [sflag:s2], $0x8;
	s1 =	sand.u32 $0xFFFFFFE0, s1  }
0x233: {  	[sflag:s2] =	ssyncset.done @!p2 $0x0;
	s28 =	sld [smem:$0x7EC];
	s0 =	ssub.s32 s0, s1  }
0x234: {  	[sflag:s2] =	ssyncadd.s32 @!p2 $0xFFFFFFF8;
	p2 =	sne.s32 s0, s8;
	s0 =	sld [smem:$0x7EB]  }
0x235: {  	_ = 	snop  }
0x236: {  	s30 =	sshra.s32 s28, $0x1F  }
0x237: {  	s1 =	simm.s32 @!p2 $0x0;
	s2 =	simm.s32 @!p2 $0x178;
	s0 =	sadd.s32 @!p2 s7, s0  }
0x238: {  	[hbm4b:s0+s1] =	stream.linear.scatter @!p2 [tilespmem:s2], [sflag:$0x3], $0x8, $0x38;
	[tilespmem:$0x4230] =	vst v63  }
0x239: {  	s0 =	sshrl.u32 s30, $0x15  }
0x23a: {  	s0 =	sadd.s32 s0, s28  }
0x23b: {  	s0 =	sshra.s32 s0, $0xB  }
0x23c: {  	s2 =	sshrl.u32 s0, $0x1B  }
0x23d: {  	s1 =	sadd.s32 s2, s0;
	s2 =	simm.s32 @!p2 $0x3  }
0x23e: {  	_ =	swait.ge @!p2 [sflag:s2], $0x8;
	s1 =	sand.u32 $0xFFFFFFE0, s1  }
0x23f: {  	s0 =	ssub.s32 s0, s1;
	[sflag:s2] =	ssyncset.done @!p2 $0x0;
	s9 =	sld [smem:$0x7EE]  }
0x240: {  	[sflag:s2] =	ssyncadd.s32 @!p2 $0xFFFFFFF8;
	p2 =	sne.s32 s0, s8;
	s0 =	sld [smem:$0x7ED]  }
0x241: {  	_ = 	snop  }
0x242: {  	s1 =	simm.s32 @!p2 $0x0  }
0x243: {  	s2 =	simm.s32 @!p2 $0x180;
	s10 =	sshra.s32 s9, $0x1F;
	s0 =	sadd.s32 @!p2 s7, s0  }
0x244: {  	[hbm4b:s0+s1] =	stream.linear.scatter @!p2 [tilespmem:s2], [sflag:$0x3], $0x8, $0x38;
	[tilespmem:$0x4230] =	vst v63  }
0x245: {  	s0 =	sshrl.u32 s10, $0x15  }
0x246: {  	s0 =	sadd.s32 s0, s9  }
0x247: {  	s0 =	sshra.s32 s0, $0xB  }
0x248: {  	s11 =	sshrl.u32 s0, $0x1B  }
0x249: {  	s2 =	simm.s32 @!p2 $0x3;
	s1 =	sadd.s32 s11, s0  }
0x24a: {  	_ =	swait.ge @!p2 [sflag:s2], $0x8;
	s1 =	sand.u32 $0xFFFFFFE0, s1  }
0x24b: {  	[sflag:s2] =	ssyncset.done @!p2 $0x0;
	s12 =	sld [smem:$0x7F0];
	s0 =	ssub.s32 s0, s1  }
0x24c: {  	[sflag:s2] =	ssyncadd.s32 @!p2 $0xFFFFFFF8;
	p2 =	sne.s32 s0, s8;
	s0 =	sld [smem:$0x7EF]  }
0x24d: {  	_ = 	snop  }
0x24e: {  	s13 =	sshra.s32 s12, $0x1F  }
0x24f: {  	s1 =	simm.s32 @!p2 $0x0;
	s2 =	simm.s32 @!p2 $0x188;
	s0 =	sadd.s32 @!p2 s7, s0  }
0x250: {  	[hbm4b:s0+s1] =	stream.linear.scatter @!p2 [tilespmem:s2], [sflag:$0x3], $0x8, $0x38;
	[tilespmem:$0x4230] =	vst v63  }
0x251: {  	s0 =	sshrl.u32 s13, $0x15  }
0x252: {  	s0 =	sadd.s32 s0, s12  }
0x253: {  	s0 =	sshra.s32 s0, $0xB  }
0x254: {  	s15 =	sshrl.u32 s0, $0x1B  }
0x255: {  	s2 =	simm.s32 @!p2 $0x3;
	s1 =	sadd.s32 s15, s0  }
0x256: {  	_ =	swait.ge @!p2 [sflag:s2], $0x8;
	s1 =	sand.u32 $0xFFFFFFE0, s1  }
0x257: {  	[sflag:s2] =	ssyncset.done @!p2 $0x0;
	s16 =	sld [smem:$0x7F2];
	s0 =	ssub.s32 s0, s1  }
0x258: {  	[sflag:s2] =	ssyncadd.s32 @!p2 $0xFFFFFFF8;
	p2 =	sne.s32 s0, s8;
	s0 =	sld [smem:$0x7F1]  }
0x259: {  	_ = 	snop  }
0x25a: {  	s17 =	sshra.s32 s16, $0x1F  }
0x25b: {  	s1 =	simm.s32 @!p2 $0x0;
	s2 =	simm.s32 @!p2 $0x190;
	s0 =	sadd.s32 @!p2 s7, s0  }
0x25c: {  	[hbm4b:s0+s1] =	stream.linear.scatter @!p2 [tilespmem:s2], [sflag:$0x3], $0x8, $0x38;
	[tilespmem:$0x4230] =	vst v63  }
0x25d: {  	s0 =	sshrl.u32 s17, $0x15  }
0x25e: {  	s0 =	sadd.s32 s0, s16  }
0x25f: {  	s0 =	sshra.s32 s0, $0xB  }
0x260: {  	s18 =	sshrl.u32 s0, $0x1B  }
0x261: {  	s2 =	simm.s32 @!p2 $0x3;
	s1 =	sadd.s32 s18, s0  }
0x262: {  	_ =	swait.ge @!p2 [sflag:s2], $0x8;
	s1 =	sand.u32 $0xFFFFFFE0, s1  }
0x263: {  	[sflag:s2] =	ssyncset.done @!p2 $0x0;
	s19 =	sld [smem:$0x7F4];
	s0 =	ssub.s32 s0, s1  }
0x264: {  	[sflag:s2] =	ssyncadd.s32 @!p2 $0xFFFFFFF8;
	p2 =	sne.s32 s0, s8;
	s0 =	sld [smem:$0x7F3]  }
0x265: {  	_ = 	snop  }
0x266: {  	s20 =	sshra.s32 s19, $0x1F  }
0x267: {  	s1 =	simm.s32 @!p2 $0x0;
	s2 =	simm.s32 @!p2 $0x198;
	s0 =	sadd.s32 @!p2 s7, s0  }
0x268: {  	[hbm4b:s0+s1] =	stream.linear.scatter @!p2 [tilespmem:s2], [sflag:$0x3], $0x8, $0x38;
	[tilespmem:$0x4230] =	vst v63  }
0x269: {  	s0 =	sshrl.u32 s20, $0x15  }
0x26a: {  	s0 =	sadd.s32 s0, s19  }
0x26b: {  	s0 =	sshra.s32 s0, $0xB  }
0x26c: {  	s21 =	sshrl.u32 s0, $0x1B  }
0x26d: {  	s2 =	simm.s32 @!p2 $0x3;
	s1 =	sadd.s32 s21, s0  }
0x26e: {  	_ =	swait.ge @!p2 [sflag:s2], $0x8;
	s1 =	sand.u32 $0xFFFFFFE0, s1  }
0x26f: {  	[sflag:s2] =	ssyncset.done @!p2 $0x0;
	s22 =	sld [smem:$0x7F6];
	s0 =	ssub.s32 s0, s1  }
0x270: {  	[sflag:s2] =	ssyncadd.s32 @!p2 $0xFFFFFFF8;
	p2 =	sne.s32 s0, s8;
	s0 =	sld [smem:$0x7F5]  }
0x271: {  	_ = 	snop  }
0x272: {  	s23 =	sshra.s32 s22, $0x1F  }
0x273: {  	s1 =	simm.s32 @!p2 $0x0;
	s2 =	simm.s32 @!p2 $0x1A0;
	s0 =	sadd.s32 @!p2 s7, s0  }
0x274: {  	[hbm4b:s0+s1] =	stream.linear.scatter @!p2 [tilespmem:s2], [sflag:$0x3], $0x8, $0x38;
	[tilespmem:$0x4230] =	vst v63  }
0x275: {  	s0 =	sshrl.u32 s23, $0x15  }
0x276: {  	s0 =	sadd.s32 s0, s22  }
0x277: {  	s0 =	sshra.s32 s0, $0xB  }
0x278: {  	s24 =	sshrl.u32 s0, $0x1B  }
0x279: {  	s2 =	simm.s32 @!p2 $0x3;
	s1 =	sadd.s32 s24, s0  }
0x27a: {  	_ =	swait.ge @!p2 [sflag:s2], $0x8;
	s1 =	sand.u32 $0xFFFFFFE0, s1  }
0x27b: {  	[sflag:s2] =	ssyncset.done @!p2 $0x0;
	s25 =	sld [smem:$0x7F8];
	s0 =	ssub.s32 s0, s1  }
0x27c: {  	[sflag:s2] =	ssyncadd.s32 @!p2 $0xFFFFFFF8;
	p2 =	sne.s32 s0, s8;
	s0 =	sld [smem:$0x7F7]  }
0x27d: {  	_ = 	snop  }
0x27e: {  	s26 =	sshra.s32 s25, $0x1F  }
0x27f: {  	s1 =	simm.s32 @!p2 $0x0;
	s2 =	simm.s32 @!p2 $0x1A8;
	s0 =	sadd.s32 @!p2 s7, s0  }
0x280: {  	[hbm4b:s0+s1] =	stream.linear.scatter @!p2 [tilespmem:s2], [sflag:$0x3], $0x8, $0x38;
	[tilespmem:$0x4230] =	vst v63  }
0x281: {  	s0 =	sshrl.u32 s26, $0x15  }
0x282: {  	s0 =	sadd.s32 s0, s25  }
0x283: {  	s0 =	sshra.s32 s0, $0xB  }
0x284: {  	s28 =	sshrl.u32 s0, $0x1B  }
0x285: {  	s2 =	simm.s32 @!p2 $0x3;
	s1 =	sadd.s32 s28, s0  }
0x286: {  	_ =	swait.ge @!p2 [sflag:s2], $0x8;
	s1 =	sand.u32 $0xFFFFFFE0, s1  }
0x287: {  	[sflag:s2] =	ssyncset.done @!p2 $0x0;
	s0 =	ssub.s32 s0, s1  }
0x288: {  	[sflag:s2] =	ssyncadd.s32 @!p2 $0xFFFFFFF8;
	p2 =	sne.s32 s0, s8;
	s0 =	sld [smem:$0x7F9]  }
0x289: {  	_ = 	snop  }
0x28a: {  	s30 =	sld [smem:$0x7FA]  }
0x28b: {  	s1 =	simm.s32 @!p2 $0x0;
	s2 =	simm.s32 @!p2 $0x1B0;
	s0 =	sadd.s32 @!p2 s7, s0  }
0x28c: {  	[hbm4b:s0+s1] =	stream.linear.scatter @!p2 [tilespmem:s2], [sflag:$0x3], $0x8, $0x38;
	[tilespmem:$0x4230] =	vst v63  }
0x28d: {  	s2 =	sshra.s32 s30, $0x1F  }
0x28e: {  	s0 =	sshrl.u32 s2, $0x15  }
0x28f: {  	s0 =	sadd.s32 s0, s30  }
0x290: {  	s0 =	sshra.s32 s0, $0xB  }
0x291: {  	s9 =	sshrl.u32 s0, $0x1B  }
0x292: {  	s2 =	simm.s32 @!p2 $0x3;
	s1 =	sadd.s32 s9, s0  }
0x293: {  	_ =	swait.ge @!p2 [sflag:s2], $0x8;
	s1 =	sand.u32 $0xFFFFFFE0, s1  }
0x294: {  	[sflag:s2] =	ssyncset.done @!p2 $0x0;
	s10 =	sld [smem:$0x7FC];
	s0 =	ssub.s32 s0, s1  }
0x295: {  	[sflag:s2] =	ssyncadd.s32 @!p2 $0xFFFFFFF8;
	p2 =	sne.s32 s0, s8;
	s0 =	sld [smem:$0x7FB]  }
0x296: {  	_ = 	snop  }
0x297: {  	s11 =	sshra.s32 s10, $0x1F  }
0x298: {  	s1 =	simm.s32 @!p2 $0x0;
	s2 =	simm.s32 @!p2 $0x1B8;
	s0 =	sadd.s32 @!p2 s7, s0  }
0x299: {  	[hbm4b:s0+s1] =	stream.linear.scatter @!p2 [tilespmem:s2], [sflag:$0x3], $0x8, $0x38;
	[tilespmem:$0x4230] =	vst v63  }
0x29a: {  	s0 =	sshrl.u32 s11, $0x15  }
0x29b: {  	s0 =	sadd.s32 s0, s10  }
0x29c: {  	s0 =	sshra.s32 s0, $0xB  }
0x29d: {  	s12 =	sshrl.u32 s0, $0x1B  }
0x29e: {  	s2 =	simm.s32 @!p2 $0x3;
	s1 =	sadd.s32 s12, s0  }
0x29f: {  	_ =	swait.ge @!p2 [sflag:s2], $0x8;
	s1 =	sand.u32 $0xFFFFFFE0, s1  }
0x2a0: {  	[sflag:s2] =	ssyncset.done @!p2 $0x0;
	s0 =	ssub.s32 s0, s1  }
0x2a1: {  	[sflag:s2] =	ssyncadd.s32 @!p2 $0xFFFFFFF8;
	p2 =	sne.s32 s0, s8;
	s0 =	sld [smem:$0x7FD]  }
0x2a2: {  	s13 =	rddreg [dreg:$0x1f]  }
0x2a3: {  	s15 =	sshra.s32 s13, $0x1F  }
0x2a4: {  	s1 =	simm.s32 @!p2 $0x0;
	s2 =	simm.s32 @!p2 $0x1C0;
	s0 =	sadd.s32 @!p2 s7, s0  }
0x2a5: {  	[hbm4b:s0+s1] =	stream.linear.scatter @!p2 [tilespmem:s2], [sflag:$0x3], $0x8, $0x38;
	[tilespmem:$0x4230] =	vst v63  }
0x2a6: {  	s0 =	sshrl.u32 s15, $0x15  }
0x2a7: {  	s0 =	sadd.s32 s0, s13  }
0x2a8: {  	s0 =	sshra.s32 s0, $0xB  }
0x2a9: {  	s2 =	simm.s32 @!p2 $0x3;
	s16 =	sshrl.u32 s0, $0x1B  }
0x2aa: {  	_ =	swait.ge @!p2 [sflag:s2], $0x8;
	s1 =	sadd.s32 s16, s0  }
0x2ab: {  	[sflag:s2] =	ssyncset.done @!p2 $0x0;
	s1 =	sand.u32 $0xFFFFFFE0, s1  }
0x2ac: {  	s17 =	rddreg [dreg:$0x1d];
	[sflag:s2] =	ssyncadd.s32 @!p2 $0xFFFFFFF8;
	s0 =	ssub.s32 s0, s1  }
0x2ad: {  	s18 =	sshra.s32 s17, $0x1F;
	p2 =	sne.s32 s0, s8;
	s0 =	rddreg [dreg:$0x1e]  }
0x2ae: {  	s0 =	sadd.s32 @!p2 s7, s0;
	s1 =	simm.s32 @!p2 $0x0;
	s2 =	simm.s32 @!p2 $0x1C8  }
0x2af: {  	[hbm4b:s0+s1] =	stream.linear.scatter @!p2 [tilespmem:s2], [sflag:$0x3], $0x8, $0x38;
	[tilespmem:$0x4230] =	vst v63  }
0x2b0: {  	s0 =	sshrl.u32 s18, $0x15  }
0x2b1: {  	s0 =	sadd.s32 s0, s17  }
0x2b2: {  	s0 =	sshra.s32 s0, $0xB  }
0x2b3: {  	s2 =	simm.s32 @!p2 $0x3;
	s19 =	sshrl.u32 s0, $0x1B  }
0x2b4: {  	_ =	swait.ge @!p2 [sflag:s2], $0x8;
	s1 =	sadd.s32 s19, s0  }
0x2b5: {  	[sflag:s2] =	ssyncset.done @!p2 $0x0;
	s1 =	sand.u32 $0xFFFFFFE0, s1  }
0x2b6: {  	s20 =	rddreg [dreg:$0x1b];
	[sflag:s2] =	ssyncadd.s32 @!p2 $0xFFFFFFF8;
	s0 =	ssub.s32 s0, s1  }
0x2b7: {  	s21 =	sshra.s32 s20, $0x1F;
	p2 =	sne.s32 s0, s8;
	s0 =	rddreg [dreg:$0x1c]  }
0x2b8: {  	s0 =	sadd.s32 @!p2 s7, s0;
	s1 =	simm.s32 @!p2 $0x0;
	s2 =	simm.s32 @!p2 $0x1D0  }
0x2b9: {  	[hbm4b:s0+s1] =	stream.linear.scatter @!p2 [tilespmem:s2], [sflag:$0x3], $0x8, $0x38;
	[tilespmem:$0x4230] =	vst v63  }
0x2ba: {  	s0 =	sshrl.u32 s21, $0x15  }
0x2bb: {  	s0 =	sadd.s32 s0, s20  }
0x2bc: {  	s0 =	sshra.s32 s0, $0xB  }
0x2bd: {  	s2 =	simm.s32 @!p2 $0x3;
	s22 =	sshrl.u32 s0, $0x1B  }
0x2be: {  	_ =	swait.ge @!p2 [sflag:s2], $0x8;
	s1 =	sadd.s32 s22, s0  }
0x2bf: {  	[sflag:s2] =	ssyncset.done @!p2 $0x0;
	s1 =	sand.u32 $0xFFFFFFE0, s1  }
0x2c0: {  	s23 =	rddreg [dreg:$0x19];
	[sflag:s2] =	ssyncadd.s32 @!p2 $0xFFFFFFF8;
	s0 =	ssub.s32 s0, s1  }
0x2c1: {  	s24 =	sshra.s32 s23, $0x1F;
	p2 =	sne.s32 s0, s8;
	s0 =	rddreg [dreg:$0x1a]  }
0x2c2: {  	s0 =	sadd.s32 @!p2 s7, s0;
	s1 =	simm.s32 @!p2 $0x0;
	s2 =	simm.s32 @!p2 $0x1D8  }
0x2c3: {  	[hbm4b:s0+s1] =	stream.linear.scatter @!p2 [tilespmem:s2], [sflag:$0x3], $0x8, $0x38;
	[tilespmem:$0x4230] =	vst v63  }
0x2c4: {  	s0 =	sshrl.u32 s24, $0x15  }
0x2c5: {  	s0 =	sadd.s32 s0, s23  }
0x2c6: {  	s0 =	sshra.s32 s0, $0xB  }
0x2c7: {  	s2 =	simm.s32 @!p2 $0x3;
	s25 =	sshrl.u32 s0, $0x1B  }
0x2c8: {  	_ =	swait.ge @!p2 [sflag:s2], $0x8;
	s1 =	sadd.s32 s25, s0  }
0x2c9: {  	[sflag:s2] =	ssyncset.done @!p2 $0x0;
	s1 =	sand.u32 $0xFFFFFFE0, s1  }
0x2ca: {  	s26 =	rddreg [dreg:$0x17];
	[sflag:s2] =	ssyncadd.s32 @!p2 $0xFFFFFFF8;
	s0 =	ssub.s32 s0, s1  }
0x2cb: {  	s28 =	sshra.s32 s26, $0x1F;
	p2 =	sne.s32 s0, s8;
	s0 =	rddreg [dreg:$0x18]  }
0x2cc: {  	s0 =	sadd.s32 @!p2 s7, s0;
	s1 =	simm.s32 @!p2 $0x0;
	s2 =	simm.s32 @!p2 $0x1E0  }
0x2cd: {  	[hbm4b:s0+s1] =	stream.linear.scatter @!p2 [tilespmem:s2], [sflag:$0x3], $0x8, $0x38;
	[tilespmem:$0x4230] =	vst v63  }
0x2ce: {  	s0 =	sshrl.u32 s28, $0x15  }
0x2cf: {  	s0 =	sadd.s32 s0, s26  }
0x2d0: {  	s0 =	sshra.s32 s0, $0xB  }
0x2d1: {  	s30 =	sshrl.u32 s0, $0x1B  }
0x2d2: {  	s2 =	simm.s32 @!p2 $0x3;
	s1 =	sadd.s32 s30, s0  }
0x2d3: {  	_ =	swait.ge @!p2 [sflag:s2], $0x8;
	s1 =	sand.u32 $0xFFFFFFE0, s1  }
0x2d4: {  	[sflag:s2] =	ssyncset.done @!p2 $0x0;
	s0 =	ssub.s32 s0, s1  }
0x2d5: {  	[sflag:s2] =	ssyncadd.s32 @!p2 $0xFFFFFFF8;
	p2 =	sne.s32 s0, s8;
	s0 =	rddreg [dreg:$0x16]  }
0x2d6: {  	s0 =	sadd.s32 @!p2 s7, s0;
	s1 =	simm.s32 @!p2 $0x0;
	s2 =	simm.s32 @!p2 $0x1E8  }
0x2d7: {  	[hbm4b:s0+s1] =	stream.linear.scatter @!p2 [tilespmem:s2], [sflag:$0x3], $0x8, $0x38;
	[tilespmem:$0x4230] =	vst v63  }
0x2d8: {  	s2 =	rddreg [dreg:$0x15]  }
0x2d9: {  	s9 =	sshra.s32 s2, $0x1F  }
0x2da: {  	s0 =	sshrl.u32 s9, $0x15  }
0x2db: {  	s0 =	sadd.s32 s0, s2  }
0x2dc: {  	s0 =	sshra.s32 s0, $0xB  }
0x2dd: {  	s2 =	simm.s32 @!p2 $0x3;
	s10 =	sshrl.u32 s0, $0x1B  }
0x2de: {  	_ =	swait.ge @!p2 [sflag:s2], $0x8;
	s1 =	sadd.s32 s10, s0  }
0x2df: {  	[sflag:s2] =	ssyncset.done @!p2 $0x0;
	s1 =	sand.u32 $0xFFFFFFE0, s1  }
0x2e0: {  	s11 =	rddreg [dreg:$0x13];
	[sflag:s2] =	ssyncadd.s32 @!p2 $0xFFFFFFF8;
	s0 =	ssub.s32 s0, s1  }
0x2e1: {  	s12 =	sshra.s32 s11, $0x1F;
	p2 =	sne.s32 s0, s8;
	s0 =	rddreg [dreg:$0x14]  }
0x2e2: {  	s0 =	sadd.s32 @!p2 s7, s0;
	s1 =	simm.s32 @!p2 $0x0;
	s2 =	simm.s32 @!p2 $0x1F0  }
0x2e3: {  	[hbm4b:s0+s1] =	stream.linear.scatter @!p2 [tilespmem:s2], [sflag:$0x3], $0x8, $0x38;
	[tilespmem:$0x4230] =	vst v63  }
0x2e4: {  	s0 =	sshrl.u32 s12, $0x15  }
0x2e5: {  	s0 =	sadd.s32 s0, s11  }
0x2e6: {  	s0 =	sshra.s32 s0, $0xB  }
0x2e7: {  	s2 =	simm.s32 @!p2 $0x3;
	s13 =	sshrl.u32 s0, $0x1B  }
0x2e8: {  	_ =	swait.ge @!p2 [sflag:s2], $0x8;
	s1 =	sadd.s32 s13, s0  }
0x2e9: {  	[sflag:s2] =	ssyncset.done @!p2 $0x0;
	s1 =	sand.u32 $0xFFFFFFE0, s1  }
0x2ea: {  	s15 =	rddreg [dreg:$0x11];
	[sflag:s2] =	ssyncadd.s32 @!p2 $0xFFFFFFF8;
	s0 =	ssub.s32 s0, s1  }
0x2eb: {  	s16 =	sshra.s32 s15, $0x1F;
	p2 =	sne.s32 s0, s8;
	s0 =	rddreg [dreg:$0x12]  }
0x2ec: {  	s0 =	sadd.s32 @!p2 s7, s0;
	s1 =	simm.s32 @!p2 $0x0;
	s2 =	simm.s32 @!p2 $0x1F8  }
0x2ed: {  	[hbm4b:s0+s1] =	stream.linear.scatter @!p2 [tilespmem:s2], [sflag:$0x3], $0x8, $0x38;
	[tilespmem:$0x4230] =	vst v63  }
0x2ee: {  	s0 =	sshrl.u32 s16, $0x15  }
0x2ef: {  	s0 =	sadd.s32 s0, s15  }
0x2f0: {  	s0 =	sshra.s32 s0, $0xB  }
0x2f1: {  	s2 =	simm.s32 @!p2 $0x3;
	s17 =	sshrl.u32 s0, $0x1B  }
0x2f2: {  	_ =	swait.ge @!p2 [sflag:s2], $0x8;
	s1 =	sadd.s32 s17, s0  }
0x2f3: {  	[sflag:s2] =	ssyncset.done @!p2 $0x0;
	s1 =	sand.u32 $0xFFFFFFE0, s1  }
0x2f4: {  	s18 =	rddreg [dreg:$0xf];
	[sflag:s2] =	ssyncadd.s32 @!p2 $0xFFFFFFF8;
	s0 =	ssub.s32 s0, s1  }
0x2f5: {  	s19 =	sshra.s32 s18, $0x1F;
	p2 =	sne.s32 s0, s8;
	s0 =	rddreg [dreg:$0x10]  }
0x2f6: {  	s0 =	sadd.s32 @!p2 s7, s0;
	s1 =	simm.s32 @!p2 $0x0;
	s2 =	simm.s32 @!p2 $0x200  }
0x2f7: {  	[hbm4b:s0+s1] =	stream.linear.scatter @!p2 [tilespmem:s2], [sflag:$0x3], $0x8, $0x38;
	[tilespmem:$0x4230] =	vst v63  }
0x2f8: {  	s0 =	sshrl.u32 s19, $0x15  }
0x2f9: {  	s0 =	sadd.s32 s0, s18  }
0x2fa: {  	s0 =	sshra.s32 s0, $0xB  }
0x2fb: {  	s2 =	simm.s32 @!p2 $0x3;
	s20 =	sshrl.u32 s0, $0x1B  }
0x2fc: {  	_ =	swait.ge @!p2 [sflag:s2], $0x8;
	s1 =	sadd.s32 s20, s0  }
0x2fd: {  	[sflag:s2] =	ssyncset.done @!p2 $0x0;
	s1 =	sand.u32 $0xFFFFFFE0, s1  }
0x2fe: {  	s21 =	rddreg [dreg:$0xd];
	[sflag:s2] =	ssyncadd.s32 @!p2 $0xFFFFFFF8;
	s0 =	ssub.s32 s0, s1  }
0x2ff: {  	s22 =	sshra.s32 s21, $0x1F;
	p2 =	sne.s32 s0, s8;
	s0 =	rddreg [dreg:$0xe]  }
0x300: {  	s0 =	sadd.s32 @!p2 s7, s0;
	s1 =	simm.s32 @!p2 $0x0;
	s2 =	simm.s32 @!p2 $0x208  }
0x301: {  	[hbm4b:s0+s1] =	stream.linear.scatter @!p2 [tilespmem:s2], [sflag:$0x3], $0x8, $0x38;
	[tilespmem:$0x4230] =	vst v63  }
0x302: {  	s0 =	sshrl.u32 s22, $0x15  }
0x303: {  	s0 =	sadd.s32 s0, s21  }
0x304: {  	s0 =	sshra.s32 s0, $0xB  }
0x305: {  	s2 =	simm.s32 @!p2 $0x3;
	s23 =	sshrl.u32 s0, $0x1B  }
0x306: {  	_ =	swait.ge @!p2 [sflag:s2], $0x8;
	s1 =	sadd.s32 s23, s0  }
0x307: {  	[sflag:s2] =	ssyncset.done @!p2 $0x0;
	s1 =	sand.u32 $0xFFFFFFE0, s1  }
0x308: {  	s24 =	rddreg [dreg:$0xb];
	[sflag:s2] =	ssyncadd.s32 @!p2 $0xFFFFFFF8;
	s0 =	ssub.s32 s0, s1  }
0x309: {  	s25 =	sshra.s32 s24, $0x1F;
	p2 =	sne.s32 s0, s8;
	s0 =	rddreg [dreg:$0xc]  }
0x30a: {  	s0 =	sadd.s32 @!p2 s7, s0;
	s1 =	simm.s32 @!p2 $0x0;
	s2 =	simm.s32 @!p2 $0x210  }
0x30b: {  	[hbm4b:s0+s1] =	stream.linear.scatter @!p2 [tilespmem:s2], [sflag:$0x3], $0x8, $0x38;
	[tilespmem:$0x4230] =	vst v63  }
0x30c: {  	s0 =	sshrl.u32 s25, $0x15  }
0x30d: {  	s0 =	sadd.s32 s0, s24  }
0x30e: {  	s0 =	sshra.s32 s0, $0xB  }
0x30f: {  	s26 =	sshrl.u32 s0, $0x1B  }
0x310: {  	s2 =	simm.s32 @!p2 $0x3;
	s1 =	sadd.s32 s26, s0  }
0x311: {  	_ =	swait.ge @!p2 [sflag:s2], $0x8;
	s1 =	sand.u32 $0xFFFFFFE0, s1  }
0x312: {  	[sflag:s2] =	ssyncset.done @!p2 $0x0;
	s0 =	ssub.s32 s0, s1  }
0x313: {  	[sflag:s2] =	ssyncadd.s32 @!p2 $0xFFFFFFF8;
	p2 =	sne.s32 s0, s8;
	s0 =	rddreg [dreg:$0xa]  }
0x314: {  	s0 =	sadd.s32 @!p2 s7, s0;
	s1 =	simm.s32 @!p2 $0x0;
	s2 =	simm.s32 @!p2 $0x218  }
0x315: {  	[hbm4b:s0+s1] =	stream.linear.scatter @!p2 [tilespmem:s2], [sflag:$0x3], $0x8, $0x38;
	[tilespmem:$0x4230] =	vst v63  }
0x316: {  	s0 =	simm.s32 @!p2 $0x3  }
0x317: {  	_ =	swait.ge @!p2 [sflag:s0], $0x8  }
0x318: {  	vm13 =	vcmask @!p1 $0x300;
	v14 =	vmov @!p1 s6;
	[sflag:s0] =	ssyncset.done @!p2 $0x0  }
0x319: {  	v14 =	vnsel @!p1 vm13, $0x0, v14;
	[sflag:s0] =	ssyncadd.s32 @!p2 $0xFFFFFFF8  }
0x31a: {  	s1 =	simm.s32 @!p1 $0x220;
	s0 =	simm.s32 @!p1 $0x0;
	[tilespmem:$0x220] =	vst @!p1 v14;
	s2 =	rddreg [dreg:$0x3]  }
0x31b: {  	[hbm4b:s2+s0] =	stream.linear.scatter @!p1 [tilespmem:s1], [sflag:$0x4], $0x10, $0x38;
	[tilespmem:$0x4230] =	vst v63  }
0x31c: {  	s0 =	simm.s32 @!p1 $0x4  }
0x31d: {  	_ =	swait.ge @!p1 [sflag:s0], $0x10  }
0x31e: {  	s28 =	rddreg [dreg:$0x9]  }
0x31f: {  	s30 =	rddreg [dreg:$0x6];
	s2 =	sadd.s32 $0x1, s28  }
0x320: {  	p2 =	sne.s32 s2, s30  }
.Ltmp5:
0x321: {  	_ = 	snop;
	(pc) =	sbr.rel @p2 .LBB2_1-.Ltmp5, $3  }
0x322: {  	_ =	sdelay $0x1  }
0x323: {  	[sflag:s0] =	ssyncset.done @!p1 $0x0  }
0x324: {  	[sflag:s0] =	ssyncadd.s32 @!p1 $0xFFFFFFF0  }
0x325: {  	_ =	sfence.sel $0x180000  }
0x326: {  	[bflag:$0x0] =	sbarrier.arrive $0xFFFF  }
0x327: {  	_ =	strace $0x90000047  }
0x328: {  	s0 =	stileid.u32;
	[bflag:$0x2] =	sbarrier.arrive $0xFFFF  }
0x329: {  	p0 =	sne.s32 s0, $0x0;
	s0 =	rddreg [dreg:$0x4]  }
0x32a: {  	s0 =	sadd.s32 @!p0 $0x100000, s0  }
0x32b: {  	[sflag:s0] =	ssyncadd.tile.s32 @!p0 $0x1;
	_ =	shalt  }
.Lfunc_end2:
_tile_overlayer_lowered:
.L_overlay_start_2:
0x32c: {  	(tag) =	ssettag $0x2  }
0x32d: {  	s0 =	rddreg [dreg:$0x0];
	s2 =	stileid.u32  }
0x32e: {  	s1 =	rddreg [dreg:$0x1];
	p0 =	sne.s32 s2, $0x0  }
0x32f: {  	s3 =	rddreg [dreg:$0x2];
	[bflag:$0x3] =	sbarrier.arrive $0xFFFF;
	s2 =	simm.s32 @!p0 $0x1C04  }
0x330: {  	[timem:s3], [sflag:s2] =	dma.local @!p0 [hbm:s0], s1  }
0x331: {  	s0 =	simm.s32 @!p0 $0x4  }
0x332: {  	_ =	swait.ge @!p0 [sflag:s0], s1  }
0x333: {  	s1 =	ssub.s32 @!p0 $0x0, s1;
	[sflag:s0] =	ssyncset.done @!p0 $0x0  }
0x334: {  	[sflag:s0] =	ssyncadd.s32 @!p0 s1  }
0x335: {  	[bflag:$0x3] =	sbarrier.arrive $0xFFFF  }
0x336: {  	_ =	shalt  }

</sc_bundles>
